<compile_context>
chip_gen: v7x
topology: tpu7x:2x2x1
jax: 0.10.2.dev20260603
libtpu: 0.0.44.dev20260713+nightly
codegen_flags: <defaults>
</compile_context>

<pallas_src>
import functools

import jax
import jax.numpy as jnp
from jax import lax
from jax.experimental import pallas as pl
from jax.experimental.pallas import tpu as pltpu
from jax.experimental.pallas import tpu_sc as plsc

N = 100000
E = 1600000
TILE_TYPES = 32
EMB = 16
HID = 32
OUT = 16
MLP = 8
G = 64

NC, NS = 2, 16
NW = NC * NS
CHUNK = 128
NP = 100352
SUB_ROWS = NP // NS
ZCH = 128
NZ = SUB_ROWS // ZCH
RW = 400
CH = 8
EP = NW * RW * CHUNK
EPR = EP // CHUNK
W0 = 664
W1 = 136
NB0 = W0 // CH
NB1 = W1 // CH
D0 = 536
D1 = 264
ND0 = D0 // CH
ND1 = D1 // CH

BN = 5000
GRID = N // BN



def _deg_kernel(dstR):
    mesh = plsc.VectorSubcoreMesh(core_axis_name="c", subcore_axis_name="s")

    @functools.partial(
        pl.kernel, mesh=mesh,
        out_type=jax.ShapeDtypeStruct((NC, NP), jnp.float32),
        compiler_params=pltpu.CompilerParams(use_tc_tiling_on_sc=False),
        scratch_types=[
            pltpu.VMEM((CH, CHUNK), jnp.int32),
            pltpu.VMEM((CHUNK,), jnp.float32),
            pltpu.VMEM((896,), jnp.float32),
            pltpu.VMEM_SHARED((NP,), jnp.float32),
            pltpu.SemaphoreType.DMA,
        ],
    )
    def k(dst_h, out_h, didx, ones_v, zer_v, acc, sems):
        c = lax.axis_index("c")
        s = lax.axis_index("s")
        wid = c * NS + s

        for i in range(8):
            ones_v[pl.ds(i * 16, 16)] = jnp.ones((16,), jnp.float32)

        def zb(i, _):
            zer_v[pl.ds(i * 16, 16)] = jnp.zeros((16,), jnp.float32)
            return 0
        lax.fori_loop(0, 56, zb, 0)

        r0 = s * SUB_ROWS
        def zc(i, _):
            pltpu.sync_copy(zer_v, acc.at[pl.ds(r0 + i * 896, 896)])
            return 0
        lax.fori_loop(0, 7, zc, 0)
        plsc.subcore_barrier()

        row0 = c * (NS * D0) + s * jnp.where(c == 0, D0, D1)
        nb = jnp.where(c == 0, ND0, ND1)
        def blk(b, _):
            pltpu.sync_copy(dst_h.at[pl.ds(row0 + b * CH, CH)], didx)
            scat = [pltpu.async_copy(ones_v, acc.at[didx.at[j]], sems, add=True)
                    for j in range(CH)]
            for h in scat:
                h.wait()
            return 0
        lax.fori_loop(0, nb, blk, 0)
        plsc.subcore_barrier()

        wb = [pltpu.async_copy(acc.at[pl.ds(r0 + i * 896, 896)],
                               out_h.at[c, pl.ds(r0 + i * 896, 896)], sems)
              for i in range(7)]
        for h in wb:
            h.wait()

    return k(dstR)


def _edge_pass(table, srcR, dstR):
    mesh = plsc.VectorSubcoreMesh(core_axis_name="c", subcore_axis_name="s")

    @functools.partial(
        pl.kernel, mesh=mesh,
        out_type=jax.ShapeDtypeStruct((NC, NP, OUT), jnp.float32),
        compiler_params=pltpu.CompilerParams(use_tc_tiling_on_sc=False),
        scratch_types=[
            pltpu.VMEM((CH, CHUNK), jnp.int32),
            pltpu.VMEM((CH, CHUNK), jnp.int32),
            pltpu.VMEM((CH, CHUNK, OUT), jnp.float32),
            pltpu.VMEM((ZCH, OUT), jnp.float32),
            pltpu.VMEM_SHARED((NP, OUT), jnp.float32),
            pltpu.SemaphoreType.DMA,
            pltpu.SemaphoreType.DMA,
            pltpu.SemaphoreType.DMA,
        ],
    )
    def k(tab_h, src_h, dst_h, out_h, sidx, didx, rows, zer_v, acc,
          semg, semg2, sems):
        c = lax.axis_index("c")
        s = lax.axis_index("s")
        wid = c * NS + s

        def zb(i, _):
            zer_v[i] = jnp.zeros((OUT,), jnp.float32)
            return 0
        lax.fori_loop(0, ZCH, zb, 0)

        r0 = s * SUB_ROWS
        def zc(i, _):
            pltpu.sync_copy(zer_v, acc.at[pl.ds(r0 + i * ZCH, ZCH)])
            return 0
        lax.fori_loop(0, NZ, zc, 0)
        plsc.subcore_barrier()

        row0 = c * (NS * W0) + s * jnp.where(c == 0, W0, W1)
        nb = jnp.where(c == 0, NB0, NB1)
        H = CH // 2
        def blk(b, _):
            pltpu.sync_copy(src_h.at[pl.ds(row0 + b * CH, CH)], sidx)
            pltpu.sync_copy(dst_h.at[pl.ds(row0 + b * CH, CH)], didx)
            g0 = [pltpu.async_copy(tab_h.at[sidx.at[j]], rows.at[j], semg)
                  for j in range(H)]
            g1 = [pltpu.async_copy(tab_h.at[sidx.at[j]], rows.at[j], semg2)
                  for j in range(H, CH)]
            for h in g0:
                h.wait()
            s0 = [pltpu.async_copy(rows.at[j], acc.at[didx.at[j]], sems,
                                   add=True)
                  for j in range(H)]
            for h in g1:
                h.wait()
            s1 = [pltpu.async_copy(rows.at[j], acc.at[didx.at[j]], sems,
                                   add=True)
                  for j in range(H, CH)]
            for h in s0 + s1:
                h.wait()
            return 0
        lax.fori_loop(0, nb, blk, 0)
        plsc.subcore_barrier()

        wb = [pltpu.async_copy(acc.at[pl.ds(r0 + i * 896, 896)],
                               out_h.at[c, pl.ds(r0 + i * 896, 896)], sems)
              for i in range(7)]
        for h in wb:
            h.wait()

    return k(table, srcR, dstR)



def _embed_kernel(x2d, deg0, deg1, emb_table):
    def body(x_r, d0_r, d1_r, emb_r, h0_r, dis_r):
        deg = d0_r[...] + d1_r[...] + 1.0
        dis = lax.rsqrt(deg)
        onehot = (x_r[...] == lax.broadcasted_iota(jnp.int32, (1, TILE_TYPES), 1)
                  ).astype(jnp.float32)
        h0 = jnp.dot(onehot, emb_r[...], preferred_element_type=jnp.float32)
        h0_r[...] = h0 * dis
        dis_r[...] = dis

    return pl.pallas_call(
        body,
        grid=(GRID,),
        in_specs=[
            pl.BlockSpec((BN, 1), lambda i: (i, 0)),
            pl.BlockSpec((BN, 1), lambda i: (i, 0)),
            pl.BlockSpec((BN, 1), lambda i: (i, 0)),
            pl.BlockSpec((TILE_TYPES, EMB), lambda i: (0, 0)),
        ],
        out_specs=[
            pl.BlockSpec((BN, EMB), lambda i: (i, 0)),
            pl.BlockSpec((BN, 1), lambda i: (i, 0)),
        ],
        out_shape=[
            jax.ShapeDtypeStruct((N, EMB), jnp.float32),
            jax.ShapeDtypeStruct((N, 1), jnp.float32),
        ],
    )(x2d, deg0, deg1, emb_table)


def _mid_kernel(acc, h0, dis2d, W1, b1, W2):
    def body(a_r, h0_r, dis_r, W1_r, b1_r, W2_r, g2_r):
        agg = a_r[0] + a_r[1] + h0_r[...]
        dis = dis_r[...]
        t = jnp.dot(agg, W1_r[...], preferred_element_type=jnp.float32)
        h1 = jnp.maximum(t * dis + b1_r[...], 0.0)
        g2 = jnp.dot(h1, W2_r[...], preferred_element_type=jnp.float32)
        g2_r[...] = g2 * dis

    return pl.pallas_call(
        body,
        grid=(GRID,),
        in_specs=[
            pl.BlockSpec((NC, BN, OUT), lambda i: (0, i, 0)),
            pl.BlockSpec((BN, OUT), lambda i: (i, 0)),
            pl.BlockSpec((BN, 1), lambda i: (i, 0)),
            pl.BlockSpec((EMB, HID), lambda i: (0, 0)),
            pl.BlockSpec((1, HID), lambda i: (0, 0)),
            pl.BlockSpec((HID, OUT), lambda i: (0, 0)),
        ],
        out_specs=pl.BlockSpec((BN, OUT), lambda i: (i, 0)),
        out_shape=jax.ShapeDtypeStruct((N, OUT), jnp.float32),
    )(acc, h0, dis2d, W1, b1, W2)


def _pool_kernel(acc, g2, dis2d, b2, batch2d, fcW, fcb):
    def body(a_r, g2_r, dis_r, b2_r, bat_r, fcW_r, fcb_r, out_r,
             psum, pcnt):
        i = pl.program_id(0)

        @pl.when(i == 0)
        def _init():
            psum[...] = jnp.zeros((G, OUT), jnp.float32)
            pcnt[...] = jnp.zeros((G, OUT), jnp.float32)

        out2 = dis_r[...] * (a_r[0] + a_r[1] + g2_r[...]) + b2_r[...]
        onehot = (bat_r[...] == lax.broadcasted_iota(jnp.int32, (1, G), 1)
                  ).astype(jnp.float32)
        psum[...] += lax.dot_general(
            onehot, out2, (((0,), (0,)), ((), ())),
            preferred_element_type=jnp.float32)
        pcnt[...] += lax.dot_general(
            onehot, jnp.ones((BN, OUT), jnp.float32), (((0,), (0,)), ((), ())),
            preferred_element_type=jnp.float32)

        @pl.when(i == GRID - 1)
        def _fin():
            pooled = psum[...] / jnp.maximum(pcnt[...], 1.0)
            out_r[...] = jnp.dot(pooled, fcW_r[...],
                                 preferred_element_type=jnp.float32) + fcb_r[...]

    return pl.pallas_call(
        body,
        grid=(GRID,),
        in_specs=[
            pl.BlockSpec((NC, BN, OUT), lambda i: (0, i, 0)),
            pl.BlockSpec((BN, OUT), lambda i: (i, 0)),
            pl.BlockSpec((BN, 1), lambda i: (i, 0)),
            pl.BlockSpec((1, OUT), lambda i: (0, 0)),
            pl.BlockSpec((BN, 1), lambda i: (i, 0)),
            pl.BlockSpec((OUT, MLP), lambda i: (0, 0)),
            pl.BlockSpec((1, MLP), lambda i: (0, 0)),
        ],
        out_specs=pl.BlockSpec((G, MLP), lambda i: (0, 0)),
        out_shape=jax.ShapeDtypeStruct((G, MLP), jnp.float32),
        scratch_shapes=[
            pltpu.VMEM((G, OUT), jnp.float32),
            pltpu.VMEM((G, OUT), jnp.float32),
        ],
    )(acc, g2, dis2d, b2, batch2d, fcW, fcb)



def kernel(x, edge_index, batch, emb_table, W1, b1, W2, b2, fcW, fcb):
    src = edge_index[0]
    dst = edge_index[1]
    pad = EP - E
    srcR = jnp.concatenate(
        [src, jnp.zeros((pad,), jnp.int32)]).reshape(EPR, CHUNK)
    dstR = jnp.concatenate(
        [dst, jnp.full((pad,), N, jnp.int32)]).reshape(EPR, CHUNK)

    degp = _deg_kernel(dstR)
    deg0 = degp[0, :N].reshape(N, 1)
    deg1 = degp[1, :N].reshape(N, 1)
    x2d = x.reshape(N, 1)

    h0, dis2d = _embed_kernel(x2d, deg0, deg1, emb_table)

    acc1 = _edge_pass(h0, srcR, dstR)
    g2 = _mid_kernel(acc1, h0, dis2d, W1, b1.reshape(1, HID), W2)

    acc2 = _edge_pass(g2, srcR, dstR)
    return _pool_kernel(acc2, g2, dis2d, b2.reshape(1, OUT),
                        batch.reshape(N, 1), fcW, fcb.reshape(1, MLP))

# --- scband reference (transcript-rebuilt; emitter-appended) ---
"""Pipeline reference for scband-minamo-topo-model-87857851007597 (READ-ONLY COPY).

The authoritative reference and input builder live on the scoring server;
editing this copy changes nothing except your own understanding.
"""

import jax, jax.numpy as jnp
import numpy as np

N = 100000
E = 1600000
TILE_TYPES = 32
EMB = 16
HID = 32
OUT = 16
MLP = 8
G = 64


def setup_inputs(seed: int = 0) -> dict:
    key = jax.random.key(seed)
    ks = jax.random.split(key, 10)
    x = jax.random.randint(ks[0], (N,), 0, TILE_TYPES, dtype=jnp.int32)
    edge_index = jax.random.randint(ks[1], (2, E), 0, N, dtype=jnp.int32)
    batch = jnp.sort(jax.random.randint(ks[2], (N,), 0, G, dtype=jnp.int32))
    emb_table = jax.random.normal(ks[3], (TILE_TYPES, EMB), dtype=jnp.float32) * 0.1
    W1 = jax.random.normal(ks[4], (EMB, HID), dtype=jnp.float32) * (1.0 / np.sqrt(EMB))
    b1 = jnp.zeros((HID,), dtype=jnp.float32)
    W2 = jax.random.normal(ks[5], (HID, OUT), dtype=jnp.float32) * (1.0 / np.sqrt(HID))
    b2 = jnp.zeros((OUT,), dtype=jnp.float32)
    fcW = jax.random.normal(ks[6], (OUT, MLP), dtype=jnp.float32) * (1.0 / np.sqrt(OUT))
    fcb = jnp.zeros((MLP,), dtype=jnp.float32)
    return {"x": x, "edge_index": edge_index, "batch": batch,
            "emb_table": emb_table, "W1": W1, "b1": b1, "W2": W2, "b2": b2,
            "fcW": fcW, "fcb": fcb}


def _gcn_conv(h, edge_index, W, b):
    # PyG GCNConv: h' = D^{-1/2} (A + I) D^{-1/2} (h W) + b
    src = edge_index[0]
    dst = edge_index[1]
    loop = jnp.arange(N, dtype=src.dtype)
    src = jnp.concatenate([src, loop])
    dst = jnp.concatenate([dst, loop])
    deg = jax.ops.segment_sum(jnp.ones_like(dst, dtype=jnp.float32), dst, num_segments=N)
    dis = jnp.where(deg > 0, jax.lax.rsqrt(jnp.maximum(deg, 1e-12)), 0.0)
    norm = dis[src] * dis[dst]
    hw = h @ W
    msg = hw[src] * norm[:, None]
    out = jnp.zeros((N, W.shape[1]), dtype=jnp.float32).at[dst].add(msg)
    return out + b


def reference(x, edge_index, batch, emb_table, W1, b1, W2, b2, fcW, fcb):
    h = jnp.take(emb_table, x, axis=0)
    h = _gcn_conv(h, edge_index, W1, b1)
    h = jax.nn.relu(h)
    h = _gcn_conv(h, edge_index, W2, b2)
    # global_mean_pool over batch ids
    s = jax.ops.segment_sum(h, batch, num_segments=G)
    cnt = jax.ops.segment_sum(jnp.ones((N, 1), dtype=jnp.float32), batch, num_segments=G)
    pooled = s / jnp.maximum(cnt, 1.0)
    return pooled @ fcW + fcb

if __name__ == "__main__":
    import jax
    _d = setup_inputs()
    print(jax.jit(kernel)(*tuple(_d.values())))

</pallas_src>

<mosaic_0001>
#map = affine_map<(d0, d1) -> (0, 0)>
#map1 = affine_map<(d0, d1) -> (0, 0, 0)>
module attributes {stable_mosaic.version = 14 : i64} {
  func.func @k(%arg0: i32, %arg1: i32, %arg2: memref<100000x16xf32, #tpu.memory_space<hbm>>, %arg3: memref<12800x128xi32, #tpu.memory_space<hbm>>, %arg4: memref<12800x128xi32, #tpu.memory_space<hbm>>, %arg5: memref<2x100352x16xf32, #tpu.memory_space<hbm>>, %arg6: memref<8x128xi32, #tpu.memory_space<vmem>>, %arg7: memref<8x128xi32, #tpu.memory_space<vmem>>, %arg8: memref<8x128x16xf32, #tpu.memory_space<vmem>>, %arg9: memref<128x16xf32, #tpu.memory_space<vmem>>, %arg10: memref<100352x16xf32, #tpu.memory_space<vmem_shared>>, %arg11: memref<!tpu.dma_semaphore, #tpu.memory_space<semaphore_mem>>, %arg12: memref<!tpu.dma_semaphore, #tpu.memory_space<semaphore_mem>>, %arg13: memref<!tpu.dma_semaphore, #tpu.memory_space<semaphore_mem>>) attributes {dimension_semantics = [#tpu.dimension_semantics<core_parallel>, #tpu.dimension_semantics<subcore_parallel>], iteration_bounds = array<i64: 2, 16>, scalar_prefetch = 0 : i64, scratch_operands = 8 : i64, tpu.core_type = #tpu.core_type<sc_vector_subcore>, window_params = [{transform_indices = #map}, {transform_indices = #map}, {transform_indices = #map}, {transform_indices = #map1}]} {
    %mul3A = arith.constant 16 : i32
    %mul3A_0 = arith.muli %arg0, %mul3A : i32
    %add3A = arith.addi %mul3A_0, %arg1 : i32
    %scan3A = arith.constant 0 : i32
    %scan3A_1 = arith.constant 0 : i32
    %scan3A_2 = arith.constant 128 : i32
    %scan3A_3 = arith.addi %scan3A_1, %scan3A_2 : i32
    %scan3A_4 = arith.constant 1 : i32
    %scan3A_5 = scf.for %scan3A_135 = %scan3A_1 to %scan3A_3 step %scan3A_4 iter_args(%scan3A_136 = %scan3A) -> (i32)  : i32 {
      %broadcast_in_dim3A = arith.constant 0.000000e+00 : f32
      %broadcast_in_dim3A_137 = vector.broadcast %broadcast_in_dim3A : f32 to vector<16xf32>
      %swap3A = arith.index_cast %scan3A_135 : i32 to index
      %swap3A_138 = arith.constant 0 : index
      %swap3A_139 = tpu.vector_load %arg9[%swap3A, %swap3A_138] {strides = array<i32>} : memref<128x16xf32, #tpu.memory_space<vmem>>, vector<1x16xf32>,
      %swap3A_140 = vector.shape_cast %swap3A_139 : vector<1x16xf32> to vector<16xf32>
      %swap3A_141 = vector.shape_cast %broadcast_in_dim3A_137 : vector<16xf32> to vector<1x16xf32>
      tpu.vector_store %arg9[%swap3A, %swap3A_138], %swap3A_141 {strides = array<i32>} : memref<128x16xf32, #tpu.memory_space<vmem>>, vector<1x16xf32>,
      %scan3A_142 = arith.constant 0 : i32
      scf.yield %scan3A_142 : i32
    }
    %scan3A_6 = arith.constant 128 : i32
    %mul3A_7 = arith.constant 6272 : i32
    %mul3A_8 = arith.muli %arg1, %mul3A_7 : i32
    %scan3A_9 = arith.constant 0 : i32
    %scan3A_10 = arith.constant 0 : i32
    %scan3A_11 = arith.constant 49 : i32
    %scan3A_12 = arith.addi %scan3A_10, %scan3A_11 : i32
    %scan3A_13 = arith.constant 1 : i32
    %scan3A_14 = scf.for %scan3A_135 = %scan3A_10 to %scan3A_12 step %scan3A_13 iter_args(%scan3A_136 = %scan3A_9) -> (i32)  : i32 {
      %mul3A_137 = arith.constant 128 : i32
      %mul3A_138 = arith.muli %scan3A_135, %mul3A_137 : i32
      %add3A_139 = arith.addi %mul3A_8, %mul3A_138 : i32
      "tpu.region"() ({
        %run_scoped3A = tpu.sem_alloc : memref<!tpu.dma_semaphore, #tpu.memory_space<semaphore_mem>>
        %dma_start3A_141 = arith.constant 0 : i32
        %dma_start3A_142 = tpu.memref_slice %arg10[%add3A_139, %dma_start3A_141] : memref<100352x16xf32, #tpu.memory_space<vmem_shared>> -> memref<128x16xf32, #tpu.memory_space<vmem_shared>>
        %dma_start3A_143 = arith.constant 0 : i32
        %dma_start3A_144 = tpu.memref_slice %arg10[%add3A_139, %dma_start3A_143] : memref<100352x16xf32, #tpu.memory_space<vmem_shared>> -> memref<128x16xf32, #tpu.memory_space<vmem_shared>>
        tpu.enqueue_dma source(%arg9 : memref<128x16xf32, #tpu.memory_space<vmem>>) target(%dma_start3A_144 : memref<128x16xf32, #tpu.memory_space<vmem_shared>>) target_semaphore(%run_scoped3A : memref<!tpu.dma_semaphore, #tpu.memory_space<semaphore_mem>>)
        %dma_wait3A_145 = arith.constant 0 : i32
        %dma_wait3A_146 = tpu.memref_slice %arg10[%add3A_139, %dma_wait3A_145] : memref<100352x16xf32, #tpu.memory_space<vmem_shared>> -> memref<128x16xf32, #tpu.memory_space<vmem_shared>>
        %dma_wait3A_147 = arith.constant 0 : i32
        %dma_wait3A_148 = tpu.memref_slice %arg10[%add3A_139, %dma_wait3A_147] : memref<100352x16xf32, #tpu.memory_space<vmem_shared>> -> memref<128x16xf32, #tpu.memory_space<vmem_shared>>
        tpu.wait_dma2 semaphore(%run_scoped3A : memref<!tpu.dma_semaphore, #tpu.memory_space<semaphore_mem>>) src(%arg9 : memref<128x16xf32, #tpu.memory_space<vmem>>) dst(%dma_wait3A_148 : memref<128x16xf32, #tpu.memory_space<vmem_shared>>)
        tpu.yield
      }) : () -> ()
      %scan3A_140 = arith.constant 0 : i32
      scf.yield %scan3A_140 : i32
    }
    %scan3A_15 = arith.constant 49 : i32
    %barrier3A = arith.constant 0 : index
    tpu.barrier barrier_id(%barrier3A)
    %mul3A_16 = arith.constant 10624 : i32
    %mul3A_17 = arith.muli %arg0, %mul3A_16 : i32
    %eq3A = arith.constant 0 : i32
    %eq3A_18 = arith.cmpi eq, %arg0, %eq3A : i32
    %jit3A = arith.constant 664 : i32
    %jit3A_19 = arith.constant 136 : i32
    %select_n3A = arith.select %eq3A_18, %jit3A, %jit3A_19 : i32
    %mul3A_20 = arith.muli %arg1, %select_n3A : i32
    %add3A_21 = arith.addi %mul3A_17, %mul3A_20 : i32
    %eq3A_22 = arith.constant 0 : i32
    %eq3A_23 = arith.cmpi eq, %arg0, %eq3A_22 : i32
    %jit3A_24 = arith.constant 83 : i32
    %jit3A_25 = arith.constant 17 : i32
    %select_n3A_26 = arith.select %eq3A_23, %jit3A_24, %jit3A_25 : i32
    %while3A = arith.constant 0 : i32
    %while3A_27 = arith.constant 0 : i32
    %while3A_28 = arith.subi %select_n3A_26, %while3A : i32
    %while3A_29 = arith.addi %while3A, %while3A_28 : i32
    %while3A_30 = arith.constant 1 : i32
    %while3A_31 = arith.divsi %while3A_28, %while3A_30 : i32
    %while3A_32 = arith.muli %while3A_31, %while3A_30 : i32
    %while3A_33 = arith.addi %while3A, %while3A_32 : i32
    %while3A_34 = arith.constant 1 : i32
    %while3A_35 = scf.for %while3A_135 = %while3A to %while3A_33 step %while3A_34 iter_args(%while3A_136 = %while3A_27) -> (i32)  : i32 {
      %mul3A_137 = arith.constant 8 : i32
      %mul3A_138 = arith.muli %while3A_135, %mul3A_137 : i32
      %add3A_139 = arith.addi %add3A_21, %mul3A_138 : i32
      "tpu.region"() ({
        %run_scoped3A = tpu.sem_alloc : memref<!tpu.dma_semaphore, #tpu.memory_space<semaphore_mem>>
        %dma_start3A_528 = arith.constant 0 : i32
        %dma_start3A_529 = tpu.memref_slice %arg3[%add3A_139, %dma_start3A_528] : memref<12800x128xi32, #tpu.memory_space<hbm>> -> memref<8x128xi32, #tpu.memory_space<hbm>>
        %dma_start3A_530 = arith.constant 0 : i32
        %dma_start3A_531 = tpu.memref_slice %arg3[%add3A_139, %dma_start3A_530] : memref<12800x128xi32, #tpu.memory_space<hbm>> -> memref<8x128xi32, #tpu.memory_space<hbm>>
        tpu.enqueue_dma source(%dma_start3A_531 : memref<8x128xi32, #tpu.memory_space<hbm>>) target(%arg6 : memref<8x128xi32, #tpu.memory_space<vmem>>) target_semaphore(%run_scoped3A : memref<!tpu.dma_semaphore, #tpu.memory_space<semaphore_mem>>)
        %dma_wait3A_532 = arith.constant 0 : i32
        %dma_wait3A_533 = tpu.memref_slice %arg3[%add3A_139, %dma_wait3A_532] : memref<12800x128xi32, #tpu.memory_space<hbm>> -> memref<8x128xi32, #tpu.memory_space<hbm>>
        %dma_wait3A_534 = arith.constant 0 : i32
        %dma_wait3A_535 = tpu.memref_slice %arg3[%add3A_139, %dma_wait3A_534] : memref<12800x128xi32, #tpu.memory_space<hbm>> -> memref<8x128xi32, #tpu.memory_space<hbm>>
        tpu.wait_dma2 semaphore(%run_scoped3A : memref<!tpu.dma_semaphore, #tpu.memory_space<semaphore_mem>>) src(%dma_wait3A_535 : memref<8x128xi32, #tpu.memory_space<hbm>>) dst(%arg6 : memref<8x128xi32, #tpu.memory_space<vmem>>)
        tpu.yield
      }) : () -> ()
      %mul3A_140 = arith.constant 8 : i32
      %mul3A_141 = arith.muli %while3A_135, %mul3A_140 : i32
      %add3A_142 = arith.addi %add3A_21, %mul3A_141 : i32
      "tpu.region"() ({
        %run_scoped3A = tpu.sem_alloc : memref<!tpu.dma_semaphore, #tpu.memory_space<semaphore_mem>>
        %dma_start3A_528 = arith.constant 0 : i32
        %dma_start3A_529 = tpu.memref_slice %arg4[%add3A_142, %dma_start3A_528] : memref<12800x128xi32, #tpu.memory_space<hbm>> -> memref<8x128xi32, #tpu.memory_space<hbm>>
        %dma_start3A_530 = arith.constant 0 : i32
        %dma_start3A_531 = tpu.memref_slice %arg4[%add3A_142, %dma_start3A_530] : memref<12800x128xi32, #tpu.memory_space<hbm>> -> memref<8x128xi32, #tpu.memory_space<hbm>>
        tpu.enqueue_dma source(%dma_start3A_531 : memref<8x128xi32, #tpu.memory_space<hbm>>) target(%arg7 : memref<8x128xi32, #tpu.memory_space<vmem>>) target_semaphore(%run_scoped3A : memref<!tpu.dma_semaphore, #tpu.memory_space<semaphore_mem>>)
        %dma_wait3A_532 = arith.constant 0 : i32
        %dma_wait3A_533 = tpu.memref_slice %arg4[%add3A_142, %dma_wait3A_532] : memref<12800x128xi32, #tpu.memory_space<hbm>> -> memref<8x128xi32, #tpu.memory_space<hbm>>
        %dma_wait3A_534 = arith.constant 0 : i32
        %dma_wait3A_535 = tpu.memref_slice %arg4[%add3A_142, %dma_wait3A_534] : memref<12800x128xi32, #tpu.memory_space<hbm>> -> memref<8x128xi32, #tpu.memory_space<hbm>>
        tpu.wait_dma2 semaphore(%run_scoped3A : memref<!tpu.dma_semaphore, #tpu.memory_space<semaphore_mem>>) src(%dma_wait3A_535 : memref<8x128xi32, #tpu.memory_space<hbm>>) dst(%arg7 : memref<8x128xi32, #tpu.memory_space<vmem>>)
        tpu.yield
      }) : () -> ()
      %dma_start3A_143 = arith.constant 0 : i32
      %dma_start3A_144 = arith.constant 0 : i32
      %dma_start3A_145 = arith.constant 0 : i32
      %dma_start3A_146 = arith.constant 0 : i32
      %dma_start3A_147 = tpu.memref_slice %arg8[%dma_start3A_144, %dma_start3A_145, %dma_start3A_146] : memref<8x128x16xf32, #tpu.memory_space<vmem>> -> memref<1x128x16xf32, #tpu.memory_space<vmem>>
      %dma_start3A_148 = tpu.memref_squeeze %dma_start3A_147 : memref<1x128x16xf32, #tpu.memory_space<vmem>> -> memref<128x16xf32, #tpu.memory_space<vmem>>
      %dma_start3A_149 = arith.constant 0 : i32
      %dma_start3A_150 = tpu.memref_slice %arg6[%dma_start3A_143, %dma_start3A_149] : memref<8x128xi32, #tpu.memory_space<vmem>> -> memref<1x128xi32, #tpu.memory_space<vmem>>
      %dma_start3A_151 = tpu.memref_squeeze %dma_start3A_150 : memref<1x128xi32, #tpu.memory_space<vmem>> -> memref<128xi32, #tpu.memory_space<vmem>>
      %dma_start3A_152 = arith.constant 0 : i32
      %dma_start3A_153 = arith.constant 0 : i32
      %dma_start3A_154 = tpu.memref_slice %arg2[%dma_start3A_152, %dma_start3A_153] : memref<100000x16xf32, #tpu.memory_space<hbm>> -> memref<100000x16xf32, #tpu.memory_space<hbm>>
      tpu.enqueue_indirect_dma source(%dma_start3A_154 : memref<100000x16xf32, #tpu.memory_space<hbm>>) target(%dma_start3A_148 : memref<128x16xf32, #tpu.memory_space<vmem>>) offsets(%dma_start3A_151 : memref<128xi32, #tpu.memory_space<vmem>>) semaphore(%arg11 : memref<!tpu.dma_semaphore, #tpu.memory_space<semaphore_mem>>)
      %dma_start3A_155 = arith.constant 1 : i32
      %dma_start3A_156 = arith.constant 1 : i32
      %dma_start3A_157 = arith.constant 0 : i32
      %dma_start3A_158 = arith.constant 0 : i32
      %dma_start3A_159 = tpu.memref_slice %arg8[%dma_start3A_156, %dma_start3A_157, %dma_start3A_158] : memref<8x128x16xf32, #tpu.memory_space<vmem>> -> memref<1x128x16xf32, #tpu.memory_space<vmem>>
      %dma_start3A_160 = tpu.memref_squeeze %dma_start3A_159 : memref<1x128x16xf32, #tpu.memory_space<vmem>> -> memref<128x16xf32, #tpu.memory_space<vmem>>
      %dma_start3A_161 = arith.constant 0 : i32
      %dma_start3A_162 = tpu.memref_slice %arg6[%dma_start3A_155, %dma_start3A_161] : memref<8x128xi32, #tpu.memory_space<vmem>> -> memref<1x128xi32, #tpu.memory_space<vmem>>
      %dma_start3A_163 = tpu.memref_squeeze %dma_start3A_162 : memref<1x128xi32, #tpu.memory_space<vmem>> -> memref<128xi32, #tpu.memory_space<vmem>>
      %dma_start3A_164 = arith.constant 0 : i32
      %dma_start3A_165 = arith.constant 0 : i32
      %dma_start3A_166 = tpu.memref_slice %arg2[%dma_start3A_164, %dma_start3A_165] : memref<100000x16xf32, #tpu.memory_space<hbm>> -> memref<100000x16xf32, #tpu.memory_space<hbm>>
      tpu.enqueue_indirect_dma source(%dma_start3A_166 : memref<100000x16xf32, #tpu.memory_space<hbm>>) target(%dma_start3A_160 : memref<128x16xf32, #tpu.memory_space<vmem>>) offsets(%dma_start3A_163 : memref<128xi32, #tpu.memory_space<vmem>>) semaphore(%arg11 : memref<!tpu.dma_semaphore, #tpu.memory_space<semaphore_mem>>)
      %dma_start3A_167 = arith.constant 2 : i32
      %dma_start3A_168 = arith.constant 2 : i32
      %dma_start3A_169 = arith.constant 0 : i32
      %dma_start3A_170 = arith.constant 0 : i32
      %dma_start3A_171 = tpu.memref_slice %arg8[%dma_start3A_168, %dma_start3A_169, %dma_start3A_170] : memref<8x128x16xf32, #tpu.memory_space<vmem>> -> memref<1x128x16xf32, #tpu.memory_space<vmem>>
      %dma_start3A_172 = tpu.memref_squeeze %dma_start3A_171 : memref<1x128x16xf32, #tpu.memory_space<vmem>> -> memref<128x16xf32, #tpu.memory_space<vmem>>
      %dma_start3A_173 = arith.constant 0 : i32
      %dma_start3A_174 = tpu.memref_slice %arg6[%dma_start3A_167, %dma_start3A_173] : memref<8x128xi32, #tpu.memory_space<vmem>> -> memref<1x128xi32, #tpu.memory_space<vmem>>
      %dma_start3A_175 = tpu.memref_squeeze %dma_start3A_174 : memref<1x128xi32, #tpu.memory_space<vmem>> -> memref<128xi32, #tpu.memory_space<vmem>>
      %dma_start3A_176 = arith.constant 0 : i32
      %dma_start3A_177 = arith.constant 0 : i32
      %dma_start3A_178 = tpu.memref_slice %arg2[%dma_start3A_176, %dma_start3A_177] : memref<100000x16xf32, #tpu.memory_space<hbm>> -> memref<100000x16xf32, #tpu.memory_space<hbm>>
      tpu.enqueue_indirect_dma source(%dma_start3A_178 : memref<100000x16xf32, #tpu.memory_space<hbm>>) target(%dma_start3A_172 : memref<128x16xf32, #tpu.memory_space<vmem>>) offsets(%dma_start3A_175 : memref<128xi32, #tpu.memory_space<vmem>>) semaphore(%arg11 : memref<!tpu.dma_semaphore, #tpu.memory_space<semaphore_mem>>)
      %dma_start3A_179 = arith.constant 3 : i32
      %dma_start3A_180 = arith.constant 3 : i32
      %dma_start3A_181 = arith.constant 0 : i32
      %dma_start3A_182 = arith.constant 0 : i32
      %dma_start3A_183 = tpu.memref_slice %arg8[%dma_start3A_180, %dma_start3A_181, %dma_start3A_182] : memref<8x128x16xf32, #tpu.memory_space<vmem>> -> memref<1x128x16xf32, #tpu.memory_space<vmem>>
      %dma_start3A_184 = tpu.memref_squeeze %dma_start3A_183 : memref<1x128x16xf32, #tpu.memory_space<vmem>> -> memref<128x16xf32, #tpu.memory_space<vmem>>
      %dma_start3A_185 = arith.constant 0 : i32
      %dma_start3A_186 = tpu.memref_slice %arg6[%dma_start3A_179, %dma_start3A_185] : memref<8x128xi32, #tpu.memory_space<vmem>> -> memref<1x128xi32, #tpu.memory_space<vmem>>
      %dma_start3A_187 = tpu.memref_squeeze %dma_start3A_186 : memref<1x128xi32, #tpu.memory_space<vmem>> -> memref<128xi32, #tpu.memory_space<vmem>>
      %dma_start3A_188 = arith.constant 0 : i32
      %dma_start3A_189 = arith.constant 0 : i32
      %dma_start3A_190 = tpu.memref_slice %arg2[%dma_start3A_188, %dma_start3A_189] : memref<100000x16xf32, #tpu.memory_space<hbm>> -> memref<100000x16xf32, #tpu.memory_space<hbm>>
      tpu.enqueue_indirect_dma source(%dma_start3A_190 : memref<100000x16xf32, #tpu.memory_space<hbm>>) target(%dma_start3A_184 : memref<128x16xf32, #tpu.memory_space<vmem>>) offsets(%dma_start3A_187 : memref<128xi32, #tpu.memory_space<vmem>>) semaphore(%arg11 : memref<!tpu.dma_semaphore, #tpu.memory_space<semaphore_mem>>)
      %dma_start3A_191 = arith.constant 4 : i32
      %dma_start3A_192 = arith.constant 4 : i32
      %dma_start3A_193 = arith.constant 0 : i32
      %dma_start3A_194 = arith.constant 0 : i32
      %dma_start3A_195 = tpu.memref_slice %arg8[%dma_start3A_192, %dma_start3A_193, %dma_start3A_194] : memref<8x128x16xf32, #tpu.memory_space<vmem>> -> memref<1x128x16xf32, #tpu.memory_space<vmem>>
      %dma_start3A_196 = tpu.memref_squeeze %dma_start3A_195 : memref<1x128x16xf32, #tpu.memory_space<vmem>> -> memref<128x16xf32, #tpu.memory_space<vmem>>
      %dma_start3A_197 = arith.constant 0 : i32
      %dma_start3A_198 = tpu.memref_slice %arg6[%dma_start3A_191, %dma_start3A_197] : memref<8x128xi32, #tpu.memory_space<vmem>> -> memref<1x128xi32, #tpu.memory_space<vmem>>
      %dma_start3A_199 = tpu.memref_squeeze %dma_start3A_198 : memref<1x128xi32, #tpu.memory_space<vmem>> -> memref<128xi32, #tpu.memory_space<vmem>>
      %dma_start3A_200 = arith.constant 0 : i32
      %dma_start3A_201 = arith.constant 0 : i32
      %dma_start3A_202 = tpu.memref_slice %arg2[%dma_start3A_200, %dma_start3A_201] : memref<100000x16xf32, #tpu.memory_space<hbm>> -> memref<100000x16xf32, #tpu.memory_space<hbm>>
      tpu.enqueue_indirect_dma source(%dma_start3A_202 : memref<100000x16xf32, #tpu.memory_space<hbm>>) target(%dma_start3A_196 : memref<128x16xf32, #tpu.memory_space<vmem>>) offsets(%dma_start3A_199 : memref<128xi32, #tpu.memory_space<vmem>>) semaphore(%arg12 : memref<!tpu.dma_semaphore, #tpu.memory_space<semaphore_mem>>)
      %dma_start3A_203 = arith.constant 5 : i32
      %dma_start3A_204 = arith.constant 5 : i32
      %dma_start3A_205 = arith.constant 0 : i32
      %dma_start3A_206 = arith.constant 0 : i32
      %dma_start3A_207 = tpu.memref_slice %arg8[%dma_start3A_204, %dma_start3A_205, %dma_start3A_206] : memref<8x128x16xf32, #tpu.memory_space<vmem>> -> memref<1x128x16xf32, #tpu.memory_space<vmem>>
      %dma_start3A_208 = tpu.memref_squeeze %dma_start3A_207 : memref<1x128x16xf32, #tpu.memory_space<vmem>> -> memref<128x16xf32, #tpu.memory_space<vmem>>
      %dma_start3A_209 = arith.constant 0 : i32
      %dma_start3A_210 = tpu.memref_slice %arg6[%dma_start3A_203, %dma_start3A_209] : memref<8x128xi32, #tpu.memory_space<vmem>> -> memref<1x128xi32, #tpu.memory_space<vmem>>
      %dma_start3A_211 = tpu.memref_squeeze %dma_start3A_210 : memref<1x128xi32, #tpu.memory_space<vmem>> -> memref<128xi32, #tpu.memory_space<vmem>>
      %dma_start3A_212 = arith.constant 0 : i32
      %dma_start3A_213 = arith.constant 0 : i32
      %dma_start3A_214 = tpu.memref_slice %arg2[%dma_start3A_212, %dma_start3A_213] : memref<100000x16xf32, #tpu.memory_space<hbm>> -> memref<100000x16xf32, #tpu.memory_space<hbm>>
      tpu.enqueue_indirect_dma source(%dma_start3A_214 : memref<100000x16xf32, #tpu.memory_space<hbm>>) target(%dma_start3A_208 : memref<128x16xf32, #tpu.memory_space<vmem>>) offsets(%dma_start3A_211 : memref<128xi32, #tpu.memory_space<vmem>>) semaphore(%arg12 : memref<!tpu.dma_semaphore, #tpu.memory_space<semaphore_mem>>)
      %dma_start3A_215 = arith.constant 6 : i32
      %dma_start3A_216 = arith.constant 6 : i32
      %dma_start3A_217 = arith.constant 0 : i32
      %dma_start3A_218 = arith.constant 0 : i32
      %dma_start3A_219 = tpu.memref_slice %arg8[%dma_start3A_216, %dma_start3A_217, %dma_start3A_218] : memref<8x128x16xf32, #tpu.memory_space<vmem>> -> memref<1x128x16xf32, #tpu.memory_space<vmem>>
      %dma_start3A_220 = tpu.memref_squeeze %dma_start3A_219 : memref<1x128x16xf32, #tpu.memory_space<vmem>> -> memref<128x16xf32, #tpu.memory_space<vmem>>
      %dma_start3A_221 = arith.constant 0 : i32
      %dma_start3A_222 = tpu.memref_slice %arg6[%dma_start3A_215, %dma_start3A_221] : memref<8x128xi32, #tpu.memory_space<vmem>> -> memref<1x128xi32, #tpu.memory_space<vmem>>
      %dma_start3A_223 = tpu.memref_squeeze %dma_start3A_222 : memref<1x128xi32, #tpu.memory_space<vmem>> -> memref<128xi32, #tpu.memory_space<vmem>>
      %dma_start3A_224 = arith.constant 0 : i32
      %dma_start3A_225 = arith.constant 0 : i32
      %dma_start3A_226 = tpu.memref_slice %arg2[%dma_start3A_224, %dma_start3A_225] : memref<100000x16xf32, #tpu.memory_space<hbm>> -> memref<100000x16xf32, #tpu.memory_space<hbm>>
      tpu.enqueue_indirect_dma source(%dma_start3A_226 : memref<100000x16xf32, #tpu.memory_space<hbm>>) target(%dma_start3A_220 : memref<128x16xf32, #tpu.memory_space<vmem>>) offsets(%dma_start3A_223 : memref<128xi32, #tpu.memory_space<vmem>>) semaphore(%arg12 : memref<!tpu.dma_semaphore, #tpu.memory_space<semaphore_mem>>)
      %dma_start3A_227 = arith.constant 7 : i32
      %dma_start3A_228 = arith.constant 7 : i32
      %dma_start3A_229 = arith.constant 0 : i32
      %dma_start3A_230 = arith.constant 0 : i32
      %dma_start3A_231 = tpu.memref_slice %arg8[%dma_start3A_228, %dma_start3A_229, %dma_start3A_230] : memref<8x128x16xf32, #tpu.memory_space<vmem>> -> memref<1x128x16xf32, #tpu.memory_space<vmem>>
      %dma_start3A_232 = tpu.memref_squeeze %dma_start3A_231 : memref<1x128x16xf32, #tpu.memory_space<vmem>> -> memref<128x16xf32, #tpu.memory_space<vmem>>
      %dma_start3A_233 = arith.constant 0 : i32
      %dma_start3A_234 = tpu.memref_slice %arg6[%dma_start3A_227, %dma_start3A_233] : memref<8x128xi32, #tpu.memory_space<vmem>> -> memref<1x128xi32, #tpu.memory_space<vmem>>
      %dma_start3A_235 = tpu.memref_squeeze %dma_start3A_234 : memref<1x128xi32, #tpu.memory_space<vmem>> -> memref<128xi32, #tpu.memory_space<vmem>>
      %dma_start3A_236 = arith.constant 0 : i32
      %dma_start3A_237 = arith.constant 0 : i32
      %dma_start3A_238 = tpu.memref_slice %arg2[%dma_start3A_236, %dma_start3A_237] : memref<100000x16xf32, #tpu.memory_space<hbm>> -> memref<100000x16xf32, #tpu.memory_space<hbm>>
      tpu.enqueue_indirect_dma source(%dma_start3A_238 : memref<100000x16xf32, #tpu.memory_space<hbm>>) target(%dma_start3A_232 : memref<128x16xf32, #tpu.memory_space<vmem>>) offsets(%dma_start3A_235 : memref<128xi32, #tpu.memory_space<vmem>>) semaphore(%arg12 : memref<!tpu.dma_semaphore, #tpu.memory_space<semaphore_mem>>)
      %dma_wait3A_239 = arith.constant 0 : i32
      %dma_wait3A_240 = arith.constant 0 : i32
      %dma_wait3A_241 = arith.constant 0 : i32
      %dma_wait3A_242 = arith.constant 0 : i32
      %dma_wait3A_243 = tpu.memref_slice %arg8[%dma_wait3A_240, %dma_wait3A_241, %dma_wait3A_242] : memref<8x128x16xf32, #tpu.memory_space<vmem>> -> memref<1x128x16xf32, #tpu.memory_space<vmem>>
      %dma_wait3A_244 = tpu.memref_squeeze %dma_wait3A_243 : memref<1x128x16xf32, #tpu.memory_space<vmem>> -> memref<128x16xf32, #tpu.memory_space<vmem>>
      %dma_wait3A_245 = arith.constant 0 : i32
      %dma_wait3A_246 = tpu.memref_slice %arg6[%dma_wait3A_239, %dma_wait3A_245] : memref<8x128xi32, #tpu.memory_space<vmem>> -> memref<1x128xi32, #tpu.memory_space<vmem>>
      %dma_wait3A_247 = tpu.memref_squeeze %dma_wait3A_246 : memref<1x128xi32, #tpu.memory_space<vmem>> -> memref<128xi32, #tpu.memory_space<vmem>>
      %dma_wait3A_248 = arith.constant 0 : i32
      %dma_wait3A_249 = arith.constant 0 : i32
      %dma_wait3A_250 = tpu.memref_slice %arg2[%dma_wait3A_248, %dma_wait3A_249] : memref<100000x16xf32, #tpu.memory_space<hbm>> -> memref<100000x16xf32, #tpu.memory_space<hbm>>
      tpu.wait_indirect_dma semaphore(%arg11 : memref<!tpu.dma_semaphore, #tpu.memory_space<semaphore_mem>>) src(%dma_wait3A_250 : memref<100000x16xf32, #tpu.memory_space<hbm>>) dst(%dma_wait3A_244 : memref<128x16xf32, #tpu.memory_space<vmem>>)
      %dma_wait3A_251 = arith.constant 1 : i32
      %dma_wait3A_252 = arith.constant 1 : i32
      %dma_wait3A_253 = arith.constant 0 : i32
      %dma_wait3A_254 = arith.constant 0 : i32
      %dma_wait3A_255 = tpu.memref_slice %arg8[%dma_wait3A_252, %dma_wait3A_253, %dma_wait3A_254] : memref<8x128x16xf32, #tpu.memory_space<vmem>> -> memref<1x128x16xf32, #tpu.memory_space<vmem>>
      %dma_wait3A_256 = tpu.memref_squeeze %dma_wait3A_255 : memref<1x128x16xf32, #tpu.memory_space<vmem>> -> memref<128x16xf32, #tpu.memory_space<vmem>>
      %dma_wait3A_257 = arith.constant 0 : i32
      %dma_wait3A_258 = tpu.memref_slice %arg6[%dma_wait3A_251, %dma_wait3A_257] : memref<8x128xi32, #tpu.memory_space<vmem>> -> memref<1x128xi32, #tpu.memory_space<vmem>>
      %dma_wait3A_259 = tpu.memref_squeeze %dma_wait3A_258 : memref<1x128xi32, #tpu.memory_space<vmem>> -> memref<128xi32, #tpu.memory_space<vmem>>
      %dma_wait3A_260 = arith.constant 0 : i32
      %dma_wait3A_261 = arith.constant 0 : i32
      %dma_wait3A_262 = tpu.memref_slice %arg2[%dma_wait3A_260, %dma_wait3A_261] : memref<100000x16xf32, #tpu.memory_space<hbm>> -> memref<100000x16xf32, #tpu.memory_space<hbm>>
      tpu.wait_indirect_dma semaphore(%arg11 : memref<!tpu.dma_semaphore, #tpu.memory_space<semaphore_mem>>) src(%dma_wait3A_262 : memref<100000x16xf32, #tpu.memory_space<hbm>>) dst(%dma_wait3A_256 : memref<128x16xf32, #tpu.memory_space<vmem>>)
      %dma_wait3A_263 = arith.constant 2 : i32
      %dma_wait3A_264 = arith.constant 2 : i32
      %dma_wait3A_265 = arith.constant 0 : i32
      %dma_wait3A_266 = arith.constant 0 : i32
      %dma_wait3A_267 = tpu.memref_slice %arg8[%dma_wait3A_264, %dma_wait3A_265, %dma_wait3A_266] : memref<8x128x16xf32, #tpu.memory_space<vmem>> -> memref<1x128x16xf32, #tpu.memory_space<vmem>>
      %dma_wait3A_268 = tpu.memref_squeeze %dma_wait3A_267 : memref<1x128x16xf32, #tpu.memory_space<vmem>> -> memref<128x16xf32, #tpu.memory_space<vmem>>
      %dma_wait3A_269 = arith.constant 0 : i32
      %dma_wait3A_270 = tpu.memref_slice %arg6[%dma_wait3A_263, %dma_wait3A_269] : memref<8x128xi32, #tpu.memory_space<vmem>> -> memref<1x128xi32, #tpu.memory_space<vmem>>
      %dma_wait3A_271 = tpu.memref_squeeze %dma_wait3A_270 : memref<1x128xi32, #tpu.memory_space<vmem>> -> memref<128xi32, #tpu.memory_space<vmem>>
      %dma_wait3A_272 = arith.constant 0 : i32
      %dma_wait3A_273 = arith.constant 0 : i32
      %dma_wait3A_274 = tpu.memref_slice %arg2[%dma_wait3A_272, %dma_wait3A_273] : memref<100000x16xf32, #tpu.memory_space<hbm>> -> memref<100000x16xf32, #tpu.memory_space<hbm>>
      tpu.wait_indirect_dma semaphore(%arg11 : memref<!tpu.dma_semaphore, #tpu.memory_space<semaphore_mem>>) src(%dma_wait3A_274 : memref<100000x16xf32, #tpu.memory_space<hbm>>) dst(%dma_wait3A_268 : memref<128x16xf32, #tpu.memory_space<vmem>>)
      %dma_wait3A_275 = arith.constant 3 : i32
      %dma_wait3A_276 = arith.constant 3 : i32
      %dma_wait3A_277 = arith.constant 0 : i32
      %dma_wait3A_278 = arith.constant 0 : i32
      %dma_wait3A_279 = tpu.memref_slice %arg8[%dma_wait3A_276, %dma_wait3A_277, %dma_wait3A_278] : memref<8x128x16xf32, #tpu.memory_space<vmem>> -> memref<1x128x16xf32, #tpu.memory_space<vmem>>
      %dma_wait3A_280 = tpu.memref_squeeze %dma_wait3A_279 : memref<1x128x16xf32, #tpu.memory_space<vmem>> -> memref<128x16xf32, #tpu.memory_space<vmem>>
      %dma_wait3A_281 = arith.constant 0 : i32
      %dma_wait3A_282 = tpu.memref_slice %arg6[%dma_wait3A_275, %dma_wait3A_281] : memref<8x128xi32, #tpu.memory_space<vmem>> -> memref<1x128xi32, #tpu.memory_space<vmem>>
      %dma_wait3A_283 = tpu.memref_squeeze %dma_wait3A_282 : memref<1x128xi32, #tpu.memory_space<vmem>> -> memref<128xi32, #tpu.memory_space<vmem>>
      %dma_wait3A_284 = arith.constant 0 : i32
      %dma_wait3A_285 = arith.constant 0 : i32
      %dma_wait3A_286 = tpu.memref_slice %arg2[%dma_wait3A_284, %dma_wait3A_285] : memref<100000x16xf32, #tpu.memory_space<hbm>> -> memref<100000x16xf32, #tpu.memory_space<hbm>>
      tpu.wait_indirect_dma semaphore(%arg11 : memref<!tpu.dma_semaphore, #tpu.memory_space<semaphore_mem>>) src(%dma_wait3A_286 : memref<100000x16xf32, #tpu.memory_space<hbm>>) dst(%dma_wait3A_280 : memref<128x16xf32, #tpu.memory_space<vmem>>)
      %dma_start3A_287 = arith.constant 0 : i32
      %dma_start3A_288 = arith.constant 0 : i32
      %dma_start3A_289 = arith.constant 0 : i32
      %dma_start3A_290 = arith.constant 0 : i32
      %dma_start3A_291 = tpu.memref_slice %arg8[%dma_start3A_287, %dma_start3A_289, %dma_start3A_290] : memref<8x128x16xf32, #tpu.memory_space<vmem>> -> memref<1x128x16xf32, #tpu.memory_space<vmem>>
      %dma_start3A_292 = tpu.memref_squeeze %dma_start3A_291 : memref<1x128x16xf32, #tpu.memory_space<vmem>> -> memref<128x16xf32, #tpu.memory_space<vmem>>
      %dma_start3A_293 = arith.constant 0 : i32
      %dma_start3A_294 = tpu.memref_slice %arg7[%dma_start3A_288, %dma_start3A_293] : memref<8x128xi32, #tpu.memory_space<vmem>> -> memref<1x128xi32, #tpu.memory_space<vmem>>
      %dma_start3A_295 = tpu.memref_squeeze %dma_start3A_294 : memref<1x128xi32, #tpu.memory_space<vmem>> -> memref<128xi32, #tpu.memory_space<vmem>>
      %dma_start3A_296 = arith.constant 0 : i32
      %dma_start3A_297 = arith.constant 0 : i32
      %dma_start3A_298 = tpu.memref_slice %arg10[%dma_start3A_296, %dma_start3A_297] : memref<100352x16xf32, #tpu.memory_space<vmem_shared>> -> memref<100352x16xf32, #tpu.memory_space<vmem_shared>>
      tpu.enqueue_indirect_dma source(%dma_start3A_292 : memref<128x16xf32, #tpu.memory_space<vmem>>) target(%dma_start3A_298 : memref<100352x16xf32, #tpu.memory_space<vmem_shared>>) offsets(%dma_start3A_295 : memref<128xi32, #tpu.memory_space<vmem>>) semaphore(%arg13 : memref<!tpu.dma_semaphore, #tpu.memory_space<semaphore_mem>>) {add = true}
      %dma_start3A_299 = arith.constant 1 : i32
      %dma_start3A_300 = arith.constant 1 : i32
      %dma_start3A_301 = arith.constant 0 : i32
      %dma_start3A_302 = arith.constant 0 : i32
      %dma_start3A_303 = tpu.memref_slice %arg8[%dma_start3A_299, %dma_start3A_301, %dma_start3A_302] : memref<8x128x16xf32, #tpu.memory_space<vmem>> -> memref<1x128x16xf32, #tpu.memory_space<vmem>>
      %dma_start3A_304 = tpu.memref_squeeze %dma_start3A_303 : memref<1x128x16xf32, #tpu.memory_space<vmem>> -> memref<128x16xf32, #tpu.memory_space<vmem>>
      %dma_start3A_305 = arith.constant 0 : i32
      %dma_start3A_306 = tpu.memref_slice %arg7[%dma_start3A_300, %dma_start3A_305] : memref<8x128xi32, #tpu.memory_space<vmem>> -> memref<1x128xi32, #tpu.memory_space<vmem>>
      %dma_start3A_307 = tpu.memref_squeeze %dma_start3A_306 : memref<1x128xi32, #tpu.memory_space<vmem>> -> memref<128xi32, #tpu.memory_space<vmem>>
      %dma_start3A_308 = arith.constant 0 : i32
      %dma_start3A_309 = arith.constant 0 : i32
      %dma_start3A_310 = tpu.memref_slice %arg10[%dma_start3A_308, %dma_start3A_309] : memref<100352x16xf32, #tpu.memory_space<vmem_shared>> -> memref<100352x16xf32, #tpu.memory_space<vmem_shared>>
      tpu.enqueue_indirect_dma source(%dma_start3A_304 : memref<128x16xf32, #tpu.memory_space<vmem>>) target(%dma_start3A_310 : memref<100352x16xf32, #tpu.memory_space<vmem_shared>>) offsets(%dma_start3A_307 : memref<128xi32, #tpu.memory_space<vmem>>) semaphore(%arg13 : memref<!tpu.dma_semaphore, #tpu.memory_space<semaphore_mem>>) {add = true}
      %dma_start3A_311 = arith.constant 2 : i32
      %dma_start3A_312 = arith.constant 2 : i32
      %dma_start3A_313 = arith.constant 0 : i32
      %dma_start3A_314 = arith.constant 0 : i32
      %dma_start3A_315 = tpu.memref_slice %arg8[%dma_start3A_311, %dma_start3A_313, %dma_start3A_314] : memref<8x128x16xf32, #tpu.memory_space<vmem>> -> memref<1x128x16xf32, #tpu.memory_space<vmem>>
      %dma_start3A_316 = tpu.memref_squeeze %dma_start3A_315 : memref<1x128x16xf32, #tpu.memory_space<vmem>> -> memref<128x16xf32, #tpu.memory_space<vmem>>
      %dma_start3A_317 = arith.constant 0 : i32
      %dma_start3A_318 = tpu.memref_slice %arg7[%dma_start3A_312, %dma_start3A_317] : memref<8x128xi32, #tpu.memory_space<vmem>> -> memref<1x128xi32, #tpu.memory_space<vmem>>
      %dma_start3A_319 = tpu.memref_squeeze %dma_start3A_318 : memref<1x128xi32, #tpu.memory_space<vmem>> -> memref<128xi32, #tpu.memory_space<vmem>>
      %dma_start3A_320 = arith.constant 0 : i32
      %dma_start3A_321 = arith.constant 0 : i32
      %dma_start3A_322 = tpu.memref_slice %arg10[%dma_start3A_320, %dma_start3A_321] : memref<100352x16xf32, #tpu.memory_space<vmem_shared>> -> memref<100352x16xf32, #tpu.memory_space<vmem_shared>>
      tpu.enqueue_indirect_dma source(%dma_start3A_316 : memref<128x16xf32, #tpu.memory_space<vmem>>) target(%dma_start3A_322 : memref<100352x16xf32, #tpu.memory_space<vmem_shared>>) offsets(%dma_start3A_319 : memref<128xi32, #tpu.memory_space<vmem>>) semaphore(%arg13 : memref<!tpu.dma_semaphore, #tpu.memory_space<semaphore_mem>>) {add = true}
      %dma_start3A_323 = arith.constant 3 : i32
      %dma_start3A_324 = arith.constant 3 : i32
      %dma_start3A_325 = arith.constant 0 : i32
      %dma_start3A_326 = arith.constant 0 : i32
      %dma_start3A_327 = tpu.memref_slice %arg8[%dma_start3A_323, %dma_start3A_325, %dma_start3A_326] : memref<8x128x16xf32, #tpu.memory_space<vmem>> -> memref<1x128x16xf32, #tpu.memory_space<vmem>>
      %dma_start3A_328 = tpu.memref_squeeze %dma_start3A_327 : memref<1x128x16xf32, #tpu.memory_space<vmem>> -> memref<128x16xf32, #tpu.memory_space<vmem>>
      %dma_start3A_329 = arith.constant 0 : i32
      %dma_start3A_330 = tpu.memref_slice %arg7[%dma_start3A_324, %dma_start3A_329] : memref<8x128xi32, #tpu.memory_space<vmem>> -> memref<1x128xi32, #tpu.memory_space<vmem>>
      %dma_start3A_331 = tpu.memref_squeeze %dma_start3A_330 : memref<1x128xi32, #tpu.memory_space<vmem>> -> memref<128xi32, #tpu.memory_space<vmem>>
      %dma_start3A_332 = arith.constant 0 : i32
      %dma_start3A_333 = arith.constant 0 : i32
      %dma_start3A_334 = tpu.memref_slice %arg10[%dma_start3A_332, %dma_start3A_333] : memref<100352x16xf32, #tpu.memory_space<vmem_shared>> -> memref<100352x16xf32, #tpu.memory_space<vmem_shared>>
      tpu.enqueue_indirect_dma source(%dma_start3A_328 : memref<128x16xf32, #tpu.memory_space<vmem>>) target(%dma_start3A_334 : memref<100352x16xf32, #tpu.memory_space<vmem_shared>>) offsets(%dma_start3A_331 : memref<128xi32, #tpu.memory_space<vmem>>) semaphore(%arg13 : memref<!tpu.dma_semaphore, #tpu.memory_space<semaphore_mem>>) {add = true}
      %dma_wait3A_335 = arith.constant 4 : i32
      %dma_wait3A_336 = arith.constant 4 : i32
      %dma_wait3A_337 = arith.constant 0 : i32
      %dma_wait3A_338 = arith.constant 0 : i32
      %dma_wait3A_339 = tpu.memref_slice %arg8[%dma_wait3A_336, %dma_wait3A_337, %dma_wait3A_338] : memref<8x128x16xf32, #tpu.memory_space<vmem>> -> memref<1x128x16xf32, #tpu.memory_space<vmem>>
      %dma_wait3A_340 = tpu.memref_squeeze %dma_wait3A_339 : memref<1x128x16xf32, #tpu.memory_space<vmem>> -> memref<128x16xf32, #tpu.memory_space<vmem>>
      %dma_wait3A_341 = arith.constant 0 : i32
      %dma_wait3A_342 = tpu.memref_slice %arg6[%dma_wait3A_335, %dma_wait3A_341] : memref<8x128xi32, #tpu.memory_space<vmem>> -> memref<1x128xi32, #tpu.memory_space<vmem>>
      %dma_wait3A_343 = tpu.memref_squeeze %dma_wait3A_342 : memref<1x128xi32, #tpu.memory_space<vmem>> -> memref<128xi32, #tpu.memory_space<vmem>>
      %dma_wait3A_344 = arith.constant 0 : i32
      %dma_wait3A_345 = arith.constant 0 : i32
      %dma_wait3A_346 = tpu.memref_slice %arg2[%dma_wait3A_344, %dma_wait3A_345] : memref<100000x16xf32, #tpu.memory_space<hbm>> -> memref<100000x16xf32, #tpu.memory_space<hbm>>
      tpu.wait_indirect_dma semaphore(%arg12 : memref<!tpu.dma_semaphore, #tpu.memory_space<semaphore_mem>>) src(%dma_wait3A_346 : memref<100000x16xf32, #tpu.memory_space<hbm>>) dst(%dma_wait3A_340 : memref<128x16xf32, #tpu.memory_space<vmem>>)
      %dma_wait3A_347 = arith.constant 5 : i32
      %dma_wait3A_348 = arith.constant 5 : i32
      %dma_wait3A_349 = arith.constant 0 : i32
      %dma_wait3A_350 = arith.constant 0 : i32
      %dma_wait3A_351 = tpu.memref_slice %arg8[%dma_wait3A_348, %dma_wait3A_349, %dma_wait3A_350] : memref<8x128x16xf32, #tpu.memory_space<vmem>> -> memref<1x128x16xf32, #tpu.memory_space<vmem>>
      %dma_wait3A_352 = tpu.memref_squeeze %dma_wait3A_351 : memref<1x128x16xf32, #tpu.memory_space<vmem>> -> memref<128x16xf32, #tpu.memory_space<vmem>>
      %dma_wait3A_353 = arith.constant 0 : i32
      %dma_wait3A_354 = tpu.memref_slice %arg6[%dma_wait3A_347, %dma_wait3A_353] : memref<8x128xi32, #tpu.memory_space<vmem>> -> memref<1x128xi32, #tpu.memory_space<vmem>>
      %dma_wait3A_355 = tpu.memref_squeeze %dma_wait3A_354 : memref<1x128xi32, #tpu.memory_space<vmem>> -> memref<128xi32, #tpu.memory_space<vmem>>
      %dma_wait3A_356 = arith.constant 0 : i32
      %dma_wait3A_357 = arith.constant 0 : i32
      %dma_wait3A_358 = tpu.memref_slice %arg2[%dma_wait3A_356, %dma_wait3A_357] : memref<100000x16xf32, #tpu.memory_space<hbm>> -> memref<100000x16xf32, #tpu.memory_space<hbm>>
      tpu.wait_indirect_dma semaphore(%arg12 : memref<!tpu.dma_semaphore, #tpu.memory_space<semaphore_mem>>) src(%dma_wait3A_358 : memref<100000x16xf32, #tpu.memory_space<hbm>>) dst(%dma_wait3A_352 : memref<128x16xf32, #tpu.memory_space<vmem>>)
      %dma_wait3A_359 = arith.constant 6 : i32
      %dma_wait3A_360 = arith.constant 6 : i32
      %dma_wait3A_361 = arith.constant 0 : i32
      %dma_wait3A_362 = arith.constant 0 : i32
      %dma_wait3A_363 = tpu.memref_slice %arg8[%dma_wait3A_360, %dma_wait3A_361, %dma_wait3A_362] : memref<8x128x16xf32, #tpu.memory_space<vmem>> -> memref<1x128x16xf32, #tpu.memory_space<vmem>>
      %dma_wait3A_364 = tpu.memref_squeeze %dma_wait3A_363 : memref<1x128x16xf32, #tpu.memory_space<vmem>> -> memref<128x16xf32, #tpu.memory_space<vmem>>
      %dma_wait3A_365 = arith.constant 0 : i32
      %dma_wait3A_366 = tpu.memref_slice %arg6[%dma_wait3A_359, %dma_wait3A_365] : memref<8x128xi32, #tpu.memory_space<vmem>> -> memref<1x128xi32, #tpu.memory_space<vmem>>
      %dma_wait3A_367 = tpu.memref_squeeze %dma_wait3A_366 : memref<1x128xi32, #tpu.memory_space<vmem>> -> memref<128xi32, #tpu.memory_space<vmem>>
      %dma_wait3A_368 = arith.constant 0 : i32
      %dma_wait3A_369 = arith.constant 0 : i32
      %dma_wait3A_370 = tpu.memref_slice %arg2[%dma_wait3A_368, %dma_wait3A_369] : memref<100000x16xf32, #tpu.memory_space<hbm>> -> memref<100000x16xf32, #tpu.memory_space<hbm>>
      tpu.wait_indirect_dma semaphore(%arg12 : memref<!tpu.dma_semaphore, #tpu.memory_space<semaphore_mem>>) src(%dma_wait3A_370 : memref<100000x16xf32, #tpu.memory_space<hbm>>) dst(%dma_wait3A_364 : memref<128x16xf32, #tpu.memory_space<vmem>>)
      %dma_wait3A_371 = arith.constant 7 : i32
      %dma_wait3A_372 = arith.constant 7 : i32
      %dma_wait3A_373 = arith.constant 0 : i32
      %dma_wait3A_374 = arith.constant 0 : i32
      %dma_wait3A_375 = tpu.memref_slice %arg8[%dma_wait3A_372, %dma_wait3A_373, %dma_wait3A_374] : memref<8x128x16xf32, #tpu.memory_space<vmem>> -> memref<1x128x16xf32, #tpu.memory_space<vmem>>
      %dma_wait3A_376 = tpu.memref_squeeze %dma_wait3A_375 : memref<1x128x16xf32, #tpu.memory_space<vmem>> -> memref<128x16xf32, #tpu.memory_space<vmem>>
      %dma_wait3A_377 = arith.constant 0 : i32
      %dma_wait3A_378 = tpu.memref_slice %arg6[%dma_wait3A_371, %dma_wait3A_377] : memref<8x128xi32, #tpu.memory_space<vmem>> -> memref<1x128xi32, #tpu.memory_space<vmem>>
      %dma_wait3A_379 = tpu.memref_squeeze %dma_wait3A_378 : memref<1x128xi32, #tpu.memory_space<vmem>> -> memref<128xi32, #tpu.memory_space<vmem>>
      %dma_wait3A_380 = arith.constant 0 : i32
      %dma_wait3A_381 = arith.constant 0 : i32
      %dma_wait3A_382 = tpu.memref_slice %arg2[%dma_wait3A_380, %dma_wait3A_381] : memref<100000x16xf32, #tpu.memory_space<hbm>> -> memref<100000x16xf32, #tpu.memory_space<hbm>>
      tpu.wait_indirect_dma semaphore(%arg12 : memref<!tpu.dma_semaphore, #tpu.memory_space<semaphore_mem>>) src(%dma_wait3A_382 : memref<100000x16xf32, #tpu.memory_space<hbm>>) dst(%dma_wait3A_376 : memref<128x16xf32, #tpu.memory_space<vmem>>)
      %dma_start3A_383 = arith.constant 4 : i32
      %dma_start3A_384 = arith.constant 4 : i32
      %dma_start3A_385 = arith.constant 0 : i32
      %dma_start3A_386 = arith.constant 0 : i32
      %dma_start3A_387 = tpu.memref_slice %arg8[%dma_start3A_383, %dma_start3A_385, %dma_start3A_386] : memref<8x128x16xf32, #tpu.memory_space<vmem>> -> memref<1x128x16xf32, #tpu.memory_space<vmem>>
      %dma_start3A_388 = tpu.memref_squeeze %dma_start3A_387 : memref<1x128x16xf32, #tpu.memory_space<vmem>> -> memref<128x16xf32, #tpu.memory_space<vmem>>
      %dma_start3A_389 = arith.constant 0 : i32
      %dma_start3A_390 = tpu.memref_slice %arg7[%dma_start3A_384, %dma_start3A_389] : memref<8x128xi32, #tpu.memory_space<vmem>> -> memref<1x128xi32, #tpu.memory_space<vmem>>
      %dma_start3A_391 = tpu.memref_squeeze %dma_start3A_390 : memref<1x128xi32, #tpu.memory_space<vmem>> -> memref<128xi32, #tpu.memory_space<vmem>>
      %dma_start3A_392 = arith.constant 0 : i32
      %dma_start3A_393 = arith.constant 0 : i32
      %dma_start3A_394 = tpu.memref_slice %arg10[%dma_start3A_392, %dma_start3A_393] : memref<100352x16xf32, #tpu.memory_space<vmem_shared>> -> memref<100352x16xf32, #tpu.memory_space<vmem_shared>>
      tpu.enqueue_indirect_dma source(%dma_start3A_388 : memref<128x16xf32, #tpu.memory_space<vmem>>) target(%dma_start3A_394 : memref<100352x16xf32, #tpu.memory_space<vmem_shared>>) offsets(%dma_start3A_391 : memref<128xi32, #tpu.memory_space<vmem>>) semaphore(%arg13 : memref<!tpu.dma_semaphore, #tpu.memory_space<semaphore_mem>>) {add = true}
      %dma_start3A_395 = arith.constant 5 : i32
      %dma_start3A_396 = arith.constant 5 : i32
      %dma_start3A_397 = arith.constant 0 : i32
      %dma_start3A_398 = arith.constant 0 : i32
      %dma_start3A_399 = tpu.memref_slice %arg8[%dma_start3A_395, %dma_start3A_397, %dma_start3A_398] : memref<8x128x16xf32, #tpu.memory_space<vmem>> -> memref<1x128x16xf32, #tpu.memory_space<vmem>>
      %dma_start3A_400 = tpu.memref_squeeze %dma_start3A_399 : memref<1x128x16xf32, #tpu.memory_space<vmem>> -> memref<128x16xf32, #tpu.memory_space<vmem>>
      %dma_start3A_401 = arith.constant 0 : i32
      %dma_start3A_402 = tpu.memref_slice %arg7[%dma_start3A_396, %dma_start3A_401] : memref<8x128xi32, #tpu.memory_space<vmem>> -> memref<1x128xi32, #tpu.memory_space<vmem>>
      %dma_start3A_403 = tpu.memref_squeeze %dma_start3A_402 : memref<1x128xi32, #tpu.memory_space<vmem>> -> memref<128xi32, #tpu.memory_space<vmem>>
      %dma_start3A_404 = arith.constant 0 : i32
      %dma_start3A_405 = arith.constant 0 : i32
      %dma_start3A_406 = tpu.memref_slice %arg10[%dma_start3A_404, %dma_start3A_405] : memref<100352x16xf32, #tpu.memory_space<vmem_shared>> -> memref<100352x16xf32, #tpu.memory_space<vmem_shared>>
      tpu.enqueue_indirect_dma source(%dma_start3A_400 : memref<128x16xf32, #tpu.memory_space<vmem>>) target(%dma_start3A_406 : memref<100352x16xf32, #tpu.memory_space<vmem_shared>>) offsets(%dma_start3A_403 : memref<128xi32, #tpu.memory_space<vmem>>) semaphore(%arg13 : memref<!tpu.dma_semaphore, #tpu.memory_space<semaphore_mem>>) {add = true}
      %dma_start3A_407 = arith.constant 6 : i32
      %dma_start3A_408 = arith.constant 6 : i32
      %dma_start3A_409 = arith.constant 0 : i32
      %dma_start3A_410 = arith.constant 0 : i32
      %dma_start3A_411 = tpu.memref_slice %arg8[%dma_start3A_407, %dma_start3A_409, %dma_start3A_410] : memref<8x128x16xf32, #tpu.memory_space<vmem>> -> memref<1x128x16xf32, #tpu.memory_space<vmem>>
      %dma_start3A_412 = tpu.memref_squeeze %dma_start3A_411 : memref<1x128x16xf32, #tpu.memory_space<vmem>> -> memref<128x16xf32, #tpu.memory_space<vmem>>
      %dma_start3A_413 = arith.constant 0 : i32
      %dma_start3A_414 = tpu.memref_slice %arg7[%dma_start3A_408, %dma_start3A_413] : memref<8x128xi32, #tpu.memory_space<vmem>> -> memref<1x128xi32, #tpu.memory_space<vmem>>
      %dma_start3A_415 = tpu.memref_squeeze %dma_start3A_414 : memref<1x128xi32, #tpu.memory_space<vmem>> -> memref<128xi32, #tpu.memory_space<vmem>>
      %dma_start3A_416 = arith.constant 0 : i32
      %dma_start3A_417 = arith.constant 0 : i32
      %dma_start3A_418 = tpu.memref_slice %arg10[%dma_start3A_416, %dma_start3A_417] : memref<100352x16xf32, #tpu.memory_space<vmem_shared>> -> memref<100352x16xf32, #tpu.memory_space<vmem_shared>>
      tpu.enqueue_indirect_dma source(%dma_start3A_412 : memref<128x16xf32, #tpu.memory_space<vmem>>) target(%dma_start3A_418 : memref<100352x16xf32, #tpu.memory_space<vmem_shared>>) offsets(%dma_start3A_415 : memref<128xi32, #tpu.memory_space<vmem>>) semaphore(%arg13 : memref<!tpu.dma_semaphore, #tpu.memory_space<semaphore_mem>>) {add = true}
      %dma_start3A_419 = arith.constant 7 : i32
      %dma_start3A_420 = arith.constant 7 : i32
      %dma_start3A_421 = arith.constant 0 : i32
      %dma_start3A_422 = arith.constant 0 : i32
      %dma_start3A_423 = tpu.memref_slice %arg8[%dma_start3A_419, %dma_start3A_421, %dma_start3A_422] : memref<8x128x16xf32, #tpu.memory_space<vmem>> -> memref<1x128x16xf32, #tpu.memory_space<vmem>>
      %dma_start3A_424 = tpu.memref_squeeze %dma_start3A_423 : memref<1x128x16xf32, #tpu.memory_space<vmem>> -> memref<128x16xf32, #tpu.memory_space<vmem>>
      %dma_start3A_425 = arith.constant 0 : i32
      %dma_start3A_426 = tpu.memref_slice %arg7[%dma_start3A_420, %dma_start3A_425] : memref<8x128xi32, #tpu.memory_space<vmem>> -> memref<1x128xi32, #tpu.memory_space<vmem>>
      %dma_start3A_427 = tpu.memref_squeeze %dma_start3A_426 : memref<1x128xi32, #tpu.memory_space<vmem>> -> memref<128xi32, #tpu.memory_space<vmem>>
      %dma_start3A_428 = arith.constant 0 : i32
      %dma_start3A_429 = arith.constant 0 : i32
      %dma_start3A_430 = tpu.memref_slice %arg10[%dma_start3A_428, %dma_start3A_429] : memref<100352x16xf32, #tpu.memory_space<vmem_shared>> -> memref<100352x16xf32, #tpu.memory_space<vmem_shared>>
      tpu.enqueue_indirect_dma source(%dma_start3A_424 : memref<128x16xf32, #tpu.memory_space<vmem>>) target(%dma_start3A_430 : memref<100352x16xf32, #tpu.memory_space<vmem_shared>>) offsets(%dma_start3A_427 : memref<128xi32, #tpu.memory_space<vmem>>) semaphore(%arg13 : memref<!tpu.dma_semaphore, #tpu.memory_space<semaphore_mem>>) {add = true}
      %dma_wait3A_431 = arith.constant 0 : i32
      %dma_wait3A_432 = arith.constant 0 : i32
      %dma_wait3A_433 = arith.constant 0 : i32
      %dma_wait3A_434 = arith.constant 0 : i32
      %dma_wait3A_435 = tpu.memref_slice %arg8[%dma_wait3A_431, %dma_wait3A_433, %dma_wait3A_434] : memref<8x128x16xf32, #tpu.memory_space<vmem>> -> memref<1x128x16xf32, #tpu.memory_space<vmem>>
      %dma_wait3A_436 = tpu.memref_squeeze %dma_wait3A_435 : memref<1x128x16xf32, #tpu.memory_space<vmem>> -> memref<128x16xf32, #tpu.memory_space<vmem>>
      %dma_wait3A_437 = arith.constant 0 : i32
      %dma_wait3A_438 = tpu.memref_slice %arg7[%dma_wait3A_432, %dma_wait3A_437] : memref<8x128xi32, #tpu.memory_space<vmem>> -> memref<1x128xi32, #tpu.memory_space<vmem>>
      %dma_wait3A_439 = tpu.memref_squeeze %dma_wait3A_438 : memref<1x128xi32, #tpu.memory_space<vmem>> -> memref<128xi32, #tpu.memory_space<vmem>>
      %dma_wait3A_440 = arith.constant 0 : i32
      %dma_wait3A_441 = arith.constant 0 : i32
      %dma_wait3A_442 = tpu.memref_slice %arg10[%dma_wait3A_440, %dma_wait3A_441] : memref<100352x16xf32, #tpu.memory_space<vmem_shared>> -> memref<100352x16xf32, #tpu.memory_space<vmem_shared>>
      tpu.wait_indirect_dma semaphore(%arg13 : memref<!tpu.dma_semaphore, #tpu.memory_space<semaphore_mem>>) src(%dma_wait3A_436 : memref<128x16xf32, #tpu.memory_space<vmem>>) dst(%dma_wait3A_442 : memref<100352x16xf32, #tpu.memory_space<vmem_shared>>)
      %dma_wait3A_443 = arith.constant 1 : i32
      %dma_wait3A_444 = arith.constant 1 : i32
      %dma_wait3A_445 = arith.constant 0 : i32
      %dma_wait3A_446 = arith.constant 0 : i32
      %dma_wait3A_447 = tpu.memref_slice %arg8[%dma_wait3A_443, %dma_wait3A_445, %dma_wait3A_446] : memref<8x128x16xf32, #tpu.memory_space<vmem>> -> memref<1x128x16xf32, #tpu.memory_space<vmem>>
      %dma_wait3A_448 = tpu.memref_squeeze %dma_wait3A_447 : memref<1x128x16xf32, #tpu.memory_space<vmem>> -> memref<128x16xf32, #tpu.memory_space<vmem>>
      %dma_wait3A_449 = arith.constant 0 : i32
      %dma_wait3A_450 = tpu.memref_slice %arg7[%dma_wait3A_444, %dma_wait3A_449] : memref<8x128xi32, #tpu.memory_space<vmem>> -> memref<1x128xi32, #tpu.memory_space<vmem>>
      %dma_wait3A_451 = tpu.memref_squeeze %dma_wait3A_450 : memref<1x128xi32, #tpu.memory_space<vmem>> -> memref<128xi32, #tpu.memory_space<vmem>>
      %dma_wait3A_452 = arith.constant 0 : i32
      %dma_wait3A_453 = arith.constant 0 : i32
      %dma_wait3A_454 = tpu.memref_slice %arg10[%dma_wait3A_452, %dma_wait3A_453] : memref<100352x16xf32, #tpu.memory_space<vmem_shared>> -> memref<100352x16xf32, #tpu.memory_space<vmem_shared>>
      tpu.wait_indirect_dma semaphore(%arg13 : memref<!tpu.dma_semaphore, #tpu.memory_space<semaphore_mem>>) src(%dma_wait3A_448 : memref<128x16xf32, #tpu.memory_space<vmem>>) dst(%dma_wait3A_454 : memref<100352x16xf32, #tpu.memory_space<vmem_shared>>)
      %dma_wait3A_455 = arith.constant 2 : i32
      %dma_wait3A_456 = arith.constant 2 : i32
      %dma_wait3A_457 = arith.constant 0 : i32
      %dma_wait3A_458 = arith.constant 0 : i32
      %dma_wait3A_459 = tpu.memref_slice %arg8[%dma_wait3A_455, %dma_wait3A_457, %dma_wait3A_458] : memref<8x128x16xf32, #tpu.memory_space<vmem>> -> memref<1x128x16xf32, #tpu.memory_space<vmem>>
      %dma_wait3A_460 = tpu.memref_squeeze %dma_wait3A_459 : memref<1x128x16xf32, #tpu.memory_space<vmem>> -> memref<128x16xf32, #tpu.memory_space<vmem>>
      %dma_wait3A_461 = arith.constant 0 : i32
      %dma_wait3A_462 = tpu.memref_slice %arg7[%dma_wait3A_456, %dma_wait3A_461] : memref<8x128xi32, #tpu.memory_space<vmem>> -> memref<1x128xi32, #tpu.memory_space<vmem>>
      %dma_wait3A_463 = tpu.memref_squeeze %dma_wait3A_462 : memref<1x128xi32, #tpu.memory_space<vmem>> -> memref<128xi32, #tpu.memory_space<vmem>>
      %dma_wait3A_464 = arith.constant 0 : i32
      %dma_wait3A_465 = arith.constant 0 : i32
      %dma_wait3A_466 = tpu.memref_slice %arg10[%dma_wait3A_464, %dma_wait3A_465] : memref<100352x16xf32, #tpu.memory_space<vmem_shared>> -> memref<100352x16xf32, #tpu.memory_space<vmem_shared>>
      tpu.wait_indirect_dma semaphore(%arg13 : memref<!tpu.dma_semaphore, #tpu.memory_space<semaphore_mem>>) src(%dma_wait3A_460 : memref<128x16xf32, #tpu.memory_space<vmem>>) dst(%dma_wait3A_466 : memref<100352x16xf32, #tpu.memory_space<vmem_shared>>)
      %dma_wait3A_467 = arith.constant 3 : i32
      %dma_wait3A_468 = arith.constant 3 : i32
      %dma_wait3A_469 = arith.constant 0 : i32
      %dma_wait3A_470 = arith.constant 0 : i32
      %dma_wait3A_471 = tpu.memref_slice %arg8[%dma_wait3A_467, %dma_wait3A_469, %dma_wait3A_470] : memref<8x128x16xf32, #tpu.memory_space<vmem>> -> memref<1x128x16xf32, #tpu.memory_space<vmem>>
      %dma_wait3A_472 = tpu.memref_squeeze %dma_wait3A_471 : memref<1x128x16xf32, #tpu.memory_space<vmem>> -> memref<128x16xf32, #tpu.memory_space<vmem>>
      %dma_wait3A_473 = arith.constant 0 : i32
      %dma_wait3A_474 = tpu.memref_slice %arg7[%dma_wait3A_468, %dma_wait3A_473] : memref<8x128xi32, #tpu.memory_space<vmem>> -> memref<1x128xi32, #tpu.memory_space<vmem>>
      %dma_wait3A_475 = tpu.memref_squeeze %dma_wait3A_474 : memref<1x128xi32, #tpu.memory_space<vmem>> -> memref<128xi32, #tpu.memory_space<vmem>>
      %dma_wait3A_476 = arith.constant 0 : i32
      %dma_wait3A_477 = arith.constant 0 : i32
      %dma_wait3A_478 = tpu.memref_slice %arg10[%dma_wait3A_476, %dma_wait3A_477] : memref<100352x16xf32, #tpu.memory_space<vmem_shared>> -> memref<100352x16xf32, #tpu.memory_space<vmem_shared>>
      tpu.wait_indirect_dma semaphore(%arg13 : memref<!tpu.dma_semaphore, #tpu.memory_space<semaphore_mem>>) src(%dma_wait3A_472 : memref<128x16xf32, #tpu.memory_space<vmem>>) dst(%dma_wait3A_478 : memref<100352x16xf32, #tpu.memory_space<vmem_shared>>)
      %dma_wait3A_479 = arith.constant 4 : i32
      %dma_wait3A_480 = arith.constant 4 : i32
      %dma_wait3A_481 = arith.constant 0 : i32
      %dma_wait3A_482 = arith.constant 0 : i32
      %dma_wait3A_483 = tpu.memref_slice %arg8[%dma_wait3A_479, %dma_wait3A_481, %dma_wait3A_482] : memref<8x128x16xf32, #tpu.memory_space<vmem>> -> memref<1x128x16xf32, #tpu.memory_space<vmem>>
      %dma_wait3A_484 = tpu.memref_squeeze %dma_wait3A_483 : memref<1x128x16xf32, #tpu.memory_space<vmem>> -> memref<128x16xf32, #tpu.memory_space<vmem>>
      %dma_wait3A_485 = arith.constant 0 : i32
      %dma_wait3A_486 = tpu.memref_slice %arg7[%dma_wait3A_480, %dma_wait3A_485] : memref<8x128xi32, #tpu.memory_space<vmem>> -> memref<1x128xi32, #tpu.memory_space<vmem>>
      %dma_wait3A_487 = tpu.memref_squeeze %dma_wait3A_486 : memref<1x128xi32, #tpu.memory_space<vmem>> -> memref<128xi32, #tpu.memory_space<vmem>>
      %dma_wait3A_488 = arith.constant 0 : i32
      %dma_wait3A_489 = arith.constant 0 : i32
      %dma_wait3A_490 = tpu.memref_slice %arg10[%dma_wait3A_488, %dma_wait3A_489] : memref<100352x16xf32, #tpu.memory_space<vmem_shared>> -> memref<100352x16xf32, #tpu.memory_space<vmem_shared>>
      tpu.wait_indirect_dma semaphore(%arg13 : memref<!tpu.dma_semaphore, #tpu.memory_space<semaphore_mem>>) src(%dma_wait3A_484 : memref<128x16xf32, #tpu.memory_space<vmem>>) dst(%dma_wait3A_490 : memref<100352x16xf32, #tpu.memory_space<vmem_shared>>)
      %dma_wait3A_491 = arith.constant 5 : i32
      %dma_wait3A_492 = arith.constant 5 : i32
      %dma_wait3A_493 = arith.constant 0 : i32
      %dma_wait3A_494 = arith.constant 0 : i32
      %dma_wait3A_495 = tpu.memref_slice %arg8[%dma_wait3A_491, %dma_wait3A_493, %dma_wait3A_494] : memref<8x128x16xf32, #tpu.memory_space<vmem>> -> memref<1x128x16xf32, #tpu.memory_space<vmem>>
      %dma_wait3A_496 = tpu.memref_squeeze %dma_wait3A_495 : memref<1x128x16xf32, #tpu.memory_space<vmem>> -> memref<128x16xf32, #tpu.memory_space<vmem>>
      %dma_wait3A_497 = arith.constant 0 : i32
      %dma_wait3A_498 = tpu.memref_slice %arg7[%dma_wait3A_492, %dma_wait3A_497] : memref<8x128xi32, #tpu.memory_space<vmem>> -> memref<1x128xi32, #tpu.memory_space<vmem>>
      %dma_wait3A_499 = tpu.memref_squeeze %dma_wait3A_498 : memref<1x128xi32, #tpu.memory_space<vmem>> -> memref<128xi32, #tpu.memory_space<vmem>>
      %dma_wait3A_500 = arith.constant 0 : i32
      %dma_wait3A_501 = arith.constant 0 : i32
      %dma_wait3A_502 = tpu.memref_slice %arg10[%dma_wait3A_500, %dma_wait3A_501] : memref<100352x16xf32, #tpu.memory_space<vmem_shared>> -> memref<100352x16xf32, #tpu.memory_space<vmem_shared>>
      tpu.wait_indirect_dma semaphore(%arg13 : memref<!tpu.dma_semaphore, #tpu.memory_space<semaphore_mem>>) src(%dma_wait3A_496 : memref<128x16xf32, #tpu.memory_space<vmem>>) dst(%dma_wait3A_502 : memref<100352x16xf32, #tpu.memory_space<vmem_shared>>)
      %dma_wait3A_503 = arith.constant 6 : i32
      %dma_wait3A_504 = arith.constant 6 : i32
      %dma_wait3A_505 = arith.constant 0 : i32
      %dma_wait3A_506 = arith.constant 0 : i32
      %dma_wait3A_507 = tpu.memref_slice %arg8[%dma_wait3A_503, %dma_wait3A_505, %dma_wait3A_506] : memref<8x128x16xf32, #tpu.memory_space<vmem>> -> memref<1x128x16xf32, #tpu.memory_space<vmem>>
      %dma_wait3A_508 = tpu.memref_squeeze %dma_wait3A_507 : memref<1x128x16xf32, #tpu.memory_space<vmem>> -> memref<128x16xf32, #tpu.memory_space<vmem>>
      %dma_wait3A_509 = arith.constant 0 : i32
      %dma_wait3A_510 = tpu.memref_slice %arg7[%dma_wait3A_504, %dma_wait3A_509] : memref<8x128xi32, #tpu.memory_space<vmem>> -> memref<1x128xi32, #tpu.memory_space<vmem>>
      %dma_wait3A_511 = tpu.memref_squeeze %dma_wait3A_510 : memref<1x128xi32, #tpu.memory_space<vmem>> -> memref<128xi32, #tpu.memory_space<vmem>>
      %dma_wait3A_512 = arith.constant 0 : i32
      %dma_wait3A_513 = arith.constant 0 : i32
      %dma_wait3A_514 = tpu.memref_slice %arg10[%dma_wait3A_512, %dma_wait3A_513] : memref<100352x16xf32, #tpu.memory_space<vmem_shared>> -> memref<100352x16xf32, #tpu.memory_space<vmem_shared>>
      tpu.wait_indirect_dma semaphore(%arg13 : memref<!tpu.dma_semaphore, #tpu.memory_space<semaphore_mem>>) src(%dma_wait3A_508 : memref<128x16xf32, #tpu.memory_space<vmem>>) dst(%dma_wait3A_514 : memref<100352x16xf32, #tpu.memory_space<vmem_shared>>)
      %dma_wait3A_515 = arith.constant 7 : i32
      %dma_wait3A_516 = arith.constant 7 : i32
      %dma_wait3A_517 = arith.constant 0 : i32
      %dma_wait3A_518 = arith.constant 0 : i32
      %dma_wait3A_519 = tpu.memref_slice %arg8[%dma_wait3A_515, %dma_wait3A_517, %dma_wait3A_518] : memref<8x128x16xf32, #tpu.memory_space<vmem>> -> memref<1x128x16xf32, #tpu.memory_space<vmem>>
      %dma_wait3A_520 = tpu.memref_squeeze %dma_wait3A_519 : memref<1x128x16xf32, #tpu.memory_space<vmem>> -> memref<128x16xf32, #tpu.memory_space<vmem>>
      %dma_wait3A_521 = arith.constant 0 : i32
      %dma_wait3A_522 = tpu.memref_slice %arg7[%dma_wait3A_516, %dma_wait3A_521] : memref<8x128xi32, #tpu.memory_space<vmem>> -> memref<1x128xi32, #tpu.memory_space<vmem>>
      %dma_wait3A_523 = tpu.memref_squeeze %dma_wait3A_522 : memref<1x128xi32, #tpu.memory_space<vmem>> -> memref<128xi32, #tpu.memory_space<vmem>>
      %dma_wait3A_524 = arith.constant 0 : i32
      %dma_wait3A_525 = arith.constant 0 : i32
      %dma_wait3A_526 = tpu.memref_slice %arg10[%dma_wait3A_524, %dma_wait3A_525] : memref<100352x16xf32, #tpu.memory_space<vmem_shared>> -> memref<100352x16xf32, #tpu.memory_space<vmem_shared>>
      tpu.wait_indirect_dma semaphore(%arg13 : memref<!tpu.dma_semaphore, #tpu.memory_space<semaphore_mem>>) src(%dma_wait3A_520 : memref<128x16xf32, #tpu.memory_space<vmem>>) dst(%dma_wait3A_526 : memref<100352x16xf32, #tpu.memory_space<vmem_shared>>)
      %while3A_527 = arith.constant 0 : i32
      scf.yield %while3A_527 : i32
    }
    %while3A_36 = arith.constant 1 : i32
    %while3A_37 = scf.for %while3A_135 = %while3A_33 to %while3A_29 step %while3A_36 iter_args(%while3A_136 = %while3A_35) -> (i32)  : i32 {
      %mul3A_137 = arith.constant 8 : i32
      %mul3A_138 = arith.muli %while3A_135, %mul3A_137 : i32
      %add3A_139 = arith.addi %add3A_21, %mul3A_138 : i32
      "tpu.region"() ({
        %run_scoped3A = tpu.sem_alloc : memref<!tpu.dma_semaphore, #tpu.memory_space<semaphore_mem>>
        %dma_start3A_528 = arith.constant 0 : i32
        %dma_start3A_529 = tpu.memref_slice %arg3[%add3A_139, %dma_start3A_528] : memref<12800x128xi32, #tpu.memory_space<hbm>> -> memref<8x128xi32, #tpu.memory_space<hbm>>
        %dma_start3A_530 = arith.constant 0 : i32
        %dma_start3A_531 = tpu.memref_slice %arg3[%add3A_139, %dma_start3A_530] : memref<12800x128xi32, #tpu.memory_space<hbm>> -> memref<8x128xi32, #tpu.memory_space<hbm>>
        tpu.enqueue_dma source(%dma_start3A_531 : memref<8x128xi32, #tpu.memory_space<hbm>>) target(%arg6 : memref<8x128xi32, #tpu.memory_space<vmem>>) target_semaphore(%run_scoped3A : memref<!tpu.dma_semaphore, #tpu.memory_space<semaphore_mem>>)
        %dma_wait3A_532 = arith.constant 0 : i32
        %dma_wait3A_533 = tpu.memref_slice %arg3[%add3A_139, %dma_wait3A_532] : memref<12800x128xi32, #tpu.memory_space<hbm>> -> memref<8x128xi32, #tpu.memory_space<hbm>>
        %dma_wait3A_534 = arith.constant 0 : i32
        %dma_wait3A_535 = tpu.memref_slice %arg3[%add3A_139, %dma_wait3A_534] : memref<12800x128xi32, #tpu.memory_space<hbm>> -> memref<8x128xi32, #tpu.memory_space<hbm>>
        tpu.wait_dma2 semaphore(%run_scoped3A : memref<!tpu.dma_semaphore, #tpu.memory_space<semaphore_mem>>) src(%dma_wait3A_535 : memref<8x128xi32, #tpu.memory_space<hbm>>) dst(%arg6 : memref<8x128xi32, #tpu.memory_space<vmem>>)
        tpu.yield
      }) : () -> ()
      %mul3A_140 = arith.constant 8 : i32
      %mul3A_141 = arith.muli %while3A_135, %mul3A_140 : i32
      %add3A_142 = arith.addi %add3A_21, %mul3A_141 : i32
      "tpu.region"() ({
        %run_scoped3A = tpu.sem_alloc : memref<!tpu.dma_semaphore, #tpu.memory_space<semaphore_mem>>
        %dma_start3A_528 = arith.constant 0 : i32
        %dma_start3A_529 = tpu.memref_slice %arg4[%add3A_142, %dma_start3A_528] : memref<12800x128xi32, #tpu.memory_space<hbm>> -> memref<8x128xi32, #tpu.memory_space<hbm>>
        %dma_start3A_530 = arith.constant 0 : i32
        %dma_start3A_531 = tpu.memref_slice %arg4[%add3A_142, %dma_start3A_530] : memref<12800x128xi32, #tpu.memory_space<hbm>> -> memref<8x128xi32, #tpu.memory_space<hbm>>
        tpu.enqueue_dma source(%dma_start3A_531 : memref<8x128xi32, #tpu.memory_space<hbm>>) target(%arg7 : memref<8x128xi32, #tpu.memory_space<vmem>>) target_semaphore(%run_scoped3A : memref<!tpu.dma_semaphore, #tpu.memory_space<semaphore_mem>>)
        %dma_wait3A_532 = arith.constant 0 : i32
        %dma_wait3A_533 = tpu.memref_slice %arg4[%add3A_142, %dma_wait3A_532] : memref<12800x128xi32, #tpu.memory_space<hbm>> -> memref<8x128xi32, #tpu.memory_space<hbm>>
        %dma_wait3A_534 = arith.constant 0 : i32
        %dma_wait3A_535 = tpu.memref_slice %arg4[%add3A_142, %dma_wait3A_534] : memref<12800x128xi32, #tpu.memory_space<hbm>> -> memref<8x128xi32, #tpu.memory_space<hbm>>
        tpu.wait_dma2 semaphore(%run_scoped3A : memref<!tpu.dma_semaphore, #tpu.memory_space<semaphore_mem>>) src(%dma_wait3A_535 : memref<8x128xi32, #tpu.memory_space<hbm>>) dst(%arg7 : memref<8x128xi32, #tpu.memory_space<vmem>>)
        tpu.yield
      }) : () -> ()
      %dma_start3A_143 = arith.constant 0 : i32
      %dma_start3A_144 = arith.constant 0 : i32
      %dma_start3A_145 = arith.constant 0 : i32
      %dma_start3A_146 = arith.constant 0 : i32
      %dma_start3A_147 = tpu.memref_slice %arg8[%dma_start3A_144, %dma_start3A_145, %dma_start3A_146] : memref<8x128x16xf32, #tpu.memory_space<vmem>> -> memref<1x128x16xf32, #tpu.memory_space<vmem>>
      %dma_start3A_148 = tpu.memref_squeeze %dma_start3A_147 : memref<1x128x16xf32, #tpu.memory_space<vmem>> -> memref<128x16xf32, #tpu.memory_space<vmem>>
      %dma_start3A_149 = arith.constant 0 : i32
      %dma_start3A_150 = tpu.memref_slice %arg6[%dma_start3A_143, %dma_start3A_149] : memref<8x128xi32, #tpu.memory_space<vmem>> -> memref<1x128xi32, #tpu.memory_space<vmem>>
      %dma_start3A_151 = tpu.memref_squeeze %dma_start3A_150 : memref<1x128xi32, #tpu.memory_space<vmem>> -> memref<128xi32, #tpu.memory_space<vmem>>
      %dma_start3A_152 = arith.constant 0 : i32
      %dma_start3A_153 = arith.constant 0 : i32
      %dma_start3A_154 = tpu.memref_slice %arg2[%dma_start3A_152, %dma_start3A_153] : memref<100000x16xf32, #tpu.memory_space<hbm>> -> memref<100000x16xf32, #tpu.memory_space<hbm>>
      tpu.enqueue_indirect_dma source(%dma_start3A_154 : memref<100000x16xf32, #tpu.memory_space<hbm>>) target(%dma_start3A_148 : memref<128x16xf32, #tpu.memory_space<vmem>>) offsets(%dma_start3A_151 : memref<128xi32, #tpu.memory_space<vmem>>) semaphore(%arg11 : memref<!tpu.dma_semaphore, #tpu.memory_space<semaphore_mem>>)
      %dma_start3A_155 = arith.constant 1 : i32
      %dma_start3A_156 = arith.constant 1 : i32
      %dma_start3A_157 = arith.constant 0 : i32
      %dma_start3A_158 = arith.constant 0 : i32
      %dma_start3A_159 = tpu.memref_slice %arg8[%dma_start3A_156, %dma_start3A_157, %dma_start3A_158] : memref<8x128x16xf32, #tpu.memory_space<vmem>> -> memref<1x128x16xf32, #tpu.memory_space<vmem>>
      %dma_start3A_160 = tpu.memref_squeeze %dma_start3A_159 : memref<1x128x16xf32, #tpu.memory_space<vmem>> -> memref<128x16xf32, #tpu.memory_space<vmem>>
      %dma_start3A_161 = arith.constant 0 : i32
      %dma_start3A_162 = tpu.memref_slice %arg6[%dma_start3A_155, %dma_start3A_161] : memref<8x128xi32, #tpu.memory_space<vmem>> -> memref<1x128xi32, #tpu.memory_space<vmem>>
      %dma_start3A_163 = tpu.memref_squeeze %dma_start3A_162 : memref<1x128xi32, #tpu.memory_space<vmem>> -> memref<128xi32, #tpu.memory_space<vmem>>
      %dma_start3A_164 = arith.constant 0 : i32
      %dma_start3A_165 = arith.constant 0 : i32
      %dma_start3A_166 = tpu.memref_slice %arg2[%dma_start3A_164, %dma_start3A_165] : memref<100000x16xf32, #tpu.memory_space<hbm>> -> memref<100000x16xf32, #tpu.memory_space<hbm>>
      tpu.enqueue_indirect_dma source(%dma_start3A_166 : memref<100000x16xf32, #tpu.memory_space<hbm>>) target(%dma_start3A_160 : memref<128x16xf32, #tpu.memory_space<vmem>>) offsets(%dma_start3A_163 : memref<128xi32, #tpu.memory_space<vmem>>) semaphore(%arg11 : memref<!tpu.dma_semaphore, #tpu.memory_space<semaphore_mem>>)
      %dma_start3A_167 = arith.constant 2 : i32
      %dma_start3A_168 = arith.constant 2 : i32
      %dma_start3A_169 = arith.constant 0 : i32
      %dma_start3A_170 = arith.constant 0 : i32
      %dma_start3A_171 = tpu.memref_slice %arg8[%dma_start3A_168, %dma_start3A_169, %dma_start3A_170] : memref<8x128x16xf32, #tpu.memory_space<vmem>> -> memref<1x128x16xf32, #tpu.memory_space<vmem>>
      %dma_start3A_172 = tpu.memref_squeeze %dma_start3A_171 : memref<1x128x16xf32, #tpu.memory_space<vmem>> -> memref<128x16xf32, #tpu.memory_space<vmem>>
      %dma_start3A_173 = arith.constant 0 : i32
      %dma_start3A_174 = tpu.memref_slice %arg6[%dma_start3A_167, %dma_start3A_173] : memref<8x128xi32, #tpu.memory_space<vmem>> -> memref<1x128xi32, #tpu.memory_space<vmem>>
      %dma_start3A_175 = tpu.memref_squeeze %dma_start3A_174 : memref<1x128xi32, #tpu.memory_space<vmem>> -> memref<128xi32, #tpu.memory_space<vmem>>
      %dma_start3A_176 = arith.constant 0 : i32
      %dma_start3A_177 = arith.constant 0 : i32
      %dma_start3A_178 = tpu.memref_slice %arg2[%dma_start3A_176, %dma_start3A_177] : memref<100000x16xf32, #tpu.memory_space<hbm>> -> memref<100000x16xf32, #tpu.memory_space<hbm>>
      tpu.enqueue_indirect_dma source(%dma_start3A_178 : memref<100000x16xf32, #tpu.memory_space<hbm>>) target(%dma_start3A_172 : memref<128x16xf32, #tpu.memory_space<vmem>>) offsets(%dma_start3A_175 : memref<128xi32, #tpu.memory_space<vmem>>) semaphore(%arg11 : memref<!tpu.dma_semaphore, #tpu.memory_space<semaphore_mem>>)
      %dma_start3A_179 = arith.constant 3 : i32
      %dma_start3A_180 = arith.constant 3 : i32
      %dma_start3A_181 = arith.constant 0 : i32
      %dma_start3A_182 = arith.constant 0 : i32
      %dma_start3A_183 = tpu.memref_slice %arg8[%dma_start3A_180, %dma_start3A_181, %dma_start3A_182] : memref<8x128x16xf32, #tpu.memory_space<vmem>> -> memref<1x128x16xf32, #tpu.memory_space<vmem>>
      %dma_start3A_184 = tpu.memref_squeeze %dma_start3A_183 : memref<1x128x16xf32, #tpu.memory_space<vmem>> -> memref<128x16xf32, #tpu.memory_space<vmem>>
      %dma_start3A_185 = arith.constant 0 : i32
      %dma_start3A_186 = tpu.memref_slice %arg6[%dma_start3A_179, %dma_start3A_185] : memref<8x128xi32, #tpu.memory_space<vmem>> -> memref<1x128xi32, #tpu.memory_space<vmem>>
      %dma_start3A_187 = tpu.memref_squeeze %dma_start3A_186 : memref<1x128xi32, #tpu.memory_space<vmem>> -> memref<128xi32, #tpu.memory_space<vmem>>
      %dma_start3A_188 = arith.constant 0 : i32
      %dma_start3A_189 = arith.constant 0 : i32
      %dma_start3A_190 = tpu.memref_slice %arg2[%dma_start3A_188, %dma_start3A_189] : memref<100000x16xf32, #tpu.memory_space<hbm>> -> memref<100000x16xf32, #tpu.memory_space<hbm>>
      tpu.enqueue_indirect_dma source(%dma_start3A_190 : memref<100000x16xf32, #tpu.memory_space<hbm>>) target(%dma_start3A_184 : memref<128x16xf32, #tpu.memory_space<vmem>>) offsets(%dma_start3A_187 : memref<128xi32, #tpu.memory_space<vmem>>) semaphore(%arg11 : memref<!tpu.dma_semaphore, #tpu.memory_space<semaphore_mem>>)
      %dma_start3A_191 = arith.constant 4 : i32
      %dma_start3A_192 = arith.constant 4 : i32
      %dma_start3A_193 = arith.constant 0 : i32
      %dma_start3A_194 = arith.constant 0 : i32
      %dma_start3A_195 = tpu.memref_slice %arg8[%dma_start3A_192, %dma_start3A_193, %dma_start3A_194] : memref<8x128x16xf32, #tpu.memory_space<vmem>> -> memref<1x128x16xf32, #tpu.memory_space<vmem>>
      %dma_start3A_196 = tpu.memref_squeeze %dma_start3A_195 : memref<1x128x16xf32, #tpu.memory_space<vmem>> -> memref<128x16xf32, #tpu.memory_space<vmem>>
      %dma_start3A_197 = arith.constant 0 : i32
      %dma_start3A_198 = tpu.memref_slice %arg6[%dma_start3A_191, %dma_start3A_197] : memref<8x128xi32, #tpu.memory_space<vmem>> -> memref<1x128xi32, #tpu.memory_space<vmem>>
      %dma_start3A_199 = tpu.memref_squeeze %dma_start3A_198 : memref<1x128xi32, #tpu.memory_space<vmem>> -> memref<128xi32, #tpu.memory_space<vmem>>
      %dma_start3A_200 = arith.constant 0 : i32
      %dma_start3A_201 = arith.constant 0 : i32
      %dma_start3A_202 = tpu.memref_slice %arg2[%dma_start3A_200, %dma_start3A_201] : memref<100000x16xf32, #tpu.memory_space<hbm>> -> memref<100000x16xf32, #tpu.memory_space<hbm>>
      tpu.enqueue_indirect_dma source(%dma_start3A_202 : memref<100000x16xf32, #tpu.memory_space<hbm>>) target(%dma_start3A_196 : memref<128x16xf32, #tpu.memory_space<vmem>>) offsets(%dma_start3A_199 : memref<128xi32, #tpu.memory_space<vmem>>) semaphore(%arg12 : memref<!tpu.dma_semaphore, #tpu.memory_space<semaphore_mem>>)
      %dma_start3A_203 = arith.constant 5 : i32
      %dma_start3A_204 = arith.constant 5 : i32
      %dma_start3A_205 = arith.constant 0 : i32
      %dma_start3A_206 = arith.constant 0 : i32
      %dma_start3A_207 = tpu.memref_slice %arg8[%dma_start3A_204, %dma_start3A_205, %dma_start3A_206] : memref<8x128x16xf32, #tpu.memory_space<vmem>> -> memref<1x128x16xf32, #tpu.memory_space<vmem>>
      %dma_start3A_208 = tpu.memref_squeeze %dma_start3A_207 : memref<1x128x16xf32, #tpu.memory_space<vmem>> -> memref<128x16xf32, #tpu.memory_space<vmem>>
      %dma_start3A_209 = arith.constant 0 : i32
      %dma_start3A_210 = tpu.memref_slice %arg6[%dma_start3A_203, %dma_start3A_209] : memref<8x128xi32, #tpu.memory_space<vmem>> -> memref<1x128xi32, #tpu.memory_space<vmem>>
      %dma_start3A_211 = tpu.memref_squeeze %dma_start3A_210 : memref<1x128xi32, #tpu.memory_space<vmem>> -> memref<128xi32, #tpu.memory_space<vmem>>
      %dma_start3A_212 = arith.constant 0 : i32
      %dma_start3A_213 = arith.constant 0 : i32
      %dma_start3A_214 = tpu.memref_slice %arg2[%dma_start3A_212, %dma_start3A_213] : memref<100000x16xf32, #tpu.memory_space<hbm>> -> memref<100000x16xf32, #tpu.memory_space<hbm>>
      tpu.enqueue_indirect_dma source(%dma_start3A_214 : memref<100000x16xf32, #tpu.memory_space<hbm>>) target(%dma_start3A_208 : memref<128x16xf32, #tpu.memory_space<vmem>>) offsets(%dma_start3A_211 : memref<128xi32, #tpu.memory_space<vmem>>) semaphore(%arg12 : memref<!tpu.dma_semaphore, #tpu.memory_space<semaphore_mem>>)
      %dma_start3A_215 = arith.constant 6 : i32
      %dma_start3A_216 = arith.constant 6 : i32
      %dma_start3A_217 = arith.constant 0 : i32
      %dma_start3A_218 = arith.constant 0 : i32
      %dma_start3A_219 = tpu.memref_slice %arg8[%dma_start3A_216, %dma_start3A_217, %dma_start3A_218] : memref<8x128x16xf32, #tpu.memory_space<vmem>> -> memref<1x128x16xf32, #tpu.memory_space<vmem>>
      %dma_start3A_220 = tpu.memref_squeeze %dma_start3A_219 : memref<1x128x16xf32, #tpu.memory_space<vmem>> -> memref<128x16xf32, #tpu.memory_space<vmem>>
      %dma_start3A_221 = arith.constant 0 : i32
      %dma_start3A_222 = tpu.memref_slice %arg6[%dma_start3A_215, %dma_start3A_221] : memref<8x128xi32, #tpu.memory_space<vmem>> -> memref<1x128xi32, #tpu.memory_space<vmem>>
      %dma_start3A_223 = tpu.memref_squeeze %dma_start3A_222 : memref<1x128xi32, #tpu.memory_space<vmem>> -> memref<128xi32, #tpu.memory_space<vmem>>
      %dma_start3A_224 = arith.constant 0 : i32
      %dma_start3A_225 = arith.constant 0 : i32
      %dma_start3A_226 = tpu.memref_slice %arg2[%dma_start3A_224, %dma_start3A_225] : memref<100000x16xf32, #tpu.memory_space<hbm>> -> memref<100000x16xf32, #tpu.memory_space<hbm>>
      tpu.enqueue_indirect_dma source(%dma_start3A_226 : memref<100000x16xf32, #tpu.memory_space<hbm>>) target(%dma_start3A_220 : memref<128x16xf32, #tpu.memory_space<vmem>>) offsets(%dma_start3A_223 : memref<128xi32, #tpu.memory_space<vmem>>) semaphore(%arg12 : memref<!tpu.dma_semaphore, #tpu.memory_space<semaphore_mem>>)
      %dma_start3A_227 = arith.constant 7 : i32
      %dma_start3A_228 = arith.constant 7 : i32
      %dma_start3A_229 = arith.constant 0 : i32
      %dma_start3A_230 = arith.constant 0 : i32
      %dma_start3A_231 = tpu.memref_slice %arg8[%dma_start3A_228, %dma_start3A_229, %dma_start3A_230] : memref<8x128x16xf32, #tpu.memory_space<vmem>> -> memref<1x128x16xf32, #tpu.memory_space<vmem>>
      %dma_start3A_232 = tpu.memref_squeeze %dma_start3A_231 : memref<1x128x16xf32, #tpu.memory_space<vmem>> -> memref<128x16xf32, #tpu.memory_space<vmem>>
      %dma_start3A_233 = arith.constant 0 : i32
      %dma_start3A_234 = tpu.memref_slice %arg6[%dma_start3A_227, %dma_start3A_233] : memref<8x128xi32, #tpu.memory_space<vmem>> -> memref<1x128xi32, #tpu.memory_space<vmem>>
      %dma_start3A_235 = tpu.memref_squeeze %dma_start3A_234 : memref<1x128xi32, #tpu.memory_space<vmem>> -> memref<128xi32, #tpu.memory_space<vmem>>
      %dma_start3A_236 = arith.constant 0 : i32
      %dma_start3A_237 = arith.constant 0 : i32
      %dma_start3A_238 = tpu.memref_slice %arg2[%dma_start3A_236, %dma_start3A_237] : memref<100000x16xf32, #tpu.memory_space<hbm>> -> memref<100000x16xf32, #tpu.memory_space<hbm>>
      tpu.enqueue_indirect_dma source(%dma_start3A_238 : memref<100000x16xf32, #tpu.memory_space<hbm>>) target(%dma_start3A_232 : memref<128x16xf32, #tpu.memory_space<vmem>>) offsets(%dma_start3A_235 : memref<128xi32, #tpu.memory_space<vmem>>) semaphore(%arg12 : memref<!tpu.dma_semaphore, #tpu.memory_space<semaphore_mem>>)
      %dma_wait3A_239 = arith.constant 0 : i32
      %dma_wait3A_240 = arith.constant 0 : i32
      %dma_wait3A_241 = arith.constant 0 : i32
      %dma_wait3A_242 = arith.constant 0 : i32
      %dma_wait3A_243 = tpu.memref_slice %arg8[%dma_wait3A_240, %dma_wait3A_241, %dma_wait3A_242] : memref<8x128x16xf32, #tpu.memory_space<vmem>> -> memref<1x128x16xf32, #tpu.memory_space<vmem>>
      %dma_wait3A_244 = tpu.memref_squeeze %dma_wait3A_243 : memref<1x128x16xf32, #tpu.memory_space<vmem>> -> memref<128x16xf32, #tpu.memory_space<vmem>>
      %dma_wait3A_245 = arith.constant 0 : i32
      %dma_wait3A_246 = tpu.memref_slice %arg6[%dma_wait3A_239, %dma_wait3A_245] : memref<8x128xi32, #tpu.memory_space<vmem>> -> memref<1x128xi32, #tpu.memory_space<vmem>>
      %dma_wait3A_247 = tpu.memref_squeeze %dma_wait3A_246 : memref<1x128xi32, #tpu.memory_space<vmem>> -> memref<128xi32, #tpu.memory_space<vmem>>
      %dma_wait3A_248 = arith.constant 0 : i32
      %dma_wait3A_249 = arith.constant 0 : i32
      %dma_wait3A_250 = tpu.memref_slice %arg2[%dma_wait3A_248, %dma_wait3A_249] : memref<100000x16xf32, #tpu.memory_space<hbm>> -> memref<100000x16xf32, #tpu.memory_space<hbm>>
      tpu.wait_indirect_dma semaphore(%arg11 : memref<!tpu.dma_semaphore, #tpu.memory_space<semaphore_mem>>) src(%dma_wait3A_250 : memref<100000x16xf32, #tpu.memory_space<hbm>>) dst(%dma_wait3A_244 : memref<128x16xf32, #tpu.memory_space<vmem>>)
      %dma_wait3A_251 = arith.constant 1 : i32
      %dma_wait3A_252 = arith.constant 1 : i32
      %dma_wait3A_253 = arith.constant 0 : i32
      %dma_wait3A_254 = arith.constant 0 : i32
      %dma_wait3A_255 = tpu.memref_slice %arg8[%dma_wait3A_252, %dma_wait3A_253, %dma_wait3A_254] : memref<8x128x16xf32, #tpu.memory_space<vmem>> -> memref<1x128x16xf32, #tpu.memory_space<vmem>>
      %dma_wait3A_256 = tpu.memref_squeeze %dma_wait3A_255 : memref<1x128x16xf32, #tpu.memory_space<vmem>> -> memref<128x16xf32, #tpu.memory_space<vmem>>
      %dma_wait3A_257 = arith.constant 0 : i32
      %dma_wait3A_258 = tpu.memref_slice %arg6[%dma_wait3A_251, %dma_wait3A_257] : memref<8x128xi32, #tpu.memory_space<vmem>> -> memref<1x128xi32, #tpu.memory_space<vmem>>
      %dma_wait3A_259 = tpu.memref_squeeze %dma_wait3A_258 : memref<1x128xi32, #tpu.memory_space<vmem>> -> memref<128xi32, #tpu.memory_space<vmem>>
      %dma_wait3A_260 = arith.constant 0 : i32
      %dma_wait3A_261 = arith.constant 0 : i32
      %dma_wait3A_262 = tpu.memref_slice %arg2[%dma_wait3A_260, %dma_wait3A_261] : memref<100000x16xf32, #tpu.memory_space<hbm>> -> memref<100000x16xf32, #tpu.memory_space<hbm>>
      tpu.wait_indirect_dma semaphore(%arg11 : memref<!tpu.dma_semaphore, #tpu.memory_space<semaphore_mem>>) src(%dma_wait3A_262 : memref<100000x16xf32, #tpu.memory_space<hbm>>) dst(%dma_wait3A_256 : memref<128x16xf32, #tpu.memory_space<vmem>>)
      %dma_wait3A_263 = arith.constant 2 : i32
      %dma_wait3A_264 = arith.constant 2 : i32
      %dma_wait3A_265 = arith.constant 0 : i32
      %dma_wait3A_266 = arith.constant 0 : i32
      %dma_wait3A_267 = tpu.memref_slice %arg8[%dma_wait3A_264, %dma_wait3A_265, %dma_wait3A_266] : memref<8x128x16xf32, #tpu.memory_space<vmem>> -> memref<1x128x16xf32, #tpu.memory_space<vmem>>
      %dma_wait3A_268 = tpu.memref_squeeze %dma_wait3A_267 : memref<1x128x16xf32, #tpu.memory_space<vmem>> -> memref<128x16xf32, #tpu.memory_space<vmem>>
      %dma_wait3A_269 = arith.constant 0 : i32
      %dma_wait3A_270 = tpu.memref_slice %arg6[%dma_wait3A_263, %dma_wait3A_269] : memref<8x128xi32, #tpu.memory_space<vmem>> -> memref<1x128xi32, #tpu.memory_space<vmem>>
      %dma_wait3A_271 = tpu.memref_squeeze %dma_wait3A_270 : memref<1x128xi32, #tpu.memory_space<vmem>> -> memref<128xi32, #tpu.memory_space<vmem>>
      %dma_wait3A_272 = arith.constant 0 : i32
      %dma_wait3A_273 = arith.constant 0 : i32
      %dma_wait3A_274 = tpu.memref_slice %arg2[%dma_wait3A_272, %dma_wait3A_273] : memref<100000x16xf32, #tpu.memory_space<hbm>> -> memref<100000x16xf32, #tpu.memory_space<hbm>>
      tpu.wait_indirect_dma semaphore(%arg11 : memref<!tpu.dma_semaphore, #tpu.memory_space<semaphore_mem>>) src(%dma_wait3A_274 : memref<100000x16xf32, #tpu.memory_space<hbm>>) dst(%dma_wait3A_268 : memref<128x16xf32, #tpu.memory_space<vmem>>)
      %dma_wait3A_275 = arith.constant 3 : i32
      %dma_wait3A_276 = arith.constant 3 : i32
      %dma_wait3A_277 = arith.constant 0 : i32
      %dma_wait3A_278 = arith.constant 0 : i32
      %dma_wait3A_279 = tpu.memref_slice %arg8[%dma_wait3A_276, %dma_wait3A_277, %dma_wait3A_278] : memref<8x128x16xf32, #tpu.memory_space<vmem>> -> memref<1x128x16xf32, #tpu.memory_space<vmem>>
      %dma_wait3A_280 = tpu.memref_squeeze %dma_wait3A_279 : memref<1x128x16xf32, #tpu.memory_space<vmem>> -> memref<128x16xf32, #tpu.memory_space<vmem>>
      %dma_wait3A_281 = arith.constant 0 : i32
      %dma_wait3A_282 = tpu.memref_slice %arg6[%dma_wait3A_275, %dma_wait3A_281] : memref<8x128xi32, #tpu.memory_space<vmem>> -> memref<1x128xi32, #tpu.memory_space<vmem>>
      %dma_wait3A_283 = tpu.memref_squeeze %dma_wait3A_282 : memref<1x128xi32, #tpu.memory_space<vmem>> -> memref<128xi32, #tpu.memory_space<vmem>>
      %dma_wait3A_284 = arith.constant 0 : i32
      %dma_wait3A_285 = arith.constant 0 : i32
      %dma_wait3A_286 = tpu.memref_slice %arg2[%dma_wait3A_284, %dma_wait3A_285] : memref<100000x16xf32, #tpu.memory_space<hbm>> -> memref<100000x16xf32, #tpu.memory_space<hbm>>
      tpu.wait_indirect_dma semaphore(%arg11 : memref<!tpu.dma_semaphore, #tpu.memory_space<semaphore_mem>>) src(%dma_wait3A_286 : memref<100000x16xf32, #tpu.memory_space<hbm>>) dst(%dma_wait3A_280 : memref<128x16xf32, #tpu.memory_space<vmem>>)
      %dma_start3A_287 = arith.constant 0 : i32
      %dma_start3A_288 = arith.constant 0 : i32
      %dma_start3A_289 = arith.constant 0 : i32
      %dma_start3A_290 = arith.constant 0 : i32
      %dma_start3A_291 = tpu.memref_slice %arg8[%dma_start3A_287, %dma_start3A_289, %dma_start3A_290] : memref<8x128x16xf32, #tpu.memory_space<vmem>> -> memref<1x128x16xf32, #tpu.memory_space<vmem>>
      %dma_start3A_292 = tpu.memref_squeeze %dma_start3A_291 : memref<1x128x16xf32, #tpu.memory_space<vmem>> -> memref<128x16xf32, #tpu.memory_space<vmem>>
      %dma_start3A_293 = arith.constant 0 : i32
      %dma_start3A_294 = tpu.memref_slice %arg7[%dma_start3A_288, %dma_start3A_293] : memref<8x128xi32, #tpu.memory_space<vmem>> -> memref<1x128xi32, #tpu.memory_space<vmem>>
      %dma_start3A_295 = tpu.memref_squeeze %dma_start3A_294 : memref<1x128xi32, #tpu.memory_space<vmem>> -> memref<128xi32, #tpu.memory_space<vmem>>
      %dma_start3A_296 = arith.constant 0 : i32
      %dma_start3A_297 = arith.constant 0 : i32
      %dma_start3A_298 = tpu.memref_slice %arg10[%dma_start3A_296, %dma_start3A_297] : memref<100352x16xf32, #tpu.memory_space<vmem_shared>> -> memref<100352x16xf32, #tpu.memory_space<vmem_shared>>
      tpu.enqueue_indirect_dma source(%dma_start3A_292 : memref<128x16xf32, #tpu.memory_space<vmem>>) target(%dma_start3A_298 : memref<100352x16xf32, #tpu.memory_space<vmem_shared>>) offsets(%dma_start3A_295 : memref<128xi32, #tpu.memory_space<vmem>>) semaphore(%arg13 : memref<!tpu.dma_semaphore, #tpu.memory_space<semaphore_mem>>) {add = true}
      %dma_start3A_299 = arith.constant 1 : i32
      %dma_start3A_300 = arith.constant 1 : i32
      %dma_start3A_301 = arith.constant 0 : i32
      %dma_start3A_302 = arith.constant 0 : i32
      %dma_start3A_303 = tpu.memref_slice %arg8[%dma_start3A_299, %dma_start3A_301, %dma_start3A_302] : memref<8x128x16xf32, #tpu.memory_space<vmem>> -> memref<1x128x16xf32, #tpu.memory_space<vmem>>
      %dma_start3A_304 = tpu.memref_squeeze %dma_start3A_303 : memref<1x128x16xf32, #tpu.memory_space<vmem>> -> memref<128x16xf32, #tpu.memory_space<vmem>>
      %dma_start3A_305 = arith.constant 0 : i32
      %dma_start3A_306 = tpu.memref_slice %arg7[%dma_start3A_300, %dma_start3A_305] : memref<8x128xi32, #tpu.memory_space<vmem>> -> memref<1x128xi32, #tpu.memory_space<vmem>>
      %dma_start3A_307 = tpu.memref_squeeze %dma_start3A_306 : memref<1x128xi32, #tpu.memory_space<vmem>> -> memref<128xi32, #tpu.memory_space<vmem>>
      %dma_start3A_308 = arith.constant 0 : i32
      %dma_start3A_309 = arith.constant 0 : i32
      %dma_start3A_310 = tpu.memref_slice %arg10[%dma_start3A_308, %dma_start3A_309] : memref<100352x16xf32, #tpu.memory_space<vmem_shared>> -> memref<100352x16xf32, #tpu.memory_space<vmem_shared>>
      tpu.enqueue_indirect_dma source(%dma_start3A_304 : memref<128x16xf32, #tpu.memory_space<vmem>>) target(%dma_start3A_310 : memref<100352x16xf32, #tpu.memory_space<vmem_shared>>) offsets(%dma_start3A_307 : memref<128xi32, #tpu.memory_space<vmem>>) semaphore(%arg13 : memref<!tpu.dma_semaphore, #tpu.memory_space<semaphore_mem>>) {add = true}
      %dma_start3A_311 = arith.constant 2 : i32
      %dma_start3A_312 = arith.constant 2 : i32
      %dma_start3A_313 = arith.constant 0 : i32
      %dma_start3A_314 = arith.constant 0 : i32
      %dma_start3A_315 = tpu.memref_slice %arg8[%dma_start3A_311, %dma_start3A_313, %dma_start3A_314] : memref<8x128x16xf32, #tpu.memory_space<vmem>> -> memref<1x128x16xf32, #tpu.memory_space<vmem>>
      %dma_start3A_316 = tpu.memref_squeeze %dma_start3A_315 : memref<1x128x16xf32, #tpu.memory_space<vmem>> -> memref<128x16xf32, #tpu.memory_space<vmem>>
      %dma_start3A_317 = arith.constant 0 : i32
      %dma_start3A_318 = tpu.memref_slice %arg7[%dma_start3A_312, %dma_start3A_317] : memref<8x128xi32, #tpu.memory_space<vmem>> -> memref<1x128xi32, #tpu.memory_space<vmem>>
      %dma_start3A_319 = tpu.memref_squeeze %dma_start3A_318 : memref<1x128xi32, #tpu.memory_space<vmem>> -> memref<128xi32, #tpu.memory_space<vmem>>
      %dma_start3A_320 = arith.constant 0 : i32
      %dma_start3A_321 = arith.constant 0 : i32
      %dma_start3A_322 = tpu.memref_slice %arg10[%dma_start3A_320, %dma_start3A_321] : memref<100352x16xf32, #tpu.memory_space<vmem_shared>> -> memref<100352x16xf32, #tpu.memory_space<vmem_shared>>
      tpu.enqueue_indirect_dma source(%dma_start3A_316 : memref<128x16xf32, #tpu.memory_space<vmem>>) target(%dma_start3A_322 : memref<100352x16xf32, #tpu.memory_space<vmem_shared>>) offsets(%dma_start3A_319 : memref<128xi32, #tpu.memory_space<vmem>>) semaphore(%arg13 : memref<!tpu.dma_semaphore, #tpu.memory_space<semaphore_mem>>) {add = true}
      %dma_start3A_323 = arith.constant 3 : i32
      %dma_start3A_324 = arith.constant 3 : i32
      %dma_start3A_325 = arith.constant 0 : i32
      %dma_start3A_326 = arith.constant 0 : i32
      %dma_start3A_327 = tpu.memref_slice %arg8[%dma_start3A_323, %dma_start3A_325, %dma_start3A_326] : memref<8x128x16xf32, #tpu.memory_space<vmem>> -> memref<1x128x16xf32, #tpu.memory_space<vmem>>
      %dma_start3A_328 = tpu.memref_squeeze %dma_start3A_327 : memref<1x128x16xf32, #tpu.memory_space<vmem>> -> memref<128x16xf32, #tpu.memory_space<vmem>>
      %dma_start3A_329 = arith.constant 0 : i32
      %dma_start3A_330 = tpu.memref_slice %arg7[%dma_start3A_324, %dma_start3A_329] : memref<8x128xi32, #tpu.memory_space<vmem>> -> memref<1x128xi32, #tpu.memory_space<vmem>>
      %dma_start3A_331 = tpu.memref_squeeze %dma_start3A_330 : memref<1x128xi32, #tpu.memory_space<vmem>> -> memref<128xi32, #tpu.memory_space<vmem>>
      %dma_start3A_332 = arith.constant 0 : i32
      %dma_start3A_333 = arith.constant 0 : i32
      %dma_start3A_334 = tpu.memref_slice %arg10[%dma_start3A_332, %dma_start3A_333] : memref<100352x16xf32, #tpu.memory_space<vmem_shared>> -> memref<100352x16xf32, #tpu.memory_space<vmem_shared>>
      tpu.enqueue_indirect_dma source(%dma_start3A_328 : memref<128x16xf32, #tpu.memory_space<vmem>>) target(%dma_start3A_334 : memref<100352x16xf32, #tpu.memory_space<vmem_shared>>) offsets(%dma_start3A_331 : memref<128xi32, #tpu.memory_space<vmem>>) semaphore(%arg13 : memref<!tpu.dma_semaphore, #tpu.memory_space<semaphore_mem>>) {add = true}
      %dma_wait3A_335 = arith.constant 4 : i32
      %dma_wait3A_336 = arith.constant 4 : i32
      %dma_wait3A_337 = arith.constant 0 : i32
      %dma_wait3A_338 = arith.constant 0 : i32
      %dma_wait3A_339 = tpu.memref_slice %arg8[%dma_wait3A_336, %dma_wait3A_337, %dma_wait3A_338] : memref<8x128x16xf32, #tpu.memory_space<vmem>> -> memref<1x128x16xf32, #tpu.memory_space<vmem>>
      %dma_wait3A_340 = tpu.memref_squeeze %dma_wait3A_339 : memref<1x128x16xf32, #tpu.memory_space<vmem>> -> memref<128x16xf32, #tpu.memory_space<vmem>>
      %dma_wait3A_341 = arith.constant 0 : i32
      %dma_wait3A_342 = tpu.memref_slice %arg6[%dma_wait3A_335, %dma_wait3A_341] : memref<8x128xi32, #tpu.memory_space<vmem>> -> memref<1x128xi32, #tpu.memory_space<vmem>>
      %dma_wait3A_343 = tpu.memref_squeeze %dma_wait3A_342 : memref<1x128xi32, #tpu.memory_space<vmem>> -> memref<128xi32, #tpu.memory_space<vmem>>
      %dma_wait3A_344 = arith.constant 0 : i32
      %dma_wait3A_345 = arith.constant 0 : i32
      %dma_wait3A_346 = tpu.memref_slice %arg2[%dma_wait3A_344, %dma_wait3A_345] : memref<100000x16xf32, #tpu.memory_space<hbm>> -> memref<100000x16xf32, #tpu.memory_space<hbm>>
      tpu.wait_indirect_dma semaphore(%arg12 : memref<!tpu.dma_semaphore, #tpu.memory_space<semaphore_mem>>) src(%dma_wait3A_346 : memref<100000x16xf32, #tpu.memory_space<hbm>>) dst(%dma_wait3A_340 : memref<128x16xf32, #tpu.memory_space<vmem>>)
      %dma_wait3A_347 = arith.constant 5 : i32
      %dma_wait3A_348 = arith.constant 5 : i32
      %dma_wait3A_349 = arith.constant 0 : i32
      %dma_wait3A_350 = arith.constant 0 : i32
      %dma_wait3A_351 = tpu.memref_slice %arg8[%dma_wait3A_348, %dma_wait3A_349, %dma_wait3A_350] : memref<8x128x16xf32, #tpu.memory_space<vmem>> -> memref<1x128x16xf32, #tpu.memory_space<vmem>>
      %dma_wait3A_352 = tpu.memref_squeeze %dma_wait3A_351 : memref<1x128x16xf32, #tpu.memory_space<vmem>> -> memref<128x16xf32, #tpu.memory_space<vmem>>
      %dma_wait3A_353 = arith.constant 0 : i32
      %dma_wait3A_354 = tpu.memref_slice %arg6[%dma_wait3A_347, %dma_wait3A_353] : memref<8x128xi32, #tpu.memory_space<vmem>> -> memref<1x128xi32, #tpu.memory_space<vmem>>
      %dma_wait3A_355 = tpu.memref_squeeze %dma_wait3A_354 : memref<1x128xi32, #tpu.memory_space<vmem>> -> memref<128xi32, #tpu.memory_space<vmem>>
      %dma_wait3A_356 = arith.constant 0 : i32
      %dma_wait3A_357 = arith.constant 0 : i32
      %dma_wait3A_358 = tpu.memref_slice %arg2[%dma_wait3A_356, %dma_wait3A_357] : memref<100000x16xf32, #tpu.memory_space<hbm>> -> memref<100000x16xf32, #tpu.memory_space<hbm>>
      tpu.wait_indirect_dma semaphore(%arg12 : memref<!tpu.dma_semaphore, #tpu.memory_space<semaphore_mem>>) src(%dma_wait3A_358 : memref<100000x16xf32, #tpu.memory_space<hbm>>) dst(%dma_wait3A_352 : memref<128x16xf32, #tpu.memory_space<vmem>>)
      %dma_wait3A_359 = arith.constant 6 : i32
      %dma_wait3A_360 = arith.constant 6 : i32
      %dma_wait3A_361 = arith.constant 0 : i32
      %dma_wait3A_362 = arith.constant 0 : i32
      %dma_wait3A_363 = tpu.memref_slice %arg8[%dma_wait3A_360, %dma_wait3A_361, %dma_wait3A_362] : memref<8x128x16xf32, #tpu.memory_space<vmem>> -> memref<1x128x16xf32, #tpu.memory_space<vmem>>
      %dma_wait3A_364 = tpu.memref_squeeze %dma_wait3A_363 : memref<1x128x16xf32, #tpu.memory_space<vmem>> -> memref<128x16xf32, #tpu.memory_space<vmem>>
      %dma_wait3A_365 = arith.constant 0 : i32
      %dma_wait3A_366 = tpu.memref_slice %arg6[%dma_wait3A_359, %dma_wait3A_365] : memref<8x128xi32, #tpu.memory_space<vmem>> -> memref<1x128xi32, #tpu.memory_space<vmem>>
      %dma_wait3A_367 = tpu.memref_squeeze %dma_wait3A_366 : memref<1x128xi32, #tpu.memory_space<vmem>> -> memref<128xi32, #tpu.memory_space<vmem>>
      %dma_wait3A_368 = arith.constant 0 : i32
      %dma_wait3A_369 = arith.constant 0 : i32
      %dma_wait3A_370 = tpu.memref_slice %arg2[%dma_wait3A_368, %dma_wait3A_369] : memref<100000x16xf32, #tpu.memory_space<hbm>> -> memref<100000x16xf32, #tpu.memory_space<hbm>>
      tpu.wait_indirect_dma semaphore(%arg12 : memref<!tpu.dma_semaphore, #tpu.memory_space<semaphore_mem>>) src(%dma_wait3A_370 : memref<100000x16xf32, #tpu.memory_space<hbm>>) dst(%dma_wait3A_364 : memref<128x16xf32, #tpu.memory_space<vmem>>)
      %dma_wait3A_371 = arith.constant 7 : i32
      %dma_wait3A_372 = arith.constant 7 : i32
      %dma_wait3A_373 = arith.constant 0 : i32
      %dma_wait3A_374 = arith.constant 0 : i32
      %dma_wait3A_375 = tpu.memref_slice %arg8[%dma_wait3A_372, %dma_wait3A_373, %dma_wait3A_374] : memref<8x128x16xf32, #tpu.memory_space<vmem>> -> memref<1x128x16xf32, #tpu.memory_space<vmem>>
      %dma_wait3A_376 = tpu.memref_squeeze %dma_wait3A_375 : memref<1x128x16xf32, #tpu.memory_space<vmem>> -> memref<128x16xf32, #tpu.memory_space<vmem>>
      %dma_wait3A_377 = arith.constant 0 : i32
      %dma_wait3A_378 = tpu.memref_slice %arg6[%dma_wait3A_371, %dma_wait3A_377] : memref<8x128xi32, #tpu.memory_space<vmem>> -> memref<1x128xi32, #tpu.memory_space<vmem>>
      %dma_wait3A_379 = tpu.memref_squeeze %dma_wait3A_378 : memref<1x128xi32, #tpu.memory_space<vmem>> -> memref<128xi32, #tpu.memory_space<vmem>>
      %dma_wait3A_380 = arith.constant 0 : i32
      %dma_wait3A_381 = arith.constant 0 : i32
      %dma_wait3A_382 = tpu.memref_slice %arg2[%dma_wait3A_380, %dma_wait3A_381] : memref<100000x16xf32, #tpu.memory_space<hbm>> -> memref<100000x16xf32, #tpu.memory_space<hbm>>
      tpu.wait_indirect_dma semaphore(%arg12 : memref<!tpu.dma_semaphore, #tpu.memory_space<semaphore_mem>>) src(%dma_wait3A_382 : memref<100000x16xf32, #tpu.memory_space<hbm>>) dst(%dma_wait3A_376 : memref<128x16xf32, #tpu.memory_space<vmem>>)
      %dma_start3A_383 = arith.constant 4 : i32
      %dma_start3A_384 = arith.constant 4 : i32
      %dma_start3A_385 = arith.constant 0 : i32
      %dma_start3A_386 = arith.constant 0 : i32
      %dma_start3A_387 = tpu.memref_slice %arg8[%dma_start3A_383, %dma_start3A_385, %dma_start3A_386] : memref<8x128x16xf32, #tpu.memory_space<vmem>> -> memref<1x128x16xf32, #tpu.memory_space<vmem>>
      %dma_start3A_388 = tpu.memref_squeeze %dma_start3A_387 : memref<1x128x16xf32, #tpu.memory_space<vmem>> -> memref<128x16xf32, #tpu.memory_space<vmem>>
      %dma_start3A_389 = arith.constant 0 : i32
      %dma_start3A_390 = tpu.memref_slice %arg7[%dma_start3A_384, %dma_start3A_389] : memref<8x128xi32, #tpu.memory_space<vmem>> -> memref<1x128xi32, #tpu.memory_space<vmem>>
      %dma_start3A_391 = tpu.memref_squeeze %dma_start3A_390 : memref<1x128xi32, #tpu.memory_space<vmem>> -> memref<128xi32, #tpu.memory_space<vmem>>
      %dma_start3A_392 = arith.constant 0 : i32
      %dma_start3A_393 = arith.constant 0 : i32
      %dma_start3A_394 = tpu.memref_slice %arg10[%dma_start3A_392, %dma_start3A_393] : memref<100352x16xf32, #tpu.memory_space<vmem_shared>> -> memref<100352x16xf32, #tpu.memory_space<vmem_shared>>
      tpu.enqueue_indirect_dma source(%dma_start3A_388 : memref<128x16xf32, #tpu.memory_space<vmem>>) target(%dma_start3A_394 : memref<100352x16xf32, #tpu.memory_space<vmem_shared>>) offsets(%dma_start3A_391 : memref<128xi32, #tpu.memory_space<vmem>>) semaphore(%arg13 : memref<!tpu.dma_semaphore, #tpu.memory_space<semaphore_mem>>) {add = true}
      %dma_start3A_395 = arith.constant 5 : i32
      %dma_start3A_396 = arith.constant 5 : i32
      %dma_start3A_397 = arith.constant 0 : i32
      %dma_start3A_398 = arith.constant 0 : i32
      %dma_start3A_399 = tpu.memref_slice %arg8[%dma_start3A_395, %dma_start3A_397, %dma_start3A_398] : memref<8x128x16xf32, #tpu.memory_space<vmem>> -> memref<1x128x16xf32, #tpu.memory_space<vmem>>
      %dma_start3A_400 = tpu.memref_squeeze %dma_start3A_399 : memref<1x128x16xf32, #tpu.memory_space<vmem>> -> memref<128x16xf32, #tpu.memory_space<vmem>>
      %dma_start3A_401 = arith.constant 0 : i32
      %dma_start3A_402 = tpu.memref_slice %arg7[%dma_start3A_396, %dma_start3A_401] : memref<8x128xi32, #tpu.memory_space<vmem>> -> memref<1x128xi32, #tpu.memory_space<vmem>>
      %dma_start3A_403 = tpu.memref_squeeze %dma_start3A_402 : memref<1x128xi32, #tpu.memory_space<vmem>> -> memref<128xi32, #tpu.memory_space<vmem>>
      %dma_start3A_404 = arith.constant 0 : i32
      %dma_start3A_405 = arith.constant 0 : i32
      %dma_start3A_406 = tpu.memref_slice %arg10[%dma_start3A_404, %dma_start3A_405] : memref<100352x16xf32, #tpu.memory_space<vmem_shared>> -> memref<100352x16xf32, #tpu.memory_space<vmem_shared>>
      tpu.enqueue_indirect_dma source(%dma_start3A_400 : memref<128x16xf32, #tpu.memory_space<vmem>>) target(%dma_start3A_406 : memref<100352x16xf32, #tpu.memory_space<vmem_shared>>) offsets(%dma_start3A_403 : memref<128xi32, #tpu.memory_space<vmem>>) semaphore(%arg13 : memref<!tpu.dma_semaphore, #tpu.memory_space<semaphore_mem>>) {add = true}
      %dma_start3A_407 = arith.constant 6 : i32
      %dma_start3A_408 = arith.constant 6 : i32
      %dma_start3A_409 = arith.constant 0 : i32
      %dma_start3A_410 = arith.constant 0 : i32
      %dma_start3A_411 = tpu.memref_slice %arg8[%dma_start3A_407, %dma_start3A_409, %dma_start3A_410] : memref<8x128x16xf32, #tpu.memory_space<vmem>> -> memref<1x128x16xf32, #tpu.memory_space<vmem>>
      %dma_start3A_412 = tpu.memref_squeeze %dma_start3A_411 : memref<1x128x16xf32, #tpu.memory_space<vmem>> -> memref<128x16xf32, #tpu.memory_space<vmem>>
      %dma_start3A_413 = arith.constant 0 : i32
      %dma_start3A_414 = tpu.memref_slice %arg7[%dma_start3A_408, %dma_start3A_413] : memref<8x128xi32, #tpu.memory_space<vmem>> -> memref<1x128xi32, #tpu.memory_space<vmem>>
      %dma_start3A_415 = tpu.memref_squeeze %dma_start3A_414 : memref<1x128xi32, #tpu.memory_space<vmem>> -> memref<128xi32, #tpu.memory_space<vmem>>
      %dma_start3A_416 = arith.constant 0 : i32
      %dma_start3A_417 = arith.constant 0 : i32
      %dma_start3A_418 = tpu.memref_slice %arg10[%dma_start3A_416, %dma_start3A_417] : memref<100352x16xf32, #tpu.memory_space<vmem_shared>> -> memref<100352x16xf32, #tpu.memory_space<vmem_shared>>
      tpu.enqueue_indirect_dma source(%dma_start3A_412 : memref<128x16xf32, #tpu.memory_space<vmem>>) target(%dma_start3A_418 : memref<100352x16xf32, #tpu.memory_space<vmem_shared>>) offsets(%dma_start3A_415 : memref<128xi32, #tpu.memory_space<vmem>>) semaphore(%arg13 : memref<!tpu.dma_semaphore, #tpu.memory_space<semaphore_mem>>) {add = true}
      %dma_start3A_419 = arith.constant 7 : i32
      %dma_start3A_420 = arith.constant 7 : i32
      %dma_start3A_421 = arith.constant 0 : i32
      %dma_start3A_422 = arith.constant 0 : i32
      %dma_start3A_423 = tpu.memref_slice %arg8[%dma_start3A_419, %dma_start3A_421, %dma_start3A_422] : memref<8x128x16xf32, #tpu.memory_space<vmem>> -> memref<1x128x16xf32, #tpu.memory_space<vmem>>
      %dma_start3A_424 = tpu.memref_squeeze %dma_start3A_423 : memref<1x128x16xf32, #tpu.memory_space<vmem>> -> memref<128x16xf32, #tpu.memory_space<vmem>>
      %dma_start3A_425 = arith.constant 0 : i32
      %dma_start3A_426 = tpu.memref_slice %arg7[%dma_start3A_420, %dma_start3A_425] : memref<8x128xi32, #tpu.memory_space<vmem>> -> memref<1x128xi32, #tpu.memory_space<vmem>>
      %dma_start3A_427 = tpu.memref_squeeze %dma_start3A_426 : memref<1x128xi32, #tpu.memory_space<vmem>> -> memref<128xi32, #tpu.memory_space<vmem>>
      %dma_start3A_428 = arith.constant 0 : i32
      %dma_start3A_429 = arith.constant 0 : i32
      %dma_start3A_430 = tpu.memref_slice %arg10[%dma_start3A_428, %dma_start3A_429] : memref<100352x16xf32, #tpu.memory_space<vmem_shared>> -> memref<100352x16xf32, #tpu.memory_space<vmem_shared>>
      tpu.enqueue_indirect_dma source(%dma_start3A_424 : memref<128x16xf32, #tpu.memory_space<vmem>>) target(%dma_start3A_430 : memref<100352x16xf32, #tpu.memory_space<vmem_shared>>) offsets(%dma_start3A_427 : memref<128xi32, #tpu.memory_space<vmem>>) semaphore(%arg13 : memref<!tpu.dma_semaphore, #tpu.memory_space<semaphore_mem>>) {add = true}
      %dma_wait3A_431 = arith.constant 0 : i32
      %dma_wait3A_432 = arith.constant 0 : i32
      %dma_wait3A_433 = arith.constant 0 : i32
      %dma_wait3A_434 = arith.constant 0 : i32
      %dma_wait3A_435 = tpu.memref_slice %arg8[%dma_wait3A_431, %dma_wait3A_433, %dma_wait3A_434] : memref<8x128x16xf32, #tpu.memory_space<vmem>> -> memref<1x128x16xf32, #tpu.memory_space<vmem>>
      %dma_wait3A_436 = tpu.memref_squeeze %dma_wait3A_435 : memref<1x128x16xf32, #tpu.memory_space<vmem>> -> memref<128x16xf32, #tpu.memory_space<vmem>>
      %dma_wait3A_437 = arith.constant 0 : i32
      %dma_wait3A_438 = tpu.memref_slice %arg7[%dma_wait3A_432, %dma_wait3A_437] : memref<8x128xi32, #tpu.memory_space<vmem>> -> memref<1x128xi32, #tpu.memory_space<vmem>>
      %dma_wait3A_439 = tpu.memref_squeeze %dma_wait3A_438 : memref<1x128xi32, #tpu.memory_space<vmem>> -> memref<128xi32, #tpu.memory_space<vmem>>
      %dma_wait3A_440 = arith.constant 0 : i32
      %dma_wait3A_441 = arith.constant 0 : i32
      %dma_wait3A_442 = tpu.memref_slice %arg10[%dma_wait3A_440, %dma_wait3A_441] : memref<100352x16xf32, #tpu.memory_space<vmem_shared>> -> memref<100352x16xf32, #tpu.memory_space<vmem_shared>>
      tpu.wait_indirect_dma semaphore(%arg13 : memref<!tpu.dma_semaphore, #tpu.memory_space<semaphore_mem>>) src(%dma_wait3A_436 : memref<128x16xf32, #tpu.memory_space<vmem>>) dst(%dma_wait3A_442 : memref<100352x16xf32, #tpu.memory_space<vmem_shared>>)
      %dma_wait3A_443 = arith.constant 1 : i32
      %dma_wait3A_444 = arith.constant 1 : i32
      %dma_wait3A_445 = arith.constant 0 : i32
      %dma_wait3A_446 = arith.constant 0 : i32
      %dma_wait3A_447 = tpu.memref_slice %arg8[%dma_wait3A_443, %dma_wait3A_445, %dma_wait3A_446] : memref<8x128x16xf32, #tpu.memory_space<vmem>> -> memref<1x128x16xf32, #tpu.memory_space<vmem>>
      %dma_wait3A_448 = tpu.memref_squeeze %dma_wait3A_447 : memref<1x128x16xf32, #tpu.memory_space<vmem>> -> memref<128x16xf32, #tpu.memory_space<vmem>>
      %dma_wait3A_449 = arith.constant 0 : i32
      %dma_wait3A_450 = tpu.memref_slice %arg7[%dma_wait3A_444, %dma_wait3A_449] : memref<8x128xi32, #tpu.memory_space<vmem>> -> memref<1x128xi32, #tpu.memory_space<vmem>>
      %dma_wait3A_451 = tpu.memref_squeeze %dma_wait3A_450 : memref<1x128xi32, #tpu.memory_space<vmem>> -> memref<128xi32, #tpu.memory_space<vmem>>
      %dma_wait3A_452 = arith.constant 0 : i32
      %dma_wait3A_453 = arith.constant 0 : i32
      %dma_wait3A_454 = tpu.memref_slice %arg10[%dma_wait3A_452, %dma_wait3A_453] : memref<100352x16xf32, #tpu.memory_space<vmem_shared>> -> memref<100352x16xf32, #tpu.memory_space<vmem_shared>>
      tpu.wait_indirect_dma semaphore(%arg13 : memref<!tpu.dma_semaphore, #tpu.memory_space<semaphore_mem>>) src(%dma_wait3A_448 : memref<128x16xf32, #tpu.memory_space<vmem>>) dst(%dma_wait3A_454 : memref<100352x16xf32, #tpu.memory_space<vmem_shared>>)
      %dma_wait3A_455 = arith.constant 2 : i32
      %dma_wait3A_456 = arith.constant 2 : i32
      %dma_wait3A_457 = arith.constant 0 : i32
      %dma_wait3A_458 = arith.constant 0 : i32
      %dma_wait3A_459 = tpu.memref_slice %arg8[%dma_wait3A_455, %dma_wait3A_457, %dma_wait3A_458] : memref<8x128x16xf32, #tpu.memory_space<vmem>> -> memref<1x128x16xf32, #tpu.memory_space<vmem>>
      %dma_wait3A_460 = tpu.memref_squeeze %dma_wait3A_459 : memref<1x128x16xf32, #tpu.memory_space<vmem>> -> memref<128x16xf32, #tpu.memory_space<vmem>>
      %dma_wait3A_461 = arith.constant 0 : i32
      %dma_wait3A_462 = tpu.memref_slice %arg7[%dma_wait3A_456, %dma_wait3A_461] : memref<8x128xi32, #tpu.memory_space<vmem>> -> memref<1x128xi32, #tpu.memory_space<vmem>>
      %dma_wait3A_463 = tpu.memref_squeeze %dma_wait3A_462 : memref<1x128xi32, #tpu.memory_space<vmem>> -> memref<128xi32, #tpu.memory_space<vmem>>
      %dma_wait3A_464 = arith.constant 0 : i32
      %dma_wait3A_465 = arith.constant 0 : i32
      %dma_wait3A_466 = tpu.memref_slice %arg10[%dma_wait3A_464, %dma_wait3A_465] : memref<100352x16xf32, #tpu.memory_space<vmem_shared>> -> memref<100352x16xf32, #tpu.memory_space<vmem_shared>>
      tpu.wait_indirect_dma semaphore(%arg13 : memref<!tpu.dma_semaphore, #tpu.memory_space<semaphore_mem>>) src(%dma_wait3A_460 : memref<128x16xf32, #tpu.memory_space<vmem>>) dst(%dma_wait3A_466 : memref<100352x16xf32, #tpu.memory_space<vmem_shared>>)
      %dma_wait3A_467 = arith.constant 3 : i32
      %dma_wait3A_468 = arith.constant 3 : i32
      %dma_wait3A_469 = arith.constant 0 : i32
      %dma_wait3A_470 = arith.constant 0 : i32
      %dma_wait3A_471 = tpu.memref_slice %arg8[%dma_wait3A_467, %dma_wait3A_469, %dma_wait3A_470] : memref<8x128x16xf32, #tpu.memory_space<vmem>> -> memref<1x128x16xf32, #tpu.memory_space<vmem>>
      %dma_wait3A_472 = tpu.memref_squeeze %dma_wait3A_471 : memref<1x128x16xf32, #tpu.memory_space<vmem>> -> memref<128x16xf32, #tpu.memory_space<vmem>>
      %dma_wait3A_473 = arith.constant 0 : i32
      %dma_wait3A_474 = tpu.memref_slice %arg7[%dma_wait3A_468, %dma_wait3A_473] : memref<8x128xi32, #tpu.memory_space<vmem>> -> memref<1x128xi32, #tpu.memory_space<vmem>>
      %dma_wait3A_475 = tpu.memref_squeeze %dma_wait3A_474 : memref<1x128xi32, #tpu.memory_space<vmem>> -> memref<128xi32, #tpu.memory_space<vmem>>
      %dma_wait3A_476 = arith.constant 0 : i32
      %dma_wait3A_477 = arith.constant 0 : i32
      %dma_wait3A_478 = tpu.memref_slice %arg10[%dma_wait3A_476, %dma_wait3A_477] : memref<100352x16xf32, #tpu.memory_space<vmem_shared>> -> memref<100352x16xf32, #tpu.memory_space<vmem_shared>>
      tpu.wait_indirect_dma semaphore(%arg13 : memref<!tpu.dma_semaphore, #tpu.memory_space<semaphore_mem>>) src(%dma_wait3A_472 : memref<128x16xf32, #tpu.memory_space<vmem>>) dst(%dma_wait3A_478 : memref<100352x16xf32, #tpu.memory_space<vmem_shared>>)
      %dma_wait3A_479 = arith.constant 4 : i32
      %dma_wait3A_480 = arith.constant 4 : i32
      %dma_wait3A_481 = arith.constant 0 : i32
      %dma_wait3A_482 = arith.constant 0 : i32
      %dma_wait3A_483 = tpu.memref_slice %arg8[%dma_wait3A_479, %dma_wait3A_481, %dma_wait3A_482] : memref<8x128x16xf32, #tpu.memory_space<vmem>> -> memref<1x128x16xf32, #tpu.memory_space<vmem>>
      %dma_wait3A_484 = tpu.memref_squeeze %dma_wait3A_483 : memref<1x128x16xf32, #tpu.memory_space<vmem>> -> memref<128x16xf32, #tpu.memory_space<vmem>>
      %dma_wait3A_485 = arith.constant 0 : i32
      %dma_wait3A_486 = tpu.memref_slice %arg7[%dma_wait3A_480, %dma_wait3A_485] : memref<8x128xi32, #tpu.memory_space<vmem>> -> memref<1x128xi32, #tpu.memory_space<vmem>>
      %dma_wait3A_487 = tpu.memref_squeeze %dma_wait3A_486 : memref<1x128xi32, #tpu.memory_space<vmem>> -> memref<128xi32, #tpu.memory_space<vmem>>
      %dma_wait3A_488 = arith.constant 0 : i32
      %dma_wait3A_489 = arith.constant 0 : i32
      %dma_wait3A_490 = tpu.memref_slice %arg10[%dma_wait3A_488, %dma_wait3A_489] : memref<100352x16xf32, #tpu.memory_space<vmem_shared>> -> memref<100352x16xf32, #tpu.memory_space<vmem_shared>>
      tpu.wait_indirect_dma semaphore(%arg13 : memref<!tpu.dma_semaphore, #tpu.memory_space<semaphore_mem>>) src(%dma_wait3A_484 : memref<128x16xf32, #tpu.memory_space<vmem>>) dst(%dma_wait3A_490 : memref<100352x16xf32, #tpu.memory_space<vmem_shared>>)
      %dma_wait3A_491 = arith.constant 5 : i32
      %dma_wait3A_492 = arith.constant 5 : i32
      %dma_wait3A_493 = arith.constant 0 : i32
      %dma_wait3A_494 = arith.constant 0 : i32
      %dma_wait3A_495 = tpu.memref_slice %arg8[%dma_wait3A_491, %dma_wait3A_493, %dma_wait3A_494] : memref<8x128x16xf32, #tpu.memory_space<vmem>> -> memref<1x128x16xf32, #tpu.memory_space<vmem>>
      %dma_wait3A_496 = tpu.memref_squeeze %dma_wait3A_495 : memref<1x128x16xf32, #tpu.memory_space<vmem>> -> memref<128x16xf32, #tpu.memory_space<vmem>>
      %dma_wait3A_497 = arith.constant 0 : i32
      %dma_wait3A_498 = tpu.memref_slice %arg7[%dma_wait3A_492, %dma_wait3A_497] : memref<8x128xi32, #tpu.memory_space<vmem>> -> memref<1x128xi32, #tpu.memory_space<vmem>>
      %dma_wait3A_499 = tpu.memref_squeeze %dma_wait3A_498 : memref<1x128xi32, #tpu.memory_space<vmem>> -> memref<128xi32, #tpu.memory_space<vmem>>
      %dma_wait3A_500 = arith.constant 0 : i32
      %dma_wait3A_501 = arith.constant 0 : i32
      %dma_wait3A_502 = tpu.memref_slice %arg10[%dma_wait3A_500, %dma_wait3A_501] : memref<100352x16xf32, #tpu.memory_space<vmem_shared>> -> memref<100352x16xf32, #tpu.memory_space<vmem_shared>>
      tpu.wait_indirect_dma semaphore(%arg13 : memref<!tpu.dma_semaphore, #tpu.memory_space<semaphore_mem>>) src(%dma_wait3A_496 : memref<128x16xf32, #tpu.memory_space<vmem>>) dst(%dma_wait3A_502 : memref<100352x16xf32, #tpu.memory_space<vmem_shared>>)
      %dma_wait3A_503 = arith.constant 6 : i32
      %dma_wait3A_504 = arith.constant 6 : i32
      %dma_wait3A_505 = arith.constant 0 : i32
      %dma_wait3A_506 = arith.constant 0 : i32
      %dma_wait3A_507 = tpu.memref_slice %arg8[%dma_wait3A_503, %dma_wait3A_505, %dma_wait3A_506] : memref<8x128x16xf32, #tpu.memory_space<vmem>> -> memref<1x128x16xf32, #tpu.memory_space<vmem>>
      %dma_wait3A_508 = tpu.memref_squeeze %dma_wait3A_507 : memref<1x128x16xf32, #tpu.memory_space<vmem>> -> memref<128x16xf32, #tpu.memory_space<vmem>>
      %dma_wait3A_509 = arith.constant 0 : i32
      %dma_wait3A_510 = tpu.memref_slice %arg7[%dma_wait3A_504, %dma_wait3A_509] : memref<8x128xi32, #tpu.memory_space<vmem>> -> memref<1x128xi32, #tpu.memory_space<vmem>>
      %dma_wait3A_511 = tpu.memref_squeeze %dma_wait3A_510 : memref<1x128xi32, #tpu.memory_space<vmem>> -> memref<128xi32, #tpu.memory_space<vmem>>
      %dma_wait3A_512 = arith.constant 0 : i32
      %dma_wait3A_513 = arith.constant 0 : i32
      %dma_wait3A_514 = tpu.memref_slice %arg10[%dma_wait3A_512, %dma_wait3A_513] : memref<100352x16xf32, #tpu.memory_space<vmem_shared>> -> memref<100352x16xf32, #tpu.memory_space<vmem_shared>>
      tpu.wait_indirect_dma semaphore(%arg13 : memref<!tpu.dma_semaphore, #tpu.memory_space<semaphore_mem>>) src(%dma_wait3A_508 : memref<128x16xf32, #tpu.memory_space<vmem>>) dst(%dma_wait3A_514 : memref<100352x16xf32, #tpu.memory_space<vmem_shared>>)
      %dma_wait3A_515 = arith.constant 7 : i32
      %dma_wait3A_516 = arith.constant 7 : i32
      %dma_wait3A_517 = arith.constant 0 : i32
      %dma_wait3A_518 = arith.constant 0 : i32
      %dma_wait3A_519 = tpu.memref_slice %arg8[%dma_wait3A_515, %dma_wait3A_517, %dma_wait3A_518] : memref<8x128x16xf32, #tpu.memory_space<vmem>> -> memref<1x128x16xf32, #tpu.memory_space<vmem>>
      %dma_wait3A_520 = tpu.memref_squeeze %dma_wait3A_519 : memref<1x128x16xf32, #tpu.memory_space<vmem>> -> memref<128x16xf32, #tpu.memory_space<vmem>>
      %dma_wait3A_521 = arith.constant 0 : i32
      %dma_wait3A_522 = tpu.memref_slice %arg7[%dma_wait3A_516, %dma_wait3A_521] : memref<8x128xi32, #tpu.memory_space<vmem>> -> memref<1x128xi32, #tpu.memory_space<vmem>>
      %dma_wait3A_523 = tpu.memref_squeeze %dma_wait3A_522 : memref<1x128xi32, #tpu.memory_space<vmem>> -> memref<128xi32, #tpu.memory_space<vmem>>
      %dma_wait3A_524 = arith.constant 0 : i32
      %dma_wait3A_525 = arith.constant 0 : i32
      %dma_wait3A_526 = tpu.memref_slice %arg10[%dma_wait3A_524, %dma_wait3A_525] : memref<100352x16xf32, #tpu.memory_space<vmem_shared>> -> memref<100352x16xf32, #tpu.memory_space<vmem_shared>>
      tpu.wait_indirect_dma semaphore(%arg13 : memref<!tpu.dma_semaphore, #tpu.memory_space<semaphore_mem>>) src(%dma_wait3A_520 : memref<128x16xf32, #tpu.memory_space<vmem>>) dst(%dma_wait3A_526 : memref<100352x16xf32, #tpu.memory_space<vmem_shared>>)
      %while3A_527 = arith.constant 0 : i32
      scf.yield %while3A_527 : i32
    }
    %barrier3A_38 = arith.constant 0 : index
    tpu.barrier barrier_id(%barrier3A_38)
    %add3A_39 = arith.constant 0 : i32
    %add3A_40 = arith.addi %mul3A_8, %add3A_39 : i32
    %add3A_41 = arith.constant 0 : i32
    %add3A_42 = arith.addi %mul3A_8, %add3A_41 : i32
    %dma_start3A = arith.constant 0 : i32
    %dma_start3A_43 = tpu.memref_slice %arg5[%arg0, %add3A_42, %dma_start3A] : memref<2x100352x16xf32, #tpu.memory_space<hbm>> -> memref<1x896x16xf32, #tpu.memory_space<hbm>>
    %dma_start3A_44 = tpu.memref_squeeze %dma_start3A_43 : memref<1x896x16xf32, #tpu.memory_space<hbm>> -> memref<896x16xf32, #tpu.memory_space<hbm>>
    %dma_start3A_45 = arith.constant 0 : i32
    %dma_start3A_46 = tpu.memref_slice %arg10[%add3A_40, %dma_start3A_45] : memref<100352x16xf32, #tpu.memory_space<vmem_shared>> -> memref<896x16xf32, #tpu.memory_space<vmem_shared>>
    tpu.enqueue_dma source(%dma_start3A_46 : memref<896x16xf32, #tpu.memory_space<vmem_shared>>) target(%dma_start3A_44 : memref<896x16xf32, #tpu.memory_space<hbm>>) target_semaphore(%arg13 : memref<!tpu.dma_semaphore, #tpu.memory_space<semaphore_mem>>)
    %add3A_47 = arith.constant 896 : i32
    %add3A_48 = arith.addi %mul3A_8, %add3A_47 : i32
    %add3A_49 = arith.constant 896 : i32
    %add3A_50 = arith.addi %mul3A_8, %add3A_49 : i32
    %dma_start3A_51 = arith.constant 0 : i32
    %dma_start3A_52 = tpu.memref_slice %arg5[%arg0, %add3A_50, %dma_start3A_51] : memref<2x100352x16xf32, #tpu.memory_space<hbm>> -> memref<1x896x16xf32, #tpu.memory_space<hbm>>
    %dma_start3A_53 = tpu.memref_squeeze %dma_start3A_52 : memref<1x896x16xf32, #tpu.memory_space<hbm>> -> memref<896x16xf32, #tpu.memory_space<hbm>>
    %dma_start3A_54 = arith.constant 0 : i32
    %dma_start3A_55 = tpu.memref_slice %arg10[%add3A_48, %dma_start3A_54] : memref<100352x16xf32, #tpu.memory_space<vmem_shared>> -> memref<896x16xf32, #tpu.memory_space<vmem_shared>>
    tpu.enqueue_dma source(%dma_start3A_55 : memref<896x16xf32, #tpu.memory_space<vmem_shared>>) target(%dma_start3A_53 : memref<896x16xf32, #tpu.memory_space<hbm>>) target_semaphore(%arg13 : memref<!tpu.dma_semaphore, #tpu.memory_space<semaphore_mem>>)
    %add3A_56 = arith.constant 1792 : i32
    %add3A_57 = arith.addi %mul3A_8, %add3A_56 : i32
    %add3A_58 = arith.constant 1792 : i32
    %add3A_59 = arith.addi %mul3A_8, %add3A_58 : i32
    %dma_start3A_60 = arith.constant 0 : i32
    %dma_start3A_61 = tpu.memref_slice %arg5[%arg0, %add3A_59, %dma_start3A_60] : memref<2x100352x16xf32, #tpu.memory_space<hbm>> -> memref<1x896x16xf32, #tpu.memory_space<hbm>>
    %dma_start3A_62 = tpu.memref_squeeze %dma_start3A_61 : memref<1x896x16xf32, #tpu.memory_space<hbm>> -> memref<896x16xf32, #tpu.memory_space<hbm>>
    %dma_start3A_63 = arith.constant 0 : i32
    %dma_start3A_64 = tpu.memref_slice %arg10[%add3A_57, %dma_start3A_63] : memref<100352x16xf32, #tpu.memory_space<vmem_shared>> -> memref<896x16xf32, #tpu.memory_space<vmem_shared>>
    tpu.enqueue_dma source(%dma_start3A_64 : memref<896x16xf32, #tpu.memory_space<vmem_shared>>) target(%dma_start3A_62 : memref<896x16xf32, #tpu.memory_space<hbm>>) target_semaphore(%arg13 : memref<!tpu.dma_semaphore, #tpu.memory_space<semaphore_mem>>)
    %add3A_65 = arith.constant 2688 : i32
    %add3A_66 = arith.addi %mul3A_8, %add3A_65 : i32
    %add3A_67 = arith.constant 2688 : i32
    %add3A_68 = arith.addi %mul3A_8, %add3A_67 : i32
    %dma_start3A_69 = arith.constant 0 : i32
    %dma_start3A_70 = tpu.memref_slice %arg5[%arg0, %add3A_68, %dma_start3A_69] : memref<2x100352x16xf32, #tpu.memory_space<hbm>> -> memref<1x896x16xf32, #tpu.memory_space<hbm>>
    %dma_start3A_71 = tpu.memref_squeeze %dma_start3A_70 : memref<1x896x16xf32, #tpu.memory_space<hbm>> -> memref<896x16xf32, #tpu.memory_space<hbm>>
    %dma_start3A_72 = arith.constant 0 : i32
    %dma_start3A_73 = tpu.memref_slice %arg10[%add3A_66, %dma_start3A_72] : memref<100352x16xf32, #tpu.memory_space<vmem_shared>> -> memref<896x16xf32, #tpu.memory_space<vmem_shared>>
    tpu.enqueue_dma source(%dma_start3A_73 : memref<896x16xf32, #tpu.memory_space<vmem_shared>>) target(%dma_start3A_71 : memref<896x16xf32, #tpu.memory_space<hbm>>) target_semaphore(%arg13 : memref<!tpu.dma_semaphore, #tpu.memory_space<semaphore_mem>>)
    %add3A_74 = arith.constant 3584 : i32
    %add3A_75 = arith.addi %mul3A_8, %add3A_74 : i32
    %add3A_76 = arith.constant 3584 : i32
    %add3A_77 = arith.addi %mul3A_8, %add3A_76 : i32
    %dma_start3A_78 = arith.constant 0 : i32
    %dma_start3A_79 = tpu.memref_slice %arg5[%arg0, %add3A_77, %dma_start3A_78] : memref<2x100352x16xf32, #tpu.memory_space<hbm>> -> memref<1x896x16xf32, #tpu.memory_space<hbm>>
    %dma_start3A_80 = tpu.memref_squeeze %dma_start3A_79 : memref<1x896x16xf32, #tpu.memory_space<hbm>> -> memref<896x16xf32, #tpu.memory_space<hbm>>
    %dma_start3A_81 = arith.constant 0 : i32
    %dma_start3A_82 = tpu.memref_slice %arg10[%add3A_75, %dma_start3A_81] : memref<100352x16xf32, #tpu.memory_space<vmem_shared>> -> memref<896x16xf32, #tpu.memory_space<vmem_shared>>
    tpu.enqueue_dma source(%dma_start3A_82 : memref<896x16xf32, #tpu.memory_space<vmem_shared>>) target(%dma_start3A_80 : memref<896x16xf32, #tpu.memory_space<hbm>>) target_semaphore(%arg13 : memref<!tpu.dma_semaphore, #tpu.memory_space<semaphore_mem>>)
    %add3A_83 = arith.constant 4480 : i32
    %add3A_84 = arith.addi %mul3A_8, %add3A_83 : i32
    %add3A_85 = arith.constant 4480 : i32
    %add3A_86 = arith.addi %mul3A_8, %add3A_85 : i32
    %dma_start3A_87 = arith.constant 0 : i32
    %dma_start3A_88 = tpu.memref_slice %arg5[%arg0, %add3A_86, %dma_start3A_87] : memref<2x100352x16xf32, #tpu.memory_space<hbm>> -> memref<1x896x16xf32, #tpu.memory_space<hbm>>
    %dma_start3A_89 = tpu.memref_squeeze %dma_start3A_88 : memref<1x896x16xf32, #tpu.memory_space<hbm>> -> memref<896x16xf32, #tpu.memory_space<hbm>>
    %dma_start3A_90 = arith.constant 0 : i32
    %dma_start3A_91 = tpu.memref_slice %arg10[%add3A_84, %dma_start3A_90] : memref<100352x16xf32, #tpu.memory_space<vmem_shared>> -> memref<896x16xf32, #tpu.memory_space<vmem_shared>>
    tpu.enqueue_dma source(%dma_start3A_91 : memref<896x16xf32, #tpu.memory_space<vmem_shared>>) target(%dma_start3A_89 : memref<896x16xf32, #tpu.memory_space<hbm>>) target_semaphore(%arg13 : memref<!tpu.dma_semaphore, #tpu.memory_space<semaphore_mem>>)
    %add3A_92 = arith.constant 5376 : i32
    %add3A_93 = arith.addi %mul3A_8, %add3A_92 : i32
    %add3A_94 = arith.constant 5376 : i32
    %add3A_95 = arith.addi %mul3A_8, %add3A_94 : i32
    %dma_start3A_96 = arith.constant 0 : i32
    %dma_start3A_97 = tpu.memref_slice %arg5[%arg0, %add3A_95, %dma_start3A_96] : memref<2x100352x16xf32, #tpu.memory_space<hbm>> -> memref<1x896x16xf32, #tpu.memory_space<hbm>>
    %dma_start3A_98 = tpu.memref_squeeze %dma_start3A_97 : memref<1x896x16xf32, #tpu.memory_space<hbm>> -> memref<896x16xf32, #tpu.memory_space<hbm>>
    %dma_start3A_99 = arith.constant 0 : i32
    %dma_start3A_100 = tpu.memref_slice %arg10[%add3A_93, %dma_start3A_99] : memref<100352x16xf32, #tpu.memory_space<vmem_shared>> -> memref<896x16xf32, #tpu.memory_space<vmem_shared>>
    tpu.enqueue_dma source(%dma_start3A_100 : memref<896x16xf32, #tpu.memory_space<vmem_shared>>) target(%dma_start3A_98 : memref<896x16xf32, #tpu.memory_space<hbm>>) target_semaphore(%arg13 : memref<!tpu.dma_semaphore, #tpu.memory_space<semaphore_mem>>)
    %dma_wait3A = arith.constant 0 : i32
    %dma_wait3A_101 = tpu.memref_slice %arg5[%arg0, %add3A_42, %dma_wait3A] : memref<2x100352x16xf32, #tpu.memory_space<hbm>> -> memref<1x896x16xf32, #tpu.memory_space<hbm>>
    %dma_wait3A_102 = tpu.memref_squeeze %dma_wait3A_101 : memref<1x896x16xf32, #tpu.memory_space<hbm>> -> memref<896x16xf32, #tpu.memory_space<hbm>>
    %dma_wait3A_103 = arith.constant 0 : i32
    %dma_wait3A_104 = tpu.memref_slice %arg10[%add3A_40, %dma_wait3A_103] : memref<100352x16xf32, #tpu.memory_space<vmem_shared>> -> memref<896x16xf32, #tpu.memory_space<vmem_shared>>
    tpu.wait_dma2 semaphore(%arg13 : memref<!tpu.dma_semaphore, #tpu.memory_space<semaphore_mem>>) src(%dma_wait3A_104 : memref<896x16xf32, #tpu.memory_space<vmem_shared>>) dst(%dma_wait3A_102 : memref<896x16xf32, #tpu.memory_space<hbm>>)
    %dma_wait3A_105 = arith.constant 0 : i32
    %dma_wait3A_106 = tpu.memref_slice %arg5[%arg0, %add3A_50, %dma_wait3A_105] : memref<2x100352x16xf32, #tpu.memory_space<hbm>> -> memref<1x896x16xf32, #tpu.memory_space<hbm>>
    %dma_wait3A_107 = tpu.memref_squeeze %dma_wait3A_106 : memref<1x896x16xf32, #tpu.memory_space<hbm>> -> memref<896x16xf32, #tpu.memory_space<hbm>>
    %dma_wait3A_108 = arith.constant 0 : i32
    %dma_wait3A_109 = tpu.memref_slice %arg10[%add3A_48, %dma_wait3A_108] : memref<100352x16xf32, #tpu.memory_space<vmem_shared>> -> memref<896x16xf32, #tpu.memory_space<vmem_shared>>
    tpu.wait_dma2 semaphore(%arg13 : memref<!tpu.dma_semaphore, #tpu.memory_space<semaphore_mem>>) src(%dma_wait3A_109 : memref<896x16xf32, #tpu.memory_space<vmem_shared>>) dst(%dma_wait3A_107 : memref<896x16xf32, #tpu.memory_space<hbm>>)
    %dma_wait3A_110 = arith.constant 0 : i32
    %dma_wait3A_111 = tpu.memref_slice %arg5[%arg0, %add3A_59, %dma_wait3A_110] : memref<2x100352x16xf32, #tpu.memory_space<hbm>> -> memref<1x896x16xf32, #tpu.memory_space<hbm>>
    %dma_wait3A_112 = tpu.memref_squeeze %dma_wait3A_111 : memref<1x896x16xf32, #tpu.memory_space<hbm>> -> memref<896x16xf32, #tpu.memory_space<hbm>>
    %dma_wait3A_113 = arith.constant 0 : i32
    %dma_wait3A_114 = tpu.memref_slice %arg10[%add3A_57, %dma_wait3A_113] : memref<100352x16xf32, #tpu.memory_space<vmem_shared>> -> memref<896x16xf32, #tpu.memory_space<vmem_shared>>
    tpu.wait_dma2 semaphore(%arg13 : memref<!tpu.dma_semaphore, #tpu.memory_space<semaphore_mem>>) src(%dma_wait3A_114 : memref<896x16xf32, #tpu.memory_space<vmem_shared>>) dst(%dma_wait3A_112 : memref<896x16xf32, #tpu.memory_space<hbm>>)
    %dma_wait3A_115 = arith.constant 0 : i32
    %dma_wait3A_116 = tpu.memref_slice %arg5[%arg0, %add3A_68, %dma_wait3A_115] : memref<2x100352x16xf32, #tpu.memory_space<hbm>> -> memref<1x896x16xf32, #tpu.memory_space<hbm>>
    %dma_wait3A_117 = tpu.memref_squeeze %dma_wait3A_116 : memref<1x896x16xf32, #tpu.memory_space<hbm>> -> memref<896x16xf32, #tpu.memory_space<hbm>>
    %dma_wait3A_118 = arith.constant 0 : i32
    %dma_wait3A_119 = tpu.memref_slice %arg10[%add3A_66, %dma_wait3A_118] : memref<100352x16xf32, #tpu.memory_space<vmem_shared>> -> memref<896x16xf32, #tpu.memory_space<vmem_shared>>
    tpu.wait_dma2 semaphore(%arg13 : memref<!tpu.dma_semaphore, #tpu.memory_space<semaphore_mem>>) src(%dma_wait3A_119 : memref<896x16xf32, #tpu.memory_space<vmem_shared>>) dst(%dma_wait3A_117 : memref<896x16xf32, #tpu.memory_space<hbm>>)
    %dma_wait3A_120 = arith.constant 0 : i32
    %dma_wait3A_121 = tpu.memref_slice %arg5[%arg0, %add3A_77, %dma_wait3A_120] : memref<2x100352x16xf32, #tpu.memory_space<hbm>> -> memref<1x896x16xf32, #tpu.memory_space<hbm>>
    %dma_wait3A_122 = tpu.memref_squeeze %dma_wait3A_121 : memref<1x896x16xf32, #tpu.memory_space<hbm>> -> memref<896x16xf32, #tpu.memory_space<hbm>>
    %dma_wait3A_123 = arith.constant 0 : i32
    %dma_wait3A_124 = tpu.memref_slice %arg10[%add3A_75, %dma_wait3A_123] : memref<100352x16xf32, #tpu.memory_space<vmem_shared>> -> memref<896x16xf32, #tpu.memory_space<vmem_shared>>
    tpu.wait_dma2 semaphore(%arg13 : memref<!tpu.dma_semaphore, #tpu.memory_space<semaphore_mem>>) src(%dma_wait3A_124 : memref<896x16xf32, #tpu.memory_space<vmem_shared>>) dst(%dma_wait3A_122 : memref<896x16xf32, #tpu.memory_space<hbm>>)
    %dma_wait3A_125 = arith.constant 0 : i32
    %dma_wait3A_126 = tpu.memref_slice %arg5[%arg0, %add3A_86, %dma_wait3A_125] : memref<2x100352x16xf32, #tpu.memory_space<hbm>> -> memref<1x896x16xf32, #tpu.memory_space<hbm>>
    %dma_wait3A_127 = tpu.memref_squeeze %dma_wait3A_126 : memref<1x896x16xf32, #tpu.memory_space<hbm>> -> memref<896x16xf32, #tpu.memory_space<hbm>>
    %dma_wait3A_128 = arith.constant 0 : i32
    %dma_wait3A_129 = tpu.memref_slice %arg10[%add3A_84, %dma_wait3A_128] : memref<100352x16xf32, #tpu.memory_space<vmem_shared>> -> memref<896x16xf32, #tpu.memory_space<vmem_shared>>
    tpu.wait_dma2 semaphore(%arg13 : memref<!tpu.dma_semaphore, #tpu.memory_space<semaphore_mem>>) src(%dma_wait3A_129 : memref<896x16xf32, #tpu.memory_space<vmem_shared>>) dst(%dma_wait3A_127 : memref<896x16xf32, #tpu.memory_space<hbm>>)
    %dma_wait3A_130 = arith.constant 0 : i32
    %dma_wait3A_131 = tpu.memref_slice %arg5[%arg0, %add3A_95, %dma_wait3A_130] : memref<2x100352x16xf32, #tpu.memory_space<hbm>> -> memref<1x896x16xf32, #tpu.memory_space<hbm>>
    %dma_wait3A_132 = tpu.memref_squeeze %dma_wait3A_131 : memref<1x896x16xf32, #tpu.memory_space<hbm>> -> memref<896x16xf32, #tpu.memory_space<hbm>>
    %dma_wait3A_133 = arith.constant 0 : i32
    %dma_wait3A_134 = tpu.memref_slice %arg10[%add3A_93, %dma_wait3A_133] : memref<100352x16xf32, #tpu.memory_space<vmem_shared>> -> memref<896x16xf32, #tpu.memory_space<vmem_shared>>
    tpu.wait_dma2 semaphore(%arg13 : memref<!tpu.dma_semaphore, #tpu.memory_space<semaphore_mem>>) src(%dma_wait3A_134 : memref<896x16xf32, #tpu.memory_space<vmem_shared>>) dst(%dma_wait3A_132 : memref<896x16xf32, #tpu.memory_space<hbm>>)
    return
  }
}

#map = affine_map<(d0, d1) -> (0, 0)>
module attributes {stable_mosaic.version = 14 : i64} {
  func.func @k(%arg0: i32, %arg1: i32, %arg2: memref<12800x128xi32, #tpu.memory_space<hbm>>, %arg3: memref<2x100352xf32, #tpu.memory_space<hbm>>, %arg4: memref<8x128xi32, #tpu.memory_space<vmem>>, %arg5: memref<128xf32, #tpu.memory_space<vmem>>, %arg6: memref<896xf32, #tpu.memory_space<vmem>>, %arg7: memref<100352xf32, #tpu.memory_space<vmem_shared>>, %arg8: memref<!tpu.dma_semaphore, #tpu.memory_space<semaphore_mem>>) attributes {dimension_semantics = [#tpu.dimension_semantics<core_parallel>, #tpu.dimension_semantics<subcore_parallel>], iteration_bounds = array<i64: 2, 16>, scalar_prefetch = 0 : i64, scratch_operands = 5 : i64, tpu.core_type = #tpu.core_type<sc_vector_subcore>, window_params = [{transform_indices = #map}, {transform_indices = #map}]} {
    %mul3A = arith.constant 16 : i32
    %mul3A_0 = arith.muli %arg0, %mul3A : i32
    %add3A = arith.addi %mul3A_0, %arg1 : i32
    %broadcast_in_dim3A = arith.constant 1.000000e+00 : f32
    %broadcast_in_dim3A_1 = vector.broadcast %broadcast_in_dim3A : f32 to vector<16xf32>
    %swap3A = arith.constant 0 : index
    %swap3A_2 = tpu.vector_load %arg5[%swap3A] {strides = array<i32>} : memref<128xf32, #tpu.memory_space<vmem>>, vector<16xf32>,
    %swap3A_3 = vector.shape_cast %swap3A_2 : vector<16xf32> to vector<16xf32>
    %swap3A_4 = vector.shape_cast %broadcast_in_dim3A_1 : vector<16xf32> to vector<16xf32>
    tpu.vector_store %arg5[%swap3A], %swap3A_4 {strides = array<i32>} : memref<128xf32, #tpu.memory_space<vmem>>, vector<16xf32>,
    %broadcast_in_dim3A_5 = arith.constant 1.000000e+00 : f32
    %broadcast_in_dim3A_6 = vector.broadcast %broadcast_in_dim3A_5 : f32 to vector<16xf32>
    %swap3A_7 = arith.constant 16 : index
    %swap3A_8 = tpu.vector_load %arg5[%swap3A_7] {strides = array<i32>} : memref<128xf32, #tpu.memory_space<vmem>>, vector<16xf32>,
    %swap3A_9 = vector.shape_cast %swap3A_8 : vector<16xf32> to vector<16xf32>
    %swap3A_10 = vector.shape_cast %broadcast_in_dim3A_6 : vector<16xf32> to vector<16xf32>
    tpu.vector_store %arg5[%swap3A_7], %swap3A_10 {strides = array<i32>} : memref<128xf32, #tpu.memory_space<vmem>>, vector<16xf32>,
    %broadcast_in_dim3A_11 = arith.constant 1.000000e+00 : f32
    %broadcast_in_dim3A_12 = vector.broadcast %broadcast_in_dim3A_11 : f32 to vector<16xf32>
    %swap3A_13 = arith.constant 32 : index
    %swap3A_14 = tpu.vector_load %arg5[%swap3A_13] {strides = array<i32>} : memref<128xf32, #tpu.memory_space<vmem>>, vector<16xf32>,
    %swap3A_15 = vector.shape_cast %swap3A_14 : vector<16xf32> to vector<16xf32>
    %swap3A_16 = vector.shape_cast %broadcast_in_dim3A_12 : vector<16xf32> to vector<16xf32>
    tpu.vector_store %arg5[%swap3A_13], %swap3A_16 {strides = array<i32>} : memref<128xf32, #tpu.memory_space<vmem>>, vector<16xf32>,
    %broadcast_in_dim3A_17 = arith.constant 1.000000e+00 : f32
    %broadcast_in_dim3A_18 = vector.broadcast %broadcast_in_dim3A_17 : f32 to vector<16xf32>
    %swap3A_19 = arith.constant 48 : index
    %swap3A_20 = tpu.vector_load %arg5[%swap3A_19] {strides = array<i32>} : memref<128xf32, #tpu.memory_space<vmem>>, vector<16xf32>,
    %swap3A_21 = vector.shape_cast %swap3A_20 : vector<16xf32> to vector<16xf32>
    %swap3A_22 = vector.shape_cast %broadcast_in_dim3A_18 : vector<16xf32> to vector<16xf32>
    tpu.vector_store %arg5[%swap3A_19], %swap3A_22 {strides = array<i32>} : memref<128xf32, #tpu.memory_space<vmem>>, vector<16xf32>,
    %broadcast_in_dim3A_23 = arith.constant 1.000000e+00 : f32
    %broadcast_in_dim3A_24 = vector.broadcast %broadcast_in_dim3A_23 : f32 to vector<16xf32>
    %swap3A_25 = arith.constant 64 : index
    %swap3A_26 = tpu.vector_load %arg5[%swap3A_25] {strides = array<i32>} : memref<128xf32, #tpu.memory_space<vmem>>, vector<16xf32>,
    %swap3A_27 = vector.shape_cast %swap3A_26 : vector<16xf32> to vector<16xf32>
    %swap3A_28 = vector.shape_cast %broadcast_in_dim3A_24 : vector<16xf32> to vector<16xf32>
    tpu.vector_store %arg5[%swap3A_25], %swap3A_28 {strides = array<i32>} : memref<128xf32, #tpu.memory_space<vmem>>, vector<16xf32>,
    %broadcast_in_dim3A_29 = arith.constant 1.000000e+00 : f32
    %broadcast_in_dim3A_30 = vector.broadcast %broadcast_in_dim3A_29 : f32 to vector<16xf32>
    %swap3A_31 = arith.constant 80 : index
    %swap3A_32 = tpu.vector_load %arg5[%swap3A_31] {strides = array<i32>} : memref<128xf32, #tpu.memory_space<vmem>>, vector<16xf32>,
    %swap3A_33 = vector.shape_cast %swap3A_32 : vector<16xf32> to vector<16xf32>
    %swap3A_34 = vector.shape_cast %broadcast_in_dim3A_30 : vector<16xf32> to vector<16xf32>
    tpu.vector_store %arg5[%swap3A_31], %swap3A_34 {strides = array<i32>} : memref<128xf32, #tpu.memory_space<vmem>>, vector<16xf32>,
    %broadcast_in_dim3A_35 = arith.constant 1.000000e+00 : f32
    %broadcast_in_dim3A_36 = vector.broadcast %broadcast_in_dim3A_35 : f32 to vector<16xf32>
    %swap3A_37 = arith.constant 96 : index
    %swap3A_38 = tpu.vector_load %arg5[%swap3A_37] {strides = array<i32>} : memref<128xf32, #tpu.memory_space<vmem>>, vector<16xf32>,
    %swap3A_39 = vector.shape_cast %swap3A_38 : vector<16xf32> to vector<16xf32>
    %swap3A_40 = vector.shape_cast %broadcast_in_dim3A_36 : vector<16xf32> to vector<16xf32>
    tpu.vector_store %arg5[%swap3A_37], %swap3A_40 {strides = array<i32>} : memref<128xf32, #tpu.memory_space<vmem>>, vector<16xf32>,
    %broadcast_in_dim3A_41 = arith.constant 1.000000e+00 : f32
    %broadcast_in_dim3A_42 = vector.broadcast %broadcast_in_dim3A_41 : f32 to vector<16xf32>
    %swap3A_43 = arith.constant 112 : index
    %swap3A_44 = tpu.vector_load %arg5[%swap3A_43] {strides = array<i32>} : memref<128xf32, #tpu.memory_space<vmem>>, vector<16xf32>,
    %swap3A_45 = vector.shape_cast %swap3A_44 : vector<16xf32> to vector<16xf32>
    %swap3A_46 = vector.shape_cast %broadcast_in_dim3A_42 : vector<16xf32> to vector<16xf32>
    tpu.vector_store %arg5[%swap3A_43], %swap3A_46 {strides = array<i32>} : memref<128xf32, #tpu.memory_space<vmem>>, vector<16xf32>,
    %scan3A = arith.constant 0 : i32
    %scan3A_47 = arith.constant 0 : i32
    %scan3A_48 = arith.constant 56 : i32
    %scan3A_49 = arith.addi %scan3A_47, %scan3A_48 : i32
    %scan3A_50 = arith.constant 1 : i32
    %scan3A_51 = scf.for %scan3A_153 = %scan3A_47 to %scan3A_49 step %scan3A_50 iter_args(%scan3A_154 = %scan3A) -> (i32)  : i32 {
      %broadcast_in_dim3A_155 = arith.constant 0.000000e+00 : f32
      %broadcast_in_dim3A_156 = vector.broadcast %broadcast_in_dim3A_155 : f32 to vector<16xf32>
      %mul3A_157 = arith.constant 16 : i32
      %mul3A_158 = arith.muli %scan3A_153, %mul3A_157 : i32
      %swap3A_159 = arith.index_cast %mul3A_158 : i32 to index
      %swap3A_160 = tpu.vector_load %arg6[%swap3A_159] {strides = array<i32>} : memref<896xf32, #tpu.memory_space<vmem>>, vector<16xf32>,
      %swap3A_161 = vector.shape_cast %swap3A_160 : vector<16xf32> to vector<16xf32>
      %swap3A_162 = vector.shape_cast %broadcast_in_dim3A_156 : vector<16xf32> to vector<16xf32>
      tpu.vector_store %arg6[%swap3A_159], %swap3A_162 {strides = array<i32>} : memref<896xf32, #tpu.memory_space<vmem>>, vector<16xf32>,
      %scan3A_163 = arith.constant 0 : i32
      scf.yield %scan3A_163 : i32
    }
    %scan3A_52 = arith.constant 56 : i32
    %mul3A_53 = arith.constant 6272 : i32
    %mul3A_54 = arith.muli %arg1, %mul3A_53 : i32
    %scan3A_55 = arith.constant 0 : i32
    %scan3A_56 = arith.constant 0 : i32
    %scan3A_57 = arith.constant 7 : i32
    %scan3A_58 = arith.addi %scan3A_56, %scan3A_57 : i32
    %scan3A_59 = arith.constant 1 : i32
    %scan3A_60 = scf.for %scan3A_153 = %scan3A_56 to %scan3A_58 step %scan3A_59 iter_args(%scan3A_154 = %scan3A_55) -> (i32)  : i32 {
      %mul3A_155 = arith.constant 896 : i32
      %mul3A_156 = arith.muli %scan3A_153, %mul3A_155 : i32
      %add3A_157 = arith.addi %mul3A_54, %mul3A_156 : i32
      "tpu.region"() ({
        %run_scoped3A = tpu.sem_alloc : memref<!tpu.dma_semaphore, #tpu.memory_space<semaphore_mem>>
        %dma_start3A_159 = tpu.memref_slice %arg7[%add3A_157] : memref<100352xf32, #tpu.memory_space<vmem_shared>> -> memref<896xf32, #tpu.memory_space<vmem_shared>>
        %dma_start3A_160 = tpu.memref_slice %arg7[%add3A_157] : memref<100352xf32, #tpu.memory_space<vmem_shared>> -> memref<896xf32, #tpu.memory_space<vmem_shared>>
        tpu.enqueue_dma source(%arg6 : memref<896xf32, #tpu.memory_space<vmem>>) target(%dma_start3A_160 : memref<896xf32, #tpu.memory_space<vmem_shared>>) target_semaphore(%run_scoped3A : memref<!tpu.dma_semaphore, #tpu.memory_space<semaphore_mem>>)
        %dma_wait3A_161 = tpu.memref_slice %arg7[%add3A_157] : memref<100352xf32, #tpu.memory_space<vmem_shared>> -> memref<896xf32, #tpu.memory_space<vmem_shared>>
        %dma_wait3A_162 = tpu.memref_slice %arg7[%add3A_157] : memref<100352xf32, #tpu.memory_space<vmem_shared>> -> memref<896xf32, #tpu.memory_space<vmem_shared>>
        tpu.wait_dma2 semaphore(%run_scoped3A : memref<!tpu.dma_semaphore, #tpu.memory_space<semaphore_mem>>) src(%arg6 : memref<896xf32, #tpu.memory_space<vmem>>) dst(%dma_wait3A_162 : memref<896xf32, #tpu.memory_space<vmem_shared>>)
        tpu.yield
      }) : () -> ()
      %scan3A_158 = arith.constant 0 : i32
      scf.yield %scan3A_158 : i32
    }
    %scan3A_61 = arith.constant 7 : i32
    %barrier3A = arith.constant 0 : index
    tpu.barrier barrier_id(%barrier3A)
    %mul3A_62 = arith.constant 8576 : i32
    %mul3A_63 = arith.muli %arg0, %mul3A_62 : i32
    %eq3A = arith.constant 0 : i32
    %eq3A_64 = arith.cmpi eq, %arg0, %eq3A : i32
    %jit3A = arith.constant 536 : i32
    %jit3A_65 = arith.constant 264 : i32
    %select_n3A = arith.select %eq3A_64, %jit3A, %jit3A_65 : i32
    %mul3A_66 = arith.muli %arg1, %select_n3A : i32
    %add3A_67 = arith.addi %mul3A_63, %mul3A_66 : i32
    %eq3A_68 = arith.constant 0 : i32
    %eq3A_69 = arith.cmpi eq, %arg0, %eq3A_68 : i32
    %jit3A_70 = arith.constant 67 : i32
    %jit3A_71 = arith.constant 33 : i32
    %select_n3A_72 = arith.select %eq3A_69, %jit3A_70, %jit3A_71 : i32
    %while3A = arith.constant 0 : i32
    %while3A_73 = arith.constant 0 : i32
    %while3A_74 = arith.subi %select_n3A_72, %while3A : i32
    %while3A_75 = arith.addi %while3A, %while3A_74 : i32
    %while3A_76 = arith.constant 1 : i32
    %while3A_77 = arith.divsi %while3A_74, %while3A_76 : i32
    %while3A_78 = arith.muli %while3A_77, %while3A_76 : i32
    %while3A_79 = arith.addi %while3A, %while3A_78 : i32
    %while3A_80 = arith.constant 1 : i32
    %while3A_81 = scf.for %while3A_153 = %while3A to %while3A_79 step %while3A_80 iter_args(%while3A_154 = %while3A_73) -> (i32)  : i32 {
      %mul3A_155 = arith.constant 8 : i32
      %mul3A_156 = arith.muli %while3A_153, %mul3A_155 : i32
      %add3A_157 = arith.addi %add3A_67, %mul3A_156 : i32
      "tpu.region"() ({
        %run_scoped3A = tpu.sem_alloc : memref<!tpu.dma_semaphore, #tpu.memory_space<semaphore_mem>>
        %dma_start3A_255 = arith.constant 0 : i32
        %dma_start3A_256 = tpu.memref_slice %arg2[%add3A_157, %dma_start3A_255] : memref<12800x128xi32, #tpu.memory_space<hbm>> -> memref<8x128xi32, #tpu.memory_space<hbm>>
        %dma_start3A_257 = arith.constant 0 : i32
        %dma_start3A_258 = tpu.memref_slice %arg2[%add3A_157, %dma_start3A_257] : memref<12800x128xi32, #tpu.memory_space<hbm>> -> memref<8x128xi32, #tpu.memory_space<hbm>>
        tpu.enqueue_dma source(%dma_start3A_258 : memref<8x128xi32, #tpu.memory_space<hbm>>) target(%arg4 : memref<8x128xi32, #tpu.memory_space<vmem>>) target_semaphore(%run_scoped3A : memref<!tpu.dma_semaphore, #tpu.memory_space<semaphore_mem>>)
        %dma_wait3A_259 = arith.constant 0 : i32
        %dma_wait3A_260 = tpu.memref_slice %arg2[%add3A_157, %dma_wait3A_259] : memref<12800x128xi32, #tpu.memory_space<hbm>> -> memref<8x128xi32, #tpu.memory_space<hbm>>
        %dma_wait3A_261 = arith.constant 0 : i32
        %dma_wait3A_262 = tpu.memref_slice %arg2[%add3A_157, %dma_wait3A_261] : memref<12800x128xi32, #tpu.memory_space<hbm>> -> memref<8x128xi32, #tpu.memory_space<hbm>>
        tpu.wait_dma2 semaphore(%run_scoped3A : memref<!tpu.dma_semaphore, #tpu.memory_space<semaphore_mem>>) src(%dma_wait3A_262 : memref<8x128xi32, #tpu.memory_space<hbm>>) dst(%arg4 : memref<8x128xi32, #tpu.memory_space<vmem>>)
        tpu.yield
      }) : () -> ()
      %dma_start3A_158 = arith.constant 0 : i32
      %dma_start3A_159 = arith.constant 0 : i32
      %dma_start3A_160 = tpu.memref_slice %arg4[%dma_start3A_158, %dma_start3A_159] : memref<8x128xi32, #tpu.memory_space<vmem>> -> memref<1x128xi32, #tpu.memory_space<vmem>>
      %dma_start3A_161 = tpu.memref_squeeze %dma_start3A_160 : memref<1x128xi32, #tpu.memory_space<vmem>> -> memref<128xi32, #tpu.memory_space<vmem>>
      %dma_start3A_162 = arith.constant 0 : i32
      %dma_start3A_163 = tpu.memref_slice %arg7[%dma_start3A_162] : memref<100352xf32, #tpu.memory_space<vmem_shared>> -> memref<100352xf32, #tpu.memory_space<vmem_shared>>
      tpu.enqueue_indirect_dma source(%arg5 : memref<128xf32, #tpu.memory_space<vmem>>) target(%dma_start3A_163 : memref<100352xf32, #tpu.memory_space<vmem_shared>>) offsets(%dma_start3A_161 : memref<128xi32, #tpu.memory_space<vmem>>) semaphore(%arg8 : memref<!tpu.dma_semaphore, #tpu.memory_space<semaphore_mem>>) {add = true}
      %dma_start3A_164 = arith.constant 1 : i32
      %dma_start3A_165 = arith.constant 0 : i32
      %dma_start3A_166 = tpu.memref_slice %arg4[%dma_start3A_164, %dma_start3A_165] : memref<8x128xi32, #tpu.memory_space<vmem>> -> memref<1x128xi32, #tpu.memory_space<vmem>>
      %dma_start3A_167 = tpu.memref_squeeze %dma_start3A_166 : memref<1x128xi32, #tpu.memory_space<vmem>> -> memref<128xi32, #tpu.memory_space<vmem>>
      %dma_start3A_168 = arith.constant 0 : i32
      %dma_start3A_169 = tpu.memref_slice %arg7[%dma_start3A_168] : memref<100352xf32, #tpu.memory_space<vmem_shared>> -> memref<100352xf32, #tpu.memory_space<vmem_shared>>
      tpu.enqueue_indirect_dma source(%arg5 : memref<128xf32, #tpu.memory_space<vmem>>) target(%dma_start3A_169 : memref<100352xf32, #tpu.memory_space<vmem_shared>>) offsets(%dma_start3A_167 : memref<128xi32, #tpu.memory_space<vmem>>) semaphore(%arg8 : memref<!tpu.dma_semaphore, #tpu.memory_space<semaphore_mem>>) {add = true}
      %dma_start3A_170 = arith.constant 2 : i32
      %dma_start3A_171 = arith.constant 0 : i32
      %dma_start3A_172 = tpu.memref_slice %arg4[%dma_start3A_170, %dma_start3A_171] : memref<8x128xi32, #tpu.memory_space<vmem>> -> memref<1x128xi32, #tpu.memory_space<vmem>>
      %dma_start3A_173 = tpu.memref_squeeze %dma_start3A_172 : memref<1x128xi32, #tpu.memory_space<vmem>> -> memref<128xi32, #tpu.memory_space<vmem>>
      %dma_start3A_174 = arith.constant 0 : i32
      %dma_start3A_175 = tpu.memref_slice %arg7[%dma_start3A_174] : memref<100352xf32, #tpu.memory_space<vmem_shared>> -> memref<100352xf32, #tpu.memory_space<vmem_shared>>
      tpu.enqueue_indirect_dma source(%arg5 : memref<128xf32, #tpu.memory_space<vmem>>) target(%dma_start3A_175 : memref<100352xf32, #tpu.memory_space<vmem_shared>>) offsets(%dma_start3A_173 : memref<128xi32, #tpu.memory_space<vmem>>) semaphore(%arg8 : memref<!tpu.dma_semaphore, #tpu.memory_space<semaphore_mem>>) {add = true}
      %dma_start3A_176 = arith.constant 3 : i32
      %dma_start3A_177 = arith.constant 0 : i32
      %dma_start3A_178 = tpu.memref_slice %arg4[%dma_start3A_176, %dma_start3A_177] : memref<8x128xi32, #tpu.memory_space<vmem>> -> memref<1x128xi32, #tpu.memory_space<vmem>>
      %dma_start3A_179 = tpu.memref_squeeze %dma_start3A_178 : memref<1x128xi32, #tpu.memory_space<vmem>> -> memref<128xi32, #tpu.memory_space<vmem>>
      %dma_start3A_180 = arith.constant 0 : i32
      %dma_start3A_181 = tpu.memref_slice %arg7[%dma_start3A_180] : memref<100352xf32, #tpu.memory_space<vmem_shared>> -> memref<100352xf32, #tpu.memory_space<vmem_shared>>
      tpu.enqueue_indirect_dma source(%arg5 : memref<128xf32, #tpu.memory_space<vmem>>) target(%dma_start3A_181 : memref<100352xf32, #tpu.memory_space<vmem_shared>>) offsets(%dma_start3A_179 : memref<128xi32, #tpu.memory_space<vmem>>) semaphore(%arg8 : memref<!tpu.dma_semaphore, #tpu.memory_space<semaphore_mem>>) {add = true}
      %dma_start3A_182 = arith.constant 4 : i32
      %dma_start3A_183 = arith.constant 0 : i32
      %dma_start3A_184 = tpu.memref_slice %arg4[%dma_start3A_182, %dma_start3A_183] : memref<8x128xi32, #tpu.memory_space<vmem>> -> memref<1x128xi32, #tpu.memory_space<vmem>>
      %dma_start3A_185 = tpu.memref_squeeze %dma_start3A_184 : memref<1x128xi32, #tpu.memory_space<vmem>> -> memref<128xi32, #tpu.memory_space<vmem>>
      %dma_start3A_186 = arith.constant 0 : i32
      %dma_start3A_187 = tpu.memref_slice %arg7[%dma_start3A_186] : memref<100352xf32, #tpu.memory_space<vmem_shared>> -> memref<100352xf32, #tpu.memory_space<vmem_shared>>
      tpu.enqueue_indirect_dma source(%arg5 : memref<128xf32, #tpu.memory_space<vmem>>) target(%dma_start3A_187 : memref<100352xf32, #tpu.memory_space<vmem_shared>>) offsets(%dma_start3A_185 : memref<128xi32, #tpu.memory_space<vmem>>) semaphore(%arg8 : memref<!tpu.dma_semaphore, #tpu.memory_space<semaphore_mem>>) {add = true}
      %dma_start3A_188 = arith.constant 5 : i32
      %dma_start3A_189 = arith.constant 0 : i32
      %dma_start3A_190 = tpu.memref_slice %arg4[%dma_start3A_188, %dma_start3A_189] : memref<8x128xi32, #tpu.memory_space<vmem>> -> memref<1x128xi32, #tpu.memory_space<vmem>>
      %dma_start3A_191 = tpu.memref_squeeze %dma_start3A_190 : memref<1x128xi32, #tpu.memory_space<vmem>> -> memref<128xi32, #tpu.memory_space<vmem>>
      %dma_start3A_192 = arith.constant 0 : i32
      %dma_start3A_193 = tpu.memref_slice %arg7[%dma_start3A_192] : memref<100352xf32, #tpu.memory_space<vmem_shared>> -> memref<100352xf32, #tpu.memory_space<vmem_shared>>
      tpu.enqueue_indirect_dma source(%arg5 : memref<128xf32, #tpu.memory_space<vmem>>) target(%dma_start3A_193 : memref<100352xf32, #tpu.memory_space<vmem_shared>>) offsets(%dma_start3A_191 : memref<128xi32, #tpu.memory_space<vmem>>) semaphore(%arg8 : memref<!tpu.dma_semaphore, #tpu.memory_space<semaphore_mem>>) {add = true}
      %dma_start3A_194 = arith.constant 6 : i32
      %dma_start3A_195 = arith.constant 0 : i32
      %dma_start3A_196 = tpu.memref_slice %arg4[%dma_start3A_194, %dma_start3A_195] : memref<8x128xi32, #tpu.memory_space<vmem>> -> memref<1x128xi32, #tpu.memory_space<vmem>>
      %dma_start3A_197 = tpu.memref_squeeze %dma_start3A_196 : memref<1x128xi32, #tpu.memory_space<vmem>> -> memref<128xi32, #tpu.memory_space<vmem>>
      %dma_start3A_198 = arith.constant 0 : i32
      %dma_start3A_199 = tpu.memref_slice %arg7[%dma_start3A_198] : memref<100352xf32, #tpu.memory_space<vmem_shared>> -> memref<100352xf32, #tpu.memory_space<vmem_shared>>
      tpu.enqueue_indirect_dma source(%arg5 : memref<128xf32, #tpu.memory_space<vmem>>) target(%dma_start3A_199 : memref<100352xf32, #tpu.memory_space<vmem_shared>>) offsets(%dma_start3A_197 : memref<128xi32, #tpu.memory_space<vmem>>) semaphore(%arg8 : memref<!tpu.dma_semaphore, #tpu.memory_space<semaphore_mem>>) {add = true}
      %dma_start3A_200 = arith.constant 7 : i32
      %dma_start3A_201 = arith.constant 0 : i32
      %dma_start3A_202 = tpu.memref_slice %arg4[%dma_start3A_200, %dma_start3A_201] : memref<8x128xi32, #tpu.memory_space<vmem>> -> memref<1x128xi32, #tpu.memory_space<vmem>>
      %dma_start3A_203 = tpu.memref_squeeze %dma_start3A_202 : memref<1x128xi32, #tpu.memory_space<vmem>> -> memref<128xi32, #tpu.memory_space<vmem>>
      %dma_start3A_204 = arith.constant 0 : i32
      %dma_start3A_205 = tpu.memref_slice %arg7[%dma_start3A_204] : memref<100352xf32, #tpu.memory_space<vmem_shared>> -> memref<100352xf32, #tpu.memory_space<vmem_shared>>
      tpu.enqueue_indirect_dma source(%arg5 : memref<128xf32, #tpu.memory_space<vmem>>) target(%dma_start3A_205 : memref<100352xf32, #tpu.memory_space<vmem_shared>>) offsets(%dma_start3A_203 : memref<128xi32, #tpu.memory_space<vmem>>) semaphore(%arg8 : memref<!tpu.dma_semaphore, #tpu.memory_space<semaphore_mem>>) {add = true}
      %dma_wait3A_206 = arith.constant 0 : i32
      %dma_wait3A_207 = arith.constant 0 : i32
      %dma_wait3A_208 = tpu.memref_slice %arg4[%dma_wait3A_206, %dma_wait3A_207] : memref<8x128xi32, #tpu.memory_space<vmem>> -> memref<1x128xi32, #tpu.memory_space<vmem>>
      %dma_wait3A_209 = tpu.memref_squeeze %dma_wait3A_208 : memref<1x128xi32, #tpu.memory_space<vmem>> -> memref<128xi32, #tpu.memory_space<vmem>>
      %dma_wait3A_210 = arith.constant 0 : i32
      %dma_wait3A_211 = tpu.memref_slice %arg7[%dma_wait3A_210] : memref<100352xf32, #tpu.memory_space<vmem_shared>> -> memref<100352xf32, #tpu.memory_space<vmem_shared>>
      tpu.wait_indirect_dma semaphore(%arg8 : memref<!tpu.dma_semaphore, #tpu.memory_space<semaphore_mem>>) src(%arg5 : memref<128xf32, #tpu.memory_space<vmem>>) dst(%dma_wait3A_211 : memref<100352xf32, #tpu.memory_space<vmem_shared>>)
      %dma_wait3A_212 = arith.constant 1 : i32
      %dma_wait3A_213 = arith.constant 0 : i32
      %dma_wait3A_214 = tpu.memref_slice %arg4[%dma_wait3A_212, %dma_wait3A_213] : memref<8x128xi32, #tpu.memory_space<vmem>> -> memref<1x128xi32, #tpu.memory_space<vmem>>
      %dma_wait3A_215 = tpu.memref_squeeze %dma_wait3A_214 : memref<1x128xi32, #tpu.memory_space<vmem>> -> memref<128xi32, #tpu.memory_space<vmem>>
      %dma_wait3A_216 = arith.constant 0 : i32
      %dma_wait3A_217 = tpu.memref_slice %arg7[%dma_wait3A_216] : memref<100352xf32, #tpu.memory_space<vmem_shared>> -> memref<100352xf32, #tpu.memory_space<vmem_shared>>
      tpu.wait_indirect_dma semaphore(%arg8 : memref<!tpu.dma_semaphore, #tpu.memory_space<semaphore_mem>>) src(%arg5 : memref<128xf32, #tpu.memory_space<vmem>>) dst(%dma_wait3A_217 : memref<100352xf32, #tpu.memory_space<vmem_shared>>)
      %dma_wait3A_218 = arith.constant 2 : i32
      %dma_wait3A_219 = arith.constant 0 : i32
      %dma_wait3A_220 = tpu.memref_slice %arg4[%dma_wait3A_218, %dma_wait3A_219] : memref<8x128xi32, #tpu.memory_space<vmem>> -> memref<1x128xi32, #tpu.memory_space<vmem>>
      %dma_wait3A_221 = tpu.memref_squeeze %dma_wait3A_220 : memref<1x128xi32, #tpu.memory_space<vmem>> -> memref<128xi32, #tpu.memory_space<vmem>>
      %dma_wait3A_222 = arith.constant 0 : i32
      %dma_wait3A_223 = tpu.memref_slice %arg7[%dma_wait3A_222] : memref<100352xf32, #tpu.memory_space<vmem_shared>> -> memref<100352xf32, #tpu.memory_space<vmem_shared>>
      tpu.wait_indirect_dma semaphore(%arg8 : memref<!tpu.dma_semaphore, #tpu.memory_space<semaphore_mem>>) src(%arg5 : memref<128xf32, #tpu.memory_space<vmem>>) dst(%dma_wait3A_223 : memref<100352xf32, #tpu.memory_space<vmem_shared>>)
      %dma_wait3A_224 = arith.constant 3 : i32
      %dma_wait3A_225 = arith.constant 0 : i32
      %dma_wait3A_226 = tpu.memref_slice %arg4[%dma_wait3A_224, %dma_wait3A_225] : memref<8x128xi32, #tpu.memory_space<vmem>> -> memref<1x128xi32, #tpu.memory_space<vmem>>
      %dma_wait3A_227 = tpu.memref_squeeze %dma_wait3A_226 : memref<1x128xi32, #tpu.memory_space<vmem>> -> memref<128xi32, #tpu.memory_space<vmem>>
      %dma_wait3A_228 = arith.constant 0 : i32
      %dma_wait3A_229 = tpu.memref_slice %arg7[%dma_wait3A_228] : memref<100352xf32, #tpu.memory_space<vmem_shared>> -> memref<100352xf32, #tpu.memory_space<vmem_shared>>
      tpu.wait_indirect_dma semaphore(%arg8 : memref<!tpu.dma_semaphore, #tpu.memory_space<semaphore_mem>>) src(%arg5 : memref<128xf32, #tpu.memory_space<vmem>>) dst(%dma_wait3A_229 : memref<100352xf32, #tpu.memory_space<vmem_shared>>)
      %dma_wait3A_230 = arith.constant 4 : i32
      %dma_wait3A_231 = arith.constant 0 : i32
      %dma_wait3A_232 = tpu.memref_slice %arg4[%dma_wait3A_230, %dma_wait3A_231] : memref<8x128xi32, #tpu.memory_space<vmem>> -> memref<1x128xi32, #tpu.memory_space<vmem>>
      %dma_wait3A_233 = tpu.memref_squeeze %dma_wait3A_232 : memref<1x128xi32, #tpu.memory_space<vmem>> -> memref<128xi32, #tpu.memory_space<vmem>>
      %dma_wait3A_234 = arith.constant 0 : i32
      %dma_wait3A_235 = tpu.memref_slice %arg7[%dma_wait3A_234] : memref<100352xf32, #tpu.memory_space<vmem_shared>> -> memref<100352xf32, #tpu.memory_space<vmem_shared>>
      tpu.wait_indirect_dma semaphore(%arg8 : memref<!tpu.dma_semaphore, #tpu.memory_space<semaphore_mem>>) src(%arg5 : memref<128xf32, #tpu.memory_space<vmem>>) dst(%dma_wait3A_235 : memref<100352xf32, #tpu.memory_space<vmem_shared>>)
      %dma_wait3A_236 = arith.constant 5 : i32
      %dma_wait3A_237 = arith.constant 0 : i32
      %dma_wait3A_238 = tpu.memref_slice %arg4[%dma_wait3A_236, %dma_wait3A_237] : memref<8x128xi32, #tpu.memory_space<vmem>> -> memref<1x128xi32, #tpu.memory_space<vmem>>
      %dma_wait3A_239 = tpu.memref_squeeze %dma_wait3A_238 : memref<1x128xi32, #tpu.memory_space<vmem>> -> memref<128xi32, #tpu.memory_space<vmem>>
      %dma_wait3A_240 = arith.constant 0 : i32
      %dma_wait3A_241 = tpu.memref_slice %arg7[%dma_wait3A_240] : memref<100352xf32, #tpu.memory_space<vmem_shared>> -> memref<100352xf32, #tpu.memory_space<vmem_shared>>
      tpu.wait_indirect_dma semaphore(%arg8 : memref<!tpu.dma_semaphore, #tpu.memory_space<semaphore_mem>>) src(%arg5 : memref<128xf32, #tpu.memory_space<vmem>>) dst(%dma_wait3A_241 : memref<100352xf32, #tpu.memory_space<vmem_shared>>)
      %dma_wait3A_242 = arith.constant 6 : i32
      %dma_wait3A_243 = arith.constant 0 : i32
      %dma_wait3A_244 = tpu.memref_slice %arg4[%dma_wait3A_242, %dma_wait3A_243] : memref<8x128xi32, #tpu.memory_space<vmem>> -> memref<1x128xi32, #tpu.memory_space<vmem>>
      %dma_wait3A_245 = tpu.memref_squeeze %dma_wait3A_244 : memref<1x128xi32, #tpu.memory_space<vmem>> -> memref<128xi32, #tpu.memory_space<vmem>>
      %dma_wait3A_246 = arith.constant 0 : i32
      %dma_wait3A_247 = tpu.memref_slice %arg7[%dma_wait3A_246] : memref<100352xf32, #tpu.memory_space<vmem_shared>> -> memref<100352xf32, #tpu.memory_space<vmem_shared>>
      tpu.wait_indirect_dma semaphore(%arg8 : memref<!tpu.dma_semaphore, #tpu.memory_space<semaphore_mem>>) src(%arg5 : memref<128xf32, #tpu.memory_space<vmem>>) dst(%dma_wait3A_247 : memref<100352xf32, #tpu.memory_space<vmem_shared>>)
      %dma_wait3A_248 = arith.constant 7 : i32
      %dma_wait3A_249 = arith.constant 0 : i32
      %dma_wait3A_250 = tpu.memref_slice %arg4[%dma_wait3A_248, %dma_wait3A_249] : memref<8x128xi32, #tpu.memory_space<vmem>> -> memref<1x128xi32, #tpu.memory_space<vmem>>
      %dma_wait3A_251 = tpu.memref_squeeze %dma_wait3A_250 : memref<1x128xi32, #tpu.memory_space<vmem>> -> memref<128xi32, #tpu.memory_space<vmem>>
      %dma_wait3A_252 = arith.constant 0 : i32
      %dma_wait3A_253 = tpu.memref_slice %arg7[%dma_wait3A_252] : memref<100352xf32, #tpu.memory_space<vmem_shared>> -> memref<100352xf32, #tpu.memory_space<vmem_shared>>
      tpu.wait_indirect_dma semaphore(%arg8 : memref<!tpu.dma_semaphore, #tpu.memory_space<semaphore_mem>>) src(%arg5 : memref<128xf32, #tpu.memory_space<vmem>>) dst(%dma_wait3A_253 : memref<100352xf32, #tpu.memory_space<vmem_shared>>)
      %while3A_254 = arith.constant 0 : i32
      scf.yield %while3A_254 : i32
    }
    %while3A_82 = arith.constant 1 : i32
    %while3A_83 = scf.for %while3A_153 = %while3A_79 to %while3A_75 step %while3A_82 iter_args(%while3A_154 = %while3A_81) -> (i32)  : i32 {
      %mul3A_155 = arith.constant 8 : i32
      %mul3A_156 = arith.muli %while3A_153, %mul3A_155 : i32
      %add3A_157 = arith.addi %add3A_67, %mul3A_156 : i32
      "tpu.region"() ({
        %run_scoped3A = tpu.sem_alloc : memref<!tpu.dma_semaphore, #tpu.memory_space<semaphore_mem>>
        %dma_start3A_255 = arith.constant 0 : i32
        %dma_start3A_256 = tpu.memref_slice %arg2[%add3A_157, %dma_start3A_255] : memref<12800x128xi32, #tpu.memory_space<hbm>> -> memref<8x128xi32, #tpu.memory_space<hbm>>
        %dma_start3A_257 = arith.constant 0 : i32
        %dma_start3A_258 = tpu.memref_slice %arg2[%add3A_157, %dma_start3A_257] : memref<12800x128xi32, #tpu.memory_space<hbm>> -> memref<8x128xi32, #tpu.memory_space<hbm>>
        tpu.enqueue_dma source(%dma_start3A_258 : memref<8x128xi32, #tpu.memory_space<hbm>>) target(%arg4 : memref<8x128xi32, #tpu.memory_space<vmem>>) target_semaphore(%run_scoped3A : memref<!tpu.dma_semaphore, #tpu.memory_space<semaphore_mem>>)
        %dma_wait3A_259 = arith.constant 0 : i32
        %dma_wait3A_260 = tpu.memref_slice %arg2[%add3A_157, %dma_wait3A_259] : memref<12800x128xi32, #tpu.memory_space<hbm>> -> memref<8x128xi32, #tpu.memory_space<hbm>>
        %dma_wait3A_261 = arith.constant 0 : i32
        %dma_wait3A_262 = tpu.memref_slice %arg2[%add3A_157, %dma_wait3A_261] : memref<12800x128xi32, #tpu.memory_space<hbm>> -> memref<8x128xi32, #tpu.memory_space<hbm>>
        tpu.wait_dma2 semaphore(%run_scoped3A : memref<!tpu.dma_semaphore, #tpu.memory_space<semaphore_mem>>) src(%dma_wait3A_262 : memref<8x128xi32, #tpu.memory_space<hbm>>) dst(%arg4 : memref<8x128xi32, #tpu.memory_space<vmem>>)
        tpu.yield
      }) : () -> ()
      %dma_start3A_158 = arith.constant 0 : i32
      %dma_start3A_159 = arith.constant 0 : i32
      %dma_start3A_160 = tpu.memref_slice %arg4[%dma_start3A_158, %dma_start3A_159] : memref<8x128xi32, #tpu.memory_space<vmem>> -> memref<1x128xi32, #tpu.memory_space<vmem>>
      %dma_start3A_161 = tpu.memref_squeeze %dma_start3A_160 : memref<1x128xi32, #tpu.memory_space<vmem>> -> memref<128xi32, #tpu.memory_space<vmem>>
      %dma_start3A_162 = arith.constant 0 : i32
      %dma_start3A_163 = tpu.memref_slice %arg7[%dma_start3A_162] : memref<100352xf32, #tpu.memory_space<vmem_shared>> -> memref<100352xf32, #tpu.memory_space<vmem_shared>>
      tpu.enqueue_indirect_dma source(%arg5 : memref<128xf32, #tpu.memory_space<vmem>>) target(%dma_start3A_163 : memref<100352xf32, #tpu.memory_space<vmem_shared>>) offsets(%dma_start3A_161 : memref<128xi32, #tpu.memory_space<vmem>>) semaphore(%arg8 : memref<!tpu.dma_semaphore, #tpu.memory_space<semaphore_mem>>) {add = true}
      %dma_start3A_164 = arith.constant 1 : i32
      %dma_start3A_165 = arith.constant 0 : i32
      %dma_start3A_166 = tpu.memref_slice %arg4[%dma_start3A_164, %dma_start3A_165] : memref<8x128xi32, #tpu.memory_space<vmem>> -> memref<1x128xi32, #tpu.memory_space<vmem>>
      %dma_start3A_167 = tpu.memref_squeeze %dma_start3A_166 : memref<1x128xi32, #tpu.memory_space<vmem>> -> memref<128xi32, #tpu.memory_space<vmem>>
      %dma_start3A_168 = arith.constant 0 : i32
      %dma_start3A_169 = tpu.memref_slice %arg7[%dma_start3A_168] : memref<100352xf32, #tpu.memory_space<vmem_shared>> -> memref<100352xf32, #tpu.memory_space<vmem_shared>>
      tpu.enqueue_indirect_dma source(%arg5 : memref<128xf32, #tpu.memory_space<vmem>>) target(%dma_start3A_169 : memref<100352xf32, #tpu.memory_space<vmem_shared>>) offsets(%dma_start3A_167 : memref<128xi32, #tpu.memory_space<vmem>>) semaphore(%arg8 : memref<!tpu.dma_semaphore, #tpu.memory_space<semaphore_mem>>) {add = true}
      %dma_start3A_170 = arith.constant 2 : i32
      %dma_start3A_171 = arith.constant 0 : i32
      %dma_start3A_172 = tpu.memref_slice %arg4[%dma_start3A_170, %dma_start3A_171] : memref<8x128xi32, #tpu.memory_space<vmem>> -> memref<1x128xi32, #tpu.memory_space<vmem>>
      %dma_start3A_173 = tpu.memref_squeeze %dma_start3A_172 : memref<1x128xi32, #tpu.memory_space<vmem>> -> memref<128xi32, #tpu.memory_space<vmem>>
      %dma_start3A_174 = arith.constant 0 : i32
      %dma_start3A_175 = tpu.memref_slice %arg7[%dma_start3A_174] : memref<100352xf32, #tpu.memory_space<vmem_shared>> -> memref<100352xf32, #tpu.memory_space<vmem_shared>>
      tpu.enqueue_indirect_dma source(%arg5 : memref<128xf32, #tpu.memory_space<vmem>>) target(%dma_start3A_175 : memref<100352xf32, #tpu.memory_space<vmem_shared>>) offsets(%dma_start3A_173 : memref<128xi32, #tpu.memory_space<vmem>>) semaphore(%arg8 : memref<!tpu.dma_semaphore, #tpu.memory_space<semaphore_mem>>) {add = true}
      %dma_start3A_176 = arith.constant 3 : i32
      %dma_start3A_177 = arith.constant 0 : i32
      %dma_start3A_178 = tpu.memref_slice %arg4[%dma_start3A_176, %dma_start3A_177] : memref<8x128xi32, #tpu.memory_space<vmem>> -> memref<1x128xi32, #tpu.memory_space<vmem>>
      %dma_start3A_179 = tpu.memref_squeeze %dma_start3A_178 : memref<1x128xi32, #tpu.memory_space<vmem>> -> memref<128xi32, #tpu.memory_space<vmem>>
      %dma_start3A_180 = arith.constant 0 : i32
      %dma_start3A_181 = tpu.memref_slice %arg7[%dma_start3A_180] : memref<100352xf32, #tpu.memory_space<vmem_shared>> -> memref<100352xf32, #tpu.memory_space<vmem_shared>>
      tpu.enqueue_indirect_dma source(%arg5 : memref<128xf32, #tpu.memory_space<vmem>>) target(%dma_start3A_181 : memref<100352xf32, #tpu.memory_space<vmem_shared>>) offsets(%dma_start3A_179 : memref<128xi32, #tpu.memory_space<vmem>>) semaphore(%arg8 : memref<!tpu.dma_semaphore, #tpu.memory_space<semaphore_mem>>) {add = true}
      %dma_start3A_182 = arith.constant 4 : i32
      %dma_start3A_183 = arith.constant 0 : i32
      %dma_start3A_184 = tpu.memref_slice %arg4[%dma_start3A_182, %dma_start3A_183] : memref<8x128xi32, #tpu.memory_space<vmem>> -> memref<1x128xi32, #tpu.memory_space<vmem>>
      %dma_start3A_185 = tpu.memref_squeeze %dma_start3A_184 : memref<1x128xi32, #tpu.memory_space<vmem>> -> memref<128xi32, #tpu.memory_space<vmem>>
      %dma_start3A_186 = arith.constant 0 : i32
      %dma_start3A_187 = tpu.memref_slice %arg7[%dma_start3A_186] : memref<100352xf32, #tpu.memory_space<vmem_shared>> -> memref<100352xf32, #tpu.memory_space<vmem_shared>>
      tpu.enqueue_indirect_dma source(%arg5 : memref<128xf32, #tpu.memory_space<vmem>>) target(%dma_start3A_187 : memref<100352xf32, #tpu.memory_space<vmem_shared>>) offsets(%dma_start3A_185 : memref<128xi32, #tpu.memory_space<vmem>>) semaphore(%arg8 : memref<!tpu.dma_semaphore, #tpu.memory_space<semaphore_mem>>) {add = true}
      %dma_start3A_188 = arith.constant 5 : i32
      %dma_start3A_189 = arith.constant 0 : i32
      %dma_start3A_190 = tpu.memref_slice %arg4[%dma_start3A_188, %dma_start3A_189] : memref<8x128xi32, #tpu.memory_space<vmem>> -> memref<1x128xi32, #tpu.memory_space<vmem>>
      %dma_start3A_191 = tpu.memref_squeeze %dma_start3A_190 : memref<1x128xi32, #tpu.memory_space<vmem>> -> memref<128xi32, #tpu.memory_space<vmem>>
      %dma_start3A_192 = arith.constant 0 : i32
      %dma_start3A_193 = tpu.memref_slice %arg7[%dma_start3A_192] : memref<100352xf32, #tpu.memory_space<vmem_shared>> -> memref<100352xf32, #tpu.memory_space<vmem_shared>>
      tpu.enqueue_indirect_dma source(%arg5 : memref<128xf32, #tpu.memory_space<vmem>>) target(%dma_start3A_193 : memref<100352xf32, #tpu.memory_space<vmem_shared>>) offsets(%dma_start3A_191 : memref<128xi32, #tpu.memory_space<vmem>>) semaphore(%arg8 : memref<!tpu.dma_semaphore, #tpu.memory_space<semaphore_mem>>) {add = true}
      %dma_start3A_194 = arith.constant 6 : i32
      %dma_start3A_195 = arith.constant 0 : i32
      %dma_start3A_196 = tpu.memref_slice %arg4[%dma_start3A_194, %dma_start3A_195] : memref<8x128xi32, #tpu.memory_space<vmem>> -> memref<1x128xi32, #tpu.memory_space<vmem>>
      %dma_start3A_197 = tpu.memref_squeeze %dma_start3A_196 : memref<1x128xi32, #tpu.memory_space<vmem>> -> memref<128xi32, #tpu.memory_space<vmem>>
      %dma_start3A_198 = arith.constant 0 : i32
      %dma_start3A_199 = tpu.memref_slice %arg7[%dma_start3A_198] : memref<100352xf32, #tpu.memory_space<vmem_shared>> -> memref<100352xf32, #tpu.memory_space<vmem_shared>>
      tpu.enqueue_indirect_dma source(%arg5 : memref<128xf32, #tpu.memory_space<vmem>>) target(%dma_start3A_199 : memref<100352xf32, #tpu.memory_space<vmem_shared>>) offsets(%dma_start3A_197 : memref<128xi32, #tpu.memory_space<vmem>>) semaphore(%arg8 : memref<!tpu.dma_semaphore, #tpu.memory_space<semaphore_mem>>) {add = true}
      %dma_start3A_200 = arith.constant 7 : i32
      %dma_start3A_201 = arith.constant 0 : i32
      %dma_start3A_202 = tpu.memref_slice %arg4[%dma_start3A_200, %dma_start3A_201] : memref<8x128xi32, #tpu.memory_space<vmem>> -> memref<1x128xi32, #tpu.memory_space<vmem>>
      %dma_start3A_203 = tpu.memref_squeeze %dma_start3A_202 : memref<1x128xi32, #tpu.memory_space<vmem>> -> memref<128xi32, #tpu.memory_space<vmem>>
      %dma_start3A_204 = arith.constant 0 : i32
      %dma_start3A_205 = tpu.memref_slice %arg7[%dma_start3A_204] : memref<100352xf32, #tpu.memory_space<vmem_shared>> -> memref<100352xf32, #tpu.memory_space<vmem_shared>>
      tpu.enqueue_indirect_dma source(%arg5 : memref<128xf32, #tpu.memory_space<vmem>>) target(%dma_start3A_205 : memref<100352xf32, #tpu.memory_space<vmem_shared>>) offsets(%dma_start3A_203 : memref<128xi32, #tpu.memory_space<vmem>>) semaphore(%arg8 : memref<!tpu.dma_semaphore, #tpu.memory_space<semaphore_mem>>) {add = true}
      %dma_wait3A_206 = arith.constant 0 : i32
      %dma_wait3A_207 = arith.constant 0 : i32
      %dma_wait3A_208 = tpu.memref_slice %arg4[%dma_wait3A_206, %dma_wait3A_207] : memref<8x128xi32, #tpu.memory_space<vmem>> -> memref<1x128xi32, #tpu.memory_space<vmem>>
      %dma_wait3A_209 = tpu.memref_squeeze %dma_wait3A_208 : memref<1x128xi32, #tpu.memory_space<vmem>> -> memref<128xi32, #tpu.memory_space<vmem>>
      %dma_wait3A_210 = arith.constant 0 : i32
      %dma_wait3A_211 = tpu.memref_slice %arg7[%dma_wait3A_210] : memref<100352xf32, #tpu.memory_space<vmem_shared>> -> memref<100352xf32, #tpu.memory_space<vmem_shared>>
      tpu.wait_indirect_dma semaphore(%arg8 : memref<!tpu.dma_semaphore, #tpu.memory_space<semaphore_mem>>) src(%arg5 : memref<128xf32, #tpu.memory_space<vmem>>) dst(%dma_wait3A_211 : memref<100352xf32, #tpu.memory_space<vmem_shared>>)
      %dma_wait3A_212 = arith.constant 1 : i32
      %dma_wait3A_213 = arith.constant 0 : i32
      %dma_wait3A_214 = tpu.memref_slice %arg4[%dma_wait3A_212, %dma_wait3A_213] : memref<8x128xi32, #tpu.memory_space<vmem>> -> memref<1x128xi32, #tpu.memory_space<vmem>>
      %dma_wait3A_215 = tpu.memref_squeeze %dma_wait3A_214 : memref<1x128xi32, #tpu.memory_space<vmem>> -> memref<128xi32, #tpu.memory_space<vmem>>
      %dma_wait3A_216 = arith.constant 0 : i32
      %dma_wait3A_217 = tpu.memref_slice %arg7[%dma_wait3A_216] : memref<100352xf32, #tpu.memory_space<vmem_shared>> -> memref<100352xf32, #tpu.memory_space<vmem_shared>>
      tpu.wait_indirect_dma semaphore(%arg8 : memref<!tpu.dma_semaphore, #tpu.memory_space<semaphore_mem>>) src(%arg5 : memref<128xf32, #tpu.memory_space<vmem>>) dst(%dma_wait3A_217 : memref<100352xf32, #tpu.memory_space<vmem_shared>>)
      %dma_wait3A_218 = arith.constant 2 : i32
      %dma_wait3A_219 = arith.constant 0 : i32
      %dma_wait3A_220 = tpu.memref_slice %arg4[%dma_wait3A_218, %dma_wait3A_219] : memref<8x128xi32, #tpu.memory_space<vmem>> -> memref<1x128xi32, #tpu.memory_space<vmem>>
      %dma_wait3A_221 = tpu.memref_squeeze %dma_wait3A_220 : memref<1x128xi32, #tpu.memory_space<vmem>> -> memref<128xi32, #tpu.memory_space<vmem>>
      %dma_wait3A_222 = arith.constant 0 : i32
      %dma_wait3A_223 = tpu.memref_slice %arg7[%dma_wait3A_222] : memref<100352xf32, #tpu.memory_space<vmem_shared>> -> memref<100352xf32, #tpu.memory_space<vmem_shared>>
      tpu.wait_indirect_dma semaphore(%arg8 : memref<!tpu.dma_semaphore, #tpu.memory_space<semaphore_mem>>) src(%arg5 : memref<128xf32, #tpu.memory_space<vmem>>) dst(%dma_wait3A_223 : memref<100352xf32, #tpu.memory_space<vmem_shared>>)
      %dma_wait3A_224 = arith.constant 3 : i32
      %dma_wait3A_225 = arith.constant 0 : i32
      %dma_wait3A_226 = tpu.memref_slice %arg4[%dma_wait3A_224, %dma_wait3A_225] : memref<8x128xi32, #tpu.memory_space<vmem>> -> memref<1x128xi32, #tpu.memory_space<vmem>>
      %dma_wait3A_227 = tpu.memref_squeeze %dma_wait3A_226 : memref<1x128xi32, #tpu.memory_space<vmem>> -> memref<128xi32, #tpu.memory_space<vmem>>
      %dma_wait3A_228 = arith.constant 0 : i32
      %dma_wait3A_229 = tpu.memref_slice %arg7[%dma_wait3A_228] : memref<100352xf32, #tpu.memory_space<vmem_shared>> -> memref<100352xf32, #tpu.memory_space<vmem_shared>>
      tpu.wait_indirect_dma semaphore(%arg8 : memref<!tpu.dma_semaphore, #tpu.memory_space<semaphore_mem>>) src(%arg5 : memref<128xf32, #tpu.memory_space<vmem>>) dst(%dma_wait3A_229 : memref<100352xf32, #tpu.memory_space<vmem_shared>>)
      %dma_wait3A_230 = arith.constant 4 : i32
      %dma_wait3A_231 = arith.constant 0 : i32
      %dma_wait3A_232 = tpu.memref_slice %arg4[%dma_wait3A_230, %dma_wait3A_231] : memref<8x128xi32, #tpu.memory_space<vmem>> -> memref<1x128xi32, #tpu.memory_space<vmem>>
      %dma_wait3A_233 = tpu.memref_squeeze %dma_wait3A_232 : memref<1x128xi32, #tpu.memory_space<vmem>> -> memref<128xi32, #tpu.memory_space<vmem>>
      %dma_wait3A_234 = arith.constant 0 : i32
      %dma_wait3A_235 = tpu.memref_slice %arg7[%dma_wait3A_234] : memref<100352xf32, #tpu.memory_space<vmem_shared>> -> memref<100352xf32, #tpu.memory_space<vmem_shared>>
      tpu.wait_indirect_dma semaphore(%arg8 : memref<!tpu.dma_semaphore, #tpu.memory_space<semaphore_mem>>) src(%arg5 : memref<128xf32, #tpu.memory_space<vmem>>) dst(%dma_wait3A_235 : memref<100352xf32, #tpu.memory_space<vmem_shared>>)
      %dma_wait3A_236 = arith.constant 5 : i32
      %dma_wait3A_237 = arith.constant 0 : i32
      %dma_wait3A_238 = tpu.memref_slice %arg4[%dma_wait3A_236, %dma_wait3A_237] : memref<8x128xi32, #tpu.memory_space<vmem>> -> memref<1x128xi32, #tpu.memory_space<vmem>>
      %dma_wait3A_239 = tpu.memref_squeeze %dma_wait3A_238 : memref<1x128xi32, #tpu.memory_space<vmem>> -> memref<128xi32, #tpu.memory_space<vmem>>
      %dma_wait3A_240 = arith.constant 0 : i32
      %dma_wait3A_241 = tpu.memref_slice %arg7[%dma_wait3A_240] : memref<100352xf32, #tpu.memory_space<vmem_shared>> -> memref<100352xf32, #tpu.memory_space<vmem_shared>>
      tpu.wait_indirect_dma semaphore(%arg8 : memref<!tpu.dma_semaphore, #tpu.memory_space<semaphore_mem>>) src(%arg5 : memref<128xf32, #tpu.memory_space<vmem>>) dst(%dma_wait3A_241 : memref<100352xf32, #tpu.memory_space<vmem_shared>>)
      %dma_wait3A_242 = arith.constant 6 : i32
      %dma_wait3A_243 = arith.constant 0 : i32
      %dma_wait3A_244 = tpu.memref_slice %arg4[%dma_wait3A_242, %dma_wait3A_243] : memref<8x128xi32, #tpu.memory_space<vmem>> -> memref<1x128xi32, #tpu.memory_space<vmem>>
      %dma_wait3A_245 = tpu.memref_squeeze %dma_wait3A_244 : memref<1x128xi32, #tpu.memory_space<vmem>> -> memref<128xi32, #tpu.memory_space<vmem>>
      %dma_wait3A_246 = arith.constant 0 : i32
      %dma_wait3A_247 = tpu.memref_slice %arg7[%dma_wait3A_246] : memref<100352xf32, #tpu.memory_space<vmem_shared>> -> memref<100352xf32, #tpu.memory_space<vmem_shared>>
      tpu.wait_indirect_dma semaphore(%arg8 : memref<!tpu.dma_semaphore, #tpu.memory_space<semaphore_mem>>) src(%arg5 : memref<128xf32, #tpu.memory_space<vmem>>) dst(%dma_wait3A_247 : memref<100352xf32, #tpu.memory_space<vmem_shared>>)
      %dma_wait3A_248 = arith.constant 7 : i32
      %dma_wait3A_249 = arith.constant 0 : i32
      %dma_wait3A_250 = tpu.memref_slice %arg4[%dma_wait3A_248, %dma_wait3A_249] : memref<8x128xi32, #tpu.memory_space<vmem>> -> memref<1x128xi32, #tpu.memory_space<vmem>>
      %dma_wait3A_251 = tpu.memref_squeeze %dma_wait3A_250 : memref<1x128xi32, #tpu.memory_space<vmem>> -> memref<128xi32, #tpu.memory_space<vmem>>
      %dma_wait3A_252 = arith.constant 0 : i32
      %dma_wait3A_253 = tpu.memref_slice %arg7[%dma_wait3A_252] : memref<100352xf32, #tpu.memory_space<vmem_shared>> -> memref<100352xf32, #tpu.memory_space<vmem_shared>>
      tpu.wait_indirect_dma semaphore(%arg8 : memref<!tpu.dma_semaphore, #tpu.memory_space<semaphore_mem>>) src(%arg5 : memref<128xf32, #tpu.memory_space<vmem>>) dst(%dma_wait3A_253 : memref<100352xf32, #tpu.memory_space<vmem_shared>>)
      %while3A_254 = arith.constant 0 : i32
      scf.yield %while3A_254 : i32
    }
    %barrier3A_84 = arith.constant 0 : index
    tpu.barrier barrier_id(%barrier3A_84)
    %add3A_85 = arith.constant 0 : i32
    %add3A_86 = arith.addi %mul3A_54, %add3A_85 : i32
    %add3A_87 = arith.constant 0 : i32
    %add3A_88 = arith.addi %mul3A_54, %add3A_87 : i32
    %dma_start3A = tpu.memref_slice %arg3[%arg0, %add3A_88] : memref<2x100352xf32, #tpu.memory_space<hbm>> -> memref<1x896xf32, #tpu.memory_space<hbm>>
    %dma_start3A_89 = tpu.memref_squeeze %dma_start3A : memref<1x896xf32, #tpu.memory_space<hbm>> -> memref<896xf32, #tpu.memory_space<hbm>>
    %dma_start3A_90 = tpu.memref_slice %arg7[%add3A_86] : memref<100352xf32, #tpu.memory_space<vmem_shared>> -> memref<896xf32, #tpu.memory_space<vmem_shared>>
    tpu.enqueue_dma source(%dma_start3A_90 : memref<896xf32, #tpu.memory_space<vmem_shared>>) target(%dma_start3A_89 : memref<896xf32, #tpu.memory_space<hbm>>) target_semaphore(%arg8 : memref<!tpu.dma_semaphore, #tpu.memory_space<semaphore_mem>>)
    %add3A_91 = arith.constant 896 : i32
    %add3A_92 = arith.addi %mul3A_54, %add3A_91 : i32
    %add3A_93 = arith.constant 896 : i32
    %add3A_94 = arith.addi %mul3A_54, %add3A_93 : i32
    %dma_start3A_95 = tpu.memref_slice %arg3[%arg0, %add3A_94] : memref<2x100352xf32, #tpu.memory_space<hbm>> -> memref<1x896xf32, #tpu.memory_space<hbm>>
    %dma_start3A_96 = tpu.memref_squeeze %dma_start3A_95 : memref<1x896xf32, #tpu.memory_space<hbm>> -> memref<896xf32, #tpu.memory_space<hbm>>
    %dma_start3A_97 = tpu.memref_slice %arg7[%add3A_92] : memref<100352xf32, #tpu.memory_space<vmem_shared>> -> memref<896xf32, #tpu.memory_space<vmem_shared>>
    tpu.enqueue_dma source(%dma_start3A_97 : memref<896xf32, #tpu.memory_space<vmem_shared>>) target(%dma_start3A_96 : memref<896xf32, #tpu.memory_space<hbm>>) target_semaphore(%arg8 : memref<!tpu.dma_semaphore, #tpu.memory_space<semaphore_mem>>)
    %add3A_98 = arith.constant 1792 : i32
    %add3A_99 = arith.addi %mul3A_54, %add3A_98 : i32
    %add3A_100 = arith.constant 1792 : i32
    %add3A_101 = arith.addi %mul3A_54, %add3A_100 : i32
    %dma_start3A_102 = tpu.memref_slice %arg3[%arg0, %add3A_101] : memref<2x100352xf32, #tpu.memory_space<hbm>> -> memref<1x896xf32, #tpu.memory_space<hbm>>
    %dma_start3A_103 = tpu.memref_squeeze %dma_start3A_102 : memref<1x896xf32, #tpu.memory_space<hbm>> -> memref<896xf32, #tpu.memory_space<hbm>>
    %dma_start3A_104 = tpu.memref_slice %arg7[%add3A_99] : memref<100352xf32, #tpu.memory_space<vmem_shared>> -> memref<896xf32, #tpu.memory_space<vmem_shared>>
    tpu.enqueue_dma source(%dma_start3A_104 : memref<896xf32, #tpu.memory_space<vmem_shared>>) target(%dma_start3A_103 : memref<896xf32, #tpu.memory_space<hbm>>) target_semaphore(%arg8 : memref<!tpu.dma_semaphore, #tpu.memory_space<semaphore_mem>>)
    %add3A_105 = arith.constant 2688 : i32
    %add3A_106 = arith.addi %mul3A_54, %add3A_105 : i32
    %add3A_107 = arith.constant 2688 : i32
    %add3A_108 = arith.addi %mul3A_54, %add3A_107 : i32
    %dma_start3A_109 = tpu.memref_slice %arg3[%arg0, %add3A_108] : memref<2x100352xf32, #tpu.memory_space<hbm>> -> memref<1x896xf32, #tpu.memory_space<hbm>>
    %dma_start3A_110 = tpu.memref_squeeze %dma_start3A_109 : memref<1x896xf32, #tpu.memory_space<hbm>> -> memref<896xf32, #tpu.memory_space<hbm>>
    %dma_start3A_111 = tpu.memref_slice %arg7[%add3A_106] : memref<100352xf32, #tpu.memory_space<vmem_shared>> -> memref<896xf32, #tpu.memory_space<vmem_shared>>
    tpu.enqueue_dma source(%dma_start3A_111 : memref<896xf32, #tpu.memory_space<vmem_shared>>) target(%dma_start3A_110 : memref<896xf32, #tpu.memory_space<hbm>>) target_semaphore(%arg8 : memref<!tpu.dma_semaphore, #tpu.memory_space<semaphore_mem>>)
    %add3A_112 = arith.constant 3584 : i32
    %add3A_113 = arith.addi %mul3A_54, %add3A_112 : i32
    %add3A_114 = arith.constant 3584 : i32
    %add3A_115 = arith.addi %mul3A_54, %add3A_114 : i32
    %dma_start3A_116 = tpu.memref_slice %arg3[%arg0, %add3A_115] : memref<2x100352xf32, #tpu.memory_space<hbm>> -> memref<1x896xf32, #tpu.memory_space<hbm>>
    %dma_start3A_117 = tpu.memref_squeeze %dma_start3A_116 : memref<1x896xf32, #tpu.memory_space<hbm>> -> memref<896xf32, #tpu.memory_space<hbm>>
    %dma_start3A_118 = tpu.memref_slice %arg7[%add3A_113] : memref<100352xf32, #tpu.memory_space<vmem_shared>> -> memref<896xf32, #tpu.memory_space<vmem_shared>>
    tpu.enqueue_dma source(%dma_start3A_118 : memref<896xf32, #tpu.memory_space<vmem_shared>>) target(%dma_start3A_117 : memref<896xf32, #tpu.memory_space<hbm>>) target_semaphore(%arg8 : memref<!tpu.dma_semaphore, #tpu.memory_space<semaphore_mem>>)
    %add3A_119 = arith.constant 4480 : i32
    %add3A_120 = arith.addi %mul3A_54, %add3A_119 : i32
    %add3A_121 = arith.constant 4480 : i32
    %add3A_122 = arith.addi %mul3A_54, %add3A_121 : i32
    %dma_start3A_123 = tpu.memref_slice %arg3[%arg0, %add3A_122] : memref<2x100352xf32, #tpu.memory_space<hbm>> -> memref<1x896xf32, #tpu.memory_space<hbm>>
    %dma_start3A_124 = tpu.memref_squeeze %dma_start3A_123 : memref<1x896xf32, #tpu.memory_space<hbm>> -> memref<896xf32, #tpu.memory_space<hbm>>
    %dma_start3A_125 = tpu.memref_slice %arg7[%add3A_120] : memref<100352xf32, #tpu.memory_space<vmem_shared>> -> memref<896xf32, #tpu.memory_space<vmem_shared>>
    tpu.enqueue_dma source(%dma_start3A_125 : memref<896xf32, #tpu.memory_space<vmem_shared>>) target(%dma_start3A_124 : memref<896xf32, #tpu.memory_space<hbm>>) target_semaphore(%arg8 : memref<!tpu.dma_semaphore, #tpu.memory_space<semaphore_mem>>)
    %add3A_126 = arith.constant 5376 : i32
    %add3A_127 = arith.addi %mul3A_54, %add3A_126 : i32
    %add3A_128 = arith.constant 5376 : i32
    %add3A_129 = arith.addi %mul3A_54, %add3A_128 : i32
    %dma_start3A_130 = tpu.memref_slice %arg3[%arg0, %add3A_129] : memref<2x100352xf32, #tpu.memory_space<hbm>> -> memref<1x896xf32, #tpu.memory_space<hbm>>
    %dma_start3A_131 = tpu.memref_squeeze %dma_start3A_130 : memref<1x896xf32, #tpu.memory_space<hbm>> -> memref<896xf32, #tpu.memory_space<hbm>>
    %dma_start3A_132 = tpu.memref_slice %arg7[%add3A_127] : memref<100352xf32, #tpu.memory_space<vmem_shared>> -> memref<896xf32, #tpu.memory_space<vmem_shared>>
    tpu.enqueue_dma source(%dma_start3A_132 : memref<896xf32, #tpu.memory_space<vmem_shared>>) target(%dma_start3A_131 : memref<896xf32, #tpu.memory_space<hbm>>) target_semaphore(%arg8 : memref<!tpu.dma_semaphore, #tpu.memory_space<semaphore_mem>>)
    %dma_wait3A = tpu.memref_slice %arg3[%arg0, %add3A_88] : memref<2x100352xf32, #tpu.memory_space<hbm>> -> memref<1x896xf32, #tpu.memory_space<hbm>>
    %dma_wait3A_133 = tpu.memref_squeeze %dma_wait3A : memref<1x896xf32, #tpu.memory_space<hbm>> -> memref<896xf32, #tpu.memory_space<hbm>>
    %dma_wait3A_134 = tpu.memref_slice %arg7[%add3A_86] : memref<100352xf32, #tpu.memory_space<vmem_shared>> -> memref<896xf32, #tpu.memory_space<vmem_shared>>
    tpu.wait_dma2 semaphore(%arg8 : memref<!tpu.dma_semaphore, #tpu.memory_space<semaphore_mem>>) src(%dma_wait3A_134 : memref<896xf32, #tpu.memory_space<vmem_shared>>) dst(%dma_wait3A_133 : memref<896xf32, #tpu.memory_space<hbm>>)
    %dma_wait3A_135 = tpu.memref_slice %arg3[%arg0, %add3A_94] : memref<2x100352xf32, #tpu.memory_space<hbm>> -> memref<1x896xf32, #tpu.memory_space<hbm>>
    %dma_wait3A_136 = tpu.memref_squeeze %dma_wait3A_135 : memref<1x896xf32, #tpu.memory_space<hbm>> -> memref<896xf32, #tpu.memory_space<hbm>>
    %dma_wait3A_137 = tpu.memref_slice %arg7[%add3A_92] : memref<100352xf32, #tpu.memory_space<vmem_shared>> -> memref<896xf32, #tpu.memory_space<vmem_shared>>
    tpu.wait_dma2 semaphore(%arg8 : memref<!tpu.dma_semaphore, #tpu.memory_space<semaphore_mem>>) src(%dma_wait3A_137 : memref<896xf32, #tpu.memory_space<vmem_shared>>) dst(%dma_wait3A_136 : memref<896xf32, #tpu.memory_space<hbm>>)
    %dma_wait3A_138 = tpu.memref_slice %arg3[%arg0, %add3A_101] : memref<2x100352xf32, #tpu.memory_space<hbm>> -> memref<1x896xf32, #tpu.memory_space<hbm>>
    %dma_wait3A_139 = tpu.memref_squeeze %dma_wait3A_138 : memref<1x896xf32, #tpu.memory_space<hbm>> -> memref<896xf32, #tpu.memory_space<hbm>>
    %dma_wait3A_140 = tpu.memref_slice %arg7[%add3A_99] : memref<100352xf32, #tpu.memory_space<vmem_shared>> -> memref<896xf32, #tpu.memory_space<vmem_shared>>
    tpu.wait_dma2 semaphore(%arg8 : memref<!tpu.dma_semaphore, #tpu.memory_space<semaphore_mem>>) src(%dma_wait3A_140 : memref<896xf32, #tpu.memory_space<vmem_shared>>) dst(%dma_wait3A_139 : memref<896xf32, #tpu.memory_space<hbm>>)
    %dma_wait3A_141 = tpu.memref_slice %arg3[%arg0, %add3A_108] : memref<2x100352xf32, #tpu.memory_space<hbm>> -> memref<1x896xf32, #tpu.memory_space<hbm>>
    %dma_wait3A_142 = tpu.memref_squeeze %dma_wait3A_141 : memref<1x896xf32, #tpu.memory_space<hbm>> -> memref<896xf32, #tpu.memory_space<hbm>>
    %dma_wait3A_143 = tpu.memref_slice %arg7[%add3A_106] : memref<100352xf32, #tpu.memory_space<vmem_shared>> -> memref<896xf32, #tpu.memory_space<vmem_shared>>
    tpu.wait_dma2 semaphore(%arg8 : memref<!tpu.dma_semaphore, #tpu.memory_space<semaphore_mem>>) src(%dma_wait3A_143 : memref<896xf32, #tpu.memory_space<vmem_shared>>) dst(%dma_wait3A_142 : memref<896xf32, #tpu.memory_space<hbm>>)
    %dma_wait3A_144 = tpu.memref_slice %arg3[%arg0, %add3A_115] : memref<2x100352xf32, #tpu.memory_space<hbm>> -> memref<1x896xf32, #tpu.memory_space<hbm>>
    %dma_wait3A_145 = tpu.memref_squeeze %dma_wait3A_144 : memref<1x896xf32, #tpu.memory_space<hbm>> -> memref<896xf32, #tpu.memory_space<hbm>>
    %dma_wait3A_146 = tpu.memref_slice %arg7[%add3A_113] : memref<100352xf32, #tpu.memory_space<vmem_shared>> -> memref<896xf32, #tpu.memory_space<vmem_shared>>
    tpu.wait_dma2 semaphore(%arg8 : memref<!tpu.dma_semaphore, #tpu.memory_space<semaphore_mem>>) src(%dma_wait3A_146 : memref<896xf32, #tpu.memory_space<vmem_shared>>) dst(%dma_wait3A_145 : memref<896xf32, #tpu.memory_space<hbm>>)
    %dma_wait3A_147 = tpu.memref_slice %arg3[%arg0, %add3A_122] : memref<2x100352xf32, #tpu.memory_space<hbm>> -> memref<1x896xf32, #tpu.memory_space<hbm>>
    %dma_wait3A_148 = tpu.memref_squeeze %dma_wait3A_147 : memref<1x896xf32, #tpu.memory_space<hbm>> -> memref<896xf32, #tpu.memory_space<hbm>>
    %dma_wait3A_149 = tpu.memref_slice %arg7[%add3A_120] : memref<100352xf32, #tpu.memory_space<vmem_shared>> -> memref<896xf32, #tpu.memory_space<vmem_shared>>
    tpu.wait_dma2 semaphore(%arg8 : memref<!tpu.dma_semaphore, #tpu.memory_space<semaphore_mem>>) src(%dma_wait3A_149 : memref<896xf32, #tpu.memory_space<vmem_shared>>) dst(%dma_wait3A_148 : memref<896xf32, #tpu.memory_space<hbm>>)
    %dma_wait3A_150 = tpu.memref_slice %arg3[%arg0, %add3A_129] : memref<2x100352xf32, #tpu.memory_space<hbm>> -> memref<1x896xf32, #tpu.memory_space<hbm>>
    %dma_wait3A_151 = tpu.memref_squeeze %dma_wait3A_150 : memref<1x896xf32, #tpu.memory_space<hbm>> -> memref<896xf32, #tpu.memory_space<hbm>>
    %dma_wait3A_152 = tpu.memref_slice %arg7[%add3A_127] : memref<100352xf32, #tpu.memory_space<vmem_shared>> -> memref<896xf32, #tpu.memory_space<vmem_shared>>
    tpu.wait_dma2 semaphore(%arg8 : memref<!tpu.dma_semaphore, #tpu.memory_space<semaphore_mem>>) src(%dma_wait3A_152 : memref<896xf32, #tpu.memory_space<vmem_shared>>) dst(%dma_wait3A_151 : memref<896xf32, #tpu.memory_space<hbm>>)
    return
  }
}

#map = affine_map<(d0, d1) -> (0, 0)>
#map1 = affine_map<(d0, d1) -> (0, 0, 0)>
module attributes {stable_mosaic.version = 14 : i64} {
  func.func @k(%arg0: i32, %arg1: i32, %arg2: memref<100000x16xf32, #tpu.memory_space<hbm>>, %arg3: memref<12800x128xi32, #tpu.memory_space<hbm>>, %arg4: memref<12800x128xi32, #tpu.memory_space<hbm>>, %arg5: memref<2x100352x16xf32, #tpu.memory_space<hbm>>, %arg6: memref<8x128xi32, #tpu.memory_space<vmem>>, %arg7: memref<8x128xi32, #tpu.memory_space<vmem>>, %arg8: memref<8x128x16xf32, #tpu.memory_space<vmem>>, %arg9: memref<128x16xf32, #tpu.memory_space<vmem>>, %arg10: memref<100352x16xf32, #tpu.memory_space<vmem_shared>>, %arg11: memref<!tpu.dma_semaphore, #tpu.memory_space<semaphore_mem>>, %arg12: memref<!tpu.dma_semaphore, #tpu.memory_space<semaphore_mem>>, %arg13: memref<!tpu.dma_semaphore, #tpu.memory_space<semaphore_mem>>) attributes {dimension_semantics = [#tpu.dimension_semantics<core_parallel>, #tpu.dimension_semantics<subcore_parallel>], iteration_bounds = array<i64: 2, 16>, scalar_prefetch = 0 : i64, scratch_operands = 8 : i64, tpu.core_type = #tpu.core_type<sc_vector_subcore>, window_params = [{transform_indices = #map}, {transform_indices = #map}, {transform_indices = #map}, {transform_indices = #map1}]} {
    %mul3A = arith.constant 16 : i32
    %mul3A_0 = arith.muli %arg0, %mul3A : i32
    %add3A = arith.addi %mul3A_0, %arg1 : i32
    %scan3A = arith.constant 0 : i32
    %scan3A_1 = arith.constant 0 : i32
    %scan3A_2 = arith.constant 128 : i32
    %scan3A_3 = arith.addi %scan3A_1, %scan3A_2 : i32
    %scan3A_4 = arith.constant 1 : i32
    %scan3A_5 = scf.for %scan3A_135 = %scan3A_1 to %scan3A_3 step %scan3A_4 iter_args(%scan3A_136 = %scan3A) -> (i32)  : i32 {
      %broadcast_in_dim3A = arith.constant 0.000000e+00 : f32
      %broadcast_in_dim3A_137 = vector.broadcast %broadcast_in_dim3A : f32 to vector<16xf32>
      %swap3A = arith.index_cast %scan3A_135 : i32 to index
      %swap3A_138 = arith.constant 0 : index
      %swap3A_139 = tpu.vector_load %arg9[%swap3A, %swap3A_138] {strides = array<i32>} : memref<128x16xf32, #tpu.memory_space<vmem>>, vector<1x16xf32>,
      %swap3A_140 = vector.shape_cast %swap3A_139 : vector<1x16xf32> to vector<16xf32>
      %swap3A_141 = vector.shape_cast %broadcast_in_dim3A_137 : vector<16xf32> to vector<1x16xf32>
      tpu.vector_store %arg9[%swap3A, %swap3A_138], %swap3A_141 {strides = array<i32>} : memref<128x16xf32, #tpu.memory_space<vmem>>, vector<1x16xf32>,
      %scan3A_142 = arith.constant 0 : i32
      scf.yield %scan3A_142 : i32
    }
    %scan3A_6 = arith.constant 128 : i32
    %mul3A_7 = arith.constant 6272 : i32
    %mul3A_8 = arith.muli %arg1, %mul3A_7 : i32
    %scan3A_9 = arith.constant 0 : i32
    %scan3A_10 = arith.constant 0 : i32
    %scan3A_11 = arith.constant 49 : i32
    %scan3A_12 = arith.addi %scan3A_10, %scan3A_11 : i32
    %scan3A_13 = arith.constant 1 : i32
    %scan3A_14 = scf.for %scan3A_135 = %scan3A_10 to %scan3A_12 step %scan3A_13 iter_args(%scan3A_136 = %scan3A_9) -> (i32)  : i32 {
      %mul3A_137 = arith.constant 128 : i32
      %mul3A_138 = arith.muli %scan3A_135, %mul3A_137 : i32
      %add3A_139 = arith.addi %mul3A_8, %mul3A_138 : i32
      "tpu.region"() ({
        %run_scoped3A = tpu.sem_alloc : memref<!tpu.dma_semaphore, #tpu.memory_space<semaphore_mem>>
        %dma_start3A_141 = arith.constant 0 : i32
        %dma_start3A_142 = tpu.memref_slice %arg10[%add3A_139, %dma_start3A_141] : memref<100352x16xf32, #tpu.memory_space<vmem_shared>> -> memref<128x16xf32, #tpu.memory_space<vmem_shared>>
        %dma_start3A_143 = arith.constant 0 : i32
        %dma_start3A_144 = tpu.memref_slice %arg10[%add3A_139, %dma_start3A_143] : memref<100352x16xf32, #tpu.memory_space<vmem_shared>> -> memref<128x16xf32, #tpu.memory_space<vmem_shared>>
        tpu.enqueue_dma source(%arg9 : memref<128x16xf32, #tpu.memory_space<vmem>>) target(%dma_start3A_144 : memref<128x16xf32, #tpu.memory_space<vmem_shared>>) target_semaphore(%run_scoped3A : memref<!tpu.dma_semaphore, #tpu.memory_space<semaphore_mem>>)
        %dma_wait3A_145 = arith.constant 0 : i32
        %dma_wait3A_146 = tpu.memref_slice %arg10[%add3A_139, %dma_wait3A_145] : memref<100352x16xf32, #tpu.memory_space<vmem_shared>> -> memref<128x16xf32, #tpu.memory_space<vmem_shared>>
        %dma_wait3A_147 = arith.constant 0 : i32
        %dma_wait3A_148 = tpu.memref_slice %arg10[%add3A_139, %dma_wait3A_147] : memref<100352x16xf32, #tpu.memory_space<vmem_shared>> -> memref<128x16xf32, #tpu.memory_space<vmem_shared>>
        tpu.wait_dma2 semaphore(%run_scoped3A : memref<!tpu.dma_semaphore, #tpu.memory_space<semaphore_mem>>) src(%arg9 : memref<128x16xf32, #tpu.memory_space<vmem>>) dst(%dma_wait3A_148 : memref<128x16xf32, #tpu.memory_space<vmem_shared>>)
        tpu.yield
      }) : () -> ()
      %scan3A_140 = arith.constant 0 : i32
      scf.yield %scan3A_140 : i32
    }
    %scan3A_15 = arith.constant 49 : i32
    %barrier3A = arith.constant 0 : index
    tpu.barrier barrier_id(%barrier3A)
    %mul3A_16 = arith.constant 10624 : i32
    %mul3A_17 = arith.muli %arg0, %mul3A_16 : i32
    %eq3A = arith.constant 0 : i32
    %eq3A_18 = arith.cmpi eq, %arg0, %eq3A : i32
    %jit3A = arith.constant 664 : i32
    %jit3A_19 = arith.constant 136 : i32
    %select_n3A = arith.select %eq3A_18, %jit3A, %jit3A_19 : i32
    %mul3A_20 = arith.muli %arg1, %select_n3A : i32
    %add3A_21 = arith.addi %mul3A_17, %mul3A_20 : i32
    %eq3A_22 = arith.constant 0 : i32
    %eq3A_23 = arith.cmpi eq, %arg0, %eq3A_22 : i32
    %jit3A_24 = arith.constant 83 : i32
    %jit3A_25 = arith.constant 17 : i32
    %select_n3A_26 = arith.select %eq3A_23, %jit3A_24, %jit3A_25 : i32
    %while3A = arith.constant 0 : i32
    %while3A_27 = arith.constant 0 : i32
    %while3A_28 = arith.subi %select_n3A_26, %while3A : i32
    %while3A_29 = arith.addi %while3A, %while3A_28 : i32
    %while3A_30 = arith.constant 1 : i32
    %while3A_31 = arith.divsi %while3A_28, %while3A_30 : i32
    %while3A_32 = arith.muli %while3A_31, %while3A_30 : i32
    %while3A_33 = arith.addi %while3A, %while3A_32 : i32
    %while3A_34 = arith.constant 1 : i32
    %while3A_35 = scf.for %while3A_135 = %while3A to %while3A_33 step %while3A_34 iter_args(%while3A_136 = %while3A_27) -> (i32)  : i32 {
      %mul3A_137 = arith.constant 8 : i32
      %mul3A_138 = arith.muli %while3A_135, %mul3A_137 : i32
      %add3A_139 = arith.addi %add3A_21, %mul3A_138 : i32
      "tpu.region"() ({
        %run_scoped3A = tpu.sem_alloc : memref<!tpu.dma_semaphore, #tpu.memory_space<semaphore_mem>>
        %dma_start3A_528 = arith.constant 0 : i32
        %dma_start3A_529 = tpu.memref_slice %arg3[%add3A_139, %dma_start3A_528] : memref<12800x128xi32, #tpu.memory_space<hbm>> -> memref<8x128xi32, #tpu.memory_space<hbm>>
        %dma_start3A_530 = arith.constant 0 : i32
        %dma_start3A_531 = tpu.memref_slice %arg3[%add3A_139, %dma_start3A_530] : memref<12800x128xi32, #tpu.memory_space<hbm>> -> memref<8x128xi32, #tpu.memory_space<hbm>>
        tpu.enqueue_dma source(%dma_start3A_531 : memref<8x128xi32, #tpu.memory_space<hbm>>) target(%arg6 : memref<8x128xi32, #tpu.memory_space<vmem>>) target_semaphore(%run_scoped3A : memref<!tpu.dma_semaphore, #tpu.memory_space<semaphore_mem>>)
        %dma_wait3A_532 = arith.constant 0 : i32
        %dma_wait3A_533 = tpu.memref_slice %arg3[%add3A_139, %dma_wait3A_532] : memref<12800x128xi32, #tpu.memory_space<hbm>> -> memref<8x128xi32, #tpu.memory_space<hbm>>
        %dma_wait3A_534 = arith.constant 0 : i32
        %dma_wait3A_535 = tpu.memref_slice %arg3[%add3A_139, %dma_wait3A_534] : memref<12800x128xi32, #tpu.memory_space<hbm>> -> memref<8x128xi32, #tpu.memory_space<hbm>>
        tpu.wait_dma2 semaphore(%run_scoped3A : memref<!tpu.dma_semaphore, #tpu.memory_space<semaphore_mem>>) src(%dma_wait3A_535 : memref<8x128xi32, #tpu.memory_space<hbm>>) dst(%arg6 : memref<8x128xi32, #tpu.memory_space<vmem>>)
        tpu.yield
      }) : () -> ()
      %mul3A_140 = arith.constant 8 : i32
      %mul3A_141 = arith.muli %while3A_135, %mul3A_140 : i32
      %add3A_142 = arith.addi %add3A_21, %mul3A_141 : i32
      "tpu.region"() ({
        %run_scoped3A = tpu.sem_alloc : memref<!tpu.dma_semaphore, #tpu.memory_space<semaphore_mem>>
        %dma_start3A_528 = arith.constant 0 : i32
        %dma_start3A_529 = tpu.memref_slice %arg4[%add3A_142, %dma_start3A_528] : memref<12800x128xi32, #tpu.memory_space<hbm>> -> memref<8x128xi32, #tpu.memory_space<hbm>>
        %dma_start3A_530 = arith.constant 0 : i32
        %dma_start3A_531 = tpu.memref_slice %arg4[%add3A_142, %dma_start3A_530] : memref<12800x128xi32, #tpu.memory_space<hbm>> -> memref<8x128xi32, #tpu.memory_space<hbm>>
        tpu.enqueue_dma source(%dma_start3A_531 : memref<8x128xi32, #tpu.memory_space<hbm>>) target(%arg7 : memref<8x128xi32, #tpu.memory_space<vmem>>) target_semaphore(%run_scoped3A : memref<!tpu.dma_semaphore, #tpu.memory_space<semaphore_mem>>)
        %dma_wait3A_532 = arith.constant 0 : i32
        %dma_wait3A_533 = tpu.memref_slice %arg4[%add3A_142, %dma_wait3A_532] : memref<12800x128xi32, #tpu.memory_space<hbm>> -> memref<8x128xi32, #tpu.memory_space<hbm>>
        %dma_wait3A_534 = arith.constant 0 : i32
        %dma_wait3A_535 = tpu.memref_slice %arg4[%add3A_142, %dma_wait3A_534] : memref<12800x128xi32, #tpu.memory_space<hbm>> -> memref<8x128xi32, #tpu.memory_space<hbm>>
        tpu.wait_dma2 semaphore(%run_scoped3A : memref<!tpu.dma_semaphore, #tpu.memory_space<semaphore_mem>>) src(%dma_wait3A_535 : memref<8x128xi32, #tpu.memory_space<hbm>>) dst(%arg7 : memref<8x128xi32, #tpu.memory_space<vmem>>)
        tpu.yield
      }) : () -> ()
      %dma_start3A_143 = arith.constant 0 : i32
      %dma_start3A_144 = arith.constant 0 : i32
      %dma_start3A_145 = arith.constant 0 : i32
      %dma_start3A_146 = arith.constant 0 : i32
      %dma_start3A_147 = tpu.memref_slice %arg8[%dma_start3A_144, %dma_start3A_145, %dma_start3A_146] : memref<8x128x16xf32, #tpu.memory_space<vmem>> -> memref<1x128x16xf32, #tpu.memory_space<vmem>>
      %dma_start3A_148 = tpu.memref_squeeze %dma_start3A_147 : memref<1x128x16xf32, #tpu.memory_space<vmem>> -> memref<128x16xf32, #tpu.memory_space<vmem>>
      %dma_start3A_149 = arith.constant 0 : i32
      %dma_start3A_150 = tpu.memref_slice %arg6[%dma_start3A_143, %dma_start3A_149] : memref<8x128xi32, #tpu.memory_space<vmem>> -> memref<1x128xi32, #tpu.memory_space<vmem>>
      %dma_start3A_151 = tpu.memref_squeeze %dma_start3A_150 : memref<1x128xi32, #tpu.memory_space<vmem>> -> memref<128xi32, #tpu.memory_space<vmem>>
      %dma_start3A_152 = arith.constant 0 : i32
      %dma_start3A_153 = arith.constant 0 : i32
      %dma_start3A_154 = tpu.memref_slice %arg2[%dma_start3A_152, %dma_start3A_153] : memref<100000x16xf32, #tpu.memory_space<hbm>> -> memref<100000x16xf32, #tpu.memory_space<hbm>>
      tpu.enqueue_indirect_dma source(%dma_start3A_154 : memref<100000x16xf32, #tpu.memory_space<hbm>>) target(%dma_start3A_148 : memref<128x16xf32, #tpu.memory_space<vmem>>) offsets(%dma_start3A_151 : memref<128xi32, #tpu.memory_space<vmem>>) semaphore(%arg11 : memref<!tpu.dma_semaphore, #tpu.memory_space<semaphore_mem>>)
      %dma_start3A_155 = arith.constant 1 : i32
      %dma_start3A_156 = arith.constant 1 : i32
      %dma_start3A_157 = arith.constant 0 : i32
      %dma_start3A_158 = arith.constant 0 : i32
      %dma_start3A_159 = tpu.memref_slice %arg8[%dma_start3A_156, %dma_start3A_157, %dma_start3A_158] : memref<8x128x16xf32, #tpu.memory_space<vmem>> -> memref<1x128x16xf32, #tpu.memory_space<vmem>>
      %dma_start3A_160 = tpu.memref_squeeze %dma_start3A_159 : memref<1x128x16xf32, #tpu.memory_space<vmem>> -> memref<128x16xf32, #tpu.memory_space<vmem>>
      %dma_start3A_161 = arith.constant 0 : i32
      %dma_start3A_162 = tpu.memref_slice %arg6[%dma_start3A_155, %dma_start3A_161] : memref<8x128xi32, #tpu.memory_space<vmem>> -> memref<1x128xi32, #tpu.memory_space<vmem>>
      %dma_start3A_163 = tpu.memref_squeeze %dma_start3A_162 : memref<1x128xi32, #tpu.memory_space<vmem>> -> memref<128xi32, #tpu.memory_space<vmem>>
      %dma_start3A_164 = arith.constant 0 : i32
      %dma_start3A_165 = arith.constant 0 : i32
      %dma_start3A_166 = tpu.memref_slice %arg2[%dma_start3A_164, %dma_start3A_165] : memref<100000x16xf32, #tpu.memory_space<hbm>> -> memref<100000x16xf32, #tpu.memory_space<hbm>>
      tpu.enqueue_indirect_dma source(%dma_start3A_166 : memref<100000x16xf32, #tpu.memory_space<hbm>>) target(%dma_start3A_160 : memref<128x16xf32, #tpu.memory_space<vmem>>) offsets(%dma_start3A_163 : memref<128xi32, #tpu.memory_space<vmem>>) semaphore(%arg11 : memref<!tpu.dma_semaphore, #tpu.memory_space<semaphore_mem>>)
      %dma_start3A_167 = arith.constant 2 : i32
      %dma_start3A_168 = arith.constant 2 : i32
      %dma_start3A_169 = arith.constant 0 : i32
      %dma_start3A_170 = arith.constant 0 : i32
      %dma_start3A_171 = tpu.memref_slice %arg8[%dma_start3A_168, %dma_start3A_169, %dma_start3A_170] : memref<8x128x16xf32, #tpu.memory_space<vmem>> -> memref<1x128x16xf32, #tpu.memory_space<vmem>>
      %dma_start3A_172 = tpu.memref_squeeze %dma_start3A_171 : memref<1x128x16xf32, #tpu.memory_space<vmem>> -> memref<128x16xf32, #tpu.memory_space<vmem>>
      %dma_start3A_173 = arith.constant 0 : i32
      %dma_start3A_174 = tpu.memref_slice %arg6[%dma_start3A_167, %dma_start3A_173] : memref<8x128xi32, #tpu.memory_space<vmem>> -> memref<1x128xi32, #tpu.memory_space<vmem>>
      %dma_start3A_175 = tpu.memref_squeeze %dma_start3A_174 : memref<1x128xi32, #tpu.memory_space<vmem>> -> memref<128xi32, #tpu.memory_space<vmem>>
      %dma_start3A_176 = arith.constant 0 : i32
      %dma_start3A_177 = arith.constant 0 : i32
      %dma_start3A_178 = tpu.memref_slice %arg2[%dma_start3A_176, %dma_start3A_177] : memref<100000x16xf32, #tpu.memory_space<hbm>> -> memref<100000x16xf32, #tpu.memory_space<hbm>>
      tpu.enqueue_indirect_dma source(%dma_start3A_178 : memref<100000x16xf32, #tpu.memory_space<hbm>>) target(%dma_start3A_172 : memref<128x16xf32, #tpu.memory_space<vmem>>) offsets(%dma_start3A_175 : memref<128xi32, #tpu.memory_space<vmem>>) semaphore(%arg11 : memref<!tpu.dma_semaphore, #tpu.memory_space<semaphore_mem>>)
      %dma_start3A_179 = arith.constant 3 : i32
      %dma_start3A_180 = arith.constant 3 : i32
      %dma_start3A_181 = arith.constant 0 : i32
      %dma_start3A_182 = arith.constant 0 : i32
      %dma_start3A_183 = tpu.memref_slice %arg8[%dma_start3A_180, %dma_start3A_181, %dma_start3A_182] : memref<8x128x16xf32, #tpu.memory_space<vmem>> -> memref<1x128x16xf32, #tpu.memory_space<vmem>>
      %dma_start3A_184 = tpu.memref_squeeze %dma_start3A_183 : memref<1x128x16xf32, #tpu.memory_space<vmem>> -> memref<128x16xf32, #tpu.memory_space<vmem>>
      %dma_start3A_185 = arith.constant 0 : i32
      %dma_start3A_186 = tpu.memref_slice %arg6[%dma_start3A_179, %dma_start3A_185] : memref<8x128xi32, #tpu.memory_space<vmem>> -> memref<1x128xi32, #tpu.memory_space<vmem>>
      %dma_start3A_187 = tpu.memref_squeeze %dma_start3A_186 : memref<1x128xi32, #tpu.memory_space<vmem>> -> memref<128xi32, #tpu.memory_space<vmem>>
      %dma_start3A_188 = arith.constant 0 : i32
      %dma_start3A_189 = arith.constant 0 : i32
      %dma_start3A_190 = tpu.memref_slice %arg2[%dma_start3A_188, %dma_start3A_189] : memref<100000x16xf32, #tpu.memory_space<hbm>> -> memref<100000x16xf32, #tpu.memory_space<hbm>>
      tpu.enqueue_indirect_dma source(%dma_start3A_190 : memref<100000x16xf32, #tpu.memory_space<hbm>>) target(%dma_start3A_184 : memref<128x16xf32, #tpu.memory_space<vmem>>) offsets(%dma_start3A_187 : memref<128xi32, #tpu.memory_space<vmem>>) semaphore(%arg11 : memref<!tpu.dma_semaphore, #tpu.memory_space<semaphore_mem>>)
      %dma_start3A_191 = arith.constant 4 : i32
      %dma_start3A_192 = arith.constant 4 : i32
      %dma_start3A_193 = arith.constant 0 : i32
      %dma_start3A_194 = arith.constant 0 : i32
      %dma_start3A_195 = tpu.memref_slice %arg8[%dma_start3A_192, %dma_start3A_193, %dma_start3A_194] : memref<8x128x16xf32, #tpu.memory_space<vmem>> -> memref<1x128x16xf32, #tpu.memory_space<vmem>>
      %dma_start3A_196 = tpu.memref_squeeze %dma_start3A_195 : memref<1x128x16xf32, #tpu.memory_space<vmem>> -> memref<128x16xf32, #tpu.memory_space<vmem>>
      %dma_start3A_197 = arith.constant 0 : i32
      %dma_start3A_198 = tpu.memref_slice %arg6[%dma_start3A_191, %dma_start3A_197] : memref<8x128xi32, #tpu.memory_space<vmem>> -> memref<1x128xi32, #tpu.memory_space<vmem>>
      %dma_start3A_199 = tpu.memref_squeeze %dma_start3A_198 : memref<1x128xi32, #tpu.memory_space<vmem>> -> memref<128xi32, #tpu.memory_space<vmem>>
      %dma_start3A_200 = arith.constant 0 : i32
      %dma_start3A_201 = arith.constant 0 : i32
      %dma_start3A_202 = tpu.memref_slice %arg2[%dma_start3A_200, %dma_start3A_201] : memref<100000x16xf32, #tpu.memory_space<hbm>> -> memref<100000x16xf32, #tpu.memory_space<hbm>>
      tpu.enqueue_indirect_dma source(%dma_start3A_202 : memref<100000x16xf32, #tpu.memory_space<hbm>>) target(%dma_start3A_196 : memref<128x16xf32, #tpu.memory_space<vmem>>) offsets(%dma_start3A_199 : memref<128xi32, #tpu.memory_space<vmem>>) semaphore(%arg12 : memref<!tpu.dma_semaphore, #tpu.memory_space<semaphore_mem>>)
      %dma_start3A_203 = arith.constant 5 : i32
      %dma_start3A_204 = arith.constant 5 : i32
      %dma_start3A_205 = arith.constant 0 : i32
      %dma_start3A_206 = arith.constant 0 : i32
      %dma_start3A_207 = tpu.memref_slice %arg8[%dma_start3A_204, %dma_start3A_205, %dma_start3A_206] : memref<8x128x16xf32, #tpu.memory_space<vmem>> -> memref<1x128x16xf32, #tpu.memory_space<vmem>>
      %dma_start3A_208 = tpu.memref_squeeze %dma_start3A_207 : memref<1x128x16xf32, #tpu.memory_space<vmem>> -> memref<128x16xf32, #tpu.memory_space<vmem>>
      %dma_start3A_209 = arith.constant 0 : i32
      %dma_start3A_210 = tpu.memref_slice %arg6[%dma_start3A_203, %dma_start3A_209] : memref<8x128xi32, #tpu.memory_space<vmem>> -> memref<1x128xi32, #tpu.memory_space<vmem>>
      %dma_start3A_211 = tpu.memref_squeeze %dma_start3A_210 : memref<1x128xi32, #tpu.memory_space<vmem>> -> memref<128xi32, #tpu.memory_space<vmem>>
      %dma_start3A_212 = arith.constant 0 : i32
      %dma_start3A_213 = arith.constant 0 : i32
      %dma_start3A_214 = tpu.memref_slice %arg2[%dma_start3A_212, %dma_start3A_213] : memref<100000x16xf32, #tpu.memory_space<hbm>> -> memref<100000x16xf32, #tpu.memory_space<hbm>>
      tpu.enqueue_indirect_dma source(%dma_start3A_214 : memref<100000x16xf32, #tpu.memory_space<hbm>>) target(%dma_start3A_208 : memref<128x16xf32, #tpu.memory_space<vmem>>) offsets(%dma_start3A_211 : memref<128xi32, #tpu.memory_space<vmem>>) semaphore(%arg12 : memref<!tpu.dma_semaphore, #tpu.memory_space<semaphore_mem>>)
      %dma_start3A_215 = arith.constant 6 : i32
      %dma_start3A_216 = arith.constant 6 : i32
      %dma_start3A_217 = arith.constant 0 : i32
      %dma_start3A_218 = arith.constant 0 : i32
      %dma_start3A_219 = tpu.memref_slice %arg8[%dma_start3A_216, %dma_start3A_217, %dma_start3A_218] : memref<8x128x16xf32, #tpu.memory_space<vmem>> -> memref<1x128x16xf32, #tpu.memory_space<vmem>>
      %dma_start3A_220 = tpu.memref_squeeze %dma_start3A_219 : memref<1x128x16xf32, #tpu.memory_space<vmem>> -> memref<128x16xf32, #tpu.memory_space<vmem>>
      %dma_start3A_221 = arith.constant 0 : i32
      %dma_start3A_222 = tpu.memref_slice %arg6[%dma_start3A_215, %dma_start3A_221] : memref<8x128xi32, #tpu.memory_space<vmem>> -> memref<1x128xi32, #tpu.memory_space<vmem>>
      %dma_start3A_223 = tpu.memref_squeeze %dma_start3A_222 : memref<1x128xi32, #tpu.memory_space<vmem>> -> memref<128xi32, #tpu.memory_space<vmem>>
      %dma_start3A_224 = arith.constant 0 : i32
      %dma_start3A_225 = arith.constant 0 : i32
      %dma_start3A_226 = tpu.memref_slice %arg2[%dma_start3A_224, %dma_start3A_225] : memref<100000x16xf32, #tpu.memory_space<hbm>> -> memref<100000x16xf32, #tpu.memory_space<hbm>>
      tpu.enqueue_indirect_dma source(%dma_start3A_226 : memref<100000x16xf32, #tpu.memory_space<hbm>>) target(%dma_start3A_220 : memref<128x16xf32, #tpu.memory_space<vmem>>) offsets(%dma_start3A_223 : memref<128xi32, #tpu.memory_space<vmem>>) semaphore(%arg12 : memref<!tpu.dma_semaphore, #tpu.memory_space<semaphore_mem>>)
      %dma_start3A_227 = arith.constant 7 : i32
      %dma_start3A_228 = arith.constant 7 : i32
      %dma_start3A_229 = arith.constant 0 : i32
      %dma_start3A_230 = arith.constant 0 : i32
      %dma_start3A_231 = tpu.memref_slice %arg8[%dma_start3A_228, %dma_start3A_229, %dma_start3A_230] : memref<8x128x16xf32, #tpu.memory_space<vmem>> -> memref<1x128x16xf32, #tpu.memory_space<vmem>>
      %dma_start3A_232 = tpu.memref_squeeze %dma_start3A_231 : memref<1x128x16xf32, #tpu.memory_space<vmem>> -> memref<128x16xf32, #tpu.memory_space<vmem>>
      %dma_start3A_233 = arith.constant 0 : i32
      %dma_start3A_234 = tpu.memref_slice %arg6[%dma_start3A_227, %dma_start3A_233] : memref<8x128xi32, #tpu.memory_space<vmem>> -> memref<1x128xi32, #tpu.memory_space<vmem>>
      %dma_start3A_235 = tpu.memref_squeeze %dma_start3A_234 : memref<1x128xi32, #tpu.memory_space<vmem>> -> memref<128xi32, #tpu.memory_space<vmem>>
      %dma_start3A_236 = arith.constant 0 : i32
      %dma_start3A_237 = arith.constant 0 : i32
      %dma_start3A_238 = tpu.memref_slice %arg2[%dma_start3A_236, %dma_start3A_237] : memref<100000x16xf32, #tpu.memory_space<hbm>> -> memref<100000x16xf32, #tpu.memory_space<hbm>>
      tpu.enqueue_indirect_dma source(%dma_start3A_238 : memref<100000x16xf32, #tpu.memory_space<hbm>>) target(%dma_start3A_232 : memref<128x16xf32, #tpu.memory_space<vmem>>) offsets(%dma_start3A_235 : memref<128xi32, #tpu.memory_space<vmem>>) semaphore(%arg12 : memref<!tpu.dma_semaphore, #tpu.memory_space<semaphore_mem>>)
      %dma_wait3A_239 = arith.constant 0 : i32
      %dma_wait3A_240 = arith.constant 0 : i32
      %dma_wait3A_241 = arith.constant 0 : i32
      %dma_wait3A_242 = arith.constant 0 : i32
      %dma_wait3A_243 = tpu.memref_slice %arg8[%dma_wait3A_240, %dma_wait3A_241, %dma_wait3A_242] : memref<8x128x16xf32, #tpu.memory_space<vmem>> -> memref<1x128x16xf32, #tpu.memory_space<vmem>>
      %dma_wait3A_244 = tpu.memref_squeeze %dma_wait3A_243 : memref<1x128x16xf32, #tpu.memory_space<vmem>> -> memref<128x16xf32, #tpu.memory_space<vmem>>
      %dma_wait3A_245 = arith.constant 0 : i32
      %dma_wait3A_246 = tpu.memref_slice %arg6[%dma_wait3A_239, %dma_wait3A_245] : memref<8x128xi32, #tpu.memory_space<vmem>> -> memref<1x128xi32, #tpu.memory_space<vmem>>
      %dma_wait3A_247 = tpu.memref_squeeze %dma_wait3A_246 : memref<1x128xi32, #tpu.memory_space<vmem>> -> memref<128xi32, #tpu.memory_space<vmem>>
      %dma_wait3A_248 = arith.constant 0 : i32
      %dma_wait3A_249 = arith.constant 0 : i32
      %dma_wait3A_250 = tpu.memref_slice %arg2[%dma_wait3A_248, %dma_wait3A_249] : memref<100000x16xf32, #tpu.memory_space<hbm>> -> memref<100000x16xf32, #tpu.memory_space<hbm>>
      tpu.wait_indirect_dma semaphore(%arg11 : memref<!tpu.dma_semaphore, #tpu.memory_space<semaphore_mem>>) src(%dma_wait3A_250 : memref<100000x16xf32, #tpu.memory_space<hbm>>) dst(%dma_wait3A_244 : memref<128x16xf32, #tpu.memory_space<vmem>>)
      %dma_wait3A_251 = arith.constant 1 : i32
      %dma_wait3A_252 = arith.constant 1 : i32
      %dma_wait3A_253 = arith.constant 0 : i32
      %dma_wait3A_254 = arith.constant 0 : i32
      %dma_wait3A_255 = tpu.memref_slice %arg8[%dma_wait3A_252, %dma_wait3A_253, %dma_wait3A_254] : memref<8x128x16xf32, #tpu.memory_space<vmem>> -> memref<1x128x16xf32, #tpu.memory_space<vmem>>
      %dma_wait3A_256 = tpu.memref_squeeze %dma_wait3A_255 : memref<1x128x16xf32, #tpu.memory_space<vmem>> -> memref<128x16xf32, #tpu.memory_space<vmem>>
      %dma_wait3A_257 = arith.constant 0 : i32
      %dma_wait3A_258 = tpu.memref_slice %arg6[%dma_wait3A_251, %dma_wait3A_257] : memref<8x128xi32, #tpu.memory_space<vmem>> -> memref<1x128xi32, #tpu.memory_space<vmem>>
      %dma_wait3A_259 = tpu.memref_squeeze %dma_wait3A_258 : memref<1x128xi32, #tpu.memory_space<vmem>> -> memref<128xi32, #tpu.memory_space<vmem>>
      %dma_wait3A_260 = arith.constant 0 : i32
      %dma_wait3A_261 = arith.constant 0 : i32
      %dma_wait3A_262 = tpu.memref_slice %arg2[%dma_wait3A_260, %dma_wait3A_261] : memref<100000x16xf32, #tpu.memory_space<hbm>> -> memref<100000x16xf32, #tpu.memory_space<hbm>>
      tpu.wait_indirect_dma semaphore(%arg11 : memref<!tpu.dma_semaphore, #tpu.memory_space<semaphore_mem>>) src(%dma_wait3A_262 : memref<100000x16xf32, #tpu.memory_space<hbm>>) dst(%dma_wait3A_256 : memref<128x16xf32, #tpu.memory_space<vmem>>)
      %dma_wait3A_263 = arith.constant 2 : i32
      %dma_wait3A_264 = arith.constant 2 : i32
      %dma_wait3A_265 = arith.constant 0 : i32
      %dma_wait3A_266 = arith.constant 0 : i32
      %dma_wait3A_267 = tpu.memref_slice %arg8[%dma_wait3A_264, %dma_wait3A_265, %dma_wait3A_266] : memref<8x128x16xf32, #tpu.memory_space<vmem>> -> memref<1x128x16xf32, #tpu.memory_space<vmem>>
      %dma_wait3A_268 = tpu.memref_squeeze %dma_wait3A_267 : memref<1x128x16xf32, #tpu.memory_space<vmem>> -> memref<128x16xf32, #tpu.memory_space<vmem>>
      %dma_wait3A_269 = arith.constant 0 : i32
      %dma_wait3A_270 = tpu.memref_slice %arg6[%dma_wait3A_263, %dma_wait3A_269] : memref<8x128xi32, #tpu.memory_space<vmem>> -> memref<1x128xi32, #tpu.memory_space<vmem>>
      %dma_wait3A_271 = tpu.memref_squeeze %dma_wait3A_270 : memref<1x128xi32, #tpu.memory_space<vmem>> -> memref<128xi32, #tpu.memory_space<vmem>>
      %dma_wait3A_272 = arith.constant 0 : i32
      %dma_wait3A_273 = arith.constant 0 : i32
      %dma_wait3A_274 = tpu.memref_slice %arg2[%dma_wait3A_272, %dma_wait3A_273] : memref<100000x16xf32, #tpu.memory_space<hbm>> -> memref<100000x16xf32, #tpu.memory_space<hbm>>
      tpu.wait_indirect_dma semaphore(%arg11 : memref<!tpu.dma_semaphore, #tpu.memory_space<semaphore_mem>>) src(%dma_wait3A_274 : memref<100000x16xf32, #tpu.memory_space<hbm>>) dst(%dma_wait3A_268 : memref<128x16xf32, #tpu.memory_space<vmem>>)
      %dma_wait3A_275 = arith.constant 3 : i32
      %dma_wait3A_276 = arith.constant 3 : i32
      %dma_wait3A_277 = arith.constant 0 : i32
      %dma_wait3A_278 = arith.constant 0 : i32
      %dma_wait3A_279 = tpu.memref_slice %arg8[%dma_wait3A_276, %dma_wait3A_277, %dma_wait3A_278] : memref<8x128x16xf32, #tpu.memory_space<vmem>> -> memref<1x128x16xf32, #tpu.memory_space<vmem>>
      %dma_wait3A_280 = tpu.memref_squeeze %dma_wait3A_279 : memref<1x128x16xf32, #tpu.memory_space<vmem>> -> memref<128x16xf32, #tpu.memory_space<vmem>>
      %dma_wait3A_281 = arith.constant 0 : i32
      %dma_wait3A_282 = tpu.memref_slice %arg6[%dma_wait3A_275, %dma_wait3A_281] : memref<8x128xi32, #tpu.memory_space<vmem>> -> memref<1x128xi32, #tpu.memory_space<vmem>>
      %dma_wait3A_283 = tpu.memref_squeeze %dma_wait3A_282 : memref<1x128xi32, #tpu.memory_space<vmem>> -> memref<128xi32, #tpu.memory_space<vmem>>
      %dma_wait3A_284 = arith.constant 0 : i32
      %dma_wait3A_285 = arith.constant 0 : i32
      %dma_wait3A_286 = tpu.memref_slice %arg2[%dma_wait3A_284, %dma_wait3A_285] : memref<100000x16xf32, #tpu.memory_space<hbm>> -> memref<100000x16xf32, #tpu.memory_space<hbm>>
      tpu.wait_indirect_dma semaphore(%arg11 : memref<!tpu.dma_semaphore, #tpu.memory_space<semaphore_mem>>) src(%dma_wait3A_286 : memref<100000x16xf32, #tpu.memory_space<hbm>>) dst(%dma_wait3A_280 : memref<128x16xf32, #tpu.memory_space<vmem>>)
      %dma_start3A_287 = arith.constant 0 : i32
      %dma_start3A_288 = arith.constant 0 : i32
      %dma_start3A_289 = arith.constant 0 : i32
      %dma_start3A_290 = arith.constant 0 : i32
      %dma_start3A_291 = tpu.memref_slice %arg8[%dma_start3A_287, %dma_start3A_289, %dma_start3A_290] : memref<8x128x16xf32, #tpu.memory_space<vmem>> -> memref<1x128x16xf32, #tpu.memory_space<vmem>>
      %dma_start3A_292 = tpu.memref_squeeze %dma_start3A_291 : memref<1x128x16xf32, #tpu.memory_space<vmem>> -> memref<128x16xf32, #tpu.memory_space<vmem>>
      %dma_start3A_293 = arith.constant 0 : i32
      %dma_start3A_294 = tpu.memref_slice %arg7[%dma_start3A_288, %dma_start3A_293] : memref<8x128xi32, #tpu.memory_space<vmem>> -> memref<1x128xi32, #tpu.memory_space<vmem>>
      %dma_start3A_295 = tpu.memref_squeeze %dma_start3A_294 : memref<1x128xi32, #tpu.memory_space<vmem>> -> memref<128xi32, #tpu.memory_space<vmem>>
      %dma_start3A_296 = arith.constant 0 : i32
      %dma_start3A_297 = arith.constant 0 : i32
      %dma_start3A_298 = tpu.memref_slice %arg10[%dma_start3A_296, %dma_start3A_297] : memref<100352x16xf32, #tpu.memory_space<vmem_shared>> -> memref<100352x16xf32, #tpu.memory_space<vmem_shared>>
      tpu.enqueue_indirect_dma source(%dma_start3A_292 : memref<128x16xf32, #tpu.memory_space<vmem>>) target(%dma_start3A_298 : memref<100352x16xf32, #tpu.memory_space<vmem_shared>>) offsets(%dma_start3A_295 : memref<128xi32, #tpu.memory_space<vmem>>) semaphore(%arg13 : memref<!tpu.dma_semaphore, #tpu.memory_space<semaphore_mem>>) {add = true}
      %dma_start3A_299 = arith.constant 1 : i32
      %dma_start3A_300 = arith.constant 1 : i32
      %dma_start3A_301 = arith.constant 0 : i32
      %dma_start3A_302 = arith.constant 0 : i32
      %dma_start3A_303 = tpu.memref_slice %arg8[%dma_start3A_299, %dma_start3A_301, %dma_start3A_302] : memref<8x128x16xf32, #tpu.memory_space<vmem>> -> memref<1x128x16xf32, #tpu.memory_space<vmem>>
      %dma_start3A_304 = tpu.memref_squeeze %dma_start3A_303 : memref<1x128x16xf32, #tpu.memory_space<vmem>> -> memref<128x16xf32, #tpu.memory_space<vmem>>
      %dma_start3A_305 = arith.constant 0 : i32
      %dma_start3A_306 = tpu.memref_slice %arg7[%dma_start3A_300, %dma_start3A_305] : memref<8x128xi32, #tpu.memory_space<vmem>> -> memref<1x128xi32, #tpu.memory_space<vmem>>
      %dma_start3A_307 = tpu.memref_squeeze %dma_start3A_306 : memref<1x128xi32, #tpu.memory_space<vmem>> -> memref<128xi32, #tpu.memory_space<vmem>>
      %dma_start3A_308 = arith.constant 0 : i32
      %dma_start3A_309 = arith.constant 0 : i32
      %dma_start3A_310 = tpu.memref_slice %arg10[%dma_start3A_308, %dma_start3A_309] : memref<100352x16xf32, #tpu.memory_space<vmem_shared>> -> memref<100352x16xf32, #tpu.memory_space<vmem_shared>>
      tpu.enqueue_indirect_dma source(%dma_start3A_304 : memref<128x16xf32, #tpu.memory_space<vmem>>) target(%dma_start3A_310 : memref<100352x16xf32, #tpu.memory_space<vmem_shared>>) offsets(%dma_start3A_307 : memref<128xi32, #tpu.memory_space<vmem>>) semaphore(%arg13 : memref<!tpu.dma_semaphore, #tpu.memory_space<semaphore_mem>>) {add = true}
      %dma_start3A_311 = arith.constant 2 : i32
      %dma_start3A_312 = arith.constant 2 : i32
      %dma_start3A_313 = arith.constant 0 : i32
      %dma_start3A_314 = arith.constant 0 : i32
      %dma_start3A_315 = tpu.memref_slice %arg8[%dma_start3A_311, %dma_start3A_313, %dma_start3A_314] : memref<8x128x16xf32, #tpu.memory_space<vmem>> -> memref<1x128x16xf32, #tpu.memory_space<vmem>>
      %dma_start3A_316 = tpu.memref_squeeze %dma_start3A_315 : memref<1x128x16xf32, #tpu.memory_space<vmem>> -> memref<128x16xf32, #tpu.memory_space<vmem>>
      %dma_start3A_317 = arith.constant 0 : i32
      %dma_start3A_318 = tpu.memref_slice %arg7[%dma_start3A_312, %dma_start3A_317] : memref<8x128xi32, #tpu.memory_space<vmem>> -> memref<1x128xi32, #tpu.memory_space<vmem>>
      %dma_start3A_319 = tpu.memref_squeeze %dma_start3A_318 : memref<1x128xi32, #tpu.memory_space<vmem>> -> memref<128xi32, #tpu.memory_space<vmem>>
      %dma_start3A_320 = arith.constant 0 : i32
      %dma_start3A_321 = arith.constant 0 : i32
      %dma_start3A_322 = tpu.memref_slice %arg10[%dma_start3A_320, %dma_start3A_321] : memref<100352x16xf32, #tpu.memory_space<vmem_shared>> -> memref<100352x16xf32, #tpu.memory_space<vmem_shared>>
      tpu.enqueue_indirect_dma source(%dma_start3A_316 : memref<128x16xf32, #tpu.memory_space<vmem>>) target(%dma_start3A_322 : memref<100352x16xf32, #tpu.memory_space<vmem_shared>>) offsets(%dma_start3A_319 : memref<128xi32, #tpu.memory_space<vmem>>) semaphore(%arg13 : memref<!tpu.dma_semaphore, #tpu.memory_space<semaphore_mem>>) {add = true}
      %dma_start3A_323 = arith.constant 3 : i32
      %dma_start3A_324 = arith.constant 3 : i32
      %dma_start3A_325 = arith.constant 0 : i32
      %dma_start3A_326 = arith.constant 0 : i32
      %dma_start3A_327 = tpu.memref_slice %arg8[%dma_start3A_323, %dma_start3A_325, %dma_start3A_326] : memref<8x128x16xf32, #tpu.memory_space<vmem>> -> memref<1x128x16xf32, #tpu.memory_space<vmem>>
      %dma_start3A_328 = tpu.memref_squeeze %dma_start3A_327 : memref<1x128x16xf32, #tpu.memory_space<vmem>> -> memref<128x16xf32, #tpu.memory_space<vmem>>
      %dma_start3A_329 = arith.constant 0 : i32
      %dma_start3A_330 = tpu.memref_slice %arg7[%dma_start3A_324, %dma_start3A_329] : memref<8x128xi32, #tpu.memory_space<vmem>> -> memref<1x128xi32, #tpu.memory_space<vmem>>
      %dma_start3A_331 = tpu.memref_squeeze %dma_start3A_330 : memref<1x128xi32, #tpu.memory_space<vmem>> -> memref<128xi32, #tpu.memory_space<vmem>>
      %dma_start3A_332 = arith.constant 0 : i32
      %dma_start3A_333 = arith.constant 0 : i32
      %dma_start3A_334 = tpu.memref_slice %arg10[%dma_start3A_332, %dma_start3A_333] : memref<100352x16xf32, #tpu.memory_space<vmem_shared>> -> memref<100352x16xf32, #tpu.memory_space<vmem_shared>>
      tpu.enqueue_indirect_dma source(%dma_start3A_328 : memref<128x16xf32, #tpu.memory_space<vmem>>) target(%dma_start3A_334 : memref<100352x16xf32, #tpu.memory_space<vmem_shared>>) offsets(%dma_start3A_331 : memref<128xi32, #tpu.memory_space<vmem>>) semaphore(%arg13 : memref<!tpu.dma_semaphore, #tpu.memory_space<semaphore_mem>>) {add = true}
      %dma_wait3A_335 = arith.constant 4 : i32
      %dma_wait3A_336 = arith.constant 4 : i32
      %dma_wait3A_337 = arith.constant 0 : i32
      %dma_wait3A_338 = arith.constant 0 : i32
      %dma_wait3A_339 = tpu.memref_slice %arg8[%dma_wait3A_336, %dma_wait3A_337, %dma_wait3A_338] : memref<8x128x16xf32, #tpu.memory_space<vmem>> -> memref<1x128x16xf32, #tpu.memory_space<vmem>>
      %dma_wait3A_340 = tpu.memref_squeeze %dma_wait3A_339 : memref<1x128x16xf32, #tpu.memory_space<vmem>> -> memref<128x16xf32, #tpu.memory_space<vmem>>
      %dma_wait3A_341 = arith.constant 0 : i32
      %dma_wait3A_342 = tpu.memref_slice %arg6[%dma_wait3A_335, %dma_wait3A_341] : memref<8x128xi32, #tpu.memory_space<vmem>> -> memref<1x128xi32, #tpu.memory_space<vmem>>
      %dma_wait3A_343 = tpu.memref_squeeze %dma_wait3A_342 : memref<1x128xi32, #tpu.memory_space<vmem>> -> memref<128xi32, #tpu.memory_space<vmem>>
      %dma_wait3A_344 = arith.constant 0 : i32
      %dma_wait3A_345 = arith.constant 0 : i32
      %dma_wait3A_346 = tpu.memref_slice %arg2[%dma_wait3A_344, %dma_wait3A_345] : memref<100000x16xf32, #tpu.memory_space<hbm>> -> memref<100000x16xf32, #tpu.memory_space<hbm>>
      tpu.wait_indirect_dma semaphore(%arg12 : memref<!tpu.dma_semaphore, #tpu.memory_space<semaphore_mem>>) src(%dma_wait3A_346 : memref<100000x16xf32, #tpu.memory_space<hbm>>) dst(%dma_wait3A_340 : memref<128x16xf32, #tpu.memory_space<vmem>>)
      %dma_wait3A_347 = arith.constant 5 : i32
      %dma_wait3A_348 = arith.constant 5 : i32
      %dma_wait3A_349 = arith.constant 0 : i32
      %dma_wait3A_350 = arith.constant 0 : i32
      %dma_wait3A_351 = tpu.memref_slice %arg8[%dma_wait3A_348, %dma_wait3A_349, %dma_wait3A_350] : memref<8x128x16xf32, #tpu.memory_space<vmem>> -> memref<1x128x16xf32, #tpu.memory_space<vmem>>
      %dma_wait3A_352 = tpu.memref_squeeze %dma_wait3A_351 : memref<1x128x16xf32, #tpu.memory_space<vmem>> -> memref<128x16xf32, #tpu.memory_space<vmem>>
      %dma_wait3A_353 = arith.constant 0 : i32
      %dma_wait3A_354 = tpu.memref_slice %arg6[%dma_wait3A_347, %dma_wait3A_353] : memref<8x128xi32, #tpu.memory_space<vmem>> -> memref<1x128xi32, #tpu.memory_space<vmem>>
      %dma_wait3A_355 = tpu.memref_squeeze %dma_wait3A_354 : memref<1x128xi32, #tpu.memory_space<vmem>> -> memref<128xi32, #tpu.memory_space<vmem>>
      %dma_wait3A_356 = arith.constant 0 : i32
      %dma_wait3A_357 = arith.constant 0 : i32
      %dma_wait3A_358 = tpu.memref_slice %arg2[%dma_wait3A_356, %dma_wait3A_357] : memref<100000x16xf32, #tpu.memory_space<hbm>> -> memref<100000x16xf32, #tpu.memory_space<hbm>>
      tpu.wait_indirect_dma semaphore(%arg12 : memref<!tpu.dma_semaphore, #tpu.memory_space<semaphore_mem>>) src(%dma_wait3A_358 : memref<100000x16xf32, #tpu.memory_space<hbm>>) dst(%dma_wait3A_352 : memref<128x16xf32, #tpu.memory_space<vmem>>)
      %dma_wait3A_359 = arith.constant 6 : i32
      %dma_wait3A_360 = arith.constant 6 : i32
      %dma_wait3A_361 = arith.constant 0 : i32
      %dma_wait3A_362 = arith.constant 0 : i32
      %dma_wait3A_363 = tpu.memref_slice %arg8[%dma_wait3A_360, %dma_wait3A_361, %dma_wait3A_362] : memref<8x128x16xf32, #tpu.memory_space<vmem>> -> memref<1x128x16xf32, #tpu.memory_space<vmem>>
      %dma_wait3A_364 = tpu.memref_squeeze %dma_wait3A_363 : memref<1x128x16xf32, #tpu.memory_space<vmem>> -> memref<128x16xf32, #tpu.memory_space<vmem>>
      %dma_wait3A_365 = arith.constant 0 : i32
      %dma_wait3A_366 = tpu.memref_slice %arg6[%dma_wait3A_359, %dma_wait3A_365] : memref<8x128xi32, #tpu.memory_space<vmem>> -> memref<1x128xi32, #tpu.memory_space<vmem>>
      %dma_wait3A_367 = tpu.memref_squeeze %dma_wait3A_366 : memref<1x128xi32, #tpu.memory_space<vmem>> -> memref<128xi32, #tpu.memory_space<vmem>>
      %dma_wait3A_368 = arith.constant 0 : i32
      %dma_wait3A_369 = arith.constant 0 : i32
      %dma_wait3A_370 = tpu.memref_slice %arg2[%dma_wait3A_368, %dma_wait3A_369] : memref<100000x16xf32, #tpu.memory_space<hbm>> -> memref<100000x16xf32, #tpu.memory_space<hbm>>
      tpu.wait_indirect_dma semaphore(%arg12 : memref<!tpu.dma_semaphore, #tpu.memory_space<semaphore_mem>>) src(%dma_wait3A_370 : memref<100000x16xf32, #tpu.memory_space<hbm>>) dst(%dma_wait3A_364 : memref<128x16xf32, #tpu.memory_space<vmem>>)
      %dma_wait3A_371 = arith.constant 7 : i32
      %dma_wait3A_372 = arith.constant 7 : i32
      %dma_wait3A_373 = arith.constant 0 : i32
      %dma_wait3A_374 = arith.constant 0 : i32
      %dma_wait3A_375 = tpu.memref_slice %arg8[%dma_wait3A_372, %dma_wait3A_373, %dma_wait3A_374] : memref<8x128x16xf32, #tpu.memory_space<vmem>> -> memref<1x128x16xf32, #tpu.memory_space<vmem>>
      %dma_wait3A_376 = tpu.memref_squeeze %dma_wait3A_375 : memref<1x128x16xf32, #tpu.memory_space<vmem>> -> memref<128x16xf32, #tpu.memory_space<vmem>>
      %dma_wait3A_377 = arith.constant 0 : i32
      %dma_wait3A_378 = tpu.memref_slice %arg6[%dma_wait3A_371, %dma_wait3A_377] : memref<8x128xi32, #tpu.memory_space<vmem>> -> memref<1x128xi32, #tpu.memory_space<vmem>>
      %dma_wait3A_379 = tpu.memref_squeeze %dma_wait3A_378 : memref<1x128xi32, #tpu.memory_space<vmem>> -> memref<128xi32, #tpu.memory_space<vmem>>
      %dma_wait3A_380 = arith.constant 0 : i32
      %dma_wait3A_381 = arith.constant 0 : i32
      %dma_wait3A_382 = tpu.memref_slice %arg2[%dma_wait3A_380, %dma_wait3A_381] : memref<100000x16xf32, #tpu.memory_space<hbm>> -> memref<100000x16xf32, #tpu.memory_space<hbm>>
      tpu.wait_indirect_dma semaphore(%arg12 : memref<!tpu.dma_semaphore, #tpu.memory_space<semaphore_mem>>) src(%dma_wait3A_382 : memref<100000x16xf32, #tpu.memory_space<hbm>>) dst(%dma_wait3A_376 : memref<128x16xf32, #tpu.memory_space<vmem>>)
      %dma_start3A_383 = arith.constant 4 : i32
      %dma_start3A_384 = arith.constant 4 : i32
      %dma_start3A_385 = arith.constant 0 : i32
      %dma_start3A_386 = arith.constant 0 : i32
      %dma_start3A_387 = tpu.memref_slice %arg8[%dma_start3A_383, %dma_start3A_385, %dma_start3A_386] : memref<8x128x16xf32, #tpu.memory_space<vmem>> -> memref<1x128x16xf32, #tpu.memory_space<vmem>>
      %dma_start3A_388 = tpu.memref_squeeze %dma_start3A_387 : memref<1x128x16xf32, #tpu.memory_space<vmem>> -> memref<128x16xf32, #tpu.memory_space<vmem>>
      %dma_start3A_389 = arith.constant 0 : i32
      %dma_start3A_390 = tpu.memref_slice %arg7[%dma_start3A_384, %dma_start3A_389] : memref<8x128xi32, #tpu.memory_space<vmem>> -> memref<1x128xi32, #tpu.memory_space<vmem>>
      %dma_start3A_391 = tpu.memref_squeeze %dma_start3A_390 : memref<1x128xi32, #tpu.memory_space<vmem>> -> memref<128xi32, #tpu.memory_space<vmem>>
      %dma_start3A_392 = arith.constant 0 : i32
      %dma_start3A_393 = arith.constant 0 : i32
      %dma_start3A_394 = tpu.memref_slice %arg10[%dma_start3A_392, %dma_start3A_393] : memref<100352x16xf32, #tpu.memory_space<vmem_shared>> -> memref<100352x16xf32, #tpu.memory_space<vmem_shared>>
      tpu.enqueue_indirect_dma source(%dma_start3A_388 : memref<128x16xf32, #tpu.memory_space<vmem>>) target(%dma_start3A_394 : memref<100352x16xf32, #tpu.memory_space<vmem_shared>>) offsets(%dma_start3A_391 : memref<128xi32, #tpu.memory_space<vmem>>) semaphore(%arg13 : memref<!tpu.dma_semaphore, #tpu.memory_space<semaphore_mem>>) {add = true}
      %dma_start3A_395 = arith.constant 5 : i32
      %dma_start3A_396 = arith.constant 5 : i32
      %dma_start3A_397 = arith.constant 0 : i32
      %dma_start3A_398 = arith.constant 0 : i32
      %dma_start3A_399 = tpu.memref_slice %arg8[%dma_start3A_395, %dma_start3A_397, %dma_start3A_398] : memref<8x128x16xf32, #tpu.memory_space<vmem>> -> memref<1x128x16xf32, #tpu.memory_space<vmem>>
      %dma_start3A_400 = tpu.memref_squeeze %dma_start3A_399 : memref<1x128x16xf32, #tpu.memory_space<vmem>> -> memref<128x16xf32, #tpu.memory_space<vmem>>
      %dma_start3A_401 = arith.constant 0 : i32
      %dma_start3A_402 = tpu.memref_slice %arg7[%dma_start3A_396, %dma_start3A_401] : memref<8x128xi32, #tpu.memory_space<vmem>> -> memref<1x128xi32, #tpu.memory_space<vmem>>
      %dma_start3A_403 = tpu.memref_squeeze %dma_start3A_402 : memref<1x128xi32, #tpu.memory_space<vmem>> -> memref<128xi32, #tpu.memory_space<vmem>>
      %dma_start3A_404 = arith.constant 0 : i32
      %dma_start3A_405 = arith.constant 0 : i32
      %dma_start3A_406 = tpu.memref_slice %arg10[%dma_start3A_404, %dma_start3A_405] : memref<100352x16xf32, #tpu.memory_space<vmem_shared>> -> memref<100352x16xf32, #tpu.memory_space<vmem_shared>>
      tpu.enqueue_indirect_dma source(%dma_start3A_400 : memref<128x16xf32, #tpu.memory_space<vmem>>) target(%dma_start3A_406 : memref<100352x16xf32, #tpu.memory_space<vmem_shared>>) offsets(%dma_start3A_403 : memref<128xi32, #tpu.memory_space<vmem>>) semaphore(%arg13 : memref<!tpu.dma_semaphore, #tpu.memory_space<semaphore_mem>>) {add = true}
      %dma_start3A_407 = arith.constant 6 : i32
      %dma_start3A_408 = arith.constant 6 : i32
      %dma_start3A_409 = arith.constant 0 : i32
      %dma_start3A_410 = arith.constant 0 : i32
      %dma_start3A_411 = tpu.memref_slice %arg8[%dma_start3A_407, %dma_start3A_409, %dma_start3A_410] : memref<8x128x16xf32, #tpu.memory_space<vmem>> -> memref<1x128x16xf32, #tpu.memory_space<vmem>>
      %dma_start3A_412 = tpu.memref_squeeze %dma_start3A_411 : memref<1x128x16xf32, #tpu.memory_space<vmem>> -> memref<128x16xf32, #tpu.memory_space<vmem>>
      %dma_start3A_413 = arith.constant 0 : i32
      %dma_start3A_414 = tpu.memref_slice %arg7[%dma_start3A_408, %dma_start3A_413] : memref<8x128xi32, #tpu.memory_space<vmem>> -> memref<1x128xi32, #tpu.memory_space<vmem>>
      %dma_start3A_415 = tpu.memref_squeeze %dma_start3A_414 : memref<1x128xi32, #tpu.memory_space<vmem>> -> memref<128xi32, #tpu.memory_space<vmem>>
      %dma_start3A_416 = arith.constant 0 : i32
      %dma_start3A_417 = arith.constant 0 : i32
      %dma_start3A_418 = tpu.memref_slice %arg10[%dma_start3A_416, %dma_start3A_417] : memref<100352x16xf32, #tpu.memory_space<vmem_shared>> -> memref<100352x16xf32, #tpu.memory_space<vmem_shared>>
      tpu.enqueue_indirect_dma source(%dma_start3A_412 : memref<128x16xf32, #tpu.memory_space<vmem>>) target(%dma_start3A_418 : memref<100352x16xf32, #tpu.memory_space<vmem_shared>>) offsets(%dma_start3A_415 : memref<128xi32, #tpu.memory_space<vmem>>) semaphore(%arg13 : memref<!tpu.dma_semaphore, #tpu.memory_space<semaphore_mem>>) {add = true}
      %dma_start3A_419 = arith.constant 7 : i32
      %dma_start3A_420 = arith.constant 7 : i32
      %dma_start3A_421 = arith.constant 0 : i32
      %dma_start3A_422 = arith.constant 0 : i32
      %dma_start3A_423 = tpu.memref_slice %arg8[%dma_start3A_419, %dma_start3A_421, %dma_start3A_422] : memref<8x128x16xf32, #tpu.memory_space<vmem>> -> memref<1x128x16xf32, #tpu.memory_space<vmem>>
      %dma_start3A_424 = tpu.memref_squeeze %dma_start3A_423 : memref<1x128x16xf32, #tpu.memory_space<vmem>> -> memref<128x16xf32, #tpu.memory_space<vmem>>
      %dma_start3A_425 = arith.constant 0 : i32
      %dma_start3A_426 = tpu.memref_slice %arg7[%dma_start3A_420, %dma_start3A_425] : memref<8x128xi32, #tpu.memory_space<vmem>> -> memref<1x128xi32, #tpu.memory_space<vmem>>
      %dma_start3A_427 = tpu.memref_squeeze %dma_start3A_426 : memref<1x128xi32, #tpu.memory_space<vmem>> -> memref<128xi32, #tpu.memory_space<vmem>>
      %dma_start3A_428 = arith.constant 0 : i32
      %dma_start3A_429 = arith.constant 0 : i32
      %dma_start3A_430 = tpu.memref_slice %arg10[%dma_start3A_428, %dma_start3A_429] : memref<100352x16xf32, #tpu.memory_space<vmem_shared>> -> memref<100352x16xf32, #tpu.memory_space<vmem_shared>>
      tpu.enqueue_indirect_dma source(%dma_start3A_424 : memref<128x16xf32, #tpu.memory_space<vmem>>) target(%dma_start3A_430 : memref<100352x16xf32, #tpu.memory_space<vmem_shared>>) offsets(%dma_start3A_427 : memref<128xi32, #tpu.memory_space<vmem>>) semaphore(%arg13 : memref<!tpu.dma_semaphore, #tpu.memory_space<semaphore_mem>>) {add = true}
      %dma_wait3A_431 = arith.constant 0 : i32
      %dma_wait3A_432 = arith.constant 0 : i32
      %dma_wait3A_433 = arith.constant 0 : i32
      %dma_wait3A_434 = arith.constant 0 : i32
      %dma_wait3A_435 = tpu.memref_slice %arg8[%dma_wait3A_431, %dma_wait3A_433, %dma_wait3A_434] : memref<8x128x16xf32, #tpu.memory_space<vmem>> -> memref<1x128x16xf32, #tpu.memory_space<vmem>>
      %dma_wait3A_436 = tpu.memref_squeeze %dma_wait3A_435 : memref<1x128x16xf32, #tpu.memory_space<vmem>> -> memref<128x16xf32, #tpu.memory_space<vmem>>
      %dma_wait3A_437 = arith.constant 0 : i32
      %dma_wait3A_438 = tpu.memref_slice %arg7[%dma_wait3A_432, %dma_wait3A_437] : memref<8x128xi32, #tpu.memory_space<vmem>> -> memref<1x128xi32, #tpu.memory_space<vmem>>
      %dma_wait3A_439 = tpu.memref_squeeze %dma_wait3A_438 : memref<1x128xi32, #tpu.memory_space<vmem>> -> memref<128xi32, #tpu.memory_space<vmem>>
      %dma_wait3A_440 = arith.constant 0 : i32
      %dma_wait3A_441 = arith.constant 0 : i32
      %dma_wait3A_442 = tpu.memref_slice %arg10[%dma_wait3A_440, %dma_wait3A_441] : memref<100352x16xf32, #tpu.memory_space<vmem_shared>> -> memref<100352x16xf32, #tpu.memory_space<vmem_shared>>
      tpu.wait_indirect_dma semaphore(%arg13 : memref<!tpu.dma_semaphore, #tpu.memory_space<semaphore_mem>>) src(%dma_wait3A_436 : memref<128x16xf32, #tpu.memory_space<vmem>>) dst(%dma_wait3A_442 : memref<100352x16xf32, #tpu.memory_space<vmem_shared>>)
      %dma_wait3A_443 = arith.constant 1 : i32
      %dma_wait3A_444 = arith.constant 1 : i32
      %dma_wait3A_445 = arith.constant 0 : i32
      %dma_wait3A_446 = arith.constant 0 : i32
      %dma_wait3A_447 = tpu.memref_slice %arg8[%dma_wait3A_443, %dma_wait3A_445, %dma_wait3A_446] : memref<8x128x16xf32, #tpu.memory_space<vmem>> -> memref<1x128x16xf32, #tpu.memory_space<vmem>>
      %dma_wait3A_448 = tpu.memref_squeeze %dma_wait3A_447 : memref<1x128x16xf32, #tpu.memory_space<vmem>> -> memref<128x16xf32, #tpu.memory_space<vmem>>
      %dma_wait3A_449 = arith.constant 0 : i32
      %dma_wait3A_450 = tpu.memref_slice %arg7[%dma_wait3A_444, %dma_wait3A_449] : memref<8x128xi32, #tpu.memory_space<vmem>> -> memref<1x128xi32, #tpu.memory_space<vmem>>
      %dma_wait3A_451 = tpu.memref_squeeze %dma_wait3A_450 : memref<1x128xi32, #tpu.memory_space<vmem>> -> memref<128xi32, #tpu.memory_space<vmem>>
      %dma_wait3A_452 = arith.constant 0 : i32
      %dma_wait3A_453 = arith.constant 0 : i32
      %dma_wait3A_454 = tpu.memref_slice %arg10[%dma_wait3A_452, %dma_wait3A_453] : memref<100352x16xf32, #tpu.memory_space<vmem_shared>> -> memref<100352x16xf32, #tpu.memory_space<vmem_shared>>
      tpu.wait_indirect_dma semaphore(%arg13 : memref<!tpu.dma_semaphore, #tpu.memory_space<semaphore_mem>>) src(%dma_wait3A_448 : memref<128x16xf32, #tpu.memory_space<vmem>>) dst(%dma_wait3A_454 : memref<100352x16xf32, #tpu.memory_space<vmem_shared>>)
      %dma_wait3A_455 = arith.constant 2 : i32
      %dma_wait3A_456 = arith.constant 2 : i32
      %dma_wait3A_457 = arith.constant 0 : i32
      %dma_wait3A_458 = arith.constant 0 : i32
      %dma_wait3A_459 = tpu.memref_slice %arg8[%dma_wait3A_455, %dma_wait3A_457, %dma_wait3A_458] : memref<8x128x16xf32, #tpu.memory_space<vmem>> -> memref<1x128x16xf32, #tpu.memory_space<vmem>>
      %dma_wait3A_460 = tpu.memref_squeeze %dma_wait3A_459 : memref<1x128x16xf32, #tpu.memory_space<vmem>> -> memref<128x16xf32, #tpu.memory_space<vmem>>
      %dma_wait3A_461 = arith.constant 0 : i32
      %dma_wait3A_462 = tpu.memref_slice %arg7[%dma_wait3A_456, %dma_wait3A_461] : memref<8x128xi32, #tpu.memory_space<vmem>> -> memref<1x128xi32, #tpu.memory_space<vmem>>
      %dma_wait3A_463 = tpu.memref_squeeze %dma_wait3A_462 : memref<1x128xi32, #tpu.memory_space<vmem>> -> memref<128xi32, #tpu.memory_space<vmem>>
      %dma_wait3A_464 = arith.constant 0 : i32
      %dma_wait3A_465 = arith.constant 0 : i32
      %dma_wait3A_466 = tpu.memref_slice %arg10[%dma_wait3A_464, %dma_wait3A_465] : memref<100352x16xf32, #tpu.memory_space<vmem_shared>> -> memref<100352x16xf32, #tpu.memory_space<vmem_shared>>
      tpu.wait_indirect_dma semaphore(%arg13 : memref<!tpu.dma_semaphore, #tpu.memory_space<semaphore_mem>>) src(%dma_wait3A_460 : memref<128x16xf32, #tpu.memory_space<vmem>>) dst(%dma_wait3A_466 : memref<100352x16xf32, #tpu.memory_space<vmem_shared>>)
      %dma_wait3A_467 = arith.constant 3 : i32
      %dma_wait3A_468 = arith.constant 3 : i32
      %dma_wait3A_469 = arith.constant 0 : i32
      %dma_wait3A_470 = arith.constant 0 : i32
      %dma_wait3A_471 = tpu.memref_slice %arg8[%dma_wait3A_467, %dma_wait3A_469, %dma_wait3A_470] : memref<8x128x16xf32, #tpu.memory_space<vmem>> -> memref<1x128x16xf32, #tpu.memory_space<vmem>>
      %dma_wait3A_472 = tpu.memref_squeeze %dma_wait3A_471 : memref<1x128x16xf32, #tpu.memory_space<vmem>> -> memref<128x16xf32, #tpu.memory_space<vmem>>
      %dma_wait3A_473 = arith.constant 0 : i32
      %dma_wait3A_474 = tpu.memref_slice %arg7[%dma_wait3A_468, %dma_wait3A_473] : memref<8x128xi32, #tpu.memory_space<vmem>> -> memref<1x128xi32, #tpu.memory_space<vmem>>
      %dma_wait3A_475 = tpu.memref_squeeze %dma_wait3A_474 : memref<1x128xi32, #tpu.memory_space<vmem>> -> memref<128xi32, #tpu.memory_space<vmem>>
      %dma_wait3A_476 = arith.constant 0 : i32
      %dma_wait3A_477 = arith.constant 0 : i32
      %dma_wait3A_478 = tpu.memref_slice %arg10[%dma_wait3A_476, %dma_wait3A_477] : memref<100352x16xf32, #tpu.memory_space<vmem_shared>> -> memref<100352x16xf32, #tpu.memory_space<vmem_shared>>
      tpu.wait_indirect_dma semaphore(%arg13 : memref<!tpu.dma_semaphore, #tpu.memory_space<semaphore_mem>>) src(%dma_wait3A_472 : memref<128x16xf32, #tpu.memory_space<vmem>>) dst(%dma_wait3A_478 : memref<100352x16xf32, #tpu.memory_space<vmem_shared>>)
      %dma_wait3A_479 = arith.constant 4 : i32
      %dma_wait3A_480 = arith.constant 4 : i32
      %dma_wait3A_481 = arith.constant 0 : i32
      %dma_wait3A_482 = arith.constant 0 : i32
      %dma_wait3A_483 = tpu.memref_slice %arg8[%dma_wait3A_479, %dma_wait3A_481, %dma_wait3A_482] : memref<8x128x16xf32, #tpu.memory_space<vmem>> -> memref<1x128x16xf32, #tpu.memory_space<vmem>>
      %dma_wait3A_484 = tpu.memref_squeeze %dma_wait3A_483 : memref<1x128x16xf32, #tpu.memory_space<vmem>> -> memref<128x16xf32, #tpu.memory_space<vmem>>
      %dma_wait3A_485 = arith.constant 0 : i32
      %dma_wait3A_486 = tpu.memref_slice %arg7[%dma_wait3A_480, %dma_wait3A_485] : memref<8x128xi32, #tpu.memory_space<vmem>> -> memref<1x128xi32, #tpu.memory_space<vmem>>
      %dma_wait3A_487 = tpu.memref_squeeze %dma_wait3A_486 : memref<1x128xi32, #tpu.memory_space<vmem>> -> memref<128xi32, #tpu.memory_space<vmem>>
      %dma_wait3A_488 = arith.constant 0 : i32
      %dma_wait3A_489 = arith.constant 0 : i32
      %dma_wait3A_490 = tpu.memref_slice %arg10[%dma_wait3A_488, %dma_wait3A_489] : memref<100352x16xf32, #tpu.memory_space<vmem_shared>> -> memref<100352x16xf32, #tpu.memory_space<vmem_shared>>
      tpu.wait_indirect_dma semaphore(%arg13 : memref<!tpu.dma_semaphore, #tpu.memory_space<semaphore_mem>>) src(%dma_wait3A_484 : memref<128x16xf32, #tpu.memory_space<vmem>>) dst(%dma_wait3A_490 : memref<100352x16xf32, #tpu.memory_space<vmem_shared>>)
      %dma_wait3A_491 = arith.constant 5 : i32
      %dma_wait3A_492 = arith.constant 5 : i32
      %dma_wait3A_493 = arith.constant 0 : i32
      %dma_wait3A_494 = arith.constant 0 : i32
      %dma_wait3A_495 = tpu.memref_slice %arg8[%dma_wait3A_491, %dma_wait3A_493, %dma_wait3A_494] : memref<8x128x16xf32, #tpu.memory_space<vmem>> -> memref<1x128x16xf32, #tpu.memory_space<vmem>>
      %dma_wait3A_496 = tpu.memref_squeeze %dma_wait3A_495 : memref<1x128x16xf32, #tpu.memory_space<vmem>> -> memref<128x16xf32, #tpu.memory_space<vmem>>
      %dma_wait3A_497 = arith.constant 0 : i32
      %dma_wait3A_498 = tpu.memref_slice %arg7[%dma_wait3A_492, %dma_wait3A_497] : memref<8x128xi32, #tpu.memory_space<vmem>> -> memref<1x128xi32, #tpu.memory_space<vmem>>
      %dma_wait3A_499 = tpu.memref_squeeze %dma_wait3A_498 : memref<1x128xi32, #tpu.memory_space<vmem>> -> memref<128xi32, #tpu.memory_space<vmem>>
      %dma_wait3A_500 = arith.constant 0 : i32
      %dma_wait3A_501 = arith.constant 0 : i32
      %dma_wait3A_502 = tpu.memref_slice %arg10[%dma_wait3A_500, %dma_wait3A_501] : memref<100352x16xf32, #tpu.memory_space<vmem_shared>> -> memref<100352x16xf32, #tpu.memory_space<vmem_shared>>
      tpu.wait_indirect_dma semaphore(%arg13 : memref<!tpu.dma_semaphore, #tpu.memory_space<semaphore_mem>>) src(%dma_wait3A_496 : memref<128x16xf32, #tpu.memory_space<vmem>>) dst(%dma_wait3A_502 : memref<100352x16xf32, #tpu.memory_space<vmem_shared>>)
      %dma_wait3A_503 = arith.constant 6 : i32
      %dma_wait3A_504 = arith.constant 6 : i32
      %dma_wait3A_505 = arith.constant 0 : i32
      %dma_wait3A_506 = arith.constant 0 : i32
      %dma_wait3A_507 = tpu.memref_slice %arg8[%dma_wait3A_503, %dma_wait3A_505, %dma_wait3A_506] : memref<8x128x16xf32, #tpu.memory_space<vmem>> -> memref<1x128x16xf32, #tpu.memory_space<vmem>>
      %dma_wait3A_508 = tpu.memref_squeeze %dma_wait3A_507 : memref<1x128x16xf32, #tpu.memory_space<vmem>> -> memref<128x16xf32, #tpu.memory_space<vmem>>
      %dma_wait3A_509 = arith.constant 0 : i32
      %dma_wait3A_510 = tpu.memref_slice %arg7[%dma_wait3A_504, %dma_wait3A_509] : memref<8x128xi32, #tpu.memory_space<vmem>> -> memref<1x128xi32, #tpu.memory_space<vmem>>
      %dma_wait3A_511 = tpu.memref_squeeze %dma_wait3A_510 : memref<1x128xi32, #tpu.memory_space<vmem>> -> memref<128xi32, #tpu.memory_space<vmem>>
      %dma_wait3A_512 = arith.constant 0 : i32
      %dma_wait3A_513 = arith.constant 0 : i32
      %dma_wait3A_514 = tpu.memref_slice %arg10[%dma_wait3A_512, %dma_wait3A_513] : memref<100352x16xf32, #tpu.memory_space<vmem_shared>> -> memref<100352x16xf32, #tpu.memory_space<vmem_shared>>
      tpu.wait_indirect_dma semaphore(%arg13 : memref<!tpu.dma_semaphore, #tpu.memory_space<semaphore_mem>>) src(%dma_wait3A_508 : memref<128x16xf32, #tpu.memory_space<vmem>>) dst(%dma_wait3A_514 : memref<100352x16xf32, #tpu.memory_space<vmem_shared>>)
      %dma_wait3A_515 = arith.constant 7 : i32
      %dma_wait3A_516 = arith.constant 7 : i32
      %dma_wait3A_517 = arith.constant 0 : i32
      %dma_wait3A_518 = arith.constant 0 : i32
      %dma_wait3A_519 = tpu.memref_slice %arg8[%dma_wait3A_515, %dma_wait3A_517, %dma_wait3A_518] : memref<8x128x16xf32, #tpu.memory_space<vmem>> -> memref<1x128x16xf32, #tpu.memory_space<vmem>>
      %dma_wait3A_520 = tpu.memref_squeeze %dma_wait3A_519 : memref<1x128x16xf32, #tpu.memory_space<vmem>> -> memref<128x16xf32, #tpu.memory_space<vmem>>
      %dma_wait3A_521 = arith.constant 0 : i32
      %dma_wait3A_522 = tpu.memref_slice %arg7[%dma_wait3A_516, %dma_wait3A_521] : memref<8x128xi32, #tpu.memory_space<vmem>> -> memref<1x128xi32, #tpu.memory_space<vmem>>
      %dma_wait3A_523 = tpu.memref_squeeze %dma_wait3A_522 : memref<1x128xi32, #tpu.memory_space<vmem>> -> memref<128xi32, #tpu.memory_space<vmem>>
      %dma_wait3A_524 = arith.constant 0 : i32
      %dma_wait3A_525 = arith.constant 0 : i32
      %dma_wait3A_526 = tpu.memref_slice %arg10[%dma_wait3A_524, %dma_wait3A_525] : memref<100352x16xf32, #tpu.memory_space<vmem_shared>> -> memref<100352x16xf32, #tpu.memory_space<vmem_shared>>
      tpu.wait_indirect_dma semaphore(%arg13 : memref<!tpu.dma_semaphore, #tpu.memory_space<semaphore_mem>>) src(%dma_wait3A_520 : memref<128x16xf32, #tpu.memory_space<vmem>>) dst(%dma_wait3A_526 : memref<100352x16xf32, #tpu.memory_space<vmem_shared>>)
      %while3A_527 = arith.constant 0 : i32
      scf.yield %while3A_527 : i32
    }
    %while3A_36 = arith.constant 1 : i32
    %while3A_37 = scf.for %while3A_135 = %while3A_33 to %while3A_29 step %while3A_36 iter_args(%while3A_136 = %while3A_35) -> (i32)  : i32 {
      %mul3A_137 = arith.constant 8 : i32
      %mul3A_138 = arith.muli %while3A_135, %mul3A_137 : i32
      %add3A_139 = arith.addi %add3A_21, %mul3A_138 : i32
      "tpu.region"() ({
        %run_scoped3A = tpu.sem_alloc : memref<!tpu.dma_semaphore, #tpu.memory_space<semaphore_mem>>
        %dma_start3A_528 = arith.constant 0 : i32
        %dma_start3A_529 = tpu.memref_slice %arg3[%add3A_139, %dma_start3A_528] : memref<12800x128xi32, #tpu.memory_space<hbm>> -> memref<8x128xi32, #tpu.memory_space<hbm>>
        %dma_start3A_530 = arith.constant 0 : i32
        %dma_start3A_531 = tpu.memref_slice %arg3[%add3A_139, %dma_start3A_530] : memref<12800x128xi32, #tpu.memory_space<hbm>> -> memref<8x128xi32, #tpu.memory_space<hbm>>
        tpu.enqueue_dma source(%dma_start3A_531 : memref<8x128xi32, #tpu.memory_space<hbm>>) target(%arg6 : memref<8x128xi32, #tpu.memory_space<vmem>>) target_semaphore(%run_scoped3A : memref<!tpu.dma_semaphore, #tpu.memory_space<semaphore_mem>>)
        %dma_wait3A_532 = arith.constant 0 : i32
        %dma_wait3A_533 = tpu.memref_slice %arg3[%add3A_139, %dma_wait3A_532] : memref<12800x128xi32, #tpu.memory_space<hbm>> -> memref<8x128xi32, #tpu.memory_space<hbm>>
        %dma_wait3A_534 = arith.constant 0 : i32
        %dma_wait3A_535 = tpu.memref_slice %arg3[%add3A_139, %dma_wait3A_534] : memref<12800x128xi32, #tpu.memory_space<hbm>> -> memref<8x128xi32, #tpu.memory_space<hbm>>
        tpu.wait_dma2 semaphore(%run_scoped3A : memref<!tpu.dma_semaphore, #tpu.memory_space<semaphore_mem>>) src(%dma_wait3A_535 : memref<8x128xi32, #tpu.memory_space<hbm>>) dst(%arg6 : memref<8x128xi32, #tpu.memory_space<vmem>>)
        tpu.yield
      }) : () -> ()
      %mul3A_140 = arith.constant 8 : i32
      %mul3A_141 = arith.muli %while3A_135, %mul3A_140 : i32
      %add3A_142 = arith.addi %add3A_21, %mul3A_141 : i32
      "tpu.region"() ({
        %run_scoped3A = tpu.sem_alloc : memref<!tpu.dma_semaphore, #tpu.memory_space<semaphore_mem>>
        %dma_start3A_528 = arith.constant 0 : i32
        %dma_start3A_529 = tpu.memref_slice %arg4[%add3A_142, %dma_start3A_528] : memref<12800x128xi32, #tpu.memory_space<hbm>> -> memref<8x128xi32, #tpu.memory_space<hbm>>
        %dma_start3A_530 = arith.constant 0 : i32
        %dma_start3A_531 = tpu.memref_slice %arg4[%add3A_142, %dma_start3A_530] : memref<12800x128xi32, #tpu.memory_space<hbm>> -> memref<8x128xi32, #tpu.memory_space<hbm>>
        tpu.enqueue_dma source(%dma_start3A_531 : memref<8x128xi32, #tpu.memory_space<hbm>>) target(%arg7 : memref<8x128xi32, #tpu.memory_space<vmem>>) target_semaphore(%run_scoped3A : memref<!tpu.dma_semaphore, #tpu.memory_space<semaphore_mem>>)
        %dma_wait3A_532 = arith.constant 0 : i32
        %dma_wait3A_533 = tpu.memref_slice %arg4[%add3A_142, %dma_wait3A_532] : memref<12800x128xi32, #tpu.memory_space<hbm>> -> memref<8x128xi32, #tpu.memory_space<hbm>>
        %dma_wait3A_534 = arith.constant 0 : i32
        %dma_wait3A_535 = tpu.memref_slice %arg4[%add3A_142, %dma_wait3A_534] : memref<12800x128xi32, #tpu.memory_space<hbm>> -> memref<8x128xi32, #tpu.memory_space<hbm>>
        tpu.wait_dma2 semaphore(%run_scoped3A : memref<!tpu.dma_semaphore, #tpu.memory_space<semaphore_mem>>) src(%dma_wait3A_535 : memref<8x128xi32, #tpu.memory_space<hbm>>) dst(%arg7 : memref<8x128xi32, #tpu.memory_space<vmem>>)
        tpu.yield
      }) : () -> ()
      %dma_start3A_143 = arith.constant 0 : i32
      %dma_start3A_144 = arith.constant 0 : i32
      %dma_start3A_145 = arith.constant 0 : i32
      %dma_start3A_146 = arith.constant 0 : i32
      %dma_start3A_147 = tpu.memref_slice %arg8[%dma_start3A_144, %dma_start3A_145, %dma_start3A_146] : memref<8x128x16xf32, #tpu.memory_space<vmem>> -> memref<1x128x16xf32, #tpu.memory_space<vmem>>
      %dma_start3A_148 = tpu.memref_squeeze %dma_start3A_147 : memref<1x128x16xf32, #tpu.memory_space<vmem>> -> memref<128x16xf32, #tpu.memory_space<vmem>>
      %dma_start3A_149 = arith.constant 0 : i32
      %dma_start3A_150 = tpu.memref_slice %arg6[%dma_start3A_143, %dma_start3A_149] : memref<8x128xi32, #tpu.memory_space<vmem>> -> memref<1x128xi32, #tpu.memory_space<vmem>>
      %dma_start3A_151 = tpu.memref_squeeze %dma_start3A_150 : memref<1x128xi32, #tpu.memory_space<vmem>> -> memref<128xi32, #tpu.memory_space<vmem>>
      %dma_start3A_152 = arith.constant 0 : i32
      %dma_start3A_153 = arith.constant 0 : i32
      %dma_start3A_154 = tpu.memref_slice %arg2[%dma_start3A_152, %dma_start3A_153] : memref<100000x16xf32, #tpu.memory_space<hbm>> -> memref<100000x16xf32, #tpu.memory_space<hbm>>
      tpu.enqueue_indirect_dma source(%dma_start3A_154 : memref<100000x16xf32, #tpu.memory_space<hbm>>) target(%dma_start3A_148 : memref<128x16xf32, #tpu.memory_space<vmem>>) offsets(%dma_start3A_151 : memref<128xi32, #tpu.memory_space<vmem>>) semaphore(%arg11 : memref<!tpu.dma_semaphore, #tpu.memory_space<semaphore_mem>>)
      %dma_start3A_155 = arith.constant 1 : i32
      %dma_start3A_156 = arith.constant 1 : i32
      %dma_start3A_157 = arith.constant 0 : i32
      %dma_start3A_158 = arith.constant 0 : i32
      %dma_start3A_159 = tpu.memref_slice %arg8[%dma_start3A_156, %dma_start3A_157, %dma_start3A_158] : memref<8x128x16xf32, #tpu.memory_space<vmem>> -> memref<1x128x16xf32, #tpu.memory_space<vmem>>
      %dma_start3A_160 = tpu.memref_squeeze %dma_start3A_159 : memref<1x128x16xf32, #tpu.memory_space<vmem>> -> memref<128x16xf32, #tpu.memory_space<vmem>>
      %dma_start3A_161 = arith.constant 0 : i32
      %dma_start3A_162 = tpu.memref_slice %arg6[%dma_start3A_155, %dma_start3A_161] : memref<8x128xi32, #tpu.memory_space<vmem>> -> memref<1x128xi32, #tpu.memory_space<vmem>>
      %dma_start3A_163 = tpu.memref_squeeze %dma_start3A_162 : memref<1x128xi32, #tpu.memory_space<vmem>> -> memref<128xi32, #tpu.memory_space<vmem>>
      %dma_start3A_164 = arith.constant 0 : i32
      %dma_start3A_165 = arith.constant 0 : i32
      %dma_start3A_166 = tpu.memref_slice %arg2[%dma_start3A_164, %dma_start3A_165] : memref<100000x16xf32, #tpu.memory_space<hbm>> -> memref<100000x16xf32, #tpu.memory_space<hbm>>
      tpu.enqueue_indirect_dma source(%dma_start3A_166 : memref<100000x16xf32, #tpu.memory_space<hbm>>) target(%dma_start3A_160 : memref<128x16xf32, #tpu.memory_space<vmem>>) offsets(%dma_start3A_163 : memref<128xi32, #tpu.memory_space<vmem>>) semaphore(%arg11 : memref<!tpu.dma_semaphore, #tpu.memory_space<semaphore_mem>>)
      %dma_start3A_167 = arith.constant 2 : i32
      %dma_start3A_168 = arith.constant 2 : i32
      %dma_start3A_169 = arith.constant 0 : i32
      %dma_start3A_170 = arith.constant 0 : i32
      %dma_start3A_171 = tpu.memref_slice %arg8[%dma_start3A_168, %dma_start3A_169, %dma_start3A_170] : memref<8x128x16xf32, #tpu.memory_space<vmem>> -> memref<1x128x16xf32, #tpu.memory_space<vmem>>
      %dma_start3A_172 = tpu.memref_squeeze %dma_start3A_171 : memref<1x128x16xf32, #tpu.memory_space<vmem>> -> memref<128x16xf32, #tpu.memory_space<vmem>>
      %dma_start3A_173 = arith.constant 0 : i32
      %dma_start3A_174 = tpu.memref_slice %arg6[%dma_start3A_167, %dma_start3A_173] : memref<8x128xi32, #tpu.memory_space<vmem>> -> memref<1x128xi32, #tpu.memory_space<vmem>>
      %dma_start3A_175 = tpu.memref_squeeze %dma_start3A_174 : memref<1x128xi32, #tpu.memory_space<vmem>> -> memref<128xi32, #tpu.memory_space<vmem>>
      %dma_start3A_176 = arith.constant 0 : i32
      %dma_start3A_177 = arith.constant 0 : i32
      %dma_start3A_178 = tpu.memref_slice %arg2[%dma_start3A_176, %dma_start3A_177] : memref<100000x16xf32, #tpu.memory_space<hbm>> -> memref<100000x16xf32, #tpu.memory_space<hbm>>
      tpu.enqueue_indirect_dma source(%dma_start3A_178 : memref<100000x16xf32, #tpu.memory_space<hbm>>) target(%dma_start3A_172 : memref<128x16xf32, #tpu.memory_space<vmem>>) offsets(%dma_start3A_175 : memref<128xi32, #tpu.memory_space<vmem>>) semaphore(%arg11 : memref<!tpu.dma_semaphore, #tpu.memory_space<semaphore_mem>>)
      %dma_start3A_179 = arith.constant 3 : i32
      %dma_start3A_180 = arith.constant 3 : i32
      %dma_start3A_181 = arith.constant 0 : i32
      %dma_start3A_182 = arith.constant 0 : i32
      %dma_start3A_183 = tpu.memref_slice %arg8[%dma_start3A_180, %dma_start3A_181, %dma_start3A_182] : memref<8x128x16xf32, #tpu.memory_space<vmem>> -> memref<1x128x16xf32, #tpu.memory_space<vmem>>
      %dma_start3A_184 = tpu.memref_squeeze %dma_start3A_183 : memref<1x128x16xf32, #tpu.memory_space<vmem>> -> memref<128x16xf32, #tpu.memory_space<vmem>>
      %dma_start3A_185 = arith.constant 0 : i32
      %dma_start3A_186 = tpu.memref_slice %arg6[%dma_start3A_179, %dma_start3A_185] : memref<8x128xi32, #tpu.memory_space<vmem>> -> memref<1x128xi32, #tpu.memory_space<vmem>>
      %dma_start3A_187 = tpu.memref_squeeze %dma_start3A_186 : memref<1x128xi32, #tpu.memory_space<vmem>> -> memref<128xi32, #tpu.memory_space<vmem>>
      %dma_start3A_188 = arith.constant 0 : i32
      %dma_start3A_189 = arith.constant 0 : i32
      %dma_start3A_190 = tpu.memref_slice %arg2[%dma_start3A_188, %dma_start3A_189] : memref<100000x16xf32, #tpu.memory_space<hbm>> -> memref<100000x16xf32, #tpu.memory_space<hbm>>
      tpu.enqueue_indirect_dma source(%dma_start3A_190 : memref<100000x16xf32, #tpu.memory_space<hbm>>) target(%dma_start3A_184 : memref<128x16xf32, #tpu.memory_space<vmem>>) offsets(%dma_start3A_187 : memref<128xi32, #tpu.memory_space<vmem>>) semaphore(%arg11 : memref<!tpu.dma_semaphore, #tpu.memory_space<semaphore_mem>>)
      %dma_start3A_191 = arith.constant 4 : i32
      %dma_start3A_192 = arith.constant 4 : i32
      %dma_start3A_193 = arith.constant 0 : i32
      %dma_start3A_194 = arith.constant 0 : i32
      %dma_start3A_195 = tpu.memref_slice %arg8[%dma_start3A_192, %dma_start3A_193, %dma_start3A_194] : memref<8x128x16xf32, #tpu.memory_space<vmem>> -> memref<1x128x16xf32, #tpu.memory_space<vmem>>
      %dma_start3A_196 = tpu.memref_squeeze %dma_start3A_195 : memref<1x128x16xf32, #tpu.memory_space<vmem>> -> memref<128x16xf32, #tpu.memory_space<vmem>>
      %dma_start3A_197 = arith.constant 0 : i32
      %dma_start3A_198 = tpu.memref_slice %arg6[%dma_start3A_191, %dma_start3A_197] : memref<8x128xi32, #tpu.memory_space<vmem>> -> memref<1x128xi32, #tpu.memory_space<vmem>>
      %dma_start3A_199 = tpu.memref_squeeze %dma_start3A_198 : memref<1x128xi32, #tpu.memory_space<vmem>> -> memref<128xi32, #tpu.memory_space<vmem>>
      %dma_start3A_200 = arith.constant 0 : i32
      %dma_start3A_201 = arith.constant 0 : i32
      %dma_start3A_202 = tpu.memref_slice %arg2[%dma_start3A_200, %dma_start3A_201] : memref<100000x16xf32, #tpu.memory_space<hbm>> -> memref<100000x16xf32, #tpu.memory_space<hbm>>
      tpu.enqueue_indirect_dma source(%dma_start3A_202 : memref<100000x16xf32, #tpu.memory_space<hbm>>) target(%dma_start3A_196 : memref<128x16xf32, #tpu.memory_space<vmem>>) offsets(%dma_start3A_199 : memref<128xi32, #tpu.memory_space<vmem>>) semaphore(%arg12 : memref<!tpu.dma_semaphore, #tpu.memory_space<semaphore_mem>>)
      %dma_start3A_203 = arith.constant 5 : i32
      %dma_start3A_204 = arith.constant 5 : i32
      %dma_start3A_205 = arith.constant 0 : i32
      %dma_start3A_206 = arith.constant 0 : i32
      %dma_start3A_207 = tpu.memref_slice %arg8[%dma_start3A_204, %dma_start3A_205, %dma_start3A_206] : memref<8x128x16xf32, #tpu.memory_space<vmem>> -> memref<1x128x16xf32, #tpu.memory_space<vmem>>
      %dma_start3A_208 = tpu.memref_squeeze %dma_start3A_207 : memref<1x128x16xf32, #tpu.memory_space<vmem>> -> memref<128x16xf32, #tpu.memory_space<vmem>>
      %dma_start3A_209 = arith.constant 0 : i32
      %dma_start3A_210 = tpu.memref_slice %arg6[%dma_start3A_203, %dma_start3A_209] : memref<8x128xi32, #tpu.memory_space<vmem>> -> memref<1x128xi32, #tpu.memory_space<vmem>>
      %dma_start3A_211 = tpu.memref_squeeze %dma_start3A_210 : memref<1x128xi32, #tpu.memory_space<vmem>> -> memref<128xi32, #tpu.memory_space<vmem>>
      %dma_start3A_212 = arith.constant 0 : i32
      %dma_start3A_213 = arith.constant 0 : i32
      %dma_start3A_214 = tpu.memref_slice %arg2[%dma_start3A_212, %dma_start3A_213] : memref<100000x16xf32, #tpu.memory_space<hbm>> -> memref<100000x16xf32, #tpu.memory_space<hbm>>
      tpu.enqueue_indirect_dma source(%dma_start3A_214 : memref<100000x16xf32, #tpu.memory_space<hbm>>) target(%dma_start3A_208 : memref<128x16xf32, #tpu.memory_space<vmem>>) offsets(%dma_start3A_211 : memref<128xi32, #tpu.memory_space<vmem>>) semaphore(%arg12 : memref<!tpu.dma_semaphore, #tpu.memory_space<semaphore_mem>>)
      %dma_start3A_215 = arith.constant 6 : i32
      %dma_start3A_216 = arith.constant 6 : i32
      %dma_start3A_217 = arith.constant 0 : i32
      %dma_start3A_218 = arith.constant 0 : i32
      %dma_start3A_219 = tpu.memref_slice %arg8[%dma_start3A_216, %dma_start3A_217, %dma_start3A_218] : memref<8x128x16xf32, #tpu.memory_space<vmem>> -> memref<1x128x16xf32, #tpu.memory_space<vmem>>
      %dma_start3A_220 = tpu.memref_squeeze %dma_start3A_219 : memref<1x128x16xf32, #tpu.memory_space<vmem>> -> memref<128x16xf32, #tpu.memory_space<vmem>>
      %dma_start3A_221 = arith.constant 0 : i32
      %dma_start3A_222 = tpu.memref_slice %arg6[%dma_start3A_215, %dma_start3A_221] : memref<8x128xi32, #tpu.memory_space<vmem>> -> memref<1x128xi32, #tpu.memory_space<vmem>>
      %dma_start3A_223 = tpu.memref_squeeze %dma_start3A_222 : memref<1x128xi32, #tpu.memory_space<vmem>> -> memref<128xi32, #tpu.memory_space<vmem>>
      %dma_start3A_224 = arith.constant 0 : i32
      %dma_start3A_225 = arith.constant 0 : i32
      %dma_start3A_226 = tpu.memref_slice %arg2[%dma_start3A_224, %dma_start3A_225] : memref<100000x16xf32, #tpu.memory_space<hbm>> -> memref<100000x16xf32, #tpu.memory_space<hbm>>
      tpu.enqueue_indirect_dma source(%dma_start3A_226 : memref<100000x16xf32, #tpu.memory_space<hbm>>) target(%dma_start3A_220 : memref<128x16xf32, #tpu.memory_space<vmem>>) offsets(%dma_start3A_223 : memref<128xi32, #tpu.memory_space<vmem>>) semaphore(%arg12 : memref<!tpu.dma_semaphore, #tpu.memory_space<semaphore_mem>>)
      %dma_start3A_227 = arith.constant 7 : i32
      %dma_start3A_228 = arith.constant 7 : i32
      %dma_start3A_229 = arith.constant 0 : i32
      %dma_start3A_230 = arith.constant 0 : i32
      %dma_start3A_231 = tpu.memref_slice %arg8[%dma_start3A_228, %dma_start3A_229, %dma_start3A_230] : memref<8x128x16xf32, #tpu.memory_space<vmem>> -> memref<1x128x16xf32, #tpu.memory_space<vmem>>
      %dma_start3A_232 = tpu.memref_squeeze %dma_start3A_231 : memref<1x128x16xf32, #tpu.memory_space<vmem>> -> memref<128x16xf32, #tpu.memory_space<vmem>>
      %dma_start3A_233 = arith.constant 0 : i32
      %dma_start3A_234 = tpu.memref_slice %arg6[%dma_start3A_227, %dma_start3A_233] : memref<8x128xi32, #tpu.memory_space<vmem>> -> memref<1x128xi32, #tpu.memory_space<vmem>>
      %dma_start3A_235 = tpu.memref_squeeze %dma_start3A_234 : memref<1x128xi32, #tpu.memory_space<vmem>> -> memref<128xi32, #tpu.memory_space<vmem>>
      %dma_start3A_236 = arith.constant 0 : i32
      %dma_start3A_237 = arith.constant 0 : i32
      %dma_start3A_238 = tpu.memref_slice %arg2[%dma_start3A_236, %dma_start3A_237] : memref<100000x16xf32, #tpu.memory_space<hbm>> -> memref<100000x16xf32, #tpu.memory_space<hbm>>
      tpu.enqueue_indirect_dma source(%dma_start3A_238 : memref<100000x16xf32, #tpu.memory_space<hbm>>) target(%dma_start3A_232 : memref<128x16xf32, #tpu.memory_space<vmem>>) offsets(%dma_start3A_235 : memref<128xi32, #tpu.memory_space<vmem>>) semaphore(%arg12 : memref<!tpu.dma_semaphore, #tpu.memory_space<semaphore_mem>>)
      %dma_wait3A_239 = arith.constant 0 : i32
      %dma_wait3A_240 = arith.constant 0 : i32
      %dma_wait3A_241 = arith.constant 0 : i32
      %dma_wait3A_242 = arith.constant 0 : i32
      %dma_wait3A_243 = tpu.memref_slice %arg8[%dma_wait3A_240, %dma_wait3A_241, %dma_wait3A_242] : memref<8x128x16xf32, #tpu.memory_space<vmem>> -> memref<1x128x16xf32, #tpu.memory_space<vmem>>
      %dma_wait3A_244 = tpu.memref_squeeze %dma_wait3A_243 : memref<1x128x16xf32, #tpu.memory_space<vmem>> -> memref<128x16xf32, #tpu.memory_space<vmem>>
      %dma_wait3A_245 = arith.constant 0 : i32
      %dma_wait3A_246 = tpu.memref_slice %arg6[%dma_wait3A_239, %dma_wait3A_245] : memref<8x128xi32, #tpu.memory_space<vmem>> -> memref<1x128xi32, #tpu.memory_space<vmem>>
      %dma_wait3A_247 = tpu.memref_squeeze %dma_wait3A_246 : memref<1x128xi32, #tpu.memory_space<vmem>> -> memref<128xi32, #tpu.memory_space<vmem>>
      %dma_wait3A_248 = arith.constant 0 : i32
      %dma_wait3A_249 = arith.constant 0 : i32
      %dma_wait3A_250 = tpu.memref_slice %arg2[%dma_wait3A_248, %dma_wait3A_249] : memref<100000x16xf32, #tpu.memory_space<hbm>> -> memref<100000x16xf32, #tpu.memory_space<hbm>>
      tpu.wait_indirect_dma semaphore(%arg11 : memref<!tpu.dma_semaphore, #tpu.memory_space<semaphore_mem>>) src(%dma_wait3A_250 : memref<100000x16xf32, #tpu.memory_space<hbm>>) dst(%dma_wait3A_244 : memref<128x16xf32, #tpu.memory_space<vmem>>)
      %dma_wait3A_251 = arith.constant 1 : i32
      %dma_wait3A_252 = arith.constant 1 : i32
      %dma_wait3A_253 = arith.constant 0 : i32
      %dma_wait3A_254 = arith.constant 0 : i32
      %dma_wait3A_255 = tpu.memref_slice %arg8[%dma_wait3A_252, %dma_wait3A_253, %dma_wait3A_254] : memref<8x128x16xf32, #tpu.memory_space<vmem>> -> memref<1x128x16xf32, #tpu.memory_space<vmem>>
      %dma_wait3A_256 = tpu.memref_squeeze %dma_wait3A_255 : memref<1x128x16xf32, #tpu.memory_space<vmem>> -> memref<128x16xf32, #tpu.memory_space<vmem>>
      %dma_wait3A_257 = arith.constant 0 : i32
      %dma_wait3A_258 = tpu.memref_slice %arg6[%dma_wait3A_251, %dma_wait3A_257] : memref<8x128xi32, #tpu.memory_space<vmem>> -> memref<1x128xi32, #tpu.memory_space<vmem>>
      %dma_wait3A_259 = tpu.memref_squeeze %dma_wait3A_258 : memref<1x128xi32, #tpu.memory_space<vmem>> -> memref<128xi32, #tpu.memory_space<vmem>>
      %dma_wait3A_260 = arith.constant 0 : i32
      %dma_wait3A_261 = arith.constant 0 : i32
      %dma_wait3A_262 = tpu.memref_slice %arg2[%dma_wait3A_260, %dma_wait3A_261] : memref<100000x16xf32, #tpu.memory_space<hbm>> -> memref<100000x16xf32, #tpu.memory_space<hbm>>
      tpu.wait_indirect_dma semaphore(%arg11 : memref<!tpu.dma_semaphore, #tpu.memory_space<semaphore_mem>>) src(%dma_wait3A_262 : memref<100000x16xf32, #tpu.memory_space<hbm>>) dst(%dma_wait3A_256 : memref<128x16xf32, #tpu.memory_space<vmem>>)
      %dma_wait3A_263 = arith.constant 2 : i32
      %dma_wait3A_264 = arith.constant 2 : i32
      %dma_wait3A_265 = arith.constant 0 : i32
      %dma_wait3A_266 = arith.constant 0 : i32
      %dma_wait3A_267 = tpu.memref_slice %arg8[%dma_wait3A_264, %dma_wait3A_265, %dma_wait3A_266] : memref<8x128x16xf32, #tpu.memory_space<vmem>> -> memref<1x128x16xf32, #tpu.memory_space<vmem>>
      %dma_wait3A_268 = tpu.memref_squeeze %dma_wait3A_267 : memref<1x128x16xf32, #tpu.memory_space<vmem>> -> memref<128x16xf32, #tpu.memory_space<vmem>>
      %dma_wait3A_269 = arith.constant 0 : i32
      %dma_wait3A_270 = tpu.memref_slice %arg6[%dma_wait3A_263, %dma_wait3A_269] : memref<8x128xi32, #tpu.memory_space<vmem>> -> memref<1x128xi32, #tpu.memory_space<vmem>>
      %dma_wait3A_271 = tpu.memref_squeeze %dma_wait3A_270 : memref<1x128xi32, #tpu.memory_space<vmem>> -> memref<128xi32, #tpu.memory_space<vmem>>
      %dma_wait3A_272 = arith.constant 0 : i32
      %dma_wait3A_273 = arith.constant 0 : i32
      %dma_wait3A_274 = tpu.memref_slice %arg2[%dma_wait3A_272, %dma_wait3A_273] : memref<100000x16xf32, #tpu.memory_space<hbm>> -> memref<100000x16xf32, #tpu.memory_space<hbm>>
      tpu.wait_indirect_dma semaphore(%arg11 : memref<!tpu.dma_semaphore, #tpu.memory_space<semaphore_mem>>) src(%dma_wait3A_274 : memref<100000x16xf32, #tpu.memory_space<hbm>>) dst(%dma_wait3A_268 : memref<128x16xf32, #tpu.memory_space<vmem>>)
      %dma_wait3A_275 = arith.constant 3 : i32
      %dma_wait3A_276 = arith.constant 3 : i32
      %dma_wait3A_277 = arith.constant 0 : i32
      %dma_wait3A_278 = arith.constant 0 : i32
      %dma_wait3A_279 = tpu.memref_slice %arg8[%dma_wait3A_276, %dma_wait3A_277, %dma_wait3A_278] : memref<8x128x16xf32, #tpu.memory_space<vmem>> -> memref<1x128x16xf32, #tpu.memory_space<vmem>>
      %dma_wait3A_280 = tpu.memref_squeeze %dma_wait3A_279 : memref<1x128x16xf32, #tpu.memory_space<vmem>> -> memref<128x16xf32, #tpu.memory_space<vmem>>
      %dma_wait3A_281 = arith.constant 0 : i32
      %dma_wait3A_282 = tpu.memref_slice %arg6[%dma_wait3A_275, %dma_wait3A_281] : memref<8x128xi32, #tpu.memory_space<vmem>> -> memref<1x128xi32, #tpu.memory_space<vmem>>
      %dma_wait3A_283 = tpu.memref_squeeze %dma_wait3A_282 : memref<1x128xi32, #tpu.memory_space<vmem>> -> memref<128xi32, #tpu.memory_space<vmem>>
      %dma_wait3A_284 = arith.constant 0 : i32
      %dma_wait3A_285 = arith.constant 0 : i32
      %dma_wait3A_286 = tpu.memref_slice %arg2[%dma_wait3A_284, %dma_wait3A_285] : memref<100000x16xf32, #tpu.memory_space<hbm>> -> memref<100000x16xf32, #tpu.memory_space<hbm>>
      tpu.wait_indirect_dma semaphore(%arg11 : memref<!tpu.dma_semaphore, #tpu.memory_space<semaphore_mem>>) src(%dma_wait3A_286 : memref<100000x16xf32, #tpu.memory_space<hbm>>) dst(%dma_wait3A_280 : memref<128x16xf32, #tpu.memory_space<vmem>>)
      %dma_start3A_287 = arith.constant 0 : i32
      %dma_start3A_288 = arith.constant 0 : i32
      %dma_start3A_289 = arith.constant 0 : i32
      %dma_start3A_290 = arith.constant 0 : i32
      %dma_start3A_291 = tpu.memref_slice %arg8[%dma_start3A_287, %dma_start3A_289, %dma_start3A_290] : memref<8x128x16xf32, #tpu.memory_space<vmem>> -> memref<1x128x16xf32, #tpu.memory_space<vmem>>
      %dma_start3A_292 = tpu.memref_squeeze %dma_start3A_291 : memref<1x128x16xf32, #tpu.memory_space<vmem>> -> memref<128x16xf32, #tpu.memory_space<vmem>>
      %dma_start3A_293 = arith.constant 0 : i32
      %dma_start3A_294 = tpu.memref_slice %arg7[%dma_start3A_288, %dma_start3A_293] : memref<8x128xi32, #tpu.memory_space<vmem>> -> memref<1x128xi32, #tpu.memory_space<vmem>>
      %dma_start3A_295 = tpu.memref_squeeze %dma_start3A_294 : memref<1x128xi32, #tpu.memory_space<vmem>> -> memref<128xi32, #tpu.memory_space<vmem>>
      %dma_start3A_296 = arith.constant 0 : i32
      %dma_start3A_297 = arith.constant 0 : i32
      %dma_start3A_298 = tpu.memref_slice %arg10[%dma_start3A_296, %dma_start3A_297] : memref<100352x16xf32, #tpu.memory_space<vmem_shared>> -> memref<100352x16xf32, #tpu.memory_space<vmem_shared>>
      tpu.enqueue_indirect_dma source(%dma_start3A_292 : memref<128x16xf32, #tpu.memory_space<vmem>>) target(%dma_start3A_298 : memref<100352x16xf32, #tpu.memory_space<vmem_shared>>) offsets(%dma_start3A_295 : memref<128xi32, #tpu.memory_space<vmem>>) semaphore(%arg13 : memref<!tpu.dma_semaphore, #tpu.memory_space<semaphore_mem>>) {add = true}
      %dma_start3A_299 = arith.constant 1 : i32
      %dma_start3A_300 = arith.constant 1 : i32
      %dma_start3A_301 = arith.constant 0 : i32
      %dma_start3A_302 = arith.constant 0 : i32
      %dma_start3A_303 = tpu.memref_slice %arg8[%dma_start3A_299, %dma_start3A_301, %dma_start3A_302] : memref<8x128x16xf32, #tpu.memory_space<vmem>> -> memref<1x128x16xf32, #tpu.memory_space<vmem>>
      %dma_start3A_304 = tpu.memref_squeeze %dma_start3A_303 : memref<1x128x16xf32, #tpu.memory_space<vmem>> -> memref<128x16xf32, #tpu.memory_space<vmem>>
      %dma_start3A_305 = arith.constant 0 : i32
      %dma_start3A_306 = tpu.memref_slice %arg7[%dma_start3A_300, %dma_start3A_305] : memref<8x128xi32, #tpu.memory_space<vmem>> -> memref<1x128xi32, #tpu.memory_space<vmem>>
      %dma_start3A_307 = tpu.memref_squeeze %dma_start3A_306 : memref<1x128xi32, #tpu.memory_space<vmem>> -> memref<128xi32, #tpu.memory_space<vmem>>
      %dma_start3A_308 = arith.constant 0 : i32
      %dma_start3A_309 = arith.constant 0 : i32
      %dma_start3A_310 = tpu.memref_slice %arg10[%dma_start3A_308, %dma_start3A_309] : memref<100352x16xf32, #tpu.memory_space<vmem_shared>> -> memref<100352x16xf32, #tpu.memory_space<vmem_shared>>
      tpu.enqueue_indirect_dma source(%dma_start3A_304 : memref<128x16xf32, #tpu.memory_space<vmem>>) target(%dma_start3A_310 : memref<100352x16xf32, #tpu.memory_space<vmem_shared>>) offsets(%dma_start3A_307 : memref<128xi32, #tpu.memory_space<vmem>>) semaphore(%arg13 : memref<!tpu.dma_semaphore, #tpu.memory_space<semaphore_mem>>) {add = true}
      %dma_start3A_311 = arith.constant 2 : i32
      %dma_start3A_312 = arith.constant 2 : i32
      %dma_start3A_313 = arith.constant 0 : i32
      %dma_start3A_314 = arith.constant 0 : i32
      %dma_start3A_315 = tpu.memref_slice %arg8[%dma_start3A_311, %dma_start3A_313, %dma_start3A_314] : memref<8x128x16xf32, #tpu.memory_space<vmem>> -> memref<1x128x16xf32, #tpu.memory_space<vmem>>
      %dma_start3A_316 = tpu.memref_squeeze %dma_start3A_315 : memref<1x128x16xf32, #tpu.memory_space<vmem>> -> memref<128x16xf32, #tpu.memory_space<vmem>>
      %dma_start3A_317 = arith.constant 0 : i32
      %dma_start3A_318 = tpu.memref_slice %arg7[%dma_start3A_312, %dma_start3A_317] : memref<8x128xi32, #tpu.memory_space<vmem>> -> memref<1x128xi32, #tpu.memory_space<vmem>>
      %dma_start3A_319 = tpu.memref_squeeze %dma_start3A_318 : memref<1x128xi32, #tpu.memory_space<vmem>> -> memref<128xi32, #tpu.memory_space<vmem>>
      %dma_start3A_320 = arith.constant 0 : i32
      %dma_start3A_321 = arith.constant 0 : i32
      %dma_start3A_322 = tpu.memref_slice %arg10[%dma_start3A_320, %dma_start3A_321] : memref<100352x16xf32, #tpu.memory_space<vmem_shared>> -> memref<100352x16xf32, #tpu.memory_space<vmem_shared>>
      tpu.enqueue_indirect_dma source(%dma_start3A_316 : memref<128x16xf32, #tpu.memory_space<vmem>>) target(%dma_start3A_322 : memref<100352x16xf32, #tpu.memory_space<vmem_shared>>) offsets(%dma_start3A_319 : memref<128xi32, #tpu.memory_space<vmem>>) semaphore(%arg13 : memref<!tpu.dma_semaphore, #tpu.memory_space<semaphore_mem>>) {add = true}
      %dma_start3A_323 = arith.constant 3 : i32
      %dma_start3A_324 = arith.constant 3 : i32
      %dma_start3A_325 = arith.constant 0 : i32
      %dma_start3A_326 = arith.constant 0 : i32
      %dma_start3A_327 = tpu.memref_slice %arg8[%dma_start3A_323, %dma_start3A_325, %dma_start3A_326] : memref<8x128x16xf32, #tpu.memory_space<vmem>> -> memref<1x128x16xf32, #tpu.memory_space<vmem>>
      %dma_start3A_328 = tpu.memref_squeeze %dma_start3A_327 : memref<1x128x16xf32, #tpu.memory_space<vmem>> -> memref<128x16xf32, #tpu.memory_space<vmem>>
      %dma_start3A_329 = arith.constant 0 : i32
      %dma_start3A_330 = tpu.memref_slice %arg7[%dma_start3A_324, %dma_start3A_329] : memref<8x128xi32, #tpu.memory_space<vmem>> -> memref<1x128xi32, #tpu.memory_space<vmem>>
      %dma_start3A_331 = tpu.memref_squeeze %dma_start3A_330 : memref<1x128xi32, #tpu.memory_space<vmem>> -> memref<128xi32, #tpu.memory_space<vmem>>
      %dma_start3A_332 = arith.constant 0 : i32
      %dma_start3A_333 = arith.constant 0 : i32
      %dma_start3A_334 = tpu.memref_slice %arg10[%dma_start3A_332, %dma_start3A_333] : memref<100352x16xf32, #tpu.memory_space<vmem_shared>> -> memref<100352x16xf32, #tpu.memory_space<vmem_shared>>
      tpu.enqueue_indirect_dma source(%dma_start3A_328 : memref<128x16xf32, #tpu.memory_space<vmem>>) target(%dma_start3A_334 : memref<100352x16xf32, #tpu.memory_space<vmem_shared>>) offsets(%dma_start3A_331 : memref<128xi32, #tpu.memory_space<vmem>>) semaphore(%arg13 : memref<!tpu.dma_semaphore, #tpu.memory_space<semaphore_mem>>) {add = true}
      %dma_wait3A_335 = arith.constant 4 : i32
      %dma_wait3A_336 = arith.constant 4 : i32
      %dma_wait3A_337 = arith.constant 0 : i32
      %dma_wait3A_338 = arith.constant 0 : i32
      %dma_wait3A_339 = tpu.memref_slice %arg8[%dma_wait3A_336, %dma_wait3A_337, %dma_wait3A_338] : memref<8x128x16xf32, #tpu.memory_space<vmem>> -> memref<1x128x16xf32, #tpu.memory_space<vmem>>
      %dma_wait3A_340 = tpu.memref_squeeze %dma_wait3A_339 : memref<1x128x16xf32, #tpu.memory_space<vmem>> -> memref<128x16xf32, #tpu.memory_space<vmem>>
      %dma_wait3A_341 = arith.constant 0 : i32
      %dma_wait3A_342 = tpu.memref_slice %arg6[%dma_wait3A_335, %dma_wait3A_341] : memref<8x128xi32, #tpu.memory_space<vmem>> -> memref<1x128xi32, #tpu.memory_space<vmem>>
      %dma_wait3A_343 = tpu.memref_squeeze %dma_wait3A_342 : memref<1x128xi32, #tpu.memory_space<vmem>> -> memref<128xi32, #tpu.memory_space<vmem>>
      %dma_wait3A_344 = arith.constant 0 : i32
      %dma_wait3A_345 = arith.constant 0 : i32
      %dma_wait3A_346 = tpu.memref_slice %arg2[%dma_wait3A_344, %dma_wait3A_345] : memref<100000x16xf32, #tpu.memory_space<hbm>> -> memref<100000x16xf32, #tpu.memory_space<hbm>>
      tpu.wait_indirect_dma semaphore(%arg12 : memref<!tpu.dma_semaphore, #tpu.memory_space<semaphore_mem>>) src(%dma_wait3A_346 : memref<100000x16xf32, #tpu.memory_space<hbm>>) dst(%dma_wait3A_340 : memref<128x16xf32, #tpu.memory_space<vmem>>)
      %dma_wait3A_347 = arith.constant 5 : i32
      %dma_wait3A_348 = arith.constant 5 : i32
      %dma_wait3A_349 = arith.constant 0 : i32
      %dma_wait3A_350 = arith.constant 0 : i32
      %dma_wait3A_351 = tpu.memref_slice %arg8[%dma_wait3A_348, %dma_wait3A_349, %dma_wait3A_350] : memref<8x128x16xf32, #tpu.memory_space<vmem>> -> memref<1x128x16xf32, #tpu.memory_space<vmem>>
      %dma_wait3A_352 = tpu.memref_squeeze %dma_wait3A_351 : memref<1x128x16xf32, #tpu.memory_space<vmem>> -> memref<128x16xf32, #tpu.memory_space<vmem>>
      %dma_wait3A_353 = arith.constant 0 : i32
      %dma_wait3A_354 = tpu.memref_slice %arg6[%dma_wait3A_347, %dma_wait3A_353] : memref<8x128xi32, #tpu.memory_space<vmem>> -> memref<1x128xi32, #tpu.memory_space<vmem>>
      %dma_wait3A_355 = tpu.memref_squeeze %dma_wait3A_354 : memref<1x128xi32, #tpu.memory_space<vmem>> -> memref<128xi32, #tpu.memory_space<vmem>>
      %dma_wait3A_356 = arith.constant 0 : i32
      %dma_wait3A_357 = arith.constant 0 : i32
      %dma_wait3A_358 = tpu.memref_slice %arg2[%dma_wait3A_356, %dma_wait3A_357] : memref<100000x16xf32, #tpu.memory_space<hbm>> -> memref<100000x16xf32, #tpu.memory_space<hbm>>
      tpu.wait_indirect_dma semaphore(%arg12 : memref<!tpu.dma_semaphore, #tpu.memory_space<semaphore_mem>>) src(%dma_wait3A_358 : memref<100000x16xf32, #tpu.memory_space<hbm>>) dst(%dma_wait3A_352 : memref<128x16xf32, #tpu.memory_space<vmem>>)
      %dma_wait3A_359 = arith.constant 6 : i32
      %dma_wait3A_360 = arith.constant 6 : i32
      %dma_wait3A_361 = arith.constant 0 : i32
      %dma_wait3A_362 = arith.constant 0 : i32
      %dma_wait3A_363 = tpu.memref_slice %arg8[%dma_wait3A_360, %dma_wait3A_361, %dma_wait3A_362] : memref<8x128x16xf32, #tpu.memory_space<vmem>> -> memref<1x128x16xf32, #tpu.memory_space<vmem>>
      %dma_wait3A_364 = tpu.memref_squeeze %dma_wait3A_363 : memref<1x128x16xf32, #tpu.memory_space<vmem>> -> memref<128x16xf32, #tpu.memory_space<vmem>>
      %dma_wait3A_365 = arith.constant 0 : i32
      %dma_wait3A_366 = tpu.memref_slice %arg6[%dma_wait3A_359, %dma_wait3A_365] : memref<8x128xi32, #tpu.memory_space<vmem>> -> memref<1x128xi32, #tpu.memory_space<vmem>>
      %dma_wait3A_367 = tpu.memref_squeeze %dma_wait3A_366 : memref<1x128xi32, #tpu.memory_space<vmem>> -> memref<128xi32, #tpu.memory_space<vmem>>
      %dma_wait3A_368 = arith.constant 0 : i32
      %dma_wait3A_369 = arith.constant 0 : i32
      %dma_wait3A_370 = tpu.memref_slice %arg2[%dma_wait3A_368, %dma_wait3A_369] : memref<100000x16xf32, #tpu.memory_space<hbm>> -> memref<100000x16xf32, #tpu.memory_space<hbm>>
      tpu.wait_indirect_dma semaphore(%arg12 : memref<!tpu.dma_semaphore, #tpu.memory_space<semaphore_mem>>) src(%dma_wait3A_370 : memref<100000x16xf32, #tpu.memory_space<hbm>>) dst(%dma_wait3A_364 : memref<128x16xf32, #tpu.memory_space<vmem>>)
      %dma_wait3A_371 = arith.constant 7 : i32
      %dma_wait3A_372 = arith.constant 7 : i32
      %dma_wait3A_373 = arith.constant 0 : i32
      %dma_wait3A_374 = arith.constant 0 : i32
      %dma_wait3A_375 = tpu.memref_slice %arg8[%dma_wait3A_372, %dma_wait3A_373, %dma_wait3A_374] : memref<8x128x16xf32, #tpu.memory_space<vmem>> -> memref<1x128x16xf32, #tpu.memory_space<vmem>>
      %dma_wait3A_376 = tpu.memref_squeeze %dma_wait3A_375 : memref<1x128x16xf32, #tpu.memory_space<vmem>> -> memref<128x16xf32, #tpu.memory_space<vmem>>
      %dma_wait3A_377 = arith.constant 0 : i32
      %dma_wait3A_378 = tpu.memref_slice %arg6[%dma_wait3A_371, %dma_wait3A_377] : memref<8x128xi32, #tpu.memory_space<vmem>> -> memref<1x128xi32, #tpu.memory_space<vmem>>
      %dma_wait3A_379 = tpu.memref_squeeze %dma_wait3A_378 : memref<1x128xi32, #tpu.memory_space<vmem>> -> memref<128xi32, #tpu.memory_space<vmem>>
      %dma_wait3A_380 = arith.constant 0 : i32
      %dma_wait3A_381 = arith.constant 0 : i32
      %dma_wait3A_382 = tpu.memref_slice %arg2[%dma_wait3A_380, %dma_wait3A_381] : memref<100000x16xf32, #tpu.memory_space<hbm>> -> memref<100000x16xf32, #tpu.memory_space<hbm>>
      tpu.wait_indirect_dma semaphore(%arg12 : memref<!tpu.dma_semaphore, #tpu.memory_space<semaphore_mem>>) src(%dma_wait3A_382 : memref<100000x16xf32, #tpu.memory_space<hbm>>) dst(%dma_wait3A_376 : memref<128x16xf32, #tpu.memory_space<vmem>>)
      %dma_start3A_383 = arith.constant 4 : i32
      %dma_start3A_384 = arith.constant 4 : i32
      %dma_start3A_385 = arith.constant 0 : i32
      %dma_start3A_386 = arith.constant 0 : i32
      %dma_start3A_387 = tpu.memref_slice %arg8[%dma_start3A_383, %dma_start3A_385, %dma_start3A_386] : memref<8x128x16xf32, #tpu.memory_space<vmem>> -> memref<1x128x16xf32, #tpu.memory_space<vmem>>
      %dma_start3A_388 = tpu.memref_squeeze %dma_start3A_387 : memref<1x128x16xf32, #tpu.memory_space<vmem>> -> memref<128x16xf32, #tpu.memory_space<vmem>>
      %dma_start3A_389 = arith.constant 0 : i32
      %dma_start3A_390 = tpu.memref_slice %arg7[%dma_start3A_384, %dma_start3A_389] : memref<8x128xi32, #tpu.memory_space<vmem>> -> memref<1x128xi32, #tpu.memory_space<vmem>>
      %dma_start3A_391 = tpu.memref_squeeze %dma_start3A_390 : memref<1x128xi32, #tpu.memory_space<vmem>> -> memref<128xi32, #tpu.memory_space<vmem>>
      %dma_start3A_392 = arith.constant 0 : i32
      %dma_start3A_393 = arith.constant 0 : i32
      %dma_start3A_394 = tpu.memref_slice %arg10[%dma_start3A_392, %dma_start3A_393] : memref<100352x16xf32, #tpu.memory_space<vmem_shared>> -> memref<100352x16xf32, #tpu.memory_space<vmem_shared>>
      tpu.enqueue_indirect_dma source(%dma_start3A_388 : memref<128x16xf32, #tpu.memory_space<vmem>>) target(%dma_start3A_394 : memref<100352x16xf32, #tpu.memory_space<vmem_shared>>) offsets(%dma_start3A_391 : memref<128xi32, #tpu.memory_space<vmem>>) semaphore(%arg13 : memref<!tpu.dma_semaphore, #tpu.memory_space<semaphore_mem>>) {add = true}
      %dma_start3A_395 = arith.constant 5 : i32
      %dma_start3A_396 = arith.constant 5 : i32
      %dma_start3A_397 = arith.constant 0 : i32
      %dma_start3A_398 = arith.constant 0 : i32
      %dma_start3A_399 = tpu.memref_slice %arg8[%dma_start3A_395, %dma_start3A_397, %dma_start3A_398] : memref<8x128x16xf32, #tpu.memory_space<vmem>> -> memref<1x128x16xf32, #tpu.memory_space<vmem>>
      %dma_start3A_400 = tpu.memref_squeeze %dma_start3A_399 : memref<1x128x16xf32, #tpu.memory_space<vmem>> -> memref<128x16xf32, #tpu.memory_space<vmem>>
      %dma_start3A_401 = arith.constant 0 : i32
      %dma_start3A_402 = tpu.memref_slice %arg7[%dma_start3A_396, %dma_start3A_401] : memref<8x128xi32, #tpu.memory_space<vmem>> -> memref<1x128xi32, #tpu.memory_space<vmem>>
      %dma_start3A_403 = tpu.memref_squeeze %dma_start3A_402 : memref<1x128xi32, #tpu.memory_space<vmem>> -> memref<128xi32, #tpu.memory_space<vmem>>
      %dma_start3A_404 = arith.constant 0 : i32
      %dma_start3A_405 = arith.constant 0 : i32
      %dma_start3A_406 = tpu.memref_slice %arg10[%dma_start3A_404, %dma_start3A_405] : memref<100352x16xf32, #tpu.memory_space<vmem_shared>> -> memref<100352x16xf32, #tpu.memory_space<vmem_shared>>
      tpu.enqueue_indirect_dma source(%dma_start3A_400 : memref<128x16xf32, #tpu.memory_space<vmem>>) target(%dma_start3A_406 : memref<100352x16xf32, #tpu.memory_space<vmem_shared>>) offsets(%dma_start3A_403 : memref<128xi32, #tpu.memory_space<vmem>>) semaphore(%arg13 : memref<!tpu.dma_semaphore, #tpu.memory_space<semaphore_mem>>) {add = true}
      %dma_start3A_407 = arith.constant 6 : i32
      %dma_start3A_408 = arith.constant 6 : i32
      %dma_start3A_409 = arith.constant 0 : i32
      %dma_start3A_410 = arith.constant 0 : i32
      %dma_start3A_411 = tpu.memref_slice %arg8[%dma_start3A_407, %dma_start3A_409, %dma_start3A_410] : memref<8x128x16xf32, #tpu.memory_space<vmem>> -> memref<1x128x16xf32, #tpu.memory_space<vmem>>
      %dma_start3A_412 = tpu.memref_squeeze %dma_start3A_411 : memref<1x128x16xf32, #tpu.memory_space<vmem>> -> memref<128x16xf32, #tpu.memory_space<vmem>>
      %dma_start3A_413 = arith.constant 0 : i32
      %dma_start3A_414 = tpu.memref_slice %arg7[%dma_start3A_408, %dma_start3A_413] : memref<8x128xi32, #tpu.memory_space<vmem>> -> memref<1x128xi32, #tpu.memory_space<vmem>>
      %dma_start3A_415 = tpu.memref_squeeze %dma_start3A_414 : memref<1x128xi32, #tpu.memory_space<vmem>> -> memref<128xi32, #tpu.memory_space<vmem>>
      %dma_start3A_416 = arith.constant 0 : i32
      %dma_start3A_417 = arith.constant 0 : i32
      %dma_start3A_418 = tpu.memref_slice %arg10[%dma_start3A_416, %dma_start3A_417] : memref<100352x16xf32, #tpu.memory_space<vmem_shared>> -> memref<100352x16xf32, #tpu.memory_space<vmem_shared>>
      tpu.enqueue_indirect_dma source(%dma_start3A_412 : memref<128x16xf32, #tpu.memory_space<vmem>>) target(%dma_start3A_418 : memref<100352x16xf32, #tpu.memory_space<vmem_shared>>) offsets(%dma_start3A_415 : memref<128xi32, #tpu.memory_space<vmem>>) semaphore(%arg13 : memref<!tpu.dma_semaphore, #tpu.memory_space<semaphore_mem>>) {add = true}
      %dma_start3A_419 = arith.constant 7 : i32
      %dma_start3A_420 = arith.constant 7 : i32
      %dma_start3A_421 = arith.constant 0 : i32
      %dma_start3A_422 = arith.constant 0 : i32
      %dma_start3A_423 = tpu.memref_slice %arg8[%dma_start3A_419, %dma_start3A_421, %dma_start3A_422] : memref<8x128x16xf32, #tpu.memory_space<vmem>> -> memref<1x128x16xf32, #tpu.memory_space<vmem>>
      %dma_start3A_424 = tpu.memref_squeeze %dma_start3A_423 : memref<1x128x16xf32, #tpu.memory_space<vmem>> -> memref<128x16xf32, #tpu.memory_space<vmem>>
      %dma_start3A_425 = arith.constant 0 : i32
      %dma_start3A_426 = tpu.memref_slice %arg7[%dma_start3A_420, %dma_start3A_425] : memref<8x128xi32, #tpu.memory_space<vmem>> -> memref<1x128xi32, #tpu.memory_space<vmem>>
      %dma_start3A_427 = tpu.memref_squeeze %dma_start3A_426 : memref<1x128xi32, #tpu.memory_space<vmem>> -> memref<128xi32, #tpu.memory_space<vmem>>
      %dma_start3A_428 = arith.constant 0 : i32
      %dma_start3A_429 = arith.constant 0 : i32
      %dma_start3A_430 = tpu.memref_slice %arg10[%dma_start3A_428, %dma_start3A_429] : memref<100352x16xf32, #tpu.memory_space<vmem_shared>> -> memref<100352x16xf32, #tpu.memory_space<vmem_shared>>
      tpu.enqueue_indirect_dma source(%dma_start3A_424 : memref<128x16xf32, #tpu.memory_space<vmem>>) target(%dma_start3A_430 : memref<100352x16xf32, #tpu.memory_space<vmem_shared>>) offsets(%dma_start3A_427 : memref<128xi32, #tpu.memory_space<vmem>>) semaphore(%arg13 : memref<!tpu.dma_semaphore, #tpu.memory_space<semaphore_mem>>) {add = true}
      %dma_wait3A_431 = arith.constant 0 : i32
      %dma_wait3A_432 = arith.constant 0 : i32
      %dma_wait3A_433 = arith.constant 0 : i32
      %dma_wait3A_434 = arith.constant 0 : i32
      %dma_wait3A_435 = tpu.memref_slice %arg8[%dma_wait3A_431, %dma_wait3A_433, %dma_wait3A_434] : memref<8x128x16xf32, #tpu.memory_space<vmem>> -> memref<1x128x16xf32, #tpu.memory_space<vmem>>
      %dma_wait3A_436 = tpu.memref_squeeze %dma_wait3A_435 : memref<1x128x16xf32, #tpu.memory_space<vmem>> -> memref<128x16xf32, #tpu.memory_space<vmem>>
      %dma_wait3A_437 = arith.constant 0 : i32
      %dma_wait3A_438 = tpu.memref_slice %arg7[%dma_wait3A_432, %dma_wait3A_437] : memref<8x128xi32, #tpu.memory_space<vmem>> -> memref<1x128xi32, #tpu.memory_space<vmem>>
      %dma_wait3A_439 = tpu.memref_squeeze %dma_wait3A_438 : memref<1x128xi32, #tpu.memory_space<vmem>> -> memref<128xi32, #tpu.memory_space<vmem>>
      %dma_wait3A_440 = arith.constant 0 : i32
      %dma_wait3A_441 = arith.constant 0 : i32
      %dma_wait3A_442 = tpu.memref_slice %arg10[%dma_wait3A_440, %dma_wait3A_441] : memref<100352x16xf32, #tpu.memory_space<vmem_shared>> -> memref<100352x16xf32, #tpu.memory_space<vmem_shared>>
      tpu.wait_indirect_dma semaphore(%arg13 : memref<!tpu.dma_semaphore, #tpu.memory_space<semaphore_mem>>) src(%dma_wait3A_436 : memref<128x16xf32, #tpu.memory_space<vmem>>) dst(%dma_wait3A_442 : memref<100352x16xf32, #tpu.memory_space<vmem_shared>>)
      %dma_wait3A_443 = arith.constant 1 : i32
      %dma_wait3A_444 = arith.constant 1 : i32
      %dma_wait3A_445 = arith.constant 0 : i32
      %dma_wait3A_446 = arith.constant 0 : i32
      %dma_wait3A_447 = tpu.memref_slice %arg8[%dma_wait3A_443, %dma_wait3A_445, %dma_wait3A_446] : memref<8x128x16xf32, #tpu.memory_space<vmem>> -> memref<1x128x16xf32, #tpu.memory_space<vmem>>
      %dma_wait3A_448 = tpu.memref_squeeze %dma_wait3A_447 : memref<1x128x16xf32, #tpu.memory_space<vmem>> -> memref<128x16xf32, #tpu.memory_space<vmem>>
      %dma_wait3A_449 = arith.constant 0 : i32
      %dma_wait3A_450 = tpu.memref_slice %arg7[%dma_wait3A_444, %dma_wait3A_449] : memref<8x128xi32, #tpu.memory_space<vmem>> -> memref<1x128xi32, #tpu.memory_space<vmem>>
      %dma_wait3A_451 = tpu.memref_squeeze %dma_wait3A_450 : memref<1x128xi32, #tpu.memory_space<vmem>> -> memref<128xi32, #tpu.memory_space<vmem>>
      %dma_wait3A_452 = arith.constant 0 : i32
      %dma_wait3A_453 = arith.constant 0 : i32
      %dma_wait3A_454 = tpu.memref_slice %arg10[%dma_wait3A_452, %dma_wait3A_453] : memref<100352x16xf32, #tpu.memory_space<vmem_shared>> -> memref<100352x16xf32, #tpu.memory_space<vmem_shared>>
      tpu.wait_indirect_dma semaphore(%arg13 : memref<!tpu.dma_semaphore, #tpu.memory_space<semaphore_mem>>) src(%dma_wait3A_448 : memref<128x16xf32, #tpu.memory_space<vmem>>) dst(%dma_wait3A_454 : memref<100352x16xf32, #tpu.memory_space<vmem_shared>>)
      %dma_wait3A_455 = arith.constant 2 : i32
      %dma_wait3A_456 = arith.constant 2 : i32
      %dma_wait3A_457 = arith.constant 0 : i32
      %dma_wait3A_458 = arith.constant 0 : i32
      %dma_wait3A_459 = tpu.memref_slice %arg8[%dma_wait3A_455, %dma_wait3A_457, %dma_wait3A_458] : memref<8x128x16xf32, #tpu.memory_space<vmem>> -> memref<1x128x16xf32, #tpu.memory_space<vmem>>
      %dma_wait3A_460 = tpu.memref_squeeze %dma_wait3A_459 : memref<1x128x16xf32, #tpu.memory_space<vmem>> -> memref<128x16xf32, #tpu.memory_space<vmem>>
      %dma_wait3A_461 = arith.constant 0 : i32
      %dma_wait3A_462 = tpu.memref_slice %arg7[%dma_wait3A_456, %dma_wait3A_461] : memref<8x128xi32, #tpu.memory_space<vmem>> -> memref<1x128xi32, #tpu.memory_space<vmem>>
      %dma_wait3A_463 = tpu.memref_squeeze %dma_wait3A_462 : memref<1x128xi32, #tpu.memory_space<vmem>> -> memref<128xi32, #tpu.memory_space<vmem>>
      %dma_wait3A_464 = arith.constant 0 : i32
      %dma_wait3A_465 = arith.constant 0 : i32
      %dma_wait3A_466 = tpu.memref_slice %arg10[%dma_wait3A_464, %dma_wait3A_465] : memref<100352x16xf32, #tpu.memory_space<vmem_shared>> -> memref<100352x16xf32, #tpu.memory_space<vmem_shared>>
      tpu.wait_indirect_dma semaphore(%arg13 : memref<!tpu.dma_semaphore, #tpu.memory_space<semaphore_mem>>) src(%dma_wait3A_460 : memref<128x16xf32, #tpu.memory_space<vmem>>) dst(%dma_wait3A_466 : memref<100352x16xf32, #tpu.memory_space<vmem_shared>>)
      %dma_wait3A_467 = arith.constant 3 : i32
      %dma_wait3A_468 = arith.constant 3 : i32
      %dma_wait3A_469 = arith.constant 0 : i32
      %dma_wait3A_470 = arith.constant 0 : i32
      %dma_wait3A_471 = tpu.memref_slice %arg8[%dma_wait3A_467, %dma_wait3A_469, %dma_wait3A_470] : memref<8x128x16xf32, #tpu.memory_space<vmem>> -> memref<1x128x16xf32, #tpu.memory_space<vmem>>
      %dma_wait3A_472 = tpu.memref_squeeze %dma_wait3A_471 : memref<1x128x16xf32, #tpu.memory_space<vmem>> -> memref<128x16xf32, #tpu.memory_space<vmem>>
      %dma_wait3A_473 = arith.constant 0 : i32
      %dma_wait3A_474 = tpu.memref_slice %arg7[%dma_wait3A_468, %dma_wait3A_473] : memref<8x128xi32, #tpu.memory_space<vmem>> -> memref<1x128xi32, #tpu.memory_space<vmem>>
      %dma_wait3A_475 = tpu.memref_squeeze %dma_wait3A_474 : memref<1x128xi32, #tpu.memory_space<vmem>> -> memref<128xi32, #tpu.memory_space<vmem>>
      %dma_wait3A_476 = arith.constant 0 : i32
      %dma_wait3A_477 = arith.constant 0 : i32
      %dma_wait3A_478 = tpu.memref_slice %arg10[%dma_wait3A_476, %dma_wait3A_477] : memref<100352x16xf32, #tpu.memory_space<vmem_shared>> -> memref<100352x16xf32, #tpu.memory_space<vmem_shared>>
      tpu.wait_indirect_dma semaphore(%arg13 : memref<!tpu.dma_semaphore, #tpu.memory_space<semaphore_mem>>) src(%dma_wait3A_472 : memref<128x16xf32, #tpu.memory_space<vmem>>) dst(%dma_wait3A_478 : memref<100352x16xf32, #tpu.memory_space<vmem_shared>>)
      %dma_wait3A_479 = arith.constant 4 : i32
      %dma_wait3A_480 = arith.constant 4 : i32
      %dma_wait3A_481 = arith.constant 0 : i32
      %dma_wait3A_482 = arith.constant 0 : i32
      %dma_wait3A_483 = tpu.memref_slice %arg8[%dma_wait3A_479, %dma_wait3A_481, %dma_wait3A_482] : memref<8x128x16xf32, #tpu.memory_space<vmem>> -> memref<1x128x16xf32, #tpu.memory_space<vmem>>
      %dma_wait3A_484 = tpu.memref_squeeze %dma_wait3A_483 : memref<1x128x16xf32, #tpu.memory_space<vmem>> -> memref<128x16xf32, #tpu.memory_space<vmem>>
      %dma_wait3A_485 = arith.constant 0 : i32
      %dma_wait3A_486 = tpu.memref_slice %arg7[%dma_wait3A_480, %dma_wait3A_485] : memref<8x128xi32, #tpu.memory_space<vmem>> -> memref<1x128xi32, #tpu.memory_space<vmem>>
      %dma_wait3A_487 = tpu.memref_squeeze %dma_wait3A_486 : memref<1x128xi32, #tpu.memory_space<vmem>> -> memref<128xi32, #tpu.memory_space<vmem>>
      %dma_wait3A_488 = arith.constant 0 : i32
      %dma_wait3A_489 = arith.constant 0 : i32
      %dma_wait3A_490 = tpu.memref_slice %arg10[%dma_wait3A_488, %dma_wait3A_489] : memref<100352x16xf32, #tpu.memory_space<vmem_shared>> -> memref<100352x16xf32, #tpu.memory_space<vmem_shared>>
      tpu.wait_indirect_dma semaphore(%arg13 : memref<!tpu.dma_semaphore, #tpu.memory_space<semaphore_mem>>) src(%dma_wait3A_484 : memref<128x16xf32, #tpu.memory_space<vmem>>) dst(%dma_wait3A_490 : memref<100352x16xf32, #tpu.memory_space<vmem_shared>>)
      %dma_wait3A_491 = arith.constant 5 : i32
      %dma_wait3A_492 = arith.constant 5 : i32
      %dma_wait3A_493 = arith.constant 0 : i32
      %dma_wait3A_494 = arith.constant 0 : i32
      %dma_wait3A_495 = tpu.memref_slice %arg8[%dma_wait3A_491, %dma_wait3A_493, %dma_wait3A_494] : memref<8x128x16xf32, #tpu.memory_space<vmem>> -> memref<1x128x16xf32, #tpu.memory_space<vmem>>
      %dma_wait3A_496 = tpu.memref_squeeze %dma_wait3A_495 : memref<1x128x16xf32, #tpu.memory_space<vmem>> -> memref<128x16xf32, #tpu.memory_space<vmem>>
      %dma_wait3A_497 = arith.constant 0 : i32
      %dma_wait3A_498 = tpu.memref_slice %arg7[%dma_wait3A_492, %dma_wait3A_497] : memref<8x128xi32, #tpu.memory_space<vmem>> -> memref<1x128xi32, #tpu.memory_space<vmem>>
      %dma_wait3A_499 = tpu.memref_squeeze %dma_wait3A_498 : memref<1x128xi32, #tpu.memory_space<vmem>> -> memref<128xi32, #tpu.memory_space<vmem>>
      %dma_wait3A_500 = arith.constant 0 : i32
      %dma_wait3A_501 = arith.constant 0 : i32
      %dma_wait3A_502 = tpu.memref_slice %arg10[%dma_wait3A_500, %dma_wait3A_501] : memref<100352x16xf32, #tpu.memory_space<vmem_shared>> -> memref<100352x16xf32, #tpu.memory_space<vmem_shared>>
      tpu.wait_indirect_dma semaphore(%arg13 : memref<!tpu.dma_semaphore, #tpu.memory_space<semaphore_mem>>) src(%dma_wait3A_496 : memref<128x16xf32, #tpu.memory_space<vmem>>) dst(%dma_wait3A_502 : memref<100352x16xf32, #tpu.memory_space<vmem_shared>>)
      %dma_wait3A_503 = arith.constant 6 : i32
      %dma_wait3A_504 = arith.constant 6 : i32
      %dma_wait3A_505 = arith.constant 0 : i32
      %dma_wait3A_506 = arith.constant 0 : i32
      %dma_wait3A_507 = tpu.memref_slice %arg8[%dma_wait3A_503, %dma_wait3A_505, %dma_wait3A_506] : memref<8x128x16xf32, #tpu.memory_space<vmem>> -> memref<1x128x16xf32, #tpu.memory_space<vmem>>
      %dma_wait3A_508 = tpu.memref_squeeze %dma_wait3A_507 : memref<1x128x16xf32, #tpu.memory_space<vmem>> -> memref<128x16xf32, #tpu.memory_space<vmem>>
      %dma_wait3A_509 = arith.constant 0 : i32
      %dma_wait3A_510 = tpu.memref_slice %arg7[%dma_wait3A_504, %dma_wait3A_509] : memref<8x128xi32, #tpu.memory_space<vmem>> -> memref<1x128xi32, #tpu.memory_space<vmem>>
      %dma_wait3A_511 = tpu.memref_squeeze %dma_wait3A_510 : memref<1x128xi32, #tpu.memory_space<vmem>> -> memref<128xi32, #tpu.memory_space<vmem>>
      %dma_wait3A_512 = arith.constant 0 : i32
      %dma_wait3A_513 = arith.constant 0 : i32
      %dma_wait3A_514 = tpu.memref_slice %arg10[%dma_wait3A_512, %dma_wait3A_513] : memref<100352x16xf32, #tpu.memory_space<vmem_shared>> -> memref<100352x16xf32, #tpu.memory_space<vmem_shared>>
      tpu.wait_indirect_dma semaphore(%arg13 : memref<!tpu.dma_semaphore, #tpu.memory_space<semaphore_mem>>) src(%dma_wait3A_508 : memref<128x16xf32, #tpu.memory_space<vmem>>) dst(%dma_wait3A_514 : memref<100352x16xf32, #tpu.memory_space<vmem_shared>>)
      %dma_wait3A_515 = arith.constant 7 : i32
      %dma_wait3A_516 = arith.constant 7 : i32
      %dma_wait3A_517 = arith.constant 0 : i32
      %dma_wait3A_518 = arith.constant 0 : i32
      %dma_wait3A_519 = tpu.memref_slice %arg8[%dma_wait3A_515, %dma_wait3A_517, %dma_wait3A_518] : memref<8x128x16xf32, #tpu.memory_space<vmem>> -> memref<1x128x16xf32, #tpu.memory_space<vmem>>
      %dma_wait3A_520 = tpu.memref_squeeze %dma_wait3A_519 : memref<1x128x16xf32, #tpu.memory_space<vmem>> -> memref<128x16xf32, #tpu.memory_space<vmem>>
      %dma_wait3A_521 = arith.constant 0 : i32
      %dma_wait3A_522 = tpu.memref_slice %arg7[%dma_wait3A_516, %dma_wait3A_521] : memref<8x128xi32, #tpu.memory_space<vmem>> -> memref<1x128xi32, #tpu.memory_space<vmem>>
      %dma_wait3A_523 = tpu.memref_squeeze %dma_wait3A_522 : memref<1x128xi32, #tpu.memory_space<vmem>> -> memref<128xi32, #tpu.memory_space<vmem>>
      %dma_wait3A_524 = arith.constant 0 : i32
      %dma_wait3A_525 = arith.constant 0 : i32
      %dma_wait3A_526 = tpu.memref_slice %arg10[%dma_wait3A_524, %dma_wait3A_525] : memref<100352x16xf32, #tpu.memory_space<vmem_shared>> -> memref<100352x16xf32, #tpu.memory_space<vmem_shared>>
      tpu.wait_indirect_dma semaphore(%arg13 : memref<!tpu.dma_semaphore, #tpu.memory_space<semaphore_mem>>) src(%dma_wait3A_520 : memref<128x16xf32, #tpu.memory_space<vmem>>) dst(%dma_wait3A_526 : memref<100352x16xf32, #tpu.memory_space<vmem_shared>>)
      %while3A_527 = arith.constant 0 : i32
      scf.yield %while3A_527 : i32
    }
    %barrier3A_38 = arith.constant 0 : index
    tpu.barrier barrier_id(%barrier3A_38)
    %add3A_39 = arith.constant 0 : i32
    %add3A_40 = arith.addi %mul3A_8, %add3A_39 : i32
    %add3A_41 = arith.constant 0 : i32
    %add3A_42 = arith.addi %mul3A_8, %add3A_41 : i32
    %dma_start3A = arith.constant 0 : i32
    %dma_start3A_43 = tpu.memref_slice %arg5[%arg0, %add3A_42, %dma_start3A] : memref<2x100352x16xf32, #tpu.memory_space<hbm>> -> memref<1x896x16xf32, #tpu.memory_space<hbm>>
    %dma_start3A_44 = tpu.memref_squeeze %dma_start3A_43 : memref<1x896x16xf32, #tpu.memory_space<hbm>> -> memref<896x16xf32, #tpu.memory_space<hbm>>
    %dma_start3A_45 = arith.constant 0 : i32
    %dma_start3A_46 = tpu.memref_slice %arg10[%add3A_40, %dma_start3A_45] : memref<100352x16xf32, #tpu.memory_space<vmem_shared>> -> memref<896x16xf32, #tpu.memory_space<vmem_shared>>
    tpu.enqueue_dma source(%dma_start3A_46 : memref<896x16xf32, #tpu.memory_space<vmem_shared>>) target(%dma_start3A_44 : memref<896x16xf32, #tpu.memory_space<hbm>>) target_semaphore(%arg13 : memref<!tpu.dma_semaphore, #tpu.memory_space<semaphore_mem>>)
    %add3A_47 = arith.constant 896 : i32
    %add3A_48 = arith.addi %mul3A_8, %add3A_47 : i32
    %add3A_49 = arith.constant 896 : i32
    %add3A_50 = arith.addi %mul3A_8, %add3A_49 : i32
    %dma_start3A_51 = arith.constant 0 : i32
    %dma_start3A_52 = tpu.memref_slice %arg5[%arg0, %add3A_50, %dma_start3A_51] : memref<2x100352x16xf32, #tpu.memory_space<hbm>> -> memref<1x896x16xf32, #tpu.memory_space<hbm>>
    %dma_start3A_53 = tpu.memref_squeeze %dma_start3A_52 : memref<1x896x16xf32, #tpu.memory_space<hbm>> -> memref<896x16xf32, #tpu.memory_space<hbm>>
    %dma_start3A_54 = arith.constant 0 : i32
    %dma_start3A_55 = tpu.memref_slice %arg10[%add3A_48, %dma_start3A_54] : memref<100352x16xf32, #tpu.memory_space<vmem_shared>> -> memref<896x16xf32, #tpu.memory_space<vmem_shared>>
    tpu.enqueue_dma source(%dma_start3A_55 : memref<896x16xf32, #tpu.memory_space<vmem_shared>>) target(%dma_start3A_53 : memref<896x16xf32, #tpu.memory_space<hbm>>) target_semaphore(%arg13 : memref<!tpu.dma_semaphore, #tpu.memory_space<semaphore_mem>>)
    %add3A_56 = arith.constant 1792 : i32
    %add3A_57 = arith.addi %mul3A_8, %add3A_56 : i32
    %add3A_58 = arith.constant 1792 : i32
    %add3A_59 = arith.addi %mul3A_8, %add3A_58 : i32
    %dma_start3A_60 = arith.constant 0 : i32
    %dma_start3A_61 = tpu.memref_slice %arg5[%arg0, %add3A_59, %dma_start3A_60] : memref<2x100352x16xf32, #tpu.memory_space<hbm>> -> memref<1x896x16xf32, #tpu.memory_space<hbm>>
    %dma_start3A_62 = tpu.memref_squeeze %dma_start3A_61 : memref<1x896x16xf32, #tpu.memory_space<hbm>> -> memref<896x16xf32, #tpu.memory_space<hbm>>
    %dma_start3A_63 = arith.constant 0 : i32
    %dma_start3A_64 = tpu.memref_slice %arg10[%add3A_57, %dma_start3A_63] : memref<100352x16xf32, #tpu.memory_space<vmem_shared>> -> memref<896x16xf32, #tpu.memory_space<vmem_shared>>
    tpu.enqueue_dma source(%dma_start3A_64 : memref<896x16xf32, #tpu.memory_space<vmem_shared>>) target(%dma_start3A_62 : memref<896x16xf32, #tpu.memory_space<hbm>>) target_semaphore(%arg13 : memref<!tpu.dma_semaphore, #tpu.memory_space<semaphore_mem>>)
    %add3A_65 = arith.constant 2688 : i32
    %add3A_66 = arith.addi %mul3A_8, %add3A_65 : i32
    %add3A_67 = arith.constant 2688 : i32
    %add3A_68 = arith.addi %mul3A_8, %add3A_67 : i32
    %dma_start3A_69 = arith.constant 0 : i32
    %dma_start3A_70 = tpu.memref_slice %arg5[%arg0, %add3A_68, %dma_start3A_69] : memref<2x100352x16xf32, #tpu.memory_space<hbm>> -> memref<1x896x16xf32, #tpu.memory_space<hbm>>
    %dma_start3A_71 = tpu.memref_squeeze %dma_start3A_70 : memref<1x896x16xf32, #tpu.memory_space<hbm>> -> memref<896x16xf32, #tpu.memory_space<hbm>>
    %dma_start3A_72 = arith.constant 0 : i32
    %dma_start3A_73 = tpu.memref_slice %arg10[%add3A_66, %dma_start3A_72] : memref<100352x16xf32, #tpu.memory_space<vmem_shared>> -> memref<896x16xf32, #tpu.memory_space<vmem_shared>>
    tpu.enqueue_dma source(%dma_start3A_73 : memref<896x16xf32, #tpu.memory_space<vmem_shared>>) target(%dma_start3A_71 : memref<896x16xf32, #tpu.memory_space<hbm>>) target_semaphore(%arg13 : memref<!tpu.dma_semaphore, #tpu.memory_space<semaphore_mem>>)
    %add3A_74 = arith.constant 3584 : i32
    %add3A_75 = arith.addi %mul3A_8, %add3A_74 : i32
    %add3A_76 = arith.constant 3584 : i32
    %add3A_77 = arith.addi %mul3A_8, %add3A_76 : i32
    %dma_start3A_78 = arith.constant 0 : i32
    %dma_start3A_79 = tpu.memref_slice %arg5[%arg0, %add3A_77, %dma_start3A_78] : memref<2x100352x16xf32, #tpu.memory_space<hbm>> -> memref<1x896x16xf32, #tpu.memory_space<hbm>>
    %dma_start3A_80 = tpu.memref_squeeze %dma_start3A_79 : memref<1x896x16xf32, #tpu.memory_space<hbm>> -> memref<896x16xf32, #tpu.memory_space<hbm>>
    %dma_start3A_81 = arith.constant 0 : i32
    %dma_start3A_82 = tpu.memref_slice %arg10[%add3A_75, %dma_start3A_81] : memref<100352x16xf32, #tpu.memory_space<vmem_shared>> -> memref<896x16xf32, #tpu.memory_space<vmem_shared>>
    tpu.enqueue_dma source(%dma_start3A_82 : memref<896x16xf32, #tpu.memory_space<vmem_shared>>) target(%dma_start3A_80 : memref<896x16xf32, #tpu.memory_space<hbm>>) target_semaphore(%arg13 : memref<!tpu.dma_semaphore, #tpu.memory_space<semaphore_mem>>)
    %add3A_83 = arith.constant 4480 : i32
    %add3A_84 = arith.addi %mul3A_8, %add3A_83 : i32
    %add3A_85 = arith.constant 4480 : i32
    %add3A_86 = arith.addi %mul3A_8, %add3A_85 : i32
    %dma_start3A_87 = arith.constant 0 : i32
    %dma_start3A_88 = tpu.memref_slice %arg5[%arg0, %add3A_86, %dma_start3A_87] : memref<2x100352x16xf32, #tpu.memory_space<hbm>> -> memref<1x896x16xf32, #tpu.memory_space<hbm>>
    %dma_start3A_89 = tpu.memref_squeeze %dma_start3A_88 : memref<1x896x16xf32, #tpu.memory_space<hbm>> -> memref<896x16xf32, #tpu.memory_space<hbm>>
    %dma_start3A_90 = arith.constant 0 : i32
    %dma_start3A_91 = tpu.memref_slice %arg10[%add3A_84, %dma_start3A_90] : memref<100352x16xf32, #tpu.memory_space<vmem_shared>> -> memref<896x16xf32, #tpu.memory_space<vmem_shared>>
    tpu.enqueue_dma source(%dma_start3A_91 : memref<896x16xf32, #tpu.memory_space<vmem_shared>>) target(%dma_start3A_89 : memref<896x16xf32, #tpu.memory_space<hbm>>) target_semaphore(%arg13 : memref<!tpu.dma_semaphore, #tpu.memory_space<semaphore_mem>>)
    %add3A_92 = arith.constant 5376 : i32
    %add3A_93 = arith.addi %mul3A_8, %add3A_92 : i32
    %add3A_94 = arith.constant 5376 : i32
    %add3A_95 = arith.addi %mul3A_8, %add3A_94 : i32
    %dma_start3A_96 = arith.constant 0 : i32
    %dma_start3A_97 = tpu.memref_slice %arg5[%arg0, %add3A_95, %dma_start3A_96] : memref<2x100352x16xf32, #tpu.memory_space<hbm>> -> memref<1x896x16xf32, #tpu.memory_space<hbm>>
    %dma_start3A_98 = tpu.memref_squeeze %dma_start3A_97 : memref<1x896x16xf32, #tpu.memory_space<hbm>> -> memref<896x16xf32, #tpu.memory_space<hbm>>
    %dma_start3A_99 = arith.constant 0 : i32
    %dma_start3A_100 = tpu.memref_slice %arg10[%add3A_93, %dma_start3A_99] : memref<100352x16xf32, #tpu.memory_space<vmem_shared>> -> memref<896x16xf32, #tpu.memory_space<vmem_shared>>
    tpu.enqueue_dma source(%dma_start3A_100 : memref<896x16xf32, #tpu.memory_space<vmem_shared>>) target(%dma_start3A_98 : memref<896x16xf32, #tpu.memory_space<hbm>>) target_semaphore(%arg13 : memref<!tpu.dma_semaphore, #tpu.memory_space<semaphore_mem>>)
    %dma_wait3A = arith.constant 0 : i32
    %dma_wait3A_101 = tpu.memref_slice %arg5[%arg0, %add3A_42, %dma_wait3A] : memref<2x100352x16xf32, #tpu.memory_space<hbm>> -> memref<1x896x16xf32, #tpu.memory_space<hbm>>
    %dma_wait3A_102 = tpu.memref_squeeze %dma_wait3A_101 : memref<1x896x16xf32, #tpu.memory_space<hbm>> -> memref<896x16xf32, #tpu.memory_space<hbm>>
    %dma_wait3A_103 = arith.constant 0 : i32
    %dma_wait3A_104 = tpu.memref_slice %arg10[%add3A_40, %dma_wait3A_103] : memref<100352x16xf32, #tpu.memory_space<vmem_shared>> -> memref<896x16xf32, #tpu.memory_space<vmem_shared>>
    tpu.wait_dma2 semaphore(%arg13 : memref<!tpu.dma_semaphore, #tpu.memory_space<semaphore_mem>>) src(%dma_wait3A_104 : memref<896x16xf32, #tpu.memory_space<vmem_shared>>) dst(%dma_wait3A_102 : memref<896x16xf32, #tpu.memory_space<hbm>>)
    %dma_wait3A_105 = arith.constant 0 : i32
    %dma_wait3A_106 = tpu.memref_slice %arg5[%arg0, %add3A_50, %dma_wait3A_105] : memref<2x100352x16xf32, #tpu.memory_space<hbm>> -> memref<1x896x16xf32, #tpu.memory_space<hbm>>
    %dma_wait3A_107 = tpu.memref_squeeze %dma_wait3A_106 : memref<1x896x16xf32, #tpu.memory_space<hbm>> -> memref<896x16xf32, #tpu.memory_space<hbm>>
    %dma_wait3A_108 = arith.constant 0 : i32
    %dma_wait3A_109 = tpu.memref_slice %arg10[%add3A_48, %dma_wait3A_108] : memref<100352x16xf32, #tpu.memory_space<vmem_shared>> -> memref<896x16xf32, #tpu.memory_space<vmem_shared>>
    tpu.wait_dma2 semaphore(%arg13 : memref<!tpu.dma_semaphore, #tpu.memory_space<semaphore_mem>>) src(%dma_wait3A_109 : memref<896x16xf32, #tpu.memory_space<vmem_shared>>) dst(%dma_wait3A_107 : memref<896x16xf32, #tpu.memory_space<hbm>>)
    %dma_wait3A_110 = arith.constant 0 : i32
    %dma_wait3A_111 = tpu.memref_slice %arg5[%arg0, %add3A_59, %dma_wait3A_110] : memref<2x100352x16xf32, #tpu.memory_space<hbm>> -> memref<1x896x16xf32, #tpu.memory_space<hbm>>
    %dma_wait3A_112 = tpu.memref_squeeze %dma_wait3A_111 : memref<1x896x16xf32, #tpu.memory_space<hbm>> -> memref<896x16xf32, #tpu.memory_space<hbm>>
    %dma_wait3A_113 = arith.constant 0 : i32
    %dma_wait3A_114 = tpu.memref_slice %arg10[%add3A_57, %dma_wait3A_113] : memref<100352x16xf32, #tpu.memory_space<vmem_shared>> -> memref<896x16xf32, #tpu.memory_space<vmem_shared>>
    tpu.wait_dma2 semaphore(%arg13 : memref<!tpu.dma_semaphore, #tpu.memory_space<semaphore_mem>>) src(%dma_wait3A_114 : memref<896x16xf32, #tpu.memory_space<vmem_shared>>) dst(%dma_wait3A_112 : memref<896x16xf32, #tpu.memory_space<hbm>>)
    %dma_wait3A_115 = arith.constant 0 : i32
    %dma_wait3A_116 = tpu.memref_slice %arg5[%arg0, %add3A_68, %dma_wait3A_115] : memref<2x100352x16xf32, #tpu.memory_space<hbm>> -> memref<1x896x16xf32, #tpu.memory_space<hbm>>
    %dma_wait3A_117 = tpu.memref_squeeze %dma_wait3A_116 : memref<1x896x16xf32, #tpu.memory_space<hbm>> -> memref<896x16xf32, #tpu.memory_space<hbm>>
    %dma_wait3A_118 = arith.constant 0 : i32
    %dma_wait3A_119 = tpu.memref_slice %arg10[%add3A_66, %dma_wait3A_118] : memref<100352x16xf32, #tpu.memory_space<vmem_shared>> -> memref<896x16xf32, #tpu.memory_space<vmem_shared>>
    tpu.wait_dma2 semaphore(%arg13 : memref<!tpu.dma_semaphore, #tpu.memory_space<semaphore_mem>>) src(%dma_wait3A_119 : memref<896x16xf32, #tpu.memory_space<vmem_shared>>) dst(%dma_wait3A_117 : memref<896x16xf32, #tpu.memory_space<hbm>>)
    %dma_wait3A_120 = arith.constant 0 : i32
    %dma_wait3A_121 = tpu.memref_slice %arg5[%arg0, %add3A_77, %dma_wait3A_120] : memref<2x100352x16xf32, #tpu.memory_space<hbm>> -> memref<1x896x16xf32, #tpu.memory_space<hbm>>
    %dma_wait3A_122 = tpu.memref_squeeze %dma_wait3A_121 : memref<1x896x16xf32, #tpu.memory_space<hbm>> -> memref<896x16xf32, #tpu.memory_space<hbm>>
    %dma_wait3A_123 = arith.constant 0 : i32
    %dma_wait3A_124 = tpu.memref_slice %arg10[%add3A_75, %dma_wait3A_123] : memref<100352x16xf32, #tpu.memory_space<vmem_shared>> -> memref<896x16xf32, #tpu.memory_space<vmem_shared>>
    tpu.wait_dma2 semaphore(%arg13 : memref<!tpu.dma_semaphore, #tpu.memory_space<semaphore_mem>>) src(%dma_wait3A_124 : memref<896x16xf32, #tpu.memory_space<vmem_shared>>) dst(%dma_wait3A_122 : memref<896x16xf32, #tpu.memory_space<hbm>>)
    %dma_wait3A_125 = arith.constant 0 : i32
    %dma_wait3A_126 = tpu.memref_slice %arg5[%arg0, %add3A_86, %dma_wait3A_125] : memref<2x100352x16xf32, #tpu.memory_space<hbm>> -> memref<1x896x16xf32, #tpu.memory_space<hbm>>
    %dma_wait3A_127 = tpu.memref_squeeze %dma_wait3A_126 : memref<1x896x16xf32, #tpu.memory_space<hbm>> -> memref<896x16xf32, #tpu.memory_space<hbm>>
    %dma_wait3A_128 = arith.constant 0 : i32
    %dma_wait3A_129 = tpu.memref_slice %arg10[%add3A_84, %dma_wait3A_128] : memref<100352x16xf32, #tpu.memory_space<vmem_shared>> -> memref<896x16xf32, #tpu.memory_space<vmem_shared>>
    tpu.wait_dma2 semaphore(%arg13 : memref<!tpu.dma_semaphore, #tpu.memory_space<semaphore_mem>>) src(%dma_wait3A_129 : memref<896x16xf32, #tpu.memory_space<vmem_shared>>) dst(%dma_wait3A_127 : memref<896x16xf32, #tpu.memory_space<hbm>>)
    %dma_wait3A_130 = arith.constant 0 : i32
    %dma_wait3A_131 = tpu.memref_slice %arg5[%arg0, %add3A_95, %dma_wait3A_130] : memref<2x100352x16xf32, #tpu.memory_space<hbm>> -> memref<1x896x16xf32, #tpu.memory_space<hbm>>
    %dma_wait3A_132 = tpu.memref_squeeze %dma_wait3A_131 : memref<1x896x16xf32, #tpu.memory_space<hbm>> -> memref<896x16xf32, #tpu.memory_space<hbm>>
    %dma_wait3A_133 = arith.constant 0 : i32
    %dma_wait3A_134 = tpu.memref_slice %arg10[%add3A_93, %dma_wait3A_133] : memref<100352x16xf32, #tpu.memory_space<vmem_shared>> -> memref<896x16xf32, #tpu.memory_space<vmem_shared>>
    tpu.wait_dma2 semaphore(%arg13 : memref<!tpu.dma_semaphore, #tpu.memory_space<semaphore_mem>>) src(%dma_wait3A_134 : memref<896x16xf32, #tpu.memory_space<vmem_shared>>) dst(%dma_wait3A_132 : memref<896x16xf32, #tpu.memory_space<hbm>>)
    return
  }
}

module attributes {stable_mosaic.version = 14 : i64} {
  func.func @body(%arg0: i32, %arg1: memref<5000x1xi32, #tpu.memory_space<vmem>>, %arg2: memref<5000x1xf32, #tpu.memory_space<vmem>>, %arg3: memref<5000x1xf32, #tpu.memory_space<vmem>>, %arg4: memref<32x16xf32, #tpu.memory_space<vmem>>, %arg5: memref<5000x16xf32, #tpu.memory_space<vmem>>, %arg6: memref<5000x1xf32, #tpu.memory_space<vmem>>) attributes {dimension_semantics = [#tpu.dimension_semantics<arbitrary>], iteration_bounds = array<i64: 20>, scalar_prefetch = 0 : i64, scratch_operands = 0 : i64, tpu.core_type = #tpu.core_type<tc>, window_params = [{transform_indices = @transform_0, window_bounds = array<i64: 5000, 1>}, {transform_indices = @transform_1, window_bounds = array<i64: 5000, 1>}, {transform_indices = @transform_2, window_bounds = array<i64: 5000, 1>}, {pipeline_mode = #tpu.pipeline_mode<synchronous>, transform_indices = @transform_3, window_bounds = array<i64: 32, 16>}, {transform_indices = @transform_4, window_bounds = array<i64: 5000, 16>}, {transform_indices = @transform_5, window_bounds = array<i64: 5000, 1>}]} {
    %get3A = arith.constant 0 : index
    %get3A_0 = arith.constant 0 : index
    %get3A_1 = vector.load %arg2[%get3A, %get3A_0] : memref<5000x1xf32, #tpu.memory_space<vmem>>, vector<5000x1xf32>
    %get3A_2 = arith.constant 0 : index
    %get3A_3 = arith.constant 0 : index
    %get3A_4 = vector.load %arg3[%get3A_2, %get3A_3] : memref<5000x1xf32, #tpu.memory_space<vmem>>, vector<5000x1xf32>
    %add3A = arith.addf %get3A_1, %get3A_4 : vector<5000x1xf32>
    %add3A_5 = arith.constant 1.000000e+00 : f32
    %add3A_6 = vector.broadcast %add3A_5 : f32 to vector<5000x1xf32>
    %add3A_7 = arith.addf %add3A, %add3A_6 : vector<5000x1xf32>
    %rsqrt3A = math.rsqrt %add3A_7 : vector<5000x1xf32>
    %get3A_8 = arith.constant 0 : index
    %get3A_9 = arith.constant 0 : index
    %get3A_10 = vector.load %arg1[%get3A_8, %get3A_9] : memref<5000x1xi32, #tpu.memory_space<vmem>>, vector<5000x1xi32>
    %iota3A = tpu.iota {dimensions = array<i32: 1>} : vector<1x32xi32>
    %eq3A = vector.broadcast %get3A_10 : vector<5000x1xi32> to vector<5000x32xi32>
    %eq3A_11 = vector.broadcast %iota3A : vector<1x32xi32> to vector<5000x32xi32>
    %eq3A_12 = arith.cmpi eq, %eq3A, %eq3A_11 : vector<5000x32xi32>
    %convert_element_type3A = arith.extui %eq3A_12 : vector<5000x32xi1> to vector<5000x32xi32>
    %convert_element_type3A_13 = arith.sitofp %convert_element_type3A : vector<5000x32xi32> to vector<5000x32xf32>
    %get3A_14 = arith.constant 0 : index
    %get3A_15 = arith.constant 0 : index
    %get3A_16 = vector.load %arg4[%get3A_14, %get3A_15] : memref<32x16xf32, #tpu.memory_space<vmem>>, vector<32x16xf32>
    %dot_general3A = arith.constant dense<0.000000e+00> : vector<5000x16xf32>
    %dot_general3A_17 = tpu.matmul %convert_element_type3A_13, %get3A_16, %dot_general3A {dimension_numbers = #tpu.dot_dimension_numbers<[1], [0], [0], [1], [0, 0, 1, 1], [], []>, transpose_lhs_hint = false} : vector<5000x32xf32>, vector<32x16xf32>, vector<5000x16xf32> -> vector<5000x16xf32>
    %mul3A = vector.broadcast %rsqrt3A : vector<5000x1xf32> to vector<5000x16xf32>
    %mul3A_18 = arith.mulf %dot_general3A_17, %mul3A : vector<5000x16xf32>
    %swap3A = arith.constant 0 : index
    %swap3A_19 = arith.constant 0 : index
    %swap3A_20 = vector.load %arg5[%swap3A, %swap3A_19] : memref<5000x16xf32, #tpu.memory_space<vmem>>, vector<5000x16xf32>
    tpu.vector_store %arg5[%swap3A, %swap3A_19], %mul3A_18 {strides = array<i32>} : memref<5000x16xf32, #tpu.memory_space<vmem>>, vector<5000x16xf32>,
    %swap3A_21 = arith.constant 0 : index
    %swap3A_22 = arith.constant 0 : index
    %swap3A_23 = vector.load %arg6[%swap3A_21, %swap3A_22] : memref<5000x1xf32, #tpu.memory_space<vmem>>, vector<5000x1xf32>
    tpu.vector_store %arg6[%swap3A_21, %swap3A_22], %rsqrt3A {strides = array<i32>} : memref<5000x1xf32, #tpu.memory_space<vmem>>, vector<5000x1xf32>,
    return
  }
  func.func @transform_0(%arg0: i32) -> (i32, i32) {
    %c0_i32 = arith.constant 0 : i32
    %c0_i32_0 = arith.constant 0 : i32
    return %arg0, %c0_i32 : i32, i32
  }
  func.func @transform_1(%arg0: i32) -> (i32, i32) {
    %c0_i32 = arith.constant 0 : i32
    %c0_i32_0 = arith.constant 0 : i32
    return %arg0, %c0_i32 : i32, i32
  }
  func.func @transform_2(%arg0: i32) -> (i32, i32) {
    %c0_i32 = arith.constant 0 : i32
    %c0_i32_0 = arith.constant 0 : i32
    return %arg0, %c0_i32 : i32, i32
  }
  func.func @transform_3(%arg0: i32) -> (i32, i32) {
    %c0_i32 = arith.constant 0 : i32
    %c0_i32_0 = arith.constant 0 : i32
    %c0_i32_1 = arith.constant 0 : i32
    return %c0_i32, %c0_i32_0 : i32, i32
  }
  func.func @transform_4(%arg0: i32) -> (i32, i32) {
    %c0_i32 = arith.constant 0 : i32
    %c0_i32_0 = arith.constant 0 : i32
    return %arg0, %c0_i32 : i32, i32
  }
  func.func @transform_5(%arg0: i32) -> (i32, i32) {
    %c0_i32 = arith.constant 0 : i32
    %c0_i32_0 = arith.constant 0 : i32
    return %arg0, %c0_i32 : i32, i32
  }
}

module attributes {stable_mosaic.version = 14 : i64} {
  func.func @body(%arg0: i32, %arg1: memref<2x5000x16xf32, #tpu.memory_space<vmem>>, %arg2: memref<5000x16xf32, #tpu.memory_space<vmem>>, %arg3: memref<5000x1xf32, #tpu.memory_space<vmem>>, %arg4: memref<16x32xf32, #tpu.memory_space<vmem>>, %arg5: memref<1x32xf32, #tpu.memory_space<vmem>>, %arg6: memref<32x16xf32, #tpu.memory_space<vmem>>, %arg7: memref<5000x16xf32, #tpu.memory_space<vmem>>) attributes {dimension_semantics = [#tpu.dimension_semantics<arbitrary>], iteration_bounds = array<i64: 20>, scalar_prefetch = 0 : i64, scratch_operands = 0 : i64, tpu.core_type = #tpu.core_type<tc>, window_params = [{transform_indices = @transform_0, window_bounds = array<i64: 2, 5000, 16>}, {transform_indices = @transform_1, window_bounds = array<i64: 5000, 16>}, {transform_indices = @transform_2, window_bounds = array<i64: 5000, 1>}, {pipeline_mode = #tpu.pipeline_mode<synchronous>, transform_indices = @transform_3, window_bounds = array<i64: 16, 32>}, {pipeline_mode = #tpu.pipeline_mode<synchronous>, transform_indices = @transform_4, window_bounds = array<i64: 1, 32>}, {pipeline_mode = #tpu.pipeline_mode<synchronous>, transform_indices = @transform_5, window_bounds = array<i64: 32, 16>}, {transform_indices = @transform_6, window_bounds = array<i64: 5000, 16>}]} {
    %get3A = arith.constant 0 : index
    %get3A_0 = arith.constant 0 : index
    %get3A_1 = arith.constant 0 : index
    %get3A_2 = vector.load %arg1[%get3A, %get3A_0, %get3A_1] : memref<2x5000x16xf32, #tpu.memory_space<vmem>>, vector<1x5000x16xf32>
    %get3A_3 = vector.shape_cast %get3A_2 : vector<1x5000x16xf32> to vector<5000x16xf32>
    %get3A_4 = arith.constant 1 : index
    %get3A_5 = arith.constant 0 : index
    %get3A_6 = arith.constant 0 : index
    %get3A_7 = vector.load %arg1[%get3A_4, %get3A_5, %get3A_6] : memref<2x5000x16xf32, #tpu.memory_space<vmem>>, vector<1x5000x16xf32>
    %get3A_8 = vector.shape_cast %get3A_7 : vector<1x5000x16xf32> to vector<5000x16xf32>
    %add3A = arith.addf %get3A_3, %get3A_8 : vector<5000x16xf32>
    %get3A_9 = arith.constant 0 : index
    %get3A_10 = arith.constant 0 : index
    %get3A_11 = vector.load %arg2[%get3A_9, %get3A_10] : memref<5000x16xf32, #tpu.memory_space<vmem>>, vector<5000x16xf32>
    %add3A_12 = arith.addf %add3A, %get3A_11 : vector<5000x16xf32>
    %get3A_13 = arith.constant 0 : index
    %get3A_14 = arith.constant 0 : index
    %get3A_15 = vector.load %arg3[%get3A_13, %get3A_14] : memref<5000x1xf32, #tpu.memory_space<vmem>>, vector<5000x1xf32>
    %get3A_16 = arith.constant 0 : index
    %get3A_17 = arith.constant 0 : index
    %get3A_18 = vector.load %arg4[%get3A_16, %get3A_17] : memref<16x32xf32, #tpu.memory_space<vmem>>, vector<16x32xf32>
    %dot_general3A = arith.constant dense<0.000000e+00> : vector<5000x32xf32>
    %dot_general3A_19 = tpu.matmul %add3A_12, %get3A_18, %dot_general3A {dimension_numbers = #tpu.dot_dimension_numbers<[1], [0], [0], [1], [0, 0, 1, 1], [], []>, transpose_lhs_hint = false} : vector<5000x16xf32>, vector<16x32xf32>, vector<5000x32xf32> -> vector<5000x32xf32>
    %mul3A = vector.broadcast %get3A_15 : vector<5000x1xf32> to vector<5000x32xf32>
    %mul3A_20 = arith.mulf %dot_general3A_19, %mul3A : vector<5000x32xf32>
    %get3A_21 = arith.constant 0 : index
    %get3A_22 = arith.constant 0 : index
    %get3A_23 = vector.load %arg5[%get3A_21, %get3A_22] : memref<1x32xf32, #tpu.memory_space<vmem>>, vector<1x32xf32>
    %add3A_24 = vector.broadcast %get3A_23 : vector<1x32xf32> to vector<5000x32xf32>
    %add3A_25 = arith.addf %mul3A_20, %add3A_24 : vector<5000x32xf32>
    %max3A = arith.constant 0.000000e+00 : f32
    %max3A_26 = vector.broadcast %max3A : f32 to vector<5000x32xf32>
    %max3A_27 = arith.maximumf %add3A_25, %max3A_26 : vector<5000x32xf32>
    %get3A_28 = arith.constant 0 : index
    %get3A_29 = arith.constant 0 : index
    %get3A_30 = vector.load %arg6[%get3A_28, %get3A_29] : memref<32x16xf32, #tpu.memory_space<vmem>>, vector<32x16xf32>
    %dot_general3A_31 = arith.constant dense<0.000000e+00> : vector<5000x16xf32>
    %dot_general3A_32 = tpu.matmul %max3A_27, %get3A_30, %dot_general3A_31 {dimension_numbers = #tpu.dot_dimension_numbers<[1], [0], [0], [1], [0, 0, 1, 1], [], []>, transpose_lhs_hint = false} : vector<5000x32xf32>, vector<32x16xf32>, vector<5000x16xf32> -> vector<5000x16xf32>
    %mul3A_33 = vector.broadcast %get3A_15 : vector<5000x1xf32> to vector<5000x16xf32>
    %mul3A_34 = arith.mulf %dot_general3A_32, %mul3A_33 : vector<5000x16xf32>
    %swap3A = arith.constant 0 : index
    %swap3A_35 = arith.constant 0 : index
    %swap3A_36 = vector.load %arg7[%swap3A, %swap3A_35] : memref<5000x16xf32, #tpu.memory_space<vmem>>, vector<5000x16xf32>
    tpu.vector_store %arg7[%swap3A, %swap3A_35], %mul3A_34 {strides = array<i32>} : memref<5000x16xf32, #tpu.memory_space<vmem>>, vector<5000x16xf32>,
    return
  }
  func.func @transform_0(%arg0: i32) -> (i32, i32, i32) {
    %c0_i32 = arith.constant 0 : i32
    %c0_i32_0 = arith.constant 0 : i32
    %c0_i32_1 = arith.constant 0 : i32
    return %c0_i32, %arg0, %c0_i32_0 : i32, i32, i32
  }
  func.func @transform_1(%arg0: i32) -> (i32, i32) {
    %c0_i32 = arith.constant 0 : i32
    %c0_i32_0 = arith.constant 0 : i32
    return %arg0, %c0_i32 : i32, i32
  }
  func.func @transform_2(%arg0: i32) -> (i32, i32) {
    %c0_i32 = arith.constant 0 : i32
    %c0_i32_0 = arith.constant 0 : i32
    return %arg0, %c0_i32 : i32, i32
  }
  func.func @transform_3(%arg0: i32) -> (i32, i32) {
    %c0_i32 = arith.constant 0 : i32
    %c0_i32_0 = arith.constant 0 : i32
    %c0_i32_1 = arith.constant 0 : i32
    return %c0_i32, %c0_i32_0 : i32, i32
  }
  func.func @transform_4(%arg0: i32) -> (i32, i32) {
    %c0_i32 = arith.constant 0 : i32
    %c0_i32_0 = arith.constant 0 : i32
    %c0_i32_1 = arith.constant 0 : i32
    return %c0_i32, %c0_i32_0 : i32, i32
  }
  func.func @transform_5(%arg0: i32) -> (i32, i32) {
    %c0_i32 = arith.constant 0 : i32
    %c0_i32_0 = arith.constant 0 : i32
    %c0_i32_1 = arith.constant 0 : i32
    return %c0_i32, %c0_i32_0 : i32, i32
  }
  func.func @transform_6(%arg0: i32) -> (i32, i32) {
    %c0_i32 = arith.constant 0 : i32
    %c0_i32_0 = arith.constant 0 : i32
    return %arg0, %c0_i32 : i32, i32
  }
}

module attributes {stable_mosaic.version = 14 : i64} {
  func.func @body(%arg0: i32, %arg1: memref<2x5000x16xf32, #tpu.memory_space<vmem>>, %arg2: memref<5000x16xf32, #tpu.memory_space<vmem>>, %arg3: memref<5000x1xf32, #tpu.memory_space<vmem>>, %arg4: memref<1x16xf32, #tpu.memory_space<vmem>>, %arg5: memref<5000x1xi32, #tpu.memory_space<vmem>>, %arg6: memref<16x8xf32, #tpu.memory_space<vmem>>, %arg7: memref<1x8xf32, #tpu.memory_space<vmem>>, %arg8: memref<64x8xf32, #tpu.memory_space<vmem>>, %arg9: memref<64x16xf32, #tpu.memory_space<vmem>>, %arg10: memref<64x16xf32, #tpu.memory_space<vmem>>) attributes {dimension_semantics = [#tpu.dimension_semantics<arbitrary>], iteration_bounds = array<i64: 20>, scalar_prefetch = 0 : i64, scratch_operands = 2 : i64, tpu.core_type = #tpu.core_type<tc>, window_params = [{transform_indices = @transform_0, window_bounds = array<i64: 2, 5000, 16>}, {transform_indices = @transform_1, window_bounds = array<i64: 5000, 16>}, {transform_indices = @transform_2, window_bounds = array<i64: 5000, 1>}, {pipeline_mode = #tpu.pipeline_mode<synchronous>, transform_indices = @transform_3, window_bounds = array<i64: 1, 16>}, {transform_indices = @transform_4, window_bounds = array<i64: 5000, 1>}, {pipeline_mode = #tpu.pipeline_mode<synchronous>, transform_indices = @transform_5, window_bounds = array<i64: 16, 8>}, {pipeline_mode = #tpu.pipeline_mode<synchronous>, transform_indices = @transform_6, window_bounds = array<i64: 1, 8>}, {pipeline_mode = #tpu.pipeline_mode<synchronous>, transform_indices = @transform_7, window_bounds = array<i64: 64, 8>}]} {
    %eq3A = arith.constant 0 : i32
    %eq3A_0 = arith.cmpi eq, %arg0, %eq3A : i32
    %convert_element_type3A = arith.extui %eq3A_0 : i1 to i32
    %cond3A = arith.constant 0 : i32
    %cond3A_1 = arith.cmpi ne, %convert_element_type3A, %cond3A : i32
    scf.if %cond3A_1 {
      %broadcast_in_dim3A_54 = arith.constant 0.000000e+00 : f32
      %broadcast_in_dim3A_55 = vector.broadcast %broadcast_in_dim3A_54 : f32 to vector<64x16xf32>
      %swap3A_56 = arith.constant 0 : index
      %swap3A_57 = arith.constant 0 : index
      %swap3A_58 = vector.load %arg9[%swap3A_56, %swap3A_57] : memref<64x16xf32, #tpu.memory_space<vmem>>, vector<64x16xf32>
      tpu.vector_store %arg9[%swap3A_56, %swap3A_57], %broadcast_in_dim3A_55 {strides = array<i32>} : memref<64x16xf32, #tpu.memory_space<vmem>>, vector<64x16xf32>,
      %broadcast_in_dim3A_59 = arith.constant 0.000000e+00 : f32
      %broadcast_in_dim3A_60 = vector.broadcast %broadcast_in_dim3A_59 : f32 to vector<64x16xf32>
      %swap3A_61 = arith.constant 0 : index
      %swap3A_62 = arith.constant 0 : index
      %swap3A_63 = vector.load %arg10[%swap3A_61, %swap3A_62] : memref<64x16xf32, #tpu.memory_space<vmem>>, vector<64x16xf32>
      tpu.vector_store %arg10[%swap3A_61, %swap3A_62], %broadcast_in_dim3A_60 {strides = array<i32>} : memref<64x16xf32, #tpu.memory_space<vmem>>, vector<64x16xf32>,
    } else {
    }
    %get3A = arith.constant 0 : index
    %get3A_2 = arith.constant 0 : index
    %get3A_3 = vector.load %arg3[%get3A, %get3A_2] : memref<5000x1xf32, #tpu.memory_space<vmem>>, vector<5000x1xf32>
    %get3A_4 = arith.constant 0 : index
    %get3A_5 = arith.constant 0 : index
    %get3A_6 = arith.constant 0 : index
    %get3A_7 = vector.load %arg1[%get3A_4, %get3A_5, %get3A_6] : memref<2x5000x16xf32, #tpu.memory_space<vmem>>, vector<1x5000x16xf32>
    %get3A_8 = vector.shape_cast %get3A_7 : vector<1x5000x16xf32> to vector<5000x16xf32>
    %get3A_9 = arith.constant 1 : index
    %get3A_10 = arith.constant 0 : index
    %get3A_11 = arith.constant 0 : index
    %get3A_12 = vector.load %arg1[%get3A_9, %get3A_10, %get3A_11] : memref<2x5000x16xf32, #tpu.memory_space<vmem>>, vector<1x5000x16xf32>
    %get3A_13 = vector.shape_cast %get3A_12 : vector<1x5000x16xf32> to vector<5000x16xf32>
    %add3A = arith.addf %get3A_8, %get3A_13 : vector<5000x16xf32>
    %get3A_14 = arith.constant 0 : index
    %get3A_15 = arith.constant 0 : index
    %get3A_16 = vector.load %arg2[%get3A_14, %get3A_15] : memref<5000x16xf32, #tpu.memory_space<vmem>>, vector<5000x16xf32>
    %add3A_17 = arith.addf %add3A, %get3A_16 : vector<5000x16xf32>
    %mul3A = vector.broadcast %get3A_3 : vector<5000x1xf32> to vector<5000x16xf32>
    %mul3A_18 = arith.mulf %mul3A, %add3A_17 : vector<5000x16xf32>
    %get3A_19 = arith.constant 0 : index
    %get3A_20 = arith.constant 0 : index
    %get3A_21 = vector.load %arg4[%get3A_19, %get3A_20] : memref<1x16xf32, #tpu.memory_space<vmem>>, vector<1x16xf32>
    %add3A_22 = vector.broadcast %get3A_21 : vector<1x16xf32> to vector<5000x16xf32>
    %add3A_23 = arith.addf %mul3A_18, %add3A_22 : vector<5000x16xf32>
    %get3A_24 = arith.constant 0 : index
    %get3A_25 = arith.constant 0 : index
    %get3A_26 = vector.load %arg5[%get3A_24, %get3A_25] : memref<5000x1xi32, #tpu.memory_space<vmem>>, vector<5000x1xi32>
    %iota3A = tpu.iota {dimensions = array<i32: 1>} : vector<1x64xi32>
    %eq3A_27 = vector.broadcast %get3A_26 : vector<5000x1xi32> to vector<5000x64xi32>
    %eq3A_28 = vector.broadcast %iota3A : vector<1x64xi32> to vector<5000x64xi32>
    %eq3A_29 = arith.cmpi eq, %eq3A_27, %eq3A_28 : vector<5000x64xi32>
    %convert_element_type3A_30 = arith.extui %eq3A_29 : vector<5000x64xi1> to vector<5000x64xi32>
    %convert_element_type3A_31 = arith.sitofp %convert_element_type3A_30 : vector<5000x64xi32> to vector<5000x64xf32>
    %get3A_32 = arith.constant 0 : index
    %get3A_33 = arith.constant 0 : index
    %get3A_34 = vector.load %arg9[%get3A_32, %get3A_33] : memref<64x16xf32, #tpu.memory_space<vmem>>, vector<64x16xf32>
    %dot_general3A = arith.constant dense<0.000000e+00> : vector<64x16xf32>
    %dot_general3A_35 = tpu.matmul %convert_element_type3A_31, %add3A_23, %dot_general3A {dimension_numbers = #tpu.dot_dimension_numbers<[0], [0], [1], [1], [0, 1, 1, 1], [], []>, transpose_lhs_hint = false} : vector<5000x64xf32>, vector<5000x16xf32>, vector<64x16xf32> -> vector<64x16xf32>
    %add3A_36 = arith.addf %get3A_34, %dot_general3A_35 : vector<64x16xf32>
    %swap3A = arith.constant 0 : index
    %swap3A_37 = arith.constant 0 : index
    %swap3A_38 = vector.load %arg9[%swap3A, %swap3A_37] : memref<64x16xf32, #tpu.memory_space<vmem>>, vector<64x16xf32>
    tpu.vector_store %arg9[%swap3A, %swap3A_37], %add3A_36 {strides = array<i32>} : memref<64x16xf32, #tpu.memory_space<vmem>>, vector<64x16xf32>,
    %get3A_39 = arith.constant 0 : index
    %get3A_40 = arith.constant 0 : index
    %get3A_41 = vector.load %arg10[%get3A_39, %get3A_40] : memref<64x16xf32, #tpu.memory_space<vmem>>, vector<64x16xf32>
    %broadcast_in_dim3A = arith.constant 1.000000e+00 : f32
    %broadcast_in_dim3A_42 = vector.broadcast %broadcast_in_dim3A : f32 to vector<5000x16xf32>
    %dot_general3A_43 = arith.constant dense<0.000000e+00> : vector<64x16xf32>
    %dot_general3A_44 = tpu.matmul %convert_element_type3A_31, %broadcast_in_dim3A_42, %dot_general3A_43 {dimension_numbers = #tpu.dot_dimension_numbers<[0], [0], [1], [1], [0, 1, 1, 1], [], []>, transpose_lhs_hint = false} : vector<5000x64xf32>, vector<5000x16xf32>, vector<64x16xf32> -> vector<64x16xf32>
    %add3A_45 = arith.addf %get3A_41, %dot_general3A_44 : vector<64x16xf32>
    %swap3A_46 = arith.constant 0 : index
    %swap3A_47 = arith.constant 0 : index
    %swap3A_48 = vector.load %arg10[%swap3A_46, %swap3A_47] : memref<64x16xf32, #tpu.memory_space<vmem>>, vector<64x16xf32>
    tpu.vector_store %arg10[%swap3A_46, %swap3A_47], %add3A_45 {strides = array<i32>} : memref<64x16xf32, #tpu.memory_space<vmem>>, vector<64x16xf32>,
    %eq3A_49 = arith.constant 19 : i32
    %eq3A_50 = arith.cmpi eq, %arg0, %eq3A_49 : i32
    %convert_element_type3A_51 = arith.extui %eq3A_50 : i1 to i32
    %cond3A_52 = arith.constant 0 : i32
    %cond3A_53 = arith.cmpi ne, %convert_element_type3A_51, %cond3A_52 : i32
    scf.if %cond3A_53 {
      %get3A_54 = arith.constant 0 : index
      %get3A_55 = arith.constant 0 : index
      %get3A_56 = vector.load %arg9[%get3A_54, %get3A_55] : memref<64x16xf32, #tpu.memory_space<vmem>>, vector<64x16xf32>
      %get3A_57 = arith.constant 0 : index
      %get3A_58 = arith.constant 0 : index
      %get3A_59 = vector.load %arg10[%get3A_57, %get3A_58] : memref<64x16xf32, #tpu.memory_space<vmem>>, vector<64x16xf32>
      %max3A = arith.constant 1.000000e+00 : f32
      %max3A_60 = vector.broadcast %max3A : f32 to vector<64x16xf32>
      %max3A_61 = arith.maximumf %get3A_59, %max3A_60 : vector<64x16xf32>
      %div3A = arith.divf %get3A_56, %max3A_61 : vector<64x16xf32>
      %get3A_62 = arith.constant 0 : index
      %get3A_63 = arith.constant 0 : index
      %get3A_64 = vector.load %arg6[%get3A_62, %get3A_63] : memref<16x8xf32, #tpu.memory_space<vmem>>, vector<16x8xf32>
      %dot_general3A_65 = arith.constant dense<0.000000e+00> : vector<64x8xf32>
      %dot_general3A_66 = tpu.matmul %div3A, %get3A_64, %dot_general3A_65 {dimension_numbers = #tpu.dot_dimension_numbers<[1], [0], [0], [1], [0, 0, 1, 1], [], []>, transpose_lhs_hint = false} : vector<64x16xf32>, vector<16x8xf32>, vector<64x8xf32> -> vector<64x8xf32>
      %get3A_67 = arith.constant 0 : index
      %get3A_68 = arith.constant 0 : index
      %get3A_69 = vector.load %arg7[%get3A_67, %get3A_68] : memref<1x8xf32, #tpu.memory_space<vmem>>, vector<1x8xf32>
      %add3A_70 = vector.broadcast %get3A_69 : vector<1x8xf32> to vector<64x8xf32>
      %add3A_71 = arith.addf %dot_general3A_66, %add3A_70 : vector<64x8xf32>
      %swap3A_72 = arith.constant 0 : index
      %swap3A_73 = arith.constant 0 : index
      %swap3A_74 = vector.load %arg8[%swap3A_72, %swap3A_73] : memref<64x8xf32, #tpu.memory_space<vmem>>, vector<64x8xf32>
      tpu.vector_store %arg8[%swap3A_72, %swap3A_73], %add3A_71 {strides = array<i32>} : memref<64x8xf32, #tpu.memory_space<vmem>>, vector<64x8xf32>,
    } else {
    }
    return
  }
  func.func @transform_0(%arg0: i32) -> (i32, i32, i32) {
    %c0_i32 = arith.constant 0 : i32
    %c0_i32_0 = arith.constant 0 : i32
    %c0_i32_1 = arith.constant 0 : i32
    return %c0_i32, %arg0, %c0_i32_0 : i32, i32, i32
  }
  func.func @transform_1(%arg0: i32) -> (i32, i32) {
    %c0_i32 = arith.constant 0 : i32
    %c0_i32_0 = arith.constant 0 : i32
    return %arg0, %c0_i32 : i32, i32
  }
  func.func @transform_2(%arg0: i32) -> (i32, i32) {
    %c0_i32 = arith.constant 0 : i32
    %c0_i32_0 = arith.constant 0 : i32
    return %arg0, %c0_i32 : i32, i32
  }
  func.func @transform_3(%arg0: i32) -> (i32, i32) {
    %c0_i32 = arith.constant 0 : i32
    %c0_i32_0 = arith.constant 0 : i32
    %c0_i32_1 = arith.constant 0 : i32
    return %c0_i32, %c0_i32_0 : i32, i32
  }
  func.func @transform_4(%arg0: i32) -> (i32, i32) {
    %c0_i32 = arith.constant 0 : i32
    %c0_i32_0 = arith.constant 0 : i32
    return %arg0, %c0_i32 : i32, i32
  }
  func.func @transform_5(%arg0: i32) -> (i32, i32) {
    %c0_i32 = arith.constant 0 : i32
    %c0_i32_0 = arith.constant 0 : i32
    %c0_i32_1 = arith.constant 0 : i32
    return %c0_i32, %c0_i32_0 : i32, i32
  }
  func.func @transform_6(%arg0: i32) -> (i32, i32) {
    %c0_i32 = arith.constant 0 : i32
    %c0_i32_0 = arith.constant 0 : i32
    %c0_i32_1 = arith.constant 0 : i32
    return %c0_i32, %c0_i32_0 : i32, i32
  }
  func.func @transform_7(%arg0: i32) -> (i32, i32) {
    %c0_i32 = arith.constant 0 : i32
    %c0_i32_0 = arith.constant 0 : i32
    %c0_i32_1 = arith.constant 0 : i32
    return %c0_i32, %c0_i32_0 : i32, i32
  }
}

</mosaic_0001>

<sc_bundles>
// kernel: kernel.11.cloned.1.call-start
scs
__scs_entry_jumppad:
0x0: {  	(pc) =	sbr.rel $0x88, $3  }
0x1: {  	(tag) =	ssettag $0x0;
	lr =	simm.s32 $0x1  }
0x2: {  	[smem:$0x3F97] =	sst lr;
	_ =	strace $0xD0000000  }
0x3: {  	_ = 	snop  }
0x4: {  	_ = 	snop  }
0x5: {  	_ = 	snop  }
0x6: {  	_ = 	snop  }
0x7: {  	_ = 	snop  }
__scs_overlays_trampoline_lowered:
0x8: {  	[smem:$0x3FA6] =	sst s0  }
0x9: {  	[smem:$0x3FA7] =	sst s1  }
0xa: {  	[smem:$0x3FA8] =	sst s2  }
0xb: {  	[smem:$0x3FA9] =	sst s3  }
0xc: {  	[smem:$0x3FAA] =	sst s4  }
0xd: {  	[smem:$0x3FAB] =	sst s5  }
0xe: {  	[smem:$0x3FAC] =	sst s6  }
0xf: {  	[smem:$0x3FAD] =	sst s7  }
0x10: {  	[smem:$0x3FAE] =	sst s8  }
0x11: {  	[smem:$0x3FAF] =	sst s9;
	s0 =	simm.s32 @!p0 $0x0  }
0x12: {  	s1 =	sld [smem:$0x3F95];
	s0 =	simm.s32 @p0 $0x1  }
0x13: {  	[smem:$0x3FB0] =	sst s0;
	s0 =	simm.s32 @!p1 $0x0  }
0x14: {  	s2 =	sld [smem:$0x3F94];
	s0 =	simm.s32 @p1 $0x1  }
0x15: {  	[smem:$0x3FB1] =	sst s0;
	s0 =	simm.s32 @!p2 $0x0  }
0x16: {  	s3 =	sld [smem:$0x3FDB];
	s0 =	simm.s32 @p2 $0x1  }
0x17: {  	s4 =	simm.s32 $0x1BF5;
	[smem:$0x3FB3] =	sst s0  }
0x18: {  	s0 =	sld [smem:$0x3F96];
	_ =	swait.ge [sflag:s4], $0x0  }
0x19: {  	s7 =	sld [smem:$0x3F97]  }
0x1a: {  	s8 =	sadd.s32 $0xFFFFE003, lr  }
0x1b: {  	s9 =	sadd.s32 $0xFFFFFEF7, lr;
	s5 =	simm.s32 $0xFFFFFFFF;
	p2 =	slt.u32 s8, $0xFFFFF086  }
0x1c: {  	p1 =	slt.u32 s9, $0xF7A;
	s5 =	simm.s32 @!p2 $0x0  }
0x1d: {  	s5 =	simm.s32 @p1 $0x1;
	p0 =	seq.s32 s7, s2  }
0x1e: {  	s7 =	smul.u32 @!p0 $0xF7A, s2;
	p2 =	seq.s32 @!p0 s5, $0x0  }
0x1f: {  	s9 =	smul.u32 $0xF7A, s1;
	s8 =	simm.s32 @!p0 $0x1BF5;
	p2 =	por !p2, p0  }
0x20: {  	[sflag:s8] =	ssyncset.s32 @!p0 $0xFFFFF086;
	s6 =	sadd.s32 @!p0 s3, s7;
	s7 =	simm.s32 @!p0 $0x108  }
0x21: {  	s3 =	sadd.s32 s3, s9;
	s6 =	sadd.s32 @!p0 $0x88, s6;
	s7 =	simm.s32 @p2 $0x1082  }
0x22: {  	[simem:s7], [sflag:s8] =	dma.local @!p0 [hbm:s6], $0xF7A  }
0x23: {  	s9 =	sor.u32 $0xD0000000, s2;
	s6 =	simm.s32 $0x108;
	_ =	swait.ge @!p0 [sflag:s8], $0x0  }
0x24: {  	s3 =	sadd.s32 $0x88, s3;
	s6 =	simm.s32 @!p1 $0x1082;
	[sflag:s4] =	ssyncset.s32 $0xFFFFF086  }
0x25: {  	[simem:s6], [sflag:s4] =	dma.local [hbm:s3], $0xF7A  }
0x26: {  	[smem:$0x3F97] =	sst s1;
	(tag) =	ssettag s2;
	_ =	strace s9  }
0x27: {  	s1 =	sld [smem:$0x3FA7]  }
0x28: {  	s2 =	sld [smem:$0x3FA8]  }
0x29: {  	s4 =	sld [smem:$0x3FAA]  }
0x2a: {  	p0 =	seq.s32 s5, $0x0;
	s5 =	sld [smem:$0x3FAB]  }
0x2b: {  	s6 =	sld [smem:$0x3FAC]  }
0x2c: {  	s7 =	sld [smem:$0x3FAD]  }
0x2d: {  	s3 =	simm.s32 $0x108;
	s8 =	sld [smem:$0x3FAE]  }
0x2e: {  	s3 =	simm.s32 @!p0 $0x1082;
	s9 =	sld [smem:$0x3FAF]  }
0x2f: {  	lr =	sadd.s32 s0, s3;
	s0 =	sld [smem:$0x3FA6]  }
0x30: {  	s3 =	sld [smem:$0x3FA9]  }
0x31: {  	[smem:$0x3FB2] =	sst s10  }
0x32: {  	s10 =	sld [smem:$0x3FB0];
	_ =	sdelay $0x3  }
0x33: {  	p0 =	seq.s32 s10, $0x1;
	s10 =	sld [smem:$0x3FB2];
	_ =	sdelay $0x3  }
0x34: {  	[smem:$0x3FB2] =	sst s10  }
0x35: {  	s10 =	sld [smem:$0x3FB1];
	_ =	sdelay $0x3  }
0x36: {  	p1 =	seq.s32 s10, $0x1;
	s10 =	sld [smem:$0x3FB2];
	_ =	sdelay $0x3  }
0x37: {  	[smem:$0x3FB2] =	sst s10  }
0x38: {  	s10 =	sld [smem:$0x3FB3]  }
0x39: {  	_ = 	snop;
	(pc) =	sbr.ind lr, $3  }
0x3a: {  	_ = 	snop  }
0x3b: {  	_ = 	snop  }
0x3c: {  	p2 =	seq.s32 s10, $0x1;
	s10 =	sld [smem:$0x3FB2]  }
0x3d: {  	_ =	shalt  }
0x3e: {  	_ =	shalt  }
0x3f: {  	_ =	shalt  }
0x40: {  	_ =	shalt  }
0x41: {  	_ =	shalt  }
0x42: {  	_ =	shalt  }
0x43: {  	_ =	shalt  }
0x44: {  	_ =	shalt  }
0x45: {  	_ =	shalt  }
0x46: {  	_ =	shalt  }
0x47: {  	_ =	shalt  }
0x48: {  	_ =	shalt  }
0x49: {  	_ =	shalt  }
0x4a: {  	_ =	shalt  }
0x4b: {  	_ =	shalt  }
0x4c: {  	_ =	shalt  }
0x4d: {  	_ =	shalt  }
0x4e: {  	_ =	shalt  }
0x4f: {  	_ =	shalt  }
0x50: {  	_ =	shalt  }
0x51: {  	_ =	shalt  }
0x52: {  	_ =	shalt  }
0x53: {  	_ =	shalt  }
0x54: {  	_ =	shalt  }
0x55: {  	_ =	shalt  }
0x56: {  	_ =	shalt  }
0x57: {  	_ =	shalt  }
0x58: {  	_ =	shalt  }
0x59: {  	_ =	shalt  }
0x5a: {  	_ =	shalt  }
0x5b: {  	_ =	shalt  }
0x5c: {  	_ =	shalt  }
0x5d: {  	_ =	shalt  }
0x5e: {  	_ =	shalt  }
0x5f: {  	_ =	shalt  }
0x60: {  	_ =	shalt  }
0x61: {  	_ =	shalt  }
0x62: {  	_ =	shalt  }
0x63: {  	_ =	shalt  }
0x64: {  	_ =	shalt  }
0x65: {  	_ =	shalt  }
0x66: {  	_ =	shalt  }
0x67: {  	_ =	shalt  }
0x68: {  	_ =	shalt  }
0x69: {  	_ =	shalt  }
0x6a: {  	_ =	shalt  }
0x6b: {  	_ =	shalt  }
0x6c: {  	_ =	shalt  }
0x6d: {  	_ =	shalt  }
0x6e: {  	_ =	shalt  }
0x6f: {  	_ =	shalt  }
0x70: {  	_ =	shalt  }
0x71: {  	_ =	shalt  }
0x72: {  	_ =	shalt  }
0x73: {  	_ =	shalt  }
0x74: {  	_ =	shalt  }
0x75: {  	_ =	shalt  }
0x76: {  	_ =	shalt  }
0x77: {  	_ =	shalt  }
0x78: {  	_ =	shalt  }
0x79: {  	_ =	shalt  }
0x7a: {  	_ =	shalt  }
0x7b: {  	_ =	shalt  }
0x7c: {  	_ =	shalt  }
0x7d: {  	_ =	shalt  }
0x7e: {  	_ =	shalt  }
0x7f: {  	_ =	shalt  }
0x80: {  	_ =	shalt  }
0x81: {  	_ =	shalt  }
0x82: {  	_ =	shalt  }
0x83: {  	_ =	shalt  }
0x84: {  	_ =	shalt  }
0x85: {  	_ =	shalt  }
0x86: {  	_ =	shalt  }
0x87: {  	_ =	shalt  }
.Lfunc_end0:
.L_simem_size_0:
called_computation.1_lowered:
.L_overlay_start_0:
0x88: {  	s2 =	sld [smem:$0x3FD9]  }
0x89: {  	s3 =	sld [smem:$0x3FFE];
	_ =	sdelay $0x1  }
0x8a: {  	s1 =	srdreg.scid  }
0x8b: {  	s0 =	sand.u32 $0x1, s1  }
0x8c: {  	s16 =	sshll.u32 s0, $0xA;
	s2 =	sadd.s32 s3, s2  }
0x8d: {  	s2 =	sadd.s32 s2, s16  }
0x8e: {  	[smem:$0x3FBE] =	sst s2  }
0x8f: {  	_ = 	snop  }
0x90: {  	(tm) =	ssettm $0x1  }
0x91: {  	s17 =	sld [smem:$0x3FFB];
	_ =	sdelay $0x3  }
0x92: {  	_ =	strace s17  }
0x93: {  	s2 =	sld [smem:$0x3FFC];
	_ =	sdelay $0x3  }
0x94: {  	_ =	strace s2  }
0x95: {  	s2 =	sld [smem:$0x3FFD];
	_ =	sdelay $0x3  }
0x96: {  	_ =	strace s2  }
0x97: {  	_ =	strace $0x8FFFFFFF  }
0x98: {  	s18 =	sld [smem:$0x3FDB];
	_ =	sdelay $0x1  }
0x99: {  	s19 =	simm.s32 $_scs_section_size  }
0x9a: {  	s4 =	simm.s32 $_size__tile_overlayer_lowered;
	s5 =	simm.s32 $_tile_overlayer_lowered  }
0x9b: {  	s22 =	simm.s32 $0x1BFF;
	s21 =	sshll.u32 s5, $0x1;
	s2 =	sadd.s32 s19, s18  }
0x9c: {  	s6 =	simm.s32 $0x0;
	s20 =	sshll.u32 s4, $0x1;
	s4 =	sadd.s32 s21, s2  }
0x9d: {  	[timem:s6], [sflag:s22] =	dma.local [hbm:s4], s20  }
0x9e: {  	_ =	swait.ge [sflag:s22], s20  }
0x9f: {  	s3 =	ssub.s32 $0x0, s20;
	[sflag:s22] =	ssyncset.done $0x0  }
0xa0: {  	[sflag:s22] =	ssyncadd.s32 s3;
	_ =	sdelay $0x1  }
0xa1: {  	s23 =	simm.s32 $0x1B8B  }
0xa2: {  	_ =	swait.ge [sflag:s23], $0x1  }
0xa3: {  	[sflag:s23] =	ssyncset.done $0x0  }
0xa4: {  	s25 =	simm.s32 $0x1B8E;
	s24 =	sld [smem:$0x3FFE];
	[sflag:s23] =	ssyncadd.s32 $0xFFFFFFFF  }
0xa5: {  	s26 =	simm.s32 $execute0_lowered;
	[smem:$0x3FD2] =	sst s25  }
0xa6: {  	s4 =	sshll.u32 s26, $0x1;
	_ =	strace $0x80000049;
	[dreg:$0x1] =	wrdreg $0xFFFFFFFF  }
0xa7: {  	s28 =	simm.s32 $_size_execute0_lowered;
	s2 =	sadd.s32 s2, s4;
	[dreg:$0x0] =	wrdreg $0x0  }
0xa8: {  	s4 =	sshll.u32 s28, $0x1;
	[dreg:$0x2] =	wrdreg s2  }
0xa9: {  	[dreg:$0x3] =	wrdreg s4  }
0xaa: {  	[dreg:$0x4] =	wrdreg $0xC0  }
0xab: {  	_ =	task [dreg:s6], $0x5FFFF  }
0xac: {  	[dreg:$0x1] =	wrdreg $0xFFFFFFFF  }
0xad: {  	[dreg:$0x0] =	wrdreg $0x60  }
0xae: {  	[dreg:$0x2] =	wrdreg s24  }
0xaf: {  	[dreg:$0x3] =	wrdreg $0x50000  }
0xb0: {  	[dreg:$0x4] =	wrdreg $0x9  }
0xb1: {  	_ =	task.clear_ibuf [dreg:s6], $0x5FFFF;
	_ =	strace $0x90000049  }
0xb2: {  	s29 =	simm.s32 $0x9;
	_ =	strace $0x8000004B  }
0xb3: {  	_ =	swait.ge [sflag:s29], $0x1  }
0xb4: {  	[sflag:s29] =	ssyncadd.s32 $0xFFFFFFFF  }
0xb5: {  	_ =	strace $0x9000004B  }
0xb6: {  	_ =	sfence  }
0xb7: {  	s30 =	sld [smem:$0x0];
	_ =	sdelay $0x2  }
0xb8: {  	s31 =	sshll.u32 s1, $0xD;
	s1 =	sshrl.u32 s1, $0x2  }
0xb9: {  	s3 =	sand.u32 $0x4000, s31;
	s1 =	sadd.s32 s1, s30  }
0xba: {  	s0 =	sor.u32 s3, s0;
	s1 =	sshll.u32 s1, $0x11  }
0xbb: {  	s0 =	sor.u32 s1, s0  }
0xbc: {  	s0 =	sadd.s32 $0x8F2B, s0  }
0xbd: {  	[sflag:s0] =	ssyncadd.remote.s32 $0x1  }
0xbe: {  	_ =	sfence.sel $0xFFFF  }
0xbf: {  	[dreg:$0x0] =	wrdreg $0xFFFFFFFF;
	(pc) =	sbr.abs _section_cstart, $3  }
0xc0: {  	[dreg:$0x1] =	wrdreg $0xFFFFFFFF  }
0xc1: {  	_ =	task.clear_ibuf [dreg:s6], $0x2FFFF;
	_ =	strace $0x9FFFFFFF  }
0xc2: {  	(tm) =	ssettm $0x7FFFFFFF  }
0xc3: {  	_ =	shalt  }
tec
execute0_lowered:
.L_overlay_start_1:
0x0: {  	(tag) =	ssettag $0x1  }
0x1: {  	s0 =	rddreg [dreg:$0x0]  }
0x2: {  	s2 =	rddreg [dreg:$0x1]  }
0x3: {  	s1 =	srdreg.scid;
	s9 =	stileid.u32  }
0x4: {  	s4 =	simm.s32 $0x14C00;
	s3 =	simm.s32 $0x0;
	s10 =	simm.s32 $0x53  }
0x5: {  	s26 =	simm.s32 $0x100;
	s28 =	simm.s32 $0x80;
	s29 =	simm.s32 $0x800  }
0x6: {  	s30 =	simm.s32 $0x1000;
	s31 =	simm.s32 $0x1800;
	s1 =	sand.u32 $0x1, s1  }
0x7: {  	[smem:$0x7FF] =	sst s3;
	s14 =	smul.u32 $0x62000, s9;
	p0 =	seq.s32 s1, $0x0  }
0x8: {  	s5 =	smul.u32 $0x14C000, s1;
	_ =	strace $0x8000004A;
	s7 =	ssub.s32 $0x2, s1  }
0x9: {  	s1 =	smul.u32 $0x188000, s1;
	[dreg:$0x3] =	wrdreg s26;
	s4 =	simm.s32 @!p0 $0x4400  }
0xa: {  	s15 =	sshrl.u32 s7, $0x1;
	s16 =	sshrl.u32 s14, $0x2;
	s6 =	smul.u32 s4, s9  }
0xb: {  	s10 =	simm.s32 @!p0 $0x11;
	s9 =	smul.u32 $0x18800, s9;
	s7 =	ssub.s32 s7, s15  }
0xc: {  	s4 =	sadd.s32 $0x33A00, s0;
	[dreg:$0x8] =	wrdreg s10;
	s7 =	smax.u32 s7, $0x1  }
0xd: {  	s5 =	sadd.s32 s5, s6;
	s17 =	sadd.s32 s9, s1;
	s18 =	sadd.s32 $0x3800, s9  }
0xe: {  	s11 =	sadd.s32 $0x7000, s9;
	s12 =	sadd.s32 s9, s2;
	s21 =	sadd.s32 $0xA800, s9  }
0xf: {  	s14 =	sadd.s32 $0xE000, s9;
	s15 =	sadd.s32 $0x11800, s9;
	s9 =	sadd.s32 $0x15000, s9  }
0x10: {  	[dreg:$0x10] =	wrdreg s7;
	s7 =	simm.s32 $0x3000;
	s5 =	sshrl.u32 s5, $0x3  }
0x11: {  	s6 =	sshrl.u32 s17, $0x3;
	s19 =	sadd.s32 s1, s18;
	s13 =	sadd.s32 s1, s11  }
0x12: {  	s10 =	sadd.s32 s18, s2;
	s22 =	sadd.s32 s1, s21;
	s11 =	sadd.s32 s11, s2  }
0x13: {  	s23 =	sadd.s32 s1, s14;
	s14 =	sadd.s32 s14, s2;
	s25 =	sadd.s32 s15, s2  }
0x14: {  	s18 =	simm.s32 $0x300;
	s8 =	sadd.s32 s5, s0;
	s0 =	sadd.s32 $0x64800, s0  }
0x15: {  	s5 =	sadd.s32 s16, s2;
	s20 =	sshrl.u32 s13, $0x3;
	s13 =	sadd.s32 s21, s2  }
0x16: {  	s16 =	sadd.s32 s1, s15;
	s1 =	sadd.s32 s1, s9;
	s9 =	sadd.s32 s9, s2  }
0x17: {  	s15 =	simm.s32 $0x200;
	[dreg:$0x7] =	wrdreg s18;
	s18 =	simm.s32 $0x4  }
0x18: {  	s21 =	sshrl.u32 s10, $0x3;
	s25 =	sshrl.u32 s25, $0x3;
	[dreg:$0x5] =	wrdreg s15  }
0x19: {  	s10 =	simm.s32 $0x4000;
	s6 =	sadd.s32 s0, s6;
	[dreg:$0x14] =	wrdreg s21  }
0x1a: {  	s24 =	sshrl.u32 s16, $0x3;
	s1 =	sshrl.u32 s1, $0x3;
	[dreg:$0x18] =	wrdreg s25  }
0x1b: {  	s16 =	simm.s32 $0x280;
	s17 =	sadd.s32 $0x1A00, s8;
	[dreg:$0x9] =	wrdreg s6  }
0x1c: {  	s26 =	sshrl.u32 s9, $0x3;
	s9 =	simm.s32 $0x380;
	[dreg:$0x11] =	wrdreg s17  }
0x1d: {  	s21 =	simm.s32 $0x680;
	s15 =	simm.s32 $0x0;
	[dreg:$0x6] =	wrdreg s16  }
0x1e: {  	s6 =	sshrl.u32 s19, $0x3;
	s19 =	sadd.s32 $0x1C0600, s8;
	[dreg:$0x19] =	wrdreg s26  }
0x1f: {  	s16 =	simm.s32 $0x4800;
	s6 =	sadd.s32 s0, s6;
	[dreg:$0x12] =	wrdreg s19  }
0x20: {  	s26 =	simm.s32 $0x400;
	[dreg:$0xa] =	wrdreg s6;
	s6 =	sadd.s32 s0, s20  }
0x21: {  	s8 =	simm.s32 $0x3800;
	s20 =	sshrl.u32 s12, $0x3;
	[dreg:$0xb] =	wrdreg s6  }
0x22: {  	s6 =	sshrl.u32 s22, $0x3;
	[dreg:$0x13] =	wrdreg s20;
	s22 =	sshrl.u32 s11, $0x3  }
0x23: {  	s19 =	simm.s32 $0x2;
	s6 =	sadd.s32 s0, s6;
	[dreg:$0x15] =	wrdreg s22  }
0x24: {  	[dreg:$0xc] =	wrdreg s6;
	s6 =	sshrl.u32 s23, $0x3;
	s23 =	sshrl.u32 s13, $0x3  }
0x25: {  	s12 =	simm.s32 $0x480;
	s6 =	sadd.s32 s0, s6;
	[dreg:$0x16] =	wrdreg s23  }
0x26: {  	s11 =	simm.s32 $0x1;
	[dreg:$0xd] =	wrdreg s6;
	s6 =	sadd.s32 s0, s24  }
0x27: {  	s20 =	simm.s32 $0x600;
	s0 =	sadd.s32 s0, s1;
	[dreg:$0xe] =	wrdreg s6  }
0x28: {  	s22 =	simm.s32 $0x700;
	s1 =	simm.s32 $0x180;
	[dreg:$0xf] =	wrdreg s0  }
0x29: {  	s13 =	simm.s32 $0x500;
	s24 =	sshrl.u32 s14, $0x3;
	[dreg:$0x4] =	wrdreg s1  }
0x2a: {  	s23 =	simm.s32 $0x780;
	s14 =	simm.s32 $0x580;
	[dreg:$0x17] =	wrdreg s24  }
0x2b: {  	v0 =	vimm.f32 $0.0e+00;
	s0 =	simm.s32 $0x2000;
	s1 =	simm.s32 $0x2800;
	s24 =	simm.s32 $0x3  }
.LBB2_1:
0x2c: {  	[dreg:$0x1a] =	wrdreg s15;
	s6 =	simm.s32 $0x0  }
.LBB2_2:
0x2d: {  	p0 =	sne.s32 s6, $0x1FC0  }
.Ltmp0:
0x2e: {  	_ = 	snop;
	(pc) =	sbr.rel @p0 .LBB2_2-.Ltmp0, $3  }
0x2f: {  	_ =	sdelay $0x1  }
0x30: {  	s15 =	sshra.s32 s6, $0x2  }
0x31: {  	s6 =	sadd.s32 $0x40, s6;
	[tilespmem:s15+$0x4800] =	vst v0  }
0x32: {  	s6 =	sadd.s32 $0x0, s5  }
0x33: {  	[spmem:s6] =	stream.linear.scatter [tilespmem:s16], [sflag:$0x4], $0x800, $0x38;
	[tilespmem:$0x1D800] =	vst v63  }
0x34: {  	s6 =	simm.s32 $0x2000;
	_ =	swait.ge [sflag:s18], $0x800  }
.LBB2_4:
0x35: {  	s15 =	sshra.s32 s6, $0x2;
	[sflag:s18] =	ssyncset.done $0x0;
	p0 =	sne.s32 s6, $0x60000  }
.Ltmp1:
0x36: {  	s15 =	sadd.s32 s15, s5;
	[sflag:s18] =	ssyncadd.s32 $0xFFFFF800;
	(pc) =	sbr.rel @p0 .LBB2_4-.Ltmp1, $3  }
0x37: {  	[spmem:s15] =	stream.linear.scatter [tilespmem:s16], [sflag:$0x4], $0x800, $0x38;
	[tilespmem:$0x1D800] =	vst v63  }
0x38: {  	s6 =	sadd.s32 $0x2000, s6;
	_ =	sdelay $0x1  }
0x39: {  	_ =	swait.ge [sflag:s18], $0x800  }
0x3a: {  	[sflag:s18] =	ssyncset.done $0x0  }
0x3b: {  	[sflag:s18] =	ssyncadd.s32 $0xFFFFF800  }
0x3c: {  	[bflag:$0x0] =	sbarrier.arrive $0xFFFF  }
0x3d: {  	s17 =	rddreg [dreg:$0x12]  }
0x3e: {  	[tilespmem:s3], [sflag:$0x4] =	stream.linear.gather [hbm4b:s17+s3], $0x400, $0x38;
	[tilespmem:$0x1D800] =	vst v63  }
0x3f: {  	_ =	swait.ge [sflag:s18], $0x400  }
0x40: {  	[sflag:s18] =	ssyncset.done $0x0  }
0x41: {  	s16 =	rddreg [dreg:$0x11];
	[sflag:s18] =	ssyncadd.s32 $0xFFFFFC00  }
0x42: {  	[tilespmem:s26], [sflag:$0x4] =	stream.linear.gather [hbm4b:s16+s3], $0x400, $0x38;
	[tilespmem:$0x1D800] =	vst v63  }
0x43: {  	_ =	swait.ge [sflag:s18], $0x400  }
0x44: {  	[sflag:s18] =	ssyncset.done $0x0  }
0x45: {  	[sflag:s18] =	ssyncadd.s32 $0xFFFFFC00  }
0x46: {  	[tilespmem:s29], [sflag:$0x1] =	stream.indirect.gather [hbm4b:s4+s28], $0x10, s3, s28, $0xb8;
	[tilespmem:$0x1D800] =	vst v63  }
0x47: {  	_ = 	snop  }
0x48: {  	[tilespmem:s30], [sflag:$0x1] =	stream.indirect.gather [hbm4b:s4+s28], $0x10, s28, s28, $0xb8;
	[tilespmem:$0x1D800] =	vst v63  }
0x49: {  	s6 =	rddreg [dreg:$0x3]  }
0x4a: {  	[tilespmem:s31], [sflag:$0x1] =	stream.indirect.gather [hbm4b:s4+s28], $0x10, s6, s28, $0xb8;
	[tilespmem:$0x1D800] =	vst v63  }
0x4b: {  	s15 =	rddreg [dreg:$0x4]  }
0x4c: {  	[tilespmem:s0], [sflag:$0x1] =	stream.indirect.gather [hbm4b:s4+s28], $0x10, s15, s28, $0xb8;
	[tilespmem:$0x1D800] =	vst v63  }
0x4d: {  	s25 =	rddreg [dreg:$0x5]  }
0x4e: {  	[tilespmem:s1], [sflag:$0x2] =	stream.indirect.gather [hbm4b:s4+s28], $0x10, s25, s28, $0xb8;
	[tilespmem:$0x1D800] =	vst v63  }
0x4f: {  	s15 =	rddreg [dreg:$0x6]  }
0x50: {  	[tilespmem:s7], [sflag:$0x2] =	stream.indirect.gather [hbm4b:s4+s28], $0x10, s15, s28, $0xb8;
	[tilespmem:$0x1D800] =	vst v63  }
0x51: {  	s25 =	rddreg [dreg:$0x7]  }
0x52: {  	[tilespmem:s8], [sflag:$0x2] =	stream.indirect.gather [hbm4b:s4+s28], $0x10, s25, s28, $0xb8;
	[tilespmem:$0x1D800] =	vst v63  }
0x53: {  	_ = 	snop  }
0x54: {  	[tilespmem:s10], [sflag:$0x2] =	stream.indirect.gather [hbm4b:s4+s28], $0x10, s9, s28, $0xb8;
	[tilespmem:$0x1D800] =	vst v63  }
0x55: {  	_ =	swait.ge [sflag:s11], $0x800  }
0x56: {  	[sflag:s11] =	ssyncset.done $0x0  }
0x57: {  	[sflag:s11] =	ssyncadd.s32 $0xFFFFF800  }
0x58: {  	_ =	swait.ge [sflag:s11], $0x800  }
0x59: {  	[sflag:s11] =	ssyncset.done $0x0  }
0x5a: {  	[sflag:s11] =	ssyncadd.s32 $0xFFFFF800  }
0x5b: {  	_ =	swait.ge [sflag:s11], $0x800  }
0x5c: {  	[sflag:s11] =	ssyncset.done $0x0  }
0x5d: {  	[sflag:s11] =	ssyncadd.s32 $0xFFFFF800  }
0x5e: {  	_ =	swait.ge [sflag:s11], $0x800  }
0x5f: {  	[sflag:s11] =	ssyncset.done $0x0  }
0x60: {  	[sflag:s11] =	ssyncadd.s32 $0xFFFFF800  }
0x61: {  	[spmem:s2] =	stream.indirect.scatter.add.f32 [tilespmem:s29], [sflag:$0x3], $0x10, s26, s28, $0xb8;
	[tilespmem:$0x1D800] =	vst v63  }
0x62: {  	_ = 	snop  }
0x63: {  	[spmem:s2] =	stream.indirect.scatter.add.f32 [tilespmem:s30], [sflag:$0x3], $0x10, s12, s28, $0xb8;
	[tilespmem:$0x1D800] =	vst v63  }
0x64: {  	_ = 	snop  }
0x65: {  	[spmem:s2] =	stream.indirect.scatter.add.f32 [tilespmem:s31], [sflag:$0x3], $0x10, s13, s28, $0xb8;
	[tilespmem:$0x1D800] =	vst v63  }
0x66: {  	_ = 	snop  }
0x67: {  	[spmem:s2] =	stream.indirect.scatter.add.f32 [tilespmem:s0], [sflag:$0x3], $0x10, s14, s28, $0xb8;
	[tilespmem:$0x1D800] =	vst v63  }
0x68: {  	_ =	swait.ge [sflag:s19], $0x800  }
0x69: {  	[sflag:s19] =	ssyncset.done $0x0  }
0x6a: {  	[sflag:s19] =	ssyncadd.s32 $0xFFFFF800  }
0x6b: {  	_ =	swait.ge [sflag:s19], $0x800  }
0x6c: {  	[sflag:s19] =	ssyncset.done $0x0  }
0x6d: {  	[sflag:s19] =	ssyncadd.s32 $0xFFFFF800  }
0x6e: {  	_ =	swait.ge [sflag:s19], $0x800  }
0x6f: {  	[sflag:s19] =	ssyncset.done $0x0  }
0x70: {  	[sflag:s19] =	ssyncadd.s32 $0xFFFFF800  }
0x71: {  	_ =	swait.ge [sflag:s19], $0x800  }
0x72: {  	[sflag:s19] =	ssyncset.done $0x0  }
0x73: {  	[sflag:s19] =	ssyncadd.s32 $0xFFFFF800  }
0x74: {  	[spmem:s2] =	stream.indirect.scatter.add.f32 [tilespmem:s1], [sflag:$0x3], $0x10, s20, s28, $0xb8;
	[tilespmem:$0x1D800] =	vst v63  }
0x75: {  	_ = 	snop  }
0x76: {  	[spmem:s2] =	stream.indirect.scatter.add.f32 [tilespmem:s7], [sflag:$0x3], $0x10, s21, s28, $0xb8;
	[tilespmem:$0x1D800] =	vst v63  }
0x77: {  	_ = 	snop  }
0x78: {  	[spmem:s2] =	stream.indirect.scatter.add.f32 [tilespmem:s8], [sflag:$0x3], $0x10, s22, s28, $0xb8;
	[tilespmem:$0x1D800] =	vst v63  }
0x79: {  	_ = 	snop  }
0x7a: {  	[spmem:s2] =	stream.indirect.scatter.add.f32 [tilespmem:s10], [sflag:$0x3], $0x10, s23, s28, $0xb8;
	[tilespmem:$0x1D800] =	vst v63  }
0x7b: {  	_ =	swait.ge [sflag:s24], $0x800  }
0x7c: {  	[sflag:s24] =	ssyncset.done $0x0  }
0x7d: {  	[sflag:s24] =	ssyncadd.s32 $0xFFFFF800  }
0x7e: {  	_ =	swait.ge [sflag:s24], $0x800  }
0x7f: {  	[sflag:s24] =	ssyncset.done $0x0  }
0x80: {  	[sflag:s24] =	ssyncadd.s32 $0xFFFFF800  }
0x81: {  	_ =	swait.ge [sflag:s24], $0x800  }
0x82: {  	[sflag:s24] =	ssyncset.done $0x0  }
0x83: {  	[sflag:s24] =	ssyncadd.s32 $0xFFFFF800  }
0x84: {  	_ =	swait.ge [sflag:s24], $0x800  }
0x85: {  	[sflag:s24] =	ssyncset.done $0x0  }
0x86: {  	[sflag:s24] =	ssyncadd.s32 $0xFFFFF800  }
0x87: {  	_ =	swait.ge [sflag:s24], $0x800  }
0x88: {  	[sflag:s24] =	ssyncset.done $0x0  }
0x89: {  	[sflag:s24] =	ssyncadd.s32 $0xFFFFF800  }
0x8a: {  	_ =	swait.ge [sflag:s24], $0x800  }
0x8b: {  	[sflag:s24] =	ssyncset.done $0x0  }
0x8c: {  	[sflag:s24] =	ssyncadd.s32 $0xFFFFF800  }
0x8d: {  	_ =	swait.ge [sflag:s24], $0x800  }
0x8e: {  	s25 =	rddreg [dreg:$0x8]  }
0x8f: {  	p0 =	sne.s32 s25, $0x1  }
.Ltmp2:
0x90: {  	_ = 	snop;
	(pc) =	sbr.rel @!p0 .LBB2_7-.Ltmp2, $4  }
0x91: {  	[sflag:s24] =	ssyncset.done $0x0  }
0x92: {  	[sflag:s24] =	ssyncadd.s32 $0xFFFFF800  }
0x93: {  	s15 =	smov.u32 s16;
	_ =	swait.ge [sflag:s24], $0x800  }
0x94: {  	s16 =	smov.u32 s17;
	s6 =	sadd.s32 $0xFFFFFFFF, s25;
	[sflag:s24] =	ssyncset.done $0x0  }
.LBB2_6:
0x95: {  	[sflag:s24] =	ssyncadd.s32 $0xFFFFF800;
	s16 =	sadd.s32 $0x80, s16  }
0x96: {  	[tilespmem:s3], [sflag:$0x4] =	stream.linear.gather [hbm4b:s16+s3], $0x400, $0x38;
	[tilespmem:$0x1D800] =	vst v63  }
0x97: {  	_ =	swait.ge [sflag:s18], $0x400  }
0x98: {  	[sflag:s18] =	ssyncset.done $0x0  }
0x99: {  	s15 =	sadd.s32 $0x80, s15;
	[sflag:s18] =	ssyncadd.s32 $0xFFFFFC00  }
0x9a: {  	[tilespmem:s26], [sflag:$0x4] =	stream.linear.gather [hbm4b:s15+s3], $0x400, $0x38;
	[tilespmem:$0x1D800] =	vst v63  }
0x9b: {  	_ =	swait.ge [sflag:s18], $0x400  }
0x9c: {  	[sflag:s18] =	ssyncset.done $0x0  }
0x9d: {  	[sflag:s18] =	ssyncadd.s32 $0xFFFFFC00  }
0x9e: {  	[tilespmem:s29], [sflag:$0x1] =	stream.indirect.gather [hbm4b:s4+s28], $0x10, s3, s28, $0xb8;
	[tilespmem:$0x1D800] =	vst v63  }
0x9f: {  	_ = 	snop  }
0xa0: {  	[tilespmem:s30], [sflag:$0x1] =	stream.indirect.gather [hbm4b:s4+s28], $0x10, s28, s28, $0xb8;
	[tilespmem:$0x1D800] =	vst v63  }
0xa1: {  	s25 =	rddreg [dreg:$0x3]  }
0xa2: {  	[tilespmem:s31], [sflag:$0x1] =	stream.indirect.gather [hbm4b:s4+s28], $0x10, s25, s28, $0xb8;
	[tilespmem:$0x1D800] =	vst v63  }
0xa3: {  	s17 =	rddreg [dreg:$0x4]  }
0xa4: {  	[tilespmem:s0], [sflag:$0x1] =	stream.indirect.gather [hbm4b:s4+s28], $0x10, s17, s28, $0xb8;
	[tilespmem:$0x1D800] =	vst v63  }
0xa5: {  	s25 =	rddreg [dreg:$0x5]  }
0xa6: {  	[tilespmem:s1], [sflag:$0x2] =	stream.indirect.gather [hbm4b:s4+s28], $0x10, s25, s28, $0xb8;
	[tilespmem:$0x1D800] =	vst v63  }
0xa7: {  	s17 =	rddreg [dreg:$0x6]  }
0xa8: {  	[tilespmem:s7], [sflag:$0x2] =	stream.indirect.gather [hbm4b:s4+s28], $0x10, s17, s28, $0xb8;
	[tilespmem:$0x1D800] =	vst v63  }
0xa9: {  	s25 =	rddreg [dreg:$0x7]  }
0xaa: {  	[tilespmem:s8], [sflag:$0x2] =	stream.indirect.gather [hbm4b:s4+s28], $0x10, s25, s28, $0xb8;
	[tilespmem:$0x1D800] =	vst v63  }
0xab: {  	_ = 	snop  }
0xac: {  	[tilespmem:s10], [sflag:$0x2] =	stream.indirect.gather [hbm4b:s4+s28], $0x10, s9, s28, $0xb8;
	[tilespmem:$0x1D800] =	vst v63  }
0xad: {  	_ =	swait.ge [sflag:s11], $0x800  }
0xae: {  	[sflag:s11] =	ssyncset.done $0x0  }
0xaf: {  	[sflag:s11] =	ssyncadd.s32 $0xFFFFF800  }
0xb0: {  	_ =	swait.ge [sflag:s11], $0x800  }
0xb1: {  	[sflag:s11] =	ssyncset.done $0x0  }
0xb2: {  	[sflag:s11] =	ssyncadd.s32 $0xFFFFF800  }
0xb3: {  	_ =	swait.ge [sflag:s11], $0x800  }
0xb4: {  	[sflag:s11] =	ssyncset.done $0x0  }
0xb5: {  	[sflag:s11] =	ssyncadd.s32 $0xFFFFF800  }
0xb6: {  	_ =	swait.ge [sflag:s11], $0x800  }
0xb7: {  	[sflag:s11] =	ssyncset.done $0x0  }
0xb8: {  	[sflag:s11] =	ssyncadd.s32 $0xFFFFF800  }
0xb9: {  	[spmem:s2] =	stream.indirect.scatter.add.f32 [tilespmem:s29], [sflag:$0x3], $0x10, s26, s28, $0xb8;
	[tilespmem:$0x1D800] =	vst v63  }
0xba: {  	_ = 	snop  }
0xbb: {  	[spmem:s2] =	stream.indirect.scatter.add.f32 [tilespmem:s30], [sflag:$0x3], $0x10, s12, s28, $0xb8;
	[tilespmem:$0x1D800] =	vst v63  }
0xbc: {  	_ = 	snop  }
0xbd: {  	[spmem:s2] =	stream.indirect.scatter.add.f32 [tilespmem:s31], [sflag:$0x3], $0x10, s13, s28, $0xb8;
	[tilespmem:$0x1D800] =	vst v63  }
0xbe: {  	_ = 	snop  }
0xbf: {  	[spmem:s2] =	stream.indirect.scatter.add.f32 [tilespmem:s0], [sflag:$0x3], $0x10, s14, s28, $0xb8;
	[tilespmem:$0x1D800] =	vst v63  }
0xc0: {  	_ =	swait.ge [sflag:s19], $0x800  }
0xc1: {  	[sflag:s19] =	ssyncset.done $0x0  }
0xc2: {  	[sflag:s19] =	ssyncadd.s32 $0xFFFFF800  }
0xc3: {  	_ =	swait.ge [sflag:s19], $0x800  }
0xc4: {  	[sflag:s19] =	ssyncset.done $0x0  }
0xc5: {  	[sflag:s19] =	ssyncadd.s32 $0xFFFFF800  }
0xc6: {  	_ =	swait.ge [sflag:s19], $0x800  }
0xc7: {  	[sflag:s19] =	ssyncset.done $0x0  }
0xc8: {  	[sflag:s19] =	ssyncadd.s32 $0xFFFFF800  }
0xc9: {  	_ =	swait.ge [sflag:s19], $0x800  }
0xca: {  	[sflag:s19] =	ssyncset.done $0x0  }
0xcb: {  	[sflag:s19] =	ssyncadd.s32 $0xFFFFF800  }
0xcc: {  	[spmem:s2] =	stream.indirect.scatter.add.f32 [tilespmem:s1], [sflag:$0x3], $0x10, s20, s28, $0xb8;
	[tilespmem:$0x1D800] =	vst v63  }
0xcd: {  	_ = 	snop  }
0xce: {  	[spmem:s2] =	stream.indirect.scatter.add.f32 [tilespmem:s7], [sflag:$0x3], $0x10, s21, s28, $0xb8;
	[tilespmem:$0x1D800] =	vst v63  }
0xcf: {  	_ = 	snop  }
0xd0: {  	[spmem:s2] =	stream.indirect.scatter.add.f32 [tilespmem:s8], [sflag:$0x3], $0x10, s22, s28, $0xb8;
	[tilespmem:$0x1D800] =	vst v63  }
0xd1: {  	_ = 	snop  }
0xd2: {  	[spmem:s2] =	stream.indirect.scatter.add.f32 [tilespmem:s10], [sflag:$0x3], $0x10, s23, s28, $0xb8;
	[tilespmem:$0x1D800] =	vst v63  }
0xd3: {  	_ =	swait.ge [sflag:s24], $0x800  }
0xd4: {  	[sflag:s24] =	ssyncset.done $0x0  }
0xd5: {  	[sflag:s24] =	ssyncadd.s32 $0xFFFFF800  }
0xd6: {  	_ =	swait.ge [sflag:s24], $0x800  }
0xd7: {  	[sflag:s24] =	ssyncset.done $0x0  }
0xd8: {  	[sflag:s24] =	ssyncadd.s32 $0xFFFFF800  }
0xd9: {  	_ =	swait.ge [sflag:s24], $0x800  }
0xda: {  	[sflag:s24] =	ssyncset.done $0x0  }
0xdb: {  	[sflag:s24] =	ssyncadd.s32 $0xFFFFF800  }
0xdc: {  	_ =	swait.ge [sflag:s24], $0x800  }
0xdd: {  	[sflag:s24] =	ssyncset.done $0x0  }
0xde: {  	[sflag:s24] =	ssyncadd.s32 $0xFFFFF800  }
0xdf: {  	_ =	swait.ge [sflag:s24], $0x800  }
0xe0: {  	[sflag:s24] =	ssyncset.done $0x0  }
0xe1: {  	[sflag:s24] =	ssyncadd.s32 $0xFFFFF800  }
0xe2: {  	_ =	swait.ge [sflag:s24], $0x800  }
0xe3: {  	[sflag:s24] =	ssyncset.done $0x0  }
0xe4: {  	p0 =	sne.s32 s6, $0x1;
	[sflag:s24] =	ssyncadd.s32 $0xFFFFF800  }
.Ltmp3:
0xe5: {  	_ =	swait.ge [sflag:s24], $0x800;
	(pc) =	sbr.rel @p0 .LBB2_6-.Ltmp3, $4  }
0xe6: {  	[sflag:s24] =	ssyncset.done $0x0  }
0xe7: {  	[sflag:s24] =	ssyncadd.s32 $0xFFFFF800  }
0xe8: {  	_ =	swait.ge [sflag:s24], $0x800  }
0xe9: {  	s6 =	sadd.s32 $0xFFFFFFFF, s6;
	[sflag:s24] =	ssyncset.done $0x0  }
.LBB2_7:
0xea: {  	[sflag:s24] =	ssyncadd.s32 $0xFFFFF800  }
0xeb: {  	s6 =	stileid.u32;
	[bflag:$0x0] =	sbarrier.arrive $0xFFFF  }
0xec: {  	s6 =	sshll.u32 s6, $0x6;
	s15 =	rddreg [dreg:$0x9]  }
0xed: {  	s6 =	sor.u32 $0x1C03, s6;
	s16 =	rddreg [dreg:$0x13]  }
0xee: {  	[hbm:s15], [sflag:s6] =	dma.local [spmem:s16], $0x700  }
0xef: {  	s15 =	rddreg [dreg:$0xa]  }
0xf0: {  	s16 =	rddreg [dreg:$0x14]  }
0xf1: {  	[hbm:s15], [sflag:s6] =	dma.local [spmem:s16], $0x700  }
0xf2: {  	s15 =	rddreg [dreg:$0xb]  }
0xf3: {  	s16 =	rddreg [dreg:$0x15]  }
0xf4: {  	[hbm:s15], [sflag:s6] =	dma.local [spmem:s16], $0x700  }
0xf5: {  	s15 =	rddreg [dreg:$0xc]  }
0xf6: {  	s16 =	rddreg [dreg:$0x16]  }
0xf7: {  	[hbm:s15], [sflag:s6] =	dma.local [spmem:s16], $0x700  }
0xf8: {  	s15 =	rddreg [dreg:$0xd]  }
0xf9: {  	s16 =	rddreg [dreg:$0x17]  }
0xfa: {  	[hbm:s15], [sflag:s6] =	dma.local [spmem:s16], $0x700  }
0xfb: {  	s15 =	rddreg [dreg:$0xe]  }
0xfc: {  	s16 =	rddreg [dreg:$0x18]  }
0xfd: {  	[hbm:s15], [sflag:s6] =	dma.local [spmem:s16], $0x700  }
0xfe: {  	s15 =	rddreg [dreg:$0xf]  }
0xff: {  	s16 =	rddreg [dreg:$0x19]  }
0x100: {  	[hbm:s15], [sflag:s6] =	dma.local [spmem:s16], $0x700  }
0x101: {  	_ =	swait.ge [sflag:s24], $0x700  }
0x102: {  	[sflag:s24] =	ssyncset.done $0x0  }
0x103: {  	[sflag:s24] =	ssyncadd.s32 $0xFFFFF900  }
0x104: {  	_ =	swait.ge [sflag:s24], $0x700  }
0x105: {  	[sflag:s24] =	ssyncset.done $0x0  }
0x106: {  	[sflag:s24] =	ssyncadd.s32 $0xFFFFF900  }
0x107: {  	_ =	swait.ge [sflag:s24], $0x700  }
0x108: {  	[sflag:s24] =	ssyncset.done $0x0  }
0x109: {  	[sflag:s24] =	ssyncadd.s32 $0xFFFFF900  }
0x10a: {  	_ =	swait.ge [sflag:s24], $0x700  }
0x10b: {  	[sflag:s24] =	ssyncset.done $0x0  }
0x10c: {  	[sflag:s24] =	ssyncadd.s32 $0xFFFFF900  }
0x10d: {  	_ =	swait.ge [sflag:s24], $0x700  }
0x10e: {  	[sflag:s24] =	ssyncset.done $0x0  }
0x10f: {  	[sflag:s24] =	ssyncadd.s32 $0xFFFFF900  }
0x110: {  	_ =	swait.ge [sflag:s24], $0x700  }
0x111: {  	[sflag:s24] =	ssyncset.done $0x0  }
0x112: {  	[sflag:s24] =	ssyncadd.s32 $0xFFFFF900  }
0x113: {  	_ =	swait.ge [sflag:s24], $0x700  }
0x114: {  	s17 =	rddreg [dreg:$0x1a]  }
0x115: {  	s25 =	rddreg [dreg:$0x10];
	s15 =	sadd.s32 $0x1, s17  }
0x116: {  	p0 =	sne.s32 s15, s25  }
.Ltmp4:
0x117: {  	_ = 	snop;
	(pc) =	sbr.rel @p0 .LBB2_1-.Ltmp4, $3  }
0x118: {  	_ =	sdelay $0x1  }
0x119: {  	[sflag:s24] =	ssyncset.done $0x0  }
0x11a: {  	s16 =	simm.s32 $0x4800;
	[sflag:s24] =	ssyncadd.s32 $0xFFFFF900  }
0x11b: {  	_ =	sfence.sel $0x180000  }
0x11c: {  	[bflag:$0x0] =	sbarrier.arrive $0xFFFF  }
0x11d: {  	_ =	strace $0x9000004A  }
0x11e: {  	s0 =	stileid.u32;
	[bflag:$0x2] =	sbarrier.arrive $0xFFFF  }
0x11f: {  	p0 =	sne.s32 s0, $0x0;
	s0 =	rddreg [dreg:$0x2]  }
0x120: {  	s0 =	sadd.s32 @!p0 $0x100000, s0  }
0x121: {  	[sflag:s0] =	ssyncadd.tile.s32 @!p0 $0x1;
	_ =	shalt  }
.Lfunc_end2:
_tile_overlayer_lowered:
.L_overlay_start_2:
0x122: {  	(tag) =	ssettag $0x2  }
0x123: {  	s0 =	rddreg [dreg:$0x0];
	s2 =	stileid.u32  }
0x124: {  	s1 =	rddreg [dreg:$0x1];
	p0 =	sne.s32 s2, $0x0  }
0x125: {  	s3 =	rddreg [dreg:$0x2];
	[bflag:$0x3] =	sbarrier.arrive $0xFFFF;
	s2 =	simm.s32 @!p0 $0x1C04  }
0x126: {  	[timem:s3], [sflag:s2] =	dma.local @!p0 [hbm:s0], s1  }
0x127: {  	s0 =	simm.s32 @!p0 $0x4  }
0x128: {  	_ =	swait.ge @!p0 [sflag:s0], s1  }
0x129: {  	s1 =	ssub.s32 @!p0 $0x0, s1;
	[sflag:s0] =	ssyncset.done @!p0 $0x0  }
0x12a: {  	[sflag:s0] =	ssyncadd.s32 @!p0 s1  }
0x12b: {  	[bflag:$0x3] =	sbarrier.arrive $0xFFFF  }
0x12c: {  	_ =	shalt  }

// kernel: kernel.14.cloned.1.call-start
scs
__scs_entry_jumppad:
0x0: {  	(pc) =	sbr.rel $0x88, $3  }
0x1: {  	(tag) =	ssettag $0x0;
	lr =	simm.s32 $0x1  }
0x2: {  	[smem:$0x3F97] =	sst lr;
	_ =	strace $0xD0000000  }
0x3: {  	_ = 	snop  }
0x4: {  	_ = 	snop  }
0x5: {  	_ = 	snop  }
0x6: {  	_ = 	snop  }
0x7: {  	_ = 	snop  }
__scs_overlays_trampoline_lowered:
0x8: {  	[smem:$0x3FA6] =	sst s0  }
0x9: {  	[smem:$0x3FA7] =	sst s1  }
0xa: {  	[smem:$0x3FA8] =	sst s2  }
0xb: {  	[smem:$0x3FA9] =	sst s3  }
0xc: {  	[smem:$0x3FAA] =	sst s4  }
0xd: {  	[smem:$0x3FAB] =	sst s5  }
0xe: {  	[smem:$0x3FAC] =	sst s6  }
0xf: {  	[smem:$0x3FAD] =	sst s7  }
0x10: {  	[smem:$0x3FAE] =	sst s8  }
0x11: {  	[smem:$0x3FAF] =	sst s9;
	s0 =	simm.s32 @!p0 $0x0  }
0x12: {  	s1 =	sld [smem:$0x3F95];
	s0 =	simm.s32 @p0 $0x1  }
0x13: {  	[smem:$0x3FB0] =	sst s0;
	s0 =	simm.s32 @!p1 $0x0  }
0x14: {  	s2 =	sld [smem:$0x3F94];
	s0 =	simm.s32 @p1 $0x1  }
0x15: {  	[smem:$0x3FB1] =	sst s0;
	s0 =	simm.s32 @!p2 $0x0  }
0x16: {  	s3 =	sld [smem:$0x3FDB];
	s0 =	simm.s32 @p2 $0x1  }
0x17: {  	s4 =	simm.s32 $0x1BF5;
	[smem:$0x3FB3] =	sst s0  }
0x18: {  	s0 =	sld [smem:$0x3F96];
	_ =	swait.ge [sflag:s4], $0x0  }
0x19: {  	s7 =	sld [smem:$0x3F97]  }
0x1a: {  	s8 =	sadd.s32 $0xFFFFE003, lr  }
0x1b: {  	s9 =	sadd.s32 $0xFFFFFEF7, lr;
	s5 =	simm.s32 $0xFFFFFFFF;
	p2 =	slt.u32 s8, $0xFFFFF086  }
0x1c: {  	p1 =	slt.u32 s9, $0xF7A;
	s5 =	simm.s32 @!p2 $0x0  }
0x1d: {  	s5 =	simm.s32 @p1 $0x1;
	p0 =	seq.s32 s7, s2  }
0x1e: {  	s7 =	smul.u32 @!p0 $0xF7A, s2;
	p2 =	seq.s32 @!p0 s5, $0x0  }
0x1f: {  	s9 =	smul.u32 $0xF7A, s1;
	s8 =	simm.s32 @!p0 $0x1BF5;
	p2 =	por !p2, p0  }
0x20: {  	[sflag:s8] =	ssyncset.s32 @!p0 $0xFFFFF086;
	s6 =	sadd.s32 @!p0 s3, s7;
	s7 =	simm.s32 @!p0 $0x108  }
0x21: {  	s3 =	sadd.s32 s3, s9;
	s6 =	sadd.s32 @!p0 $0x88, s6;
	s7 =	simm.s32 @p2 $0x1082  }
0x22: {  	[simem:s7], [sflag:s8] =	dma.local @!p0 [hbm:s6], $0xF7A  }
0x23: {  	s9 =	sor.u32 $0xD0000000, s2;
	s6 =	simm.s32 $0x108;
	_ =	swait.ge @!p0 [sflag:s8], $0x0  }
0x24: {  	s3 =	sadd.s32 $0x88, s3;
	s6 =	simm.s32 @!p1 $0x1082;
	[sflag:s4] =	ssyncset.s32 $0xFFFFF086  }
0x25: {  	[simem:s6], [sflag:s4] =	dma.local [hbm:s3], $0xF7A  }
0x26: {  	[smem:$0x3F97] =	sst s1;
	(tag) =	ssettag s2;
	_ =	strace s9  }
0x27: {  	s1 =	sld [smem:$0x3FA7]  }
0x28: {  	s2 =	sld [smem:$0x3FA8]  }
0x29: {  	s4 =	sld [smem:$0x3FAA]  }
0x2a: {  	p0 =	seq.s32 s5, $0x0;
	s5 =	sld [smem:$0x3FAB]  }
0x2b: {  	s6 =	sld [smem:$0x3FAC]  }
0x2c: {  	s7 =	sld [smem:$0x3FAD]  }
0x2d: {  	s3 =	simm.s32 $0x108;
	s8 =	sld [smem:$0x3FAE]  }
0x2e: {  	s3 =	simm.s32 @!p0 $0x1082;
	s9 =	sld [smem:$0x3FAF]  }
0x2f: {  	lr =	sadd.s32 s0, s3;
	s0 =	sld [smem:$0x3FA6]  }
0x30: {  	s3 =	sld [smem:$0x3FA9]  }
0x31: {  	[smem:$0x3FB2] =	sst s10  }
0x32: {  	s10 =	sld [smem:$0x3FB0];
	_ =	sdelay $0x3  }
0x33: {  	p0 =	seq.s32 s10, $0x1;
	s10 =	sld [smem:$0x3FB2];
	_ =	sdelay $0x3  }
0x34: {  	[smem:$0x3FB2] =	sst s10  }
0x35: {  	s10 =	sld [smem:$0x3FB1];
	_ =	sdelay $0x3  }
0x36: {  	p1 =	seq.s32 s10, $0x1;
	s10 =	sld [smem:$0x3FB2];
	_ =	sdelay $0x3  }
0x37: {  	[smem:$0x3FB2] =	sst s10  }
0x38: {  	s10 =	sld [smem:$0x3FB3]  }
0x39: {  	_ = 	snop;
	(pc) =	sbr.ind lr, $3  }
0x3a: {  	_ = 	snop  }
0x3b: {  	_ = 	snop  }
0x3c: {  	p2 =	seq.s32 s10, $0x1;
	s10 =	sld [smem:$0x3FB2]  }
0x3d: {  	_ =	shalt  }
0x3e: {  	_ =	shalt  }
0x3f: {  	_ =	shalt  }
0x40: {  	_ =	shalt  }
0x41: {  	_ =	shalt  }
0x42: {  	_ =	shalt  }
0x43: {  	_ =	shalt  }
0x44: {  	_ =	shalt  }
0x45: {  	_ =	shalt  }
0x46: {  	_ =	shalt  }
0x47: {  	_ =	shalt  }
0x48: {  	_ =	shalt  }
0x49: {  	_ =	shalt  }
0x4a: {  	_ =	shalt  }
0x4b: {  	_ =	shalt  }
0x4c: {  	_ =	shalt  }
0x4d: {  	_ =	shalt  }
0x4e: {  	_ =	shalt  }
0x4f: {  	_ =	shalt  }
0x50: {  	_ =	shalt  }
0x51: {  	_ =	shalt  }
0x52: {  	_ =	shalt  }
0x53: {  	_ =	shalt  }
0x54: {  	_ =	shalt  }
0x55: {  	_ =	shalt  }
0x56: {  	_ =	shalt  }
0x57: {  	_ =	shalt  }
0x58: {  	_ =	shalt  }
0x59: {  	_ =	shalt  }
0x5a: {  	_ =	shalt  }
0x5b: {  	_ =	shalt  }
0x5c: {  	_ =	shalt  }
0x5d: {  	_ =	shalt  }
0x5e: {  	_ =	shalt  }
0x5f: {  	_ =	shalt  }
0x60: {  	_ =	shalt  }
0x61: {  	_ =	shalt  }
0x62: {  	_ =	shalt  }
0x63: {  	_ =	shalt  }
0x64: {  	_ =	shalt  }
0x65: {  	_ =	shalt  }
0x66: {  	_ =	shalt  }
0x67: {  	_ =	shalt  }
0x68: {  	_ =	shalt  }
0x69: {  	_ =	shalt  }
0x6a: {  	_ =	shalt  }
0x6b: {  	_ =	shalt  }
0x6c: {  	_ =	shalt  }
0x6d: {  	_ =	shalt  }
0x6e: {  	_ =	shalt  }
0x6f: {  	_ =	shalt  }
0x70: {  	_ =	shalt  }
0x71: {  	_ =	shalt  }
0x72: {  	_ =	shalt  }
0x73: {  	_ =	shalt  }
0x74: {  	_ =	shalt  }
0x75: {  	_ =	shalt  }
0x76: {  	_ =	shalt  }
0x77: {  	_ =	shalt  }
0x78: {  	_ =	shalt  }
0x79: {  	_ =	shalt  }
0x7a: {  	_ =	shalt  }
0x7b: {  	_ =	shalt  }
0x7c: {  	_ =	shalt  }
0x7d: {  	_ =	shalt  }
0x7e: {  	_ =	shalt  }
0x7f: {  	_ =	shalt  }
0x80: {  	_ =	shalt  }
0x81: {  	_ =	shalt  }
0x82: {  	_ =	shalt  }
0x83: {  	_ =	shalt  }
0x84: {  	_ =	shalt  }
0x85: {  	_ =	shalt  }
0x86: {  	_ =	shalt  }
0x87: {  	_ =	shalt  }
.Lfunc_end0:
.L_simem_size_0:
called_computation.2_lowered:
.L_overlay_start_0:
0x88: {  	s2 =	sld [smem:$0x3FD9]  }
0x89: {  	s3 =	sld [smem:$0x3FFE];
	_ =	sdelay $0x1  }
0x8a: {  	s1 =	srdreg.scid  }
0x8b: {  	s0 =	sand.u32 $0x1, s1  }
0x8c: {  	s16 =	sshll.u32 s0, $0xA;
	s2 =	sadd.s32 s3, s2  }
0x8d: {  	s2 =	sadd.s32 s2, s16  }
0x8e: {  	[smem:$0x3FBE] =	sst s2  }
0x8f: {  	_ = 	snop  }
0x90: {  	(tm) =	ssettm $0x1  }
0x91: {  	s17 =	sld [smem:$0x3FFB];
	_ =	sdelay $0x3  }
0x92: {  	_ =	strace s17  }
0x93: {  	s2 =	sld [smem:$0x3FFC];
	_ =	sdelay $0x3  }
0x94: {  	_ =	strace s2  }
0x95: {  	s2 =	sld [smem:$0x3FFD];
	_ =	sdelay $0x3  }
0x96: {  	_ =	strace s2  }
0x97: {  	_ =	strace $0x8FFFFFFF  }
0x98: {  	s18 =	sld [smem:$0x3FDB];
	_ =	sdelay $0x1  }
0x99: {  	s19 =	simm.s32 $_scs_section_size  }
0x9a: {  	s4 =	simm.s32 $_size__tile_overlayer_lowered;
	s5 =	simm.s32 $_tile_overlayer_lowered  }
0x9b: {  	s22 =	simm.s32 $0x1BFF;
	s21 =	sshll.u32 s5, $0x1;
	s2 =	sadd.s32 s19, s18  }
0x9c: {  	s6 =	simm.s32 $0x0;
	s20 =	sshll.u32 s4, $0x1;
	s4 =	sadd.s32 s21, s2  }
0x9d: {  	[timem:s6], [sflag:s22] =	dma.local [hbm:s4], s20  }
0x9e: {  	_ =	swait.ge [sflag:s22], s20  }
0x9f: {  	s3 =	ssub.s32 $0x0, s20;
	[sflag:s22] =	ssyncset.done $0x0  }
0xa0: {  	[sflag:s22] =	ssyncadd.s32 s3;
	_ =	sdelay $0x1  }
0xa1: {  	s23 =	simm.s32 $0x1B8B  }
0xa2: {  	_ =	swait.ge [sflag:s23], $0x1  }
0xa3: {  	[sflag:s23] =	ssyncset.done $0x0  }
0xa4: {  	s25 =	simm.s32 $0x1B8E;
	s24 =	sld [smem:$0x3FFE];
	[sflag:s23] =	ssyncadd.s32 $0xFFFFFFFF  }
0xa5: {  	s26 =	simm.s32 $execute0_lowered;
	[smem:$0x3FD2] =	sst s25  }
0xa6: {  	s4 =	sshll.u32 s26, $0x1;
	_ =	strace $0x8000004C;
	[dreg:$0x1] =	wrdreg $0xFFFFFFFF  }
0xa7: {  	s28 =	simm.s32 $_size_execute0_lowered;
	s2 =	sadd.s32 s2, s4;
	[dreg:$0x0] =	wrdreg $0x0  }
0xa8: {  	s4 =	sshll.u32 s28, $0x1;
	[dreg:$0x2] =	wrdreg s2  }
0xa9: {  	[dreg:$0x3] =	wrdreg s4  }
0xaa: {  	[dreg:$0x4] =	wrdreg $0xC0  }
0xab: {  	_ =	task [dreg:s6], $0x5FFFF  }
0xac: {  	[dreg:$0x1] =	wrdreg $0xFFFFFFFF  }
0xad: {  	[dreg:$0x0] =	wrdreg $0x60  }
0xae: {  	[dreg:$0x2] =	wrdreg s24  }
0xaf: {  	[dreg:$0x3] =	wrdreg $0x50000  }
0xb0: {  	[dreg:$0x4] =	wrdreg $0x9  }
0xb1: {  	_ =	task.clear_ibuf [dreg:s6], $0x5FFFF;
	_ =	strace $0x9000004C  }
0xb2: {  	s29 =	simm.s32 $0x9;
	_ =	strace $0x8000004E  }
0xb3: {  	_ =	swait.ge [sflag:s29], $0x1  }
0xb4: {  	[sflag:s29] =	ssyncadd.s32 $0xFFFFFFFF  }
0xb5: {  	_ =	strace $0x9000004E  }
0xb6: {  	_ =	sfence  }
0xb7: {  	s30 =	sld [smem:$0x0];
	_ =	sdelay $0x2  }
0xb8: {  	s31 =	sshll.u32 s1, $0xD;
	s1 =	sshrl.u32 s1, $0x2  }
0xb9: {  	s3 =	sand.u32 $0x4000, s31;
	s1 =	sadd.s32 s1, s30  }
0xba: {  	s0 =	sor.u32 s3, s0;
	s1 =	sshll.u32 s1, $0x11  }
0xbb: {  	s0 =	sor.u32 s1, s0  }
0xbc: {  	s0 =	sadd.s32 $0x8F2B, s0  }
0xbd: {  	[sflag:s0] =	ssyncadd.remote.s32 $0x1  }
0xbe: {  	_ =	sfence.sel $0xFFFF  }
0xbf: {  	[dreg:$0x0] =	wrdreg $0xFFFFFFFF;
	(pc) =	sbr.abs _section_cstart, $3  }
0xc0: {  	[dreg:$0x1] =	wrdreg $0xFFFFFFFF  }
0xc1: {  	_ =	task.clear_ibuf [dreg:s6], $0x2FFFF;
	_ =	strace $0x9FFFFFFF  }
0xc2: {  	(tm) =	ssettm $0x7FFFFFFF  }
0xc3: {  	_ =	shalt  }
tec
execute0_lowered:
.L_overlay_start_1:
0x0: {  	(tag) =	ssettag $0x1  }
0x1: {  	s0 =	rddreg [dreg:$0x0]  }
0x2: {  	s2 =	rddreg [dreg:$0x1]  }
0x3: {  	s1 =	srdreg.scid;
	s9 =	stileid.u32  }
0x4: {  	s4 =	simm.s32 $0x14C00;
	s3 =	simm.s32 $0x0;
	s10 =	simm.s32 $0x53  }
0x5: {  	s26 =	simm.s32 $0x100;
	s28 =	simm.s32 $0x80;
	s29 =	simm.s32 $0x800  }
0x6: {  	s30 =	simm.s32 $0x1000;
	s31 =	simm.s32 $0x1800;
	s1 =	sand.u32 $0x1, s1  }
0x7: {  	[smem:$0x7FF] =	sst s3;
	s14 =	smul.u32 $0x62000, s9;
	p0 =	seq.s32 s1, $0x0  }
0x8: {  	s5 =	smul.u32 $0x14C000, s1;
	_ =	strace $0x8000004D;
	s7 =	ssub.s32 $0x2, s1  }
0x9: {  	s1 =	smul.u32 $0x188000, s1;
	[dreg:$0x3] =	wrdreg s26;
	s4 =	simm.s32 @!p0 $0x4400  }
0xa: {  	s15 =	sshrl.u32 s7, $0x1;
	s16 =	sshrl.u32 s14, $0x2;
	s6 =	smul.u32 s4, s9  }
0xb: {  	s10 =	simm.s32 @!p0 $0x11;
	s9 =	smul.u32 $0x18800, s9;
	s7 =	ssub.s32 s7, s15  }
0xc: {  	s4 =	sadd.s32 $0x1F2600, s0;
	[dreg:$0x8] =	wrdreg s10;
	s7 =	smax.u32 s7, $0x1  }
0xd: {  	s5 =	sadd.s32 s5, s6;
	s17 =	sadd.s32 s9, s1;
	s18 =	sadd.s32 $0x3800, s9  }
0xe: {  	s11 =	sadd.s32 $0x7000, s9;
	s12 =	sadd.s32 s9, s2;
	s21 =	sadd.s32 $0xA800, s9  }
0xf: {  	s14 =	sadd.s32 $0xE000, s9;
	s15 =	sadd.s32 $0x11800, s9;
	s9 =	sadd.s32 $0x15000, s9  }
0x10: {  	[dreg:$0x10] =	wrdreg s7;
	s7 =	simm.s32 $0x3000;
	s5 =	sshrl.u32 s5, $0x3  }
0x11: {  	s6 =	sshrl.u32 s17, $0x3;
	s19 =	sadd.s32 s1, s18;
	s13 =	sadd.s32 s1, s11  }
0x12: {  	s10 =	sadd.s32 s18, s2;
	s22 =	sadd.s32 s1, s21;
	s11 =	sadd.s32 s11, s2  }
0x13: {  	s23 =	sadd.s32 s1, s14;
	s14 =	sadd.s32 s14, s2;
	s25 =	sadd.s32 s15, s2  }
0x14: {  	s18 =	simm.s32 $0x300;
	s8 =	sadd.s32 s5, s0;
	s0 =	sadd.s32 $0x223400, s0  }
0x15: {  	s5 =	sadd.s32 s16, s2;
	s20 =	sshrl.u32 s13, $0x3;
	s13 =	sadd.s32 s21, s2  }
0x16: {  	s16 =	sadd.s32 s1, s15;
	s1 =	sadd.s32 s1, s9;
	s9 =	sadd.s32 s9, s2  }
0x17: {  	s15 =	simm.s32 $0x200;
	[dreg:$0x7] =	wrdreg s18;
	s18 =	simm.s32 $0x4  }
0x18: {  	s21 =	sshrl.u32 s10, $0x3;
	s25 =	sshrl.u32 s25, $0x3;
	[dreg:$0x5] =	wrdreg s15  }
0x19: {  	s10 =	simm.s32 $0x4000;
	s6 =	sadd.s32 s0, s6;
	[dreg:$0x14] =	wrdreg s21  }
0x1a: {  	s24 =	sshrl.u32 s16, $0x3;
	s1 =	sshrl.u32 s1, $0x3;
	[dreg:$0x18] =	wrdreg s25  }
0x1b: {  	s16 =	simm.s32 $0x280;
	s17 =	sadd.s32 $0x1A00, s8;
	[dreg:$0x9] =	wrdreg s6  }
0x1c: {  	s26 =	sshrl.u32 s9, $0x3;
	s9 =	simm.s32 $0x380;
	[dreg:$0x11] =	wrdreg s17  }
0x1d: {  	s21 =	simm.s32 $0x680;
	s15 =	simm.s32 $0x0;
	[dreg:$0x6] =	wrdreg s16  }
0x1e: {  	s6 =	sshrl.u32 s19, $0x3;
	s19 =	sadd.s32 $0x1C0600, s8;
	[dreg:$0x19] =	wrdreg s26  }
0x1f: {  	s16 =	simm.s32 $0x4800;
	s6 =	sadd.s32 s0, s6;
	[dreg:$0x12] =	wrdreg s19  }
0x20: {  	s26 =	simm.s32 $0x400;
	[dreg:$0xa] =	wrdreg s6;
	s6 =	sadd.s32 s0, s20  }
0x21: {  	s8 =	simm.s32 $0x3800;
	s20 =	sshrl.u32 s12, $0x3;
	[dreg:$0xb] =	wrdreg s6  }
0x22: {  	s6 =	sshrl.u32 s22, $0x3;
	[dreg:$0x13] =	wrdreg s20;
	s22 =	sshrl.u32 s11, $0x3  }
0x23: {  	s19 =	simm.s32 $0x2;
	s6 =	sadd.s32 s0, s6;
	[dreg:$0x15] =	wrdreg s22  }
0x24: {  	[dreg:$0xc] =	wrdreg s6;
	s6 =	sshrl.u32 s23, $0x3;
	s23 =	sshrl.u32 s13, $0x3  }
0x25: {  	s12 =	simm.s32 $0x480;
	s6 =	sadd.s32 s0, s6;
	[dreg:$0x16] =	wrdreg s23  }
0x26: {  	s11 =	simm.s32 $0x1;
	[dreg:$0xd] =	wrdreg s6;
	s6 =	sadd.s32 s0, s24  }
0x27: {  	s20 =	simm.s32 $0x600;
	s0 =	sadd.s32 s0, s1;
	[dreg:$0xe] =	wrdreg s6  }
0x28: {  	s22 =	simm.s32 $0x700;
	s1 =	simm.s32 $0x180;
	[dreg:$0xf] =	wrdreg s0  }
0x29: {  	s13 =	simm.s32 $0x500;
	s24 =	sshrl.u32 s14, $0x3;
	[dreg:$0x4] =	wrdreg s1  }
0x2a: {  	s23 =	simm.s32 $0x780;
	s14 =	simm.s32 $0x580;
	[dreg:$0x17] =	wrdreg s24  }
0x2b: {  	v0 =	vimm.f32 $0.0e+00;
	s0 =	simm.s32 $0x2000;
	s1 =	simm.s32 $0x2800;
	s24 =	simm.s32 $0x3  }
.LBB2_1:
0x2c: {  	[dreg:$0x1a] =	wrdreg s15;
	s6 =	simm.s32 $0x0  }
.LBB2_2:
0x2d: {  	p0 =	sne.s32 s6, $0x1FC0  }
.Ltmp0:
0x2e: {  	_ = 	snop;
	(pc) =	sbr.rel @p0 .LBB2_2-.Ltmp0, $3  }
0x2f: {  	_ =	sdelay $0x1  }
0x30: {  	s15 =	sshra.s32 s6, $0x2  }
0x31: {  	s6 =	sadd.s32 $0x40, s6;
	[tilespmem:s15+$0x4800] =	vst v0  }
0x32: {  	s6 =	sadd.s32 $0x0, s5  }
0x33: {  	[spmem:s6] =	stream.linear.scatter [tilespmem:s16], [sflag:$0x4], $0x800, $0x38;
	[tilespmem:$0x1D800] =	vst v63  }
0x34: {  	s6 =	simm.s32 $0x2000;
	_ =	swait.ge [sflag:s18], $0x800  }
.LBB2_4:
0x35: {  	s15 =	sshra.s32 s6, $0x2;
	[sflag:s18] =	ssyncset.done $0x0;
	p0 =	sne.s32 s6, $0x60000  }
.Ltmp1:
0x36: {  	s15 =	sadd.s32 s15, s5;
	[sflag:s18] =	ssyncadd.s32 $0xFFFFF800;
	(pc) =	sbr.rel @p0 .LBB2_4-.Ltmp1, $3  }
0x37: {  	[spmem:s15] =	stream.linear.scatter [tilespmem:s16], [sflag:$0x4], $0x800, $0x38;
	[tilespmem:$0x1D800] =	vst v63  }
0x38: {  	s6 =	sadd.s32 $0x2000, s6;
	_ =	sdelay $0x1  }
0x39: {  	_ =	swait.ge [sflag:s18], $0x800  }
0x3a: {  	[sflag:s18] =	ssyncset.done $0x0  }
0x3b: {  	[sflag:s18] =	ssyncadd.s32 $0xFFFFF800  }
0x3c: {  	[bflag:$0x0] =	sbarrier.arrive $0xFFFF  }
0x3d: {  	s17 =	rddreg [dreg:$0x12]  }
0x3e: {  	[tilespmem:s3], [sflag:$0x4] =	stream.linear.gather [hbm4b:s17+s3], $0x400, $0x38;
	[tilespmem:$0x1D800] =	vst v63  }
0x3f: {  	_ =	swait.ge [sflag:s18], $0x400  }
0x40: {  	[sflag:s18] =	ssyncset.done $0x0  }
0x41: {  	s16 =	rddreg [dreg:$0x11];
	[sflag:s18] =	ssyncadd.s32 $0xFFFFFC00  }
0x42: {  	[tilespmem:s26], [sflag:$0x4] =	stream.linear.gather [hbm4b:s16+s3], $0x400, $0x38;
	[tilespmem:$0x1D800] =	vst v63  }
0x43: {  	_ =	swait.ge [sflag:s18], $0x400  }
0x44: {  	[sflag:s18] =	ssyncset.done $0x0  }
0x45: {  	[sflag:s18] =	ssyncadd.s32 $0xFFFFFC00  }
0x46: {  	[tilespmem:s29], [sflag:$0x1] =	stream.indirect.gather [hbm4b:s4+s28], $0x10, s3, s28, $0xb8;
	[tilespmem:$0x1D800] =	vst v63  }
0x47: {  	_ = 	snop  }
0x48: {  	[tilespmem:s30], [sflag:$0x1] =	stream.indirect.gather [hbm4b:s4+s28], $0x10, s28, s28, $0xb8;
	[tilespmem:$0x1D800] =	vst v63  }
0x49: {  	s6 =	rddreg [dreg:$0x3]  }
0x4a: {  	[tilespmem:s31], [sflag:$0x1] =	stream.indirect.gather [hbm4b:s4+s28], $0x10, s6, s28, $0xb8;
	[tilespmem:$0x1D800] =	vst v63  }
0x4b: {  	s15 =	rddreg [dreg:$0x4]  }
0x4c: {  	[tilespmem:s0], [sflag:$0x1] =	stream.indirect.gather [hbm4b:s4+s28], $0x10, s15, s28, $0xb8;
	[tilespmem:$0x1D800] =	vst v63  }
0x4d: {  	s25 =	rddreg [dreg:$0x5]  }
0x4e: {  	[tilespmem:s1], [sflag:$0x2] =	stream.indirect.gather [hbm4b:s4+s28], $0x10, s25, s28, $0xb8;
	[tilespmem:$0x1D800] =	vst v63  }
0x4f: {  	s15 =	rddreg [dreg:$0x6]  }
0x50: {  	[tilespmem:s7], [sflag:$0x2] =	stream.indirect.gather [hbm4b:s4+s28], $0x10, s15, s28, $0xb8;
	[tilespmem:$0x1D800] =	vst v63  }
0x51: {  	s25 =	rddreg [dreg:$0x7]  }
0x52: {  	[tilespmem:s8], [sflag:$0x2] =	stream.indirect.gather [hbm4b:s4+s28], $0x10, s25, s28, $0xb8;
	[tilespmem:$0x1D800] =	vst v63  }
0x53: {  	_ = 	snop  }
0x54: {  	[tilespmem:s10], [sflag:$0x2] =	stream.indirect.gather [hbm4b:s4+s28], $0x10, s9, s28, $0xb8;
	[tilespmem:$0x1D800] =	vst v63  }
0x55: {  	_ =	swait.ge [sflag:s11], $0x800  }
0x56: {  	[sflag:s11] =	ssyncset.done $0x0  }
0x57: {  	[sflag:s11] =	ssyncadd.s32 $0xFFFFF800  }
0x58: {  	_ =	swait.ge [sflag:s11], $0x800  }
0x59: {  	[sflag:s11] =	ssyncset.done $0x0  }
0x5a: {  	[sflag:s11] =	ssyncadd.s32 $0xFFFFF800  }
0x5b: {  	_ =	swait.ge [sflag:s11], $0x800  }
0x5c: {  	[sflag:s11] =	ssyncset.done $0x0  }
0x5d: {  	[sflag:s11] =	ssyncadd.s32 $0xFFFFF800  }
0x5e: {  	_ =	swait.ge [sflag:s11], $0x800  }
0x5f: {  	[sflag:s11] =	ssyncset.done $0x0  }
0x60: {  	[sflag:s11] =	ssyncadd.s32 $0xFFFFF800  }
0x61: {  	[spmem:s2] =	stream.indirect.scatter.add.f32 [tilespmem:s29], [sflag:$0x3], $0x10, s26, s28, $0xb8;
	[tilespmem:$0x1D800] =	vst v63  }
0x62: {  	_ = 	snop  }
0x63: {  	[spmem:s2] =	stream.indirect.scatter.add.f32 [tilespmem:s30], [sflag:$0x3], $0x10, s12, s28, $0xb8;
	[tilespmem:$0x1D800] =	vst v63  }
0x64: {  	_ = 	snop  }
0x65: {  	[spmem:s2] =	stream.indirect.scatter.add.f32 [tilespmem:s31], [sflag:$0x3], $0x10, s13, s28, $0xb8;
	[tilespmem:$0x1D800] =	vst v63  }
0x66: {  	_ = 	snop  }
0x67: {  	[spmem:s2] =	stream.indirect.scatter.add.f32 [tilespmem:s0], [sflag:$0x3], $0x10, s14, s28, $0xb8;
	[tilespmem:$0x1D800] =	vst v63  }
0x68: {  	_ =	swait.ge [sflag:s19], $0x800  }
0x69: {  	[sflag:s19] =	ssyncset.done $0x0  }
0x6a: {  	[sflag:s19] =	ssyncadd.s32 $0xFFFFF800  }
0x6b: {  	_ =	swait.ge [sflag:s19], $0x800  }
0x6c: {  	[sflag:s19] =	ssyncset.done $0x0  }
0x6d: {  	[sflag:s19] =	ssyncadd.s32 $0xFFFFF800  }
0x6e: {  	_ =	swait.ge [sflag:s19], $0x800  }
0x6f: {  	[sflag:s19] =	ssyncset.done $0x0  }
0x70: {  	[sflag:s19] =	ssyncadd.s32 $0xFFFFF800  }
0x71: {  	_ =	swait.ge [sflag:s19], $0x800  }
0x72: {  	[sflag:s19] =	ssyncset.done $0x0  }
0x73: {  	[sflag:s19] =	ssyncadd.s32 $0xFFFFF800  }
0x74: {  	[spmem:s2] =	stream.indirect.scatter.add.f32 [tilespmem:s1], [sflag:$0x3], $0x10, s20, s28, $0xb8;
	[tilespmem:$0x1D800] =	vst v63  }
0x75: {  	_ = 	snop  }
0x76: {  	[spmem:s2] =	stream.indirect.scatter.add.f32 [tilespmem:s7], [sflag:$0x3], $0x10, s21, s28, $0xb8;
	[tilespmem:$0x1D800] =	vst v63  }
0x77: {  	_ = 	snop  }
0x78: {  	[spmem:s2] =	stream.indirect.scatter.add.f32 [tilespmem:s8], [sflag:$0x3], $0x10, s22, s28, $0xb8;
	[tilespmem:$0x1D800] =	vst v63  }
0x79: {  	_ = 	snop  }
0x7a: {  	[spmem:s2] =	stream.indirect.scatter.add.f32 [tilespmem:s10], [sflag:$0x3], $0x10, s23, s28, $0xb8;
	[tilespmem:$0x1D800] =	vst v63  }
0x7b: {  	_ =	swait.ge [sflag:s24], $0x800  }
0x7c: {  	[sflag:s24] =	ssyncset.done $0x0  }
0x7d: {  	[sflag:s24] =	ssyncadd.s32 $0xFFFFF800  }
0x7e: {  	_ =	swait.ge [sflag:s24], $0x800  }
0x7f: {  	[sflag:s24] =	ssyncset.done $0x0  }
0x80: {  	[sflag:s24] =	ssyncadd.s32 $0xFFFFF800  }
0x81: {  	_ =	swait.ge [sflag:s24], $0x800  }
0x82: {  	[sflag:s24] =	ssyncset.done $0x0  }
0x83: {  	[sflag:s24] =	ssyncadd.s32 $0xFFFFF800  }
0x84: {  	_ =	swait.ge [sflag:s24], $0x800  }
0x85: {  	[sflag:s24] =	ssyncset.done $0x0  }
0x86: {  	[sflag:s24] =	ssyncadd.s32 $0xFFFFF800  }
0x87: {  	_ =	swait.ge [sflag:s24], $0x800  }
0x88: {  	[sflag:s24] =	ssyncset.done $0x0  }
0x89: {  	[sflag:s24] =	ssyncadd.s32 $0xFFFFF800  }
0x8a: {  	_ =	swait.ge [sflag:s24], $0x800  }
0x8b: {  	[sflag:s24] =	ssyncset.done $0x0  }
0x8c: {  	[sflag:s24] =	ssyncadd.s32 $0xFFFFF800  }
0x8d: {  	_ =	swait.ge [sflag:s24], $0x800  }
0x8e: {  	s25 =	rddreg [dreg:$0x8]  }
0x8f: {  	p0 =	sne.s32 s25, $0x1  }
.Ltmp2:
0x90: {  	_ = 	snop;
	(pc) =	sbr.rel @!p0 .LBB2_7-.Ltmp2, $4  }
0x91: {  	[sflag:s24] =	ssyncset.done $0x0  }
0x92: {  	[sflag:s24] =	ssyncadd.s32 $0xFFFFF800  }
0x93: {  	s15 =	smov.u32 s16;
	_ =	swait.ge [sflag:s24], $0x800  }
0x94: {  	s16 =	smov.u32 s17;
	s6 =	sadd.s32 $0xFFFFFFFF, s25;
	[sflag:s24] =	ssyncset.done $0x0  }
.LBB2_6:
0x95: {  	[sflag:s24] =	ssyncadd.s32 $0xFFFFF800;
	s16 =	sadd.s32 $0x80, s16  }
0x96: {  	[tilespmem:s3], [sflag:$0x4] =	stream.linear.gather [hbm4b:s16+s3], $0x400, $0x38;
	[tilespmem:$0x1D800] =	vst v63  }
0x97: {  	_ =	swait.ge [sflag:s18], $0x400  }
0x98: {  	[sflag:s18] =	ssyncset.done $0x0  }
0x99: {  	s15 =	sadd.s32 $0x80, s15;
	[sflag:s18] =	ssyncadd.s32 $0xFFFFFC00  }
0x9a: {  	[tilespmem:s26], [sflag:$0x4] =	stream.linear.gather [hbm4b:s15+s3], $0x400, $0x38;
	[tilespmem:$0x1D800] =	vst v63  }
0x9b: {  	_ =	swait.ge [sflag:s18], $0x400  }
0x9c: {  	[sflag:s18] =	ssyncset.done $0x0  }
0x9d: {  	[sflag:s18] =	ssyncadd.s32 $0xFFFFFC00  }
0x9e: {  	[tilespmem:s29], [sflag:$0x1] =	stream.indirect.gather [hbm4b:s4+s28], $0x10, s3, s28, $0xb8;
	[tilespmem:$0x1D800] =	vst v63  }
0x9f: {  	_ = 	snop  }
0xa0: {  	[tilespmem:s30], [sflag:$0x1] =	stream.indirect.gather [hbm4b:s4+s28], $0x10, s28, s28, $0xb8;
	[tilespmem:$0x1D800] =	vst v63  }
0xa1: {  	s25 =	rddreg [dreg:$0x3]  }
0xa2: {  	[tilespmem:s31], [sflag:$0x1] =	stream.indirect.gather [hbm4b:s4+s28], $0x10, s25, s28, $0xb8;
	[tilespmem:$0x1D800] =	vst v63  }
0xa3: {  	s17 =	rddreg [dreg:$0x4]  }
0xa4: {  	[tilespmem:s0], [sflag:$0x1] =	stream.indirect.gather [hbm4b:s4+s28], $0x10, s17, s28, $0xb8;
	[tilespmem:$0x1D800] =	vst v63  }
0xa5: {  	s25 =	rddreg [dreg:$0x5]  }
0xa6: {  	[tilespmem:s1], [sflag:$0x2] =	stream.indirect.gather [hbm4b:s4+s28], $0x10, s25, s28, $0xb8;
	[tilespmem:$0x1D800] =	vst v63  }
0xa7: {  	s17 =	rddreg [dreg:$0x6]  }
0xa8: {  	[tilespmem:s7], [sflag:$0x2] =	stream.indirect.gather [hbm4b:s4+s28], $0x10, s17, s28, $0xb8;
	[tilespmem:$0x1D800] =	vst v63  }
0xa9: {  	s25 =	rddreg [dreg:$0x7]  }
0xaa: {  	[tilespmem:s8], [sflag:$0x2] =	stream.indirect.gather [hbm4b:s4+s28], $0x10, s25, s28, $0xb8;
	[tilespmem:$0x1D800] =	vst v63  }
0xab: {  	_ = 	snop  }
0xac: {  	[tilespmem:s10], [sflag:$0x2] =	stream.indirect.gather [hbm4b:s4+s28], $0x10, s9, s28, $0xb8;
	[tilespmem:$0x1D800] =	vst v63  }
0xad: {  	_ =	swait.ge [sflag:s11], $0x800  }
0xae: {  	[sflag:s11] =	ssyncset.done $0x0  }
0xaf: {  	[sflag:s11] =	ssyncadd.s32 $0xFFFFF800  }
0xb0: {  	_ =	swait.ge [sflag:s11], $0x800  }
0xb1: {  	[sflag:s11] =	ssyncset.done $0x0  }
0xb2: {  	[sflag:s11] =	ssyncadd.s32 $0xFFFFF800  }
0xb3: {  	_ =	swait.ge [sflag:s11], $0x800  }
0xb4: {  	[sflag:s11] =	ssyncset.done $0x0  }
0xb5: {  	[sflag:s11] =	ssyncadd.s32 $0xFFFFF800  }
0xb6: {  	_ =	swait.ge [sflag:s11], $0x800  }
0xb7: {  	[sflag:s11] =	ssyncset.done $0x0  }
0xb8: {  	[sflag:s11] =	ssyncadd.s32 $0xFFFFF800  }
0xb9: {  	[spmem:s2] =	stream.indirect.scatter.add.f32 [tilespmem:s29], [sflag:$0x3], $0x10, s26, s28, $0xb8;
	[tilespmem:$0x1D800] =	vst v63  }
0xba: {  	_ = 	snop  }
0xbb: {  	[spmem:s2] =	stream.indirect.scatter.add.f32 [tilespmem:s30], [sflag:$0x3], $0x10, s12, s28, $0xb8;
	[tilespmem:$0x1D800] =	vst v63  }
0xbc: {  	_ = 	snop  }
0xbd: {  	[spmem:s2] =	stream.indirect.scatter.add.f32 [tilespmem:s31], [sflag:$0x3], $0x10, s13, s28, $0xb8;
	[tilespmem:$0x1D800] =	vst v63  }
0xbe: {  	_ = 	snop  }
0xbf: {  	[spmem:s2] =	stream.indirect.scatter.add.f32 [tilespmem:s0], [sflag:$0x3], $0x10, s14, s28, $0xb8;
	[tilespmem:$0x1D800] =	vst v63  }
0xc0: {  	_ =	swait.ge [sflag:s19], $0x800  }
0xc1: {  	[sflag:s19] =	ssyncset.done $0x0  }
0xc2: {  	[sflag:s19] =	ssyncadd.s32 $0xFFFFF800  }
0xc3: {  	_ =	swait.ge [sflag:s19], $0x800  }
0xc4: {  	[sflag:s19] =	ssyncset.done $0x0  }
0xc5: {  	[sflag:s19] =	ssyncadd.s32 $0xFFFFF800  }
0xc6: {  	_ =	swait.ge [sflag:s19], $0x800  }
0xc7: {  	[sflag:s19] =	ssyncset.done $0x0  }
0xc8: {  	[sflag:s19] =	ssyncadd.s32 $0xFFFFF800  }
0xc9: {  	_ =	swait.ge [sflag:s19], $0x800  }
0xca: {  	[sflag:s19] =	ssyncset.done $0x0  }
0xcb: {  	[sflag:s19] =	ssyncadd.s32 $0xFFFFF800  }
0xcc: {  	[spmem:s2] =	stream.indirect.scatter.add.f32 [tilespmem:s1], [sflag:$0x3], $0x10, s20, s28, $0xb8;
	[tilespmem:$0x1D800] =	vst v63  }
0xcd: {  	_ = 	snop  }
0xce: {  	[spmem:s2] =	stream.indirect.scatter.add.f32 [tilespmem:s7], [sflag:$0x3], $0x10, s21, s28, $0xb8;
	[tilespmem:$0x1D800] =	vst v63  }
0xcf: {  	_ = 	snop  }
0xd0: {  	[spmem:s2] =	stream.indirect.scatter.add.f32 [tilespmem:s8], [sflag:$0x3], $0x10, s22, s28, $0xb8;
	[tilespmem:$0x1D800] =	vst v63  }
0xd1: {  	_ = 	snop  }
0xd2: {  	[spmem:s2] =	stream.indirect.scatter.add.f32 [tilespmem:s10], [sflag:$0x3], $0x10, s23, s28, $0xb8;
	[tilespmem:$0x1D800] =	vst v63  }
0xd3: {  	_ =	swait.ge [sflag:s24], $0x800  }
0xd4: {  	[sflag:s24] =	ssyncset.done $0x0  }
0xd5: {  	[sflag:s24] =	ssyncadd.s32 $0xFFFFF800  }
0xd6: {  	_ =	swait.ge [sflag:s24], $0x800  }
0xd7: {  	[sflag:s24] =	ssyncset.done $0x0  }
0xd8: {  	[sflag:s24] =	ssyncadd.s32 $0xFFFFF800  }
0xd9: {  	_ =	swait.ge [sflag:s24], $0x800  }
0xda: {  	[sflag:s24] =	ssyncset.done $0x0  }
0xdb: {  	[sflag:s24] =	ssyncadd.s32 $0xFFFFF800  }
0xdc: {  	_ =	swait.ge [sflag:s24], $0x800  }
0xdd: {  	[sflag:s24] =	ssyncset.done $0x0  }
0xde: {  	[sflag:s24] =	ssyncadd.s32 $0xFFFFF800  }
0xdf: {  	_ =	swait.ge [sflag:s24], $0x800  }
0xe0: {  	[sflag:s24] =	ssyncset.done $0x0  }
0xe1: {  	[sflag:s24] =	ssyncadd.s32 $0xFFFFF800  }
0xe2: {  	_ =	swait.ge [sflag:s24], $0x800  }
0xe3: {  	[sflag:s24] =	ssyncset.done $0x0  }
0xe4: {  	p0 =	sne.s32 s6, $0x1;
	[sflag:s24] =	ssyncadd.s32 $0xFFFFF800  }
.Ltmp3:
0xe5: {  	_ =	swait.ge [sflag:s24], $0x800;
	(pc) =	sbr.rel @p0 .LBB2_6-.Ltmp3, $4  }
0xe6: {  	[sflag:s24] =	ssyncset.done $0x0  }
0xe7: {  	[sflag:s24] =	ssyncadd.s32 $0xFFFFF800  }
0xe8: {  	_ =	swait.ge [sflag:s24], $0x800  }
0xe9: {  	s6 =	sadd.s32 $0xFFFFFFFF, s6;
	[sflag:s24] =	ssyncset.done $0x0  }
.LBB2_7:
0xea: {  	[sflag:s24] =	ssyncadd.s32 $0xFFFFF800  }
0xeb: {  	s6 =	stileid.u32;
	[bflag:$0x0] =	sbarrier.arrive $0xFFFF  }
0xec: {  	s6 =	sshll.u32 s6, $0x6;
	s15 =	rddreg [dreg:$0x9]  }
0xed: {  	s6 =	sor.u32 $0x1C03, s6;
	s16 =	rddreg [dreg:$0x13]  }
0xee: {  	[hbm:s15], [sflag:s6] =	dma.local [spmem:s16], $0x700  }
0xef: {  	s15 =	rddreg [dreg:$0xa]  }
0xf0: {  	s16 =	rddreg [dreg:$0x14]  }
0xf1: {  	[hbm:s15], [sflag:s6] =	dma.local [spmem:s16], $0x700  }
0xf2: {  	s15 =	rddreg [dreg:$0xb]  }
0xf3: {  	s16 =	rddreg [dreg:$0x15]  }
0xf4: {  	[hbm:s15], [sflag:s6] =	dma.local [spmem:s16], $0x700  }
0xf5: {  	s15 =	rddreg [dreg:$0xc]  }
0xf6: {  	s16 =	rddreg [dreg:$0x16]  }
0xf7: {  	[hbm:s15], [sflag:s6] =	dma.local [spmem:s16], $0x700  }
0xf8: {  	s15 =	rddreg [dreg:$0xd]  }
0xf9: {  	s16 =	rddreg [dreg:$0x17]  }
0xfa: {  	[hbm:s15], [sflag:s6] =	dma.local [spmem:s16], $0x700  }
0xfb: {  	s15 =	rddreg [dreg:$0xe]  }
0xfc: {  	s16 =	rddreg [dreg:$0x18]  }
0xfd: {  	[hbm:s15], [sflag:s6] =	dma.local [spmem:s16], $0x700  }
0xfe: {  	s15 =	rddreg [dreg:$0xf]  }
0xff: {  	s16 =	rddreg [dreg:$0x19]  }
0x100: {  	[hbm:s15], [sflag:s6] =	dma.local [spmem:s16], $0x700  }
0x101: {  	_ =	swait.ge [sflag:s24], $0x700  }
0x102: {  	[sflag:s24] =	ssyncset.done $0x0  }
0x103: {  	[sflag:s24] =	ssyncadd.s32 $0xFFFFF900  }
0x104: {  	_ =	swait.ge [sflag:s24], $0x700  }
0x105: {  	[sflag:s24] =	ssyncset.done $0x0  }
0x106: {  	[sflag:s24] =	ssyncadd.s32 $0xFFFFF900  }
0x107: {  	_ =	swait.ge [sflag:s24], $0x700  }
0x108: {  	[sflag:s24] =	ssyncset.done $0x0  }
0x109: {  	[sflag:s24] =	ssyncadd.s32 $0xFFFFF900  }
0x10a: {  	_ =	swait.ge [sflag:s24], $0x700  }
0x10b: {  	[sflag:s24] =	ssyncset.done $0x0  }
0x10c: {  	[sflag:s24] =	ssyncadd.s32 $0xFFFFF900  }
0x10d: {  	_ =	swait.ge [sflag:s24], $0x700  }
0x10e: {  	[sflag:s24] =	ssyncset.done $0x0  }
0x10f: {  	[sflag:s24] =	ssyncadd.s32 $0xFFFFF900  }
0x110: {  	_ =	swait.ge [sflag:s24], $0x700  }
0x111: {  	[sflag:s24] =	ssyncset.done $0x0  }
0x112: {  	[sflag:s24] =	ssyncadd.s32 $0xFFFFF900  }
0x113: {  	_ =	swait.ge [sflag:s24], $0x700  }
0x114: {  	s17 =	rddreg [dreg:$0x1a]  }
0x115: {  	s25 =	rddreg [dreg:$0x10];
	s15 =	sadd.s32 $0x1, s17  }
0x116: {  	p0 =	sne.s32 s15, s25  }
.Ltmp4:
0x117: {  	_ = 	snop;
	(pc) =	sbr.rel @p0 .LBB2_1-.Ltmp4, $3  }
0x118: {  	_ =	sdelay $0x1  }
0x119: {  	[sflag:s24] =	ssyncset.done $0x0  }
0x11a: {  	s16 =	simm.s32 $0x4800;
	[sflag:s24] =	ssyncadd.s32 $0xFFFFF900  }
0x11b: {  	_ =	sfence.sel $0x180000  }
0x11c: {  	[bflag:$0x0] =	sbarrier.arrive $0xFFFF  }
0x11d: {  	_ =	strace $0x9000004D  }
0x11e: {  	s0 =	stileid.u32;
	[bflag:$0x2] =	sbarrier.arrive $0xFFFF  }
0x11f: {  	p0 =	sne.s32 s0, $0x0;
	s0 =	rddreg [dreg:$0x2]  }
0x120: {  	s0 =	sadd.s32 @!p0 $0x100000, s0  }
0x121: {  	[sflag:s0] =	ssyncadd.tile.s32 @!p0 $0x1;
	_ =	shalt  }
.Lfunc_end2:
_tile_overlayer_lowered:
.L_overlay_start_2:
0x122: {  	(tag) =	ssettag $0x2  }
0x123: {  	s0 =	rddreg [dreg:$0x0];
	s2 =	stileid.u32  }
0x124: {  	s1 =	rddreg [dreg:$0x1];
	p0 =	sne.s32 s2, $0x0  }
0x125: {  	s3 =	rddreg [dreg:$0x2];
	[bflag:$0x3] =	sbarrier.arrive $0xFFFF;
	s2 =	simm.s32 @!p0 $0x1C04  }
0x126: {  	[timem:s3], [sflag:s2] =	dma.local @!p0 [hbm:s0], s1  }
0x127: {  	s0 =	simm.s32 @!p0 $0x4  }
0x128: {  	_ =	swait.ge @!p0 [sflag:s0], s1  }
0x129: {  	s1 =	ssub.s32 @!p0 $0x0, s1;
	[sflag:s0] =	ssyncset.done @!p0 $0x0  }
0x12a: {  	[sflag:s0] =	ssyncadd.s32 @!p0 s1  }
0x12b: {  	[bflag:$0x3] =	sbarrier.arrive $0xFFFF  }
0x12c: {  	_ =	shalt  }

// kernel: kernel.8.cloned.1.call-start
scs
__scs_entry_jumppad:
0x0: {  	(pc) =	sbr.rel $0x88, $3  }
0x1: {  	(tag) =	ssettag $0x0;
	lr =	simm.s32 $0x1  }
0x2: {  	[smem:$0x3F97] =	sst lr;
	_ =	strace $0xD0000000  }
0x3: {  	_ = 	snop  }
0x4: {  	_ = 	snop  }
0x5: {  	_ = 	snop  }
0x6: {  	_ = 	snop  }
0x7: {  	_ = 	snop  }
__scs_overlays_trampoline_lowered:
0x8: {  	[smem:$0x3FA6] =	sst s0  }
0x9: {  	[smem:$0x3FA7] =	sst s1  }
0xa: {  	[smem:$0x3FA8] =	sst s2  }
0xb: {  	[smem:$0x3FA9] =	sst s3  }
0xc: {  	[smem:$0x3FAA] =	sst s4  }
0xd: {  	[smem:$0x3FAB] =	sst s5  }
0xe: {  	[smem:$0x3FAC] =	sst s6  }
0xf: {  	[smem:$0x3FAD] =	sst s7  }
0x10: {  	[smem:$0x3FAE] =	sst s8  }
0x11: {  	[smem:$0x3FAF] =	sst s9;
	s0 =	simm.s32 @!p0 $0x0  }
0x12: {  	s1 =	sld [smem:$0x3F95];
	s0 =	simm.s32 @p0 $0x1  }
0x13: {  	[smem:$0x3FB0] =	sst s0;
	s0 =	simm.s32 @!p1 $0x0  }
0x14: {  	s2 =	sld [smem:$0x3F94];
	s0 =	simm.s32 @p1 $0x1  }
0x15: {  	[smem:$0x3FB1] =	sst s0;
	s0 =	simm.s32 @!p2 $0x0  }
0x16: {  	s3 =	sld [smem:$0x3FDB];
	s0 =	simm.s32 @p2 $0x1  }
0x17: {  	s4 =	simm.s32 $0x1BF5;
	[smem:$0x3FB3] =	sst s0  }
0x18: {  	s0 =	sld [smem:$0x3F96];
	_ =	swait.ge [sflag:s4], $0x0  }
0x19: {  	s7 =	sld [smem:$0x3F97]  }
0x1a: {  	s8 =	sadd.s32 $0xFFFFE003, lr  }
0x1b: {  	s9 =	sadd.s32 $0xFFFFFEF7, lr;
	s5 =	simm.s32 $0xFFFFFFFF;
	p2 =	slt.u32 s8, $0xFFFFF086  }
0x1c: {  	p1 =	slt.u32 s9, $0xF7A;
	s5 =	simm.s32 @!p2 $0x0  }
0x1d: {  	s5 =	simm.s32 @p1 $0x1;
	p0 =	seq.s32 s7, s2  }
0x1e: {  	s7 =	smul.u32 @!p0 $0xF7A, s2;
	p2 =	seq.s32 @!p0 s5, $0x0  }
0x1f: {  	s9 =	smul.u32 $0xF7A, s1;
	s8 =	simm.s32 @!p0 $0x1BF5;
	p2 =	por !p2, p0  }
0x20: {  	[sflag:s8] =	ssyncset.s32 @!p0 $0xFFFFF086;
	s6 =	sadd.s32 @!p0 s3, s7;
	s7 =	simm.s32 @!p0 $0x108  }
0x21: {  	s3 =	sadd.s32 s3, s9;
	s6 =	sadd.s32 @!p0 $0x88, s6;
	s7 =	simm.s32 @p2 $0x1082  }
0x22: {  	[simem:s7], [sflag:s8] =	dma.local @!p0 [hbm:s6], $0xF7A  }
0x23: {  	s9 =	sor.u32 $0xD0000000, s2;
	s6 =	simm.s32 $0x108;
	_ =	swait.ge @!p0 [sflag:s8], $0x0  }
0x24: {  	s3 =	sadd.s32 $0x88, s3;
	s6 =	simm.s32 @!p1 $0x1082;
	[sflag:s4] =	ssyncset.s32 $0xFFFFF086  }
0x25: {  	[simem:s6], [sflag:s4] =	dma.local [hbm:s3], $0xF7A  }
0x26: {  	[smem:$0x3F97] =	sst s1;
	(tag) =	ssettag s2;
	_ =	strace s9  }
0x27: {  	s1 =	sld [smem:$0x3FA7]  }
0x28: {  	s2 =	sld [smem:$0x3FA8]  }
0x29: {  	s4 =	sld [smem:$0x3FAA]  }
0x2a: {  	p0 =	seq.s32 s5, $0x0;
	s5 =	sld [smem:$0x3FAB]  }
0x2b: {  	s6 =	sld [smem:$0x3FAC]  }
0x2c: {  	s7 =	sld [smem:$0x3FAD]  }
0x2d: {  	s3 =	simm.s32 $0x108;
	s8 =	sld [smem:$0x3FAE]  }
0x2e: {  	s3 =	simm.s32 @!p0 $0x1082;
	s9 =	sld [smem:$0x3FAF]  }
0x2f: {  	lr =	sadd.s32 s0, s3;
	s0 =	sld [smem:$0x3FA6]  }
0x30: {  	s3 =	sld [smem:$0x3FA9]  }
0x31: {  	[smem:$0x3FB2] =	sst s10  }
0x32: {  	s10 =	sld [smem:$0x3FB0];
	_ =	sdelay $0x3  }
0x33: {  	p0 =	seq.s32 s10, $0x1;
	s10 =	sld [smem:$0x3FB2];
	_ =	sdelay $0x3  }
0x34: {  	[smem:$0x3FB2] =	sst s10  }
0x35: {  	s10 =	sld [smem:$0x3FB1];
	_ =	sdelay $0x3  }
0x36: {  	p1 =	seq.s32 s10, $0x1;
	s10 =	sld [smem:$0x3FB2];
	_ =	sdelay $0x3  }
0x37: {  	[smem:$0x3FB2] =	sst s10  }
0x38: {  	s10 =	sld [smem:$0x3FB3]  }
0x39: {  	_ = 	snop;
	(pc) =	sbr.ind lr, $3  }
0x3a: {  	_ = 	snop  }
0x3b: {  	_ = 	snop  }
0x3c: {  	p2 =	seq.s32 s10, $0x1;
	s10 =	sld [smem:$0x3FB2]  }
0x3d: {  	_ =	shalt  }
0x3e: {  	_ =	shalt  }
0x3f: {  	_ =	shalt  }
0x40: {  	_ =	shalt  }
0x41: {  	_ =	shalt  }
0x42: {  	_ =	shalt  }
0x43: {  	_ =	shalt  }
0x44: {  	_ =	shalt  }
0x45: {  	_ =	shalt  }
0x46: {  	_ =	shalt  }
0x47: {  	_ =	shalt  }
0x48: {  	_ =	shalt  }
0x49: {  	_ =	shalt  }
0x4a: {  	_ =	shalt  }
0x4b: {  	_ =	shalt  }
0x4c: {  	_ =	shalt  }
0x4d: {  	_ =	shalt  }
0x4e: {  	_ =	shalt  }
0x4f: {  	_ =	shalt  }
0x50: {  	_ =	shalt  }
0x51: {  	_ =	shalt  }
0x52: {  	_ =	shalt  }
0x53: {  	_ =	shalt  }
0x54: {  	_ =	shalt  }
0x55: {  	_ =	shalt  }
0x56: {  	_ =	shalt  }
0x57: {  	_ =	shalt  }
0x58: {  	_ =	shalt  }
0x59: {  	_ =	shalt  }
0x5a: {  	_ =	shalt  }
0x5b: {  	_ =	shalt  }
0x5c: {  	_ =	shalt  }
0x5d: {  	_ =	shalt  }
0x5e: {  	_ =	shalt  }
0x5f: {  	_ =	shalt  }
0x60: {  	_ =	shalt  }
0x61: {  	_ =	shalt  }
0x62: {  	_ =	shalt  }
0x63: {  	_ =	shalt  }
0x64: {  	_ =	shalt  }
0x65: {  	_ =	shalt  }
0x66: {  	_ =	shalt  }
0x67: {  	_ =	shalt  }
0x68: {  	_ =	shalt  }
0x69: {  	_ =	shalt  }
0x6a: {  	_ =	shalt  }
0x6b: {  	_ =	shalt  }
0x6c: {  	_ =	shalt  }
0x6d: {  	_ =	shalt  }
0x6e: {  	_ =	shalt  }
0x6f: {  	_ =	shalt  }
0x70: {  	_ =	shalt  }
0x71: {  	_ =	shalt  }
0x72: {  	_ =	shalt  }
0x73: {  	_ =	shalt  }
0x74: {  	_ =	shalt  }
0x75: {  	_ =	shalt  }
0x76: {  	_ =	shalt  }
0x77: {  	_ =	shalt  }
0x78: {  	_ =	shalt  }
0x79: {  	_ =	shalt  }
0x7a: {  	_ =	shalt  }
0x7b: {  	_ =	shalt  }
0x7c: {  	_ =	shalt  }
0x7d: {  	_ =	shalt  }
0x7e: {  	_ =	shalt  }
0x7f: {  	_ =	shalt  }
0x80: {  	_ =	shalt  }
0x81: {  	_ =	shalt  }
0x82: {  	_ =	shalt  }
0x83: {  	_ =	shalt  }
0x84: {  	_ =	shalt  }
0x85: {  	_ =	shalt  }
0x86: {  	_ =	shalt  }
0x87: {  	_ =	shalt  }
.Lfunc_end0:
.L_simem_size_0:
called_computation_lowered:
.L_overlay_start_0:
0x88: {  	s2 =	sld [smem:$0x3FD9]  }
0x89: {  	s3 =	sld [smem:$0x3FFE];
	_ =	sdelay $0x1  }
0x8a: {  	s1 =	srdreg.scid  }
0x8b: {  	s0 =	sand.u32 $0x1, s1  }
0x8c: {  	s16 =	sshll.u32 s0, $0xA;
	s2 =	sadd.s32 s3, s2  }
0x8d: {  	s2 =	sadd.s32 s2, s16  }
0x8e: {  	[smem:$0x3FBE] =	sst s2  }
0x8f: {  	_ = 	snop  }
0x90: {  	(tm) =	ssettm $0x1  }
0x91: {  	s17 =	sld [smem:$0x3FFB];
	_ =	sdelay $0x3  }
0x92: {  	_ =	strace s17  }
0x93: {  	s2 =	sld [smem:$0x3FFC];
	_ =	sdelay $0x3  }
0x94: {  	_ =	strace s2  }
0x95: {  	s2 =	sld [smem:$0x3FFD];
	_ =	sdelay $0x3  }
0x96: {  	_ =	strace s2  }
0x97: {  	_ =	strace $0x8FFFFFFF  }
0x98: {  	s18 =	sld [smem:$0x3FDB];
	_ =	sdelay $0x1  }
0x99: {  	s19 =	simm.s32 $_scs_section_size  }
0x9a: {  	s4 =	simm.s32 $_size__tile_overlayer_lowered;
	s5 =	simm.s32 $_tile_overlayer_lowered  }
0x9b: {  	s22 =	simm.s32 $0x1BFF;
	s21 =	sshll.u32 s5, $0x1;
	s2 =	sadd.s32 s19, s18  }
0x9c: {  	s6 =	simm.s32 $0x0;
	s20 =	sshll.u32 s4, $0x1;
	s4 =	sadd.s32 s21, s2  }
0x9d: {  	[timem:s6], [sflag:s22] =	dma.local [hbm:s4], s20  }
0x9e: {  	_ =	swait.ge [sflag:s22], s20  }
0x9f: {  	s3 =	ssub.s32 $0x0, s20;
	[sflag:s22] =	ssyncset.done $0x0  }
0xa0: {  	[sflag:s22] =	ssyncadd.s32 s3;
	_ =	sdelay $0x1  }
0xa1: {  	s23 =	simm.s32 $0x1B8B  }
0xa2: {  	_ =	swait.ge [sflag:s23], $0x1  }
0xa3: {  	[sflag:s23] =	ssyncset.done $0x0  }
0xa4: {  	s25 =	simm.s32 $0x1B8E;
	s24 =	sld [smem:$0x3FFE];
	[sflag:s23] =	ssyncadd.s32 $0xFFFFFFFF  }
0xa5: {  	s26 =	simm.s32 $execute0_lowered;
	[smem:$0x3FD2] =	sst s25  }
0xa6: {  	s4 =	sshll.u32 s26, $0x1;
	_ =	strace $0x80000046;
	[dreg:$0x1] =	wrdreg $0xFFFFFFFF  }
0xa7: {  	s28 =	simm.s32 $_size_execute0_lowered;
	s2 =	sadd.s32 s2, s4;
	[dreg:$0x0] =	wrdreg $0x0  }
0xa8: {  	s4 =	sshll.u32 s28, $0x1;
	[dreg:$0x2] =	wrdreg s2  }
0xa9: {  	[dreg:$0x3] =	wrdreg s4  }
0xaa: {  	[dreg:$0x4] =	wrdreg $0xC0  }
0xab: {  	_ =	task [dreg:s6], $0x5FFFF  }
0xac: {  	[dreg:$0x1] =	wrdreg $0xFFFFFFFF  }
0xad: {  	[dreg:$0x0] =	wrdreg $0x60  }
0xae: {  	[dreg:$0x2] =	wrdreg s24  }
0xaf: {  	[dreg:$0x3] =	wrdreg $0x8000  }
0xb0: {  	[dreg:$0x4] =	wrdreg $0x9  }
0xb1: {  	_ =	task.clear_ibuf [dreg:s6], $0x5FFFF;
	_ =	strace $0x90000046  }
0xb2: {  	s29 =	simm.s32 $0x9;
	_ =	strace $0x80000048  }
0xb3: {  	_ =	swait.ge [sflag:s29], $0x1  }
0xb4: {  	[sflag:s29] =	ssyncadd.s32 $0xFFFFFFFF  }
0xb5: {  	_ =	strace $0x90000048  }
0xb6: {  	_ =	sfence  }
0xb7: {  	s30 =	sld [smem:$0x0];
	_ =	sdelay $0x2  }
0xb8: {  	s31 =	sshll.u32 s1, $0xD;
	s1 =	sshrl.u32 s1, $0x2  }
0xb9: {  	s3 =	sand.u32 $0x4000, s31;
	s1 =	sadd.s32 s1, s30  }
0xba: {  	s0 =	sor.u32 s3, s0;
	s1 =	sshll.u32 s1, $0x11  }
0xbb: {  	s0 =	sor.u32 s1, s0  }
0xbc: {  	s0 =	sadd.s32 $0x8F2B, s0  }
0xbd: {  	[sflag:s0] =	ssyncadd.remote.s32 $0x1  }
0xbe: {  	_ =	sfence.sel $0xFFFF  }
0xbf: {  	[dreg:$0x0] =	wrdreg $0xFFFFFFFF;
	(pc) =	sbr.abs _section_cstart, $3  }
0xc0: {  	[dreg:$0x1] =	wrdreg $0xFFFFFFFF  }
0xc1: {  	_ =	task.clear_ibuf [dreg:s6], $0x2FFFF;
	_ =	strace $0x9FFFFFFF  }
0xc2: {  	(tm) =	ssettm $0x7FFFFFFF  }
0xc3: {  	_ =	shalt  }
tec
execute0_lowered:
.L_overlay_start_1:
0x0: {  	(tag) =	ssettag $0x1  }
0x1: {  	s0 =	srdreg.scid  }
0x2: {  	s1 =	rddreg [dreg:$0x0];
	s7 =	stileid.u32  }
0x3: {  	s3 =	simm.s32 $0x10C00;
	s2 =	rddreg [dreg:$0x1];
	s28 =	simm.s32 $0x480  }
0x4: {  	s29 =	simm.s32 $0x2;
	s30 =	simm.s32 $0x80;
	s0 =	sand.u32 $0x1, s0  }
0x5: {  	s31 =	simm.s32 $0x400;
	p0 =	seq.s32 s0, $0x0;
	s4 =	smul.u32 $0x10C000, s0  }
0x6: {  	s15 =	ssub.s32 $0x2, s0;
	s0 =	smul.u32 $0x18800, s0;
	s3 =	simm.s32 @!p0 $0x8400  }
0x7: {  	s16 =	sshrl.u32 s15, $0x1;
	s5 =	smul.u32 s3, s7;
	s3 =	simm.s32 $0x0  }
0x8: {  	s7 =	smul.u32 $0x1880, s7;
	s8 =	ssub.s32 s15, s16;
	[smem:$0x7FF] =	sst s3  }
0x9: {  	s25 =	smax.u32 s8, $0x1;
	s8 =	simm.s32 $0x300;
	s4 =	sadd.s32 s4, s5  }
0xa: {  	_ =	strace $0x80000047;
	s5 =	simm.s32 $0x43;
	s9 =	sadd.s32 s7, s0  }
0xb: {  	s10 =	sadd.s32 $0x380, s7;
	s12 =	sadd.s32 $0x700, s7;
	s20 =	sadd.s32 $0xA80, s7  }
0xc: {  	s13 =	sadd.s32 $0xE00, s7;
	s14 =	sadd.s32 $0x1180, s7;
	[dreg:$0xa] =	wrdreg s25  }
0xd: {  	s4 =	sshrl.u32 s4, $0x3;
	s5 =	simm.s32 @!p0 $0x21;
	s9 =	sshrl.u32 s9, $0x3  }
0xe: {  	s11 =	sadd.s32 s0, s10;
	s18 =	sadd.s32 s0, s12;
	s10 =	sadd.s32 s10, s2  }
0xf: {  	s21 =	sadd.s32 s0, s20;
	s12 =	sadd.s32 s12, s2;
	s22 =	sadd.s32 s0, s13  }
0x10: {  	s23 =	sadd.s32 s0, s14;
	s24 =	sadd.s32 s14, s2;
	s6 =	sadd.s32 s4, s1  }
0x11: {  	s1 =	sadd.s32 $0x33A00, s1;
	s4 =	sadd.s32 s7, s2;
	s17 =	sshrl.u32 s11, $0x3  }
0x12: {  	s19 =	sshrl.u32 s18, $0x3;
	s11 =	sshrl.u32 s22, $0x3;
	s7 =	sadd.s32 $0x1500, s7  }
0x13: {  	s24 =	sshrl.u32 s24, $0x3;
	s9 =	sadd.s32 s1, s9;
	s11 =	sadd.s32 s1, s11  }
0x14: {  	s0 =	sadd.s32 s0, s7;
	s14 =	sadd.s32 s7, s2;
	s26 =	sadd.s32 $0x380, s4  }
0x15: {  	s15 =	sadd.s32 $0x700, s4;
	s16 =	sadd.s32 $0xA80, s4;
	s18 =	sadd.s32 $0x1180, s4  }
0x16: {  	s7 =	simm.s32 $0x280;
	[dreg:$0x3] =	wrdreg s9;
	s9 =	sadd.s32 s1, s17  }
0x17: {  	[dreg:$0x7] =	wrdreg s11;
	s11 =	sshrl.u32 s23, $0x3;
	s0 =	sshrl.u32 s0, $0x3  }
0x18: {  	[dreg:$0xb] =	wrdreg s26;
	s17 =	sadd.s32 $0xE00, s4;
	s25 =	sshrl.u32 s14, $0x3  }
0x19: {  	s26 =	sadd.s32 $0x1500, s4;
	[dreg:$0x4] =	wrdreg s9;
	s9 =	sadd.s32 s1, s19  }
0x1a: {  	s19 =	sadd.s32 s13, s2;
	s11 =	sadd.s32 s1, s11;
	[dreg:$0x5] =	wrdreg s9  }
0x1b: {  	s0 =	sadd.s32 s1, s0;
	s13 =	sadd.s32 $0x1A00, s6;
	[dreg:$0x8] =	wrdreg s11  }
0x1c: {  	s6 =	simm.s32 $0x200;
	s9 =	sshrl.u32 s21, $0x3;
	[dreg:$0x9] =	wrdreg s0  }
0x1d: {  	s21 =	sshrl.u32 s12, $0x3;
	s23 =	sshrl.u32 s19, $0x3;
	s0 =	simm.s32 $0x180  }
0x1e: {  	s11 =	simm.s32 $0x0;
	s9 =	sadd.s32 s1, s9;
	s1 =	simm.s32 $0x100  }
0x1f: {  	[dreg:$0x6] =	wrdreg s9;
	s9 =	sadd.s32 s20, s2;
	s20 =	sshrl.u32 s10, $0x3  }
0x20: {  	v0 =	vimm.f32 $1.000000000e+00;
	v1 =	vimm.f32 $0.0e+00;
	s10 =	simm.s32 $0x1;
	s22 =	sshrl.u32 s9, $0x3;
	s9 =	simm.s32 $0x380  }
.LBB2_1:
0x21: {  	[tilespmem:$0x400] =	vst v0  }
0x22: {  	[tilespmem:$0x410] =	vst v0  }
0x23: {  	[tilespmem:$0x420] =	vst v0  }
0x24: {  	[tilespmem:$0x430] =	vst v0  }
0x25: {  	[tilespmem:$0x440] =	vst v0  }
0x26: {  	[tilespmem:$0x450] =	vst v0  }
0x27: {  	[tilespmem:$0x460] =	vst v0  }
0x28: {  	[tilespmem:$0x470] =	vst v0;
	s12 =	simm.s32 $0x40;
	s19 =	simm.s32 $0x0  }
.LBB2_2:
0x29: {  	p0 =	sne.s32 s12, $0xDC0;
	[tilespmem:s19+$0x480] =	vst v1;
	s19 =	smov.u32 s12;
	s12 =	sadd.s32 $0x40, s12  }
.Ltmp0:
0x2a: {  	(pc) =	sbr.rel @p0 .LBB2_2-.Ltmp0, $2  }
0x2b: {  	_ =	sdelay $0x2  }
0x2c: {  	s19 =	sshra.s32 s19, $0x2  }
0x2d: {  	[tilespmem:s19+$0x480] =	vst v1  }
0x2e: {  	[spmem:s4] =	stream.linear.scatter [tilespmem:s28], [sflag:$0x2], $0x380, $0x38;
	[tilespmem:$0x2080] =	vst v63  }
0x2f: {  	_ =	swait.ge [sflag:s29], $0x380  }
0x30: {  	[sflag:s29] =	ssyncset.done $0x0  }
0x31: {  	s12 =	rddreg [dreg:$0xb];
	[sflag:s29] =	ssyncadd.s32 $0xFFFFFC80  }
0x32: {  	[spmem:s12] =	stream.linear.scatter [tilespmem:s28], [sflag:$0x2], $0x380, $0x38;
	[tilespmem:$0x2080] =	vst v63  }
0x33: {  	_ =	swait.ge [sflag:s29], $0x380  }
0x34: {  	[sflag:s29] =	ssyncset.done $0x0  }
0x35: {  	[sflag:s29] =	ssyncadd.s32 $0xFFFFFC80  }
0x36: {  	[spmem:s15] =	stream.linear.scatter [tilespmem:s28], [sflag:$0x2], $0x380, $0x38;
	[tilespmem:$0x2080] =	vst v63  }
0x37: {  	_ =	swait.ge [sflag:s29], $0x380  }
0x38: {  	[sflag:s29] =	ssyncset.done $0x0  }
0x39: {  	[sflag:s29] =	ssyncadd.s32 $0xFFFFFC80  }
0x3a: {  	[spmem:s16] =	stream.linear.scatter [tilespmem:s28], [sflag:$0x2], $0x380, $0x38;
	[tilespmem:$0x2080] =	vst v63  }
0x3b: {  	_ =	swait.ge [sflag:s29], $0x380  }
0x3c: {  	[sflag:s29] =	ssyncset.done $0x0  }
0x3d: {  	[sflag:s29] =	ssyncadd.s32 $0xFFFFFC80  }
0x3e: {  	[spmem:s17] =	stream.linear.scatter [tilespmem:s28], [sflag:$0x2], $0x380, $0x38;
	[tilespmem:$0x2080] =	vst v63  }
0x3f: {  	_ =	swait.ge [sflag:s29], $0x380  }
0x40: {  	[sflag:s29] =	ssyncset.done $0x0  }
0x41: {  	[sflag:s29] =	ssyncadd.s32 $0xFFFFFC80  }
0x42: {  	[spmem:s18] =	stream.linear.scatter [tilespmem:s28], [sflag:$0x2], $0x380, $0x38;
	[tilespmem:$0x2080] =	vst v63  }
0x43: {  	_ =	swait.ge [sflag:s29], $0x380  }
0x44: {  	[sflag:s29] =	ssyncset.done $0x0  }
0x45: {  	[sflag:s29] =	ssyncadd.s32 $0xFFFFFC80  }
0x46: {  	[spmem:s26] =	stream.linear.scatter [tilespmem:s28], [sflag:$0x2], $0x380, $0x38;
	[tilespmem:$0x2080] =	vst v63  }
0x47: {  	_ =	swait.ge [sflag:s29], $0x380  }
0x48: {  	[sflag:s29] =	ssyncset.done $0x0  }
0x49: {  	[sflag:s29] =	ssyncadd.s32 $0xFFFFFC80  }
0x4a: {  	[bflag:$0x0] =	sbarrier.arrive $0xFFFF  }
0x4b: {  	[tilespmem:s3], [sflag:$0x2] =	stream.linear.gather [hbm4b:s13+s3], $0x400, $0x38;
	[tilespmem:$0x2080] =	vst v63  }
0x4c: {  	_ =	swait.ge [sflag:s29], $0x400  }
0x4d: {  	[sflag:s29] =	ssyncset.done $0x0  }
0x4e: {  	[sflag:s29] =	ssyncadd.s32 $0xFFFFFC00  }
0x4f: {  	[spmem:s2] =	stream.indirect.scatter.add.f32 [tilespmem:s31], [sflag:$0x1], $0x1, s3, s30, $0xb8;
	[tilespmem:$0x2080] =	vst v63  }
0x50: {  	_ = 	snop  }
0x51: {  	[spmem:s2] =	stream.indirect.scatter.add.f32 [tilespmem:s31], [sflag:$0x1], $0x1, s30, s30, $0xb8;
	[tilespmem:$0x2080] =	vst v63  }
0x52: {  	_ = 	snop  }
0x53: {  	[spmem:s2] =	stream.indirect.scatter.add.f32 [tilespmem:s31], [sflag:$0x1], $0x1, s1, s30, $0xb8;
	[tilespmem:$0x2080] =	vst v63  }
0x54: {  	_ = 	snop  }
0x55: {  	[spmem:s2] =	stream.indirect.scatter.add.f32 [tilespmem:s31], [sflag:$0x1], $0x1, s0, s30, $0xb8;
	[tilespmem:$0x2080] =	vst v63  }
0x56: {  	_ = 	snop  }
0x57: {  	[spmem:s2] =	stream.indirect.scatter.add.f32 [tilespmem:s31], [sflag:$0x1], $0x1, s6, s30, $0xb8;
	[tilespmem:$0x2080] =	vst v63  }
0x58: {  	_ = 	snop  }
0x59: {  	[spmem:s2] =	stream.indirect.scatter.add.f32 [tilespmem:s31], [sflag:$0x1], $0x1, s7, s30, $0xb8;
	[tilespmem:$0x2080] =	vst v63  }
0x5a: {  	_ = 	snop  }
0x5b: {  	[spmem:s2] =	stream.indirect.scatter.add.f32 [tilespmem:s31], [sflag:$0x1], $0x1, s8, s30, $0xb8;
	[tilespmem:$0x2080] =	vst v63  }
0x5c: {  	_ = 	snop  }
0x5d: {  	[spmem:s2] =	stream.indirect.scatter.add.f32 [tilespmem:s31], [sflag:$0x1], $0x1, s9, s30, $0xb8;
	[tilespmem:$0x2080] =	vst v63  }
0x5e: {  	_ =	swait.ge [sflag:s10], $0x80  }
0x5f: {  	[sflag:s10] =	ssyncset.done $0x0  }
0x60: {  	[sflag:s10] =	ssyncadd.s32 $0xFFFFFF80  }
0x61: {  	_ =	swait.ge [sflag:s10], $0x80  }
0x62: {  	[sflag:s10] =	ssyncset.done $0x0  }
0x63: {  	[sflag:s10] =	ssyncadd.s32 $0xFFFFFF80  }
0x64: {  	_ =	swait.ge [sflag:s10], $0x80  }
0x65: {  	[sflag:s10] =	ssyncset.done $0x0  }
0x66: {  	[sflag:s10] =	ssyncadd.s32 $0xFFFFFF80  }
0x67: {  	_ =	swait.ge [sflag:s10], $0x80  }
0x68: {  	[sflag:s10] =	ssyncset.done $0x0  }
0x69: {  	[sflag:s10] =	ssyncadd.s32 $0xFFFFFF80  }
0x6a: {  	_ =	swait.ge [sflag:s10], $0x80  }
0x6b: {  	[sflag:s10] =	ssyncset.done $0x0  }
0x6c: {  	[sflag:s10] =	ssyncadd.s32 $0xFFFFFF80  }
0x6d: {  	_ =	swait.ge [sflag:s10], $0x80  }
0x6e: {  	[sflag:s10] =	ssyncset.done $0x0  }
0x6f: {  	p0 =	sne.s32 s5, $0x1;
	[sflag:s10] =	ssyncadd.s32 $0xFFFFFF80  }
.Ltmp1:
0x70: {  	_ =	swait.ge [sflag:s10], $0x80;
	(pc) =	sbr.rel @!p0 .LBB2_5-.Ltmp1, $4  }
0x71: {  	[sflag:s10] =	ssyncset.done $0x0  }
0x72: {  	[sflag:s10] =	ssyncadd.s32 $0xFFFFFF80  }
0x73: {  	_ =	swait.ge [sflag:s10], $0x80  }
0x74: {  	s19 =	smov.u32 s13;
	s12 =	sadd.s32 $0xFFFFFFFF, s5;
	[sflag:s10] =	ssyncset.done $0x0  }
.LBB2_4:
0x75: {  	p0 =	sne.s32 s12, $0x1;
	[sflag:s10] =	ssyncadd.s32 $0xFFFFFF80;
	s19 =	sadd.s32 $0x80, s19  }
0x76: {  	[tilespmem:s3], [sflag:$0x2] =	stream.linear.gather [hbm4b:s19+s3], $0x400, $0x38;
	[tilespmem:$0x2080] =	vst v63  }
0x77: {  	s12 =	sadd.s32 $0xFFFFFFFF, s12;
	_ =	swait.ge [sflag:s29], $0x400  }
0x78: {  	[sflag:s29] =	ssyncset.done $0x0  }
0x79: {  	[sflag:s29] =	ssyncadd.s32 $0xFFFFFC00  }
0x7a: {  	[spmem:s2] =	stream.indirect.scatter.add.f32 [tilespmem:s31], [sflag:$0x1], $0x1, s3, s30, $0xb8;
	[tilespmem:$0x2080] =	vst v63  }
0x7b: {  	_ = 	snop  }
0x7c: {  	[spmem:s2] =	stream.indirect.scatter.add.f32 [tilespmem:s31], [sflag:$0x1], $0x1, s30, s30, $0xb8;
	[tilespmem:$0x2080] =	vst v63  }
0x7d: {  	_ = 	snop  }
0x7e: {  	[spmem:s2] =	stream.indirect.scatter.add.f32 [tilespmem:s31], [sflag:$0x1], $0x1, s1, s30, $0xb8;
	[tilespmem:$0x2080] =	vst v63  }
0x7f: {  	_ = 	snop  }
0x80: {  	[spmem:s2] =	stream.indirect.scatter.add.f32 [tilespmem:s31], [sflag:$0x1], $0x1, s0, s30, $0xb8;
	[tilespmem:$0x2080] =	vst v63  }
0x81: {  	_ = 	snop  }
0x82: {  	[spmem:s2] =	stream.indirect.scatter.add.f32 [tilespmem:s31], [sflag:$0x1], $0x1, s6, s30, $0xb8;
	[tilespmem:$0x2080] =	vst v63  }
0x83: {  	_ = 	snop  }
0x84: {  	[spmem:s2] =	stream.indirect.scatter.add.f32 [tilespmem:s31], [sflag:$0x1], $0x1, s7, s30, $0xb8;
	[tilespmem:$0x2080] =	vst v63  }
0x85: {  	_ = 	snop  }
0x86: {  	[spmem:s2] =	stream.indirect.scatter.add.f32 [tilespmem:s31], [sflag:$0x1], $0x1, s8, s30, $0xb8;
	[tilespmem:$0x2080] =	vst v63  }
0x87: {  	_ = 	snop  }
0x88: {  	[spmem:s2] =	stream.indirect.scatter.add.f32 [tilespmem:s31], [sflag:$0x1], $0x1, s9, s30, $0xb8;
	[tilespmem:$0x2080] =	vst v63  }
0x89: {  	_ =	swait.ge [sflag:s10], $0x80  }
0x8a: {  	[sflag:s10] =	ssyncset.done $0x0  }
0x8b: {  	[sflag:s10] =	ssyncadd.s32 $0xFFFFFF80  }
0x8c: {  	_ =	swait.ge [sflag:s10], $0x80  }
0x8d: {  	[sflag:s10] =	ssyncset.done $0x0  }
0x8e: {  	[sflag:s10] =	ssyncadd.s32 $0xFFFFFF80  }
0x8f: {  	_ =	swait.ge [sflag:s10], $0x80  }
0x90: {  	[sflag:s10] =	ssyncset.done $0x0  }
0x91: {  	[sflag:s10] =	ssyncadd.s32 $0xFFFFFF80  }
0x92: {  	_ =	swait.ge [sflag:s10], $0x80  }
0x93: {  	[sflag:s10] =	ssyncset.done $0x0  }
0x94: {  	[sflag:s10] =	ssyncadd.s32 $0xFFFFFF80  }
0x95: {  	_ =	swait.ge [sflag:s10], $0x80  }
0x96: {  	[sflag:s10] =	ssyncset.done $0x0  }
0x97: {  	[sflag:s10] =	ssyncadd.s32 $0xFFFFFF80  }
0x98: {  	_ =	swait.ge [sflag:s10], $0x80  }
0x99: {  	[sflag:s10] =	ssyncset.done $0x0  }
0x9a: {  	[sflag:s10] =	ssyncadd.s32 $0xFFFFFF80  }
.Ltmp2:
0x9b: {  	_ =	swait.ge [sflag:s10], $0x80;
	(pc) =	sbr.rel @p0 .LBB2_4-.Ltmp2, $4  }
0x9c: {  	[sflag:s10] =	ssyncset.done $0x0  }
0x9d: {  	[sflag:s10] =	ssyncadd.s32 $0xFFFFFF80  }
0x9e: {  	_ =	swait.ge [sflag:s10], $0x80  }
0x9f: {  	[sflag:s10] =	ssyncset.done $0x0  }
.LBB2_5:
0xa0: {  	[sflag:s10] =	ssyncadd.s32 $0xFFFFFF80;
	s12 =	stileid.u32  }
0xa1: {  	s12 =	sshll.u32 s12, $0x6;
	[bflag:$0x0] =	sbarrier.arrive $0xFFFF  }
0xa2: {  	s19 =	sshrl.u32 s4, $0x3;
	s12 =	sor.u32 $0x1C01, s12;
	s14 =	rddreg [dreg:$0x3]  }
0xa3: {  	[hbm:s14], [sflag:s12] =	dma.local [spmem:s19], $0x70  }
0xa4: {  	s14 =	rddreg [dreg:$0x4]  }
0xa5: {  	[hbm:s14], [sflag:s12] =	dma.local [spmem:s20], $0x70  }
0xa6: {  	s14 =	rddreg [dreg:$0x5]  }
0xa7: {  	[hbm:s14], [sflag:s12] =	dma.local [spmem:s21], $0x70  }
0xa8: {  	s14 =	rddreg [dreg:$0x6]  }
0xa9: {  	[hbm:s14], [sflag:s12] =	dma.local [spmem:s22], $0x70  }
0xaa: {  	s14 =	rddreg [dreg:$0x7]  }
0xab: {  	[hbm:s14], [sflag:s12] =	dma.local [spmem:s23], $0x70  }
0xac: {  	s14 =	rddreg [dreg:$0x8]  }
0xad: {  	[hbm:s14], [sflag:s12] =	dma.local [spmem:s24], $0x70  }
0xae: {  	s14 =	rddreg [dreg:$0x9]  }
0xaf: {  	[hbm:s14], [sflag:s12] =	dma.local [spmem:s25], $0x70  }
0xb0: {  	_ =	swait.ge [sflag:s10], $0x70  }
0xb1: {  	[sflag:s10] =	ssyncset.done $0x0  }
0xb2: {  	[sflag:s10] =	ssyncadd.s32 $0xFFFFFF90  }
0xb3: {  	_ =	swait.ge [sflag:s10], $0x70  }
0xb4: {  	[sflag:s10] =	ssyncset.done $0x0  }
0xb5: {  	[sflag:s10] =	ssyncadd.s32 $0xFFFFFF90  }
0xb6: {  	_ =	swait.ge [sflag:s10], $0x70  }
0xb7: {  	[sflag:s10] =	ssyncset.done $0x0  }
0xb8: {  	[sflag:s10] =	ssyncadd.s32 $0xFFFFFF90  }
0xb9: {  	_ =	swait.ge [sflag:s10], $0x70  }
0xba: {  	[sflag:s10] =	ssyncset.done $0x0  }
0xbb: {  	[sflag:s10] =	ssyncadd.s32 $0xFFFFFF90  }
0xbc: {  	_ =	swait.ge [sflag:s10], $0x70  }
0xbd: {  	[sflag:s10] =	ssyncset.done $0x0  }
0xbe: {  	[sflag:s10] =	ssyncadd.s32 $0xFFFFFF90  }
0xbf: {  	_ =	swait.ge [sflag:s10], $0x70  }
0xc0: {  	[sflag:s10] =	ssyncset.done $0x0  }
0xc1: {  	[sflag:s10] =	ssyncadd.s32 $0xFFFFFF90  }
0xc2: {  	_ =	swait.ge [sflag:s10], $0x70  }
0xc3: {  	s11 =	sadd.s32 $0x1, s11;
	s19 =	rddreg [dreg:$0xa]  }
0xc4: {  	p0 =	sne.s32 s11, s19  }
.Ltmp3:
0xc5: {  	_ = 	snop;
	(pc) =	sbr.rel @p0 .LBB2_1-.Ltmp3, $3  }
0xc6: {  	_ =	sdelay $0x1  }
0xc7: {  	[sflag:s10] =	ssyncset.done $0x0  }
0xc8: {  	[sflag:s10] =	ssyncadd.s32 $0xFFFFFF90  }
0xc9: {  	_ =	sfence.sel $0x180000  }
0xca: {  	[bflag:$0x0] =	sbarrier.arrive $0xFFFF  }
0xcb: {  	_ =	strace $0x90000047  }
0xcc: {  	s0 =	stileid.u32;
	[bflag:$0x2] =	sbarrier.arrive $0xFFFF  }
0xcd: {  	p0 =	sne.s32 s0, $0x0;
	s0 =	rddreg [dreg:$0x2]  }
0xce: {  	s0 =	sadd.s32 @!p0 $0x100000, s0  }
0xcf: {  	[sflag:s0] =	ssyncadd.tile.s32 @!p0 $0x1;
	_ =	shalt  }
.Lfunc_end2:
_tile_overlayer_lowered:
.L_overlay_start_2:
0xd0: {  	(tag) =	ssettag $0x2  }
0xd1: {  	s0 =	rddreg [dreg:$0x0];
	s2 =	stileid.u32  }
0xd2: {  	s1 =	rddreg [dreg:$0x1];
	p0 =	sne.s32 s2, $0x0  }
0xd3: {  	s3 =	rddreg [dreg:$0x2];
	[bflag:$0x3] =	sbarrier.arrive $0xFFFF;
	s2 =	simm.s32 @!p0 $0x1C02  }
0xd4: {  	[timem:s3], [sflag:s2] =	dma.local @!p0 [hbm:s0], s1  }
0xd5: {  	s0 =	simm.s32 @!p0 $0x2  }
0xd6: {  	_ =	swait.ge @!p0 [sflag:s0], s1  }
0xd7: {  	s1 =	ssub.s32 @!p0 $0x0, s1;
	[sflag:s0] =	ssyncset.done @!p0 $0x0  }
0xd8: {  	[sflag:s0] =	ssyncadd.s32 @!p0 s1  }
0xd9: {  	[bflag:$0x3] =	sbarrier.arrive $0xFFFF  }
0xda: {  	_ =	shalt  }

</sc_bundles>
